<compile_context>
chip_gen: v7x
topology: tpu7x:2x2x1
jax: 0.10.2.dev20260603
libtpu: 0.0.44.dev20260713+nightly
codegen_flags: <defaults>
</compile_context>

<pallas_src>
import functools

import jax
import jax.numpy as jnp
from jax import lax
from jax.experimental import pallas as pl
from jax.experimental.pallas import tpu as pltpu
from jax.experimental.pallas import tpu_sc as plsc

VOCAB = 49408
D = 512
N_CLS = 48
N_CTX = 8
MAX_LEN = 40
SAMPLE_RATE = 4
B = 8
T = 1024 // SAMPLE_RATE
P = 15
L_LAB = 5
SOS_ID = VOCAB - 2
EOS_ID = VOCAB - 1

NPAIR = B * T
NW = 32
PAIRS_PER_W = NPAIR // NW
CPAIRS = 4
NCHUNK = PAIRS_PER_W // CPAIRS
TAIL = 24
LPT = N_CLS // 16


def _sc_body(tok_emb, ctx_flat, tok16f, labp_h, metac, zrows,
             out, mask, labw,
             abuf, wbuf, mmall, pidx, labp, mrow, gsem, ssem):
    c = lax.axis_index("c")
    s = lax.axis_index("s")
    wid = s * 2 + c
    wbase = wid * PAIRS_PER_W

    zero16 = jnp.zeros((16,), jnp.float32)
    pltpu.sync_copy(metac, mrow)
    for k in range(LPT):
        lab = s * LPT + k
        row = c * N_CLS + lab
        pltpu.sync_copy(ctx_flat.at[pl.ds(lab * N_CTX, N_CTX)],
                        abuf.at[pl.ds(0, 8)])
        pltpu.async_copy(tok_emb.at[mrow.at[lab, pl.ds(0, 8)]],
                         abuf.at[pl.ds(8, 8)], gsem).wait()
        for r in (14, 15):
            for cc in range(D // 16):
                abuf[r, pl.ds(cc * 16, 16)] = zero16
        pltpu.sync_copy(zrows, abuf.at[pl.ds(16, 8)])
        pltpu.sync_copy(abuf.at[pl.ds(0, TAIL)], labw.at[row])
    plsc.subcore_barrier()

    pltpu.sync_copy(tok16f.at[pl.ds(wbase * 16, PAIRS_PER_W * 16)], pidx)
    pltpu.sync_copy(labp_h.at[pl.ds(wid * NCHUNK, NCHUNK)], labp)

    lanes = lax.iota(jnp.int32, 16)
    one16 = jnp.ones((16,), jnp.float32)

    def body(ch, carry):
        @pl.when(ch > 0)
        def _():
            for k in range(CPAIRS):
                pltpu.make_async_copy(abuf.at[pl.ds(0, 16)],
                                      out.at[pl.ds(0, 16)], ssem).wait()
                pltpu.make_async_copy(wbuf.at[k],
                                      out.at[pl.ds(0, TAIL)], ssem).wait()

        da = pltpu.async_copy(tok_emb.at[pidx.at[pl.ds(ch * (16 * CPAIRS), 16 * CPAIRS)]],
                              abuf, gsem)
        dw = pltpu.async_copy(labw.at[labp.at[ch, pl.ds(0, CPAIRS)]], wbuf, gsem)
        da.wait()
        dw.wait()

        for k in range(CPAIRS):
            acc0 = zero16
            for r in range(16):
                x = abuf[k * 16 + r, pl.ds(0, 16)]
                acc0 = jnp.where(lanes == r,
                                 jnp.broadcast_to(x[0:1], (16,)), acc0)
            acc1 = zero16
            for r in range(14):
                x = wbuf[k, r, pl.ds(0, 16)]
                acc1 = jnp.where(lanes == r,
                                 jnp.broadcast_to(x[0:1], (16,)), acc1)
            poff = (ch * CPAIRS + k) * MAX_LEN
            mmall[pl.ds(poff, 16)] = jnp.where(acc0 != 0.0, one16, zero16)
            mmall[pl.ds(poff + 16, 16)] = jnp.where(acc1 != 0.0, one16, zero16)
            mmall[pl.ds(poff + 32, 16)] = zero16
            n = wbase + ch * CPAIRS + k
            pltpu.async_copy(abuf.at[pl.ds(k * 16, 16)],
                             out.at[pl.ds(n * MAX_LEN, 16)], ssem)
            pltpu.async_copy(wbuf.at[k],
                             out.at[pl.ds(n * MAX_LEN + 16, TAIL)], ssem)
        return carry

    lax.fori_loop(0, NCHUNK, body, 0)

    for k in range(CPAIRS):
        pltpu.make_async_copy(abuf.at[pl.ds(0, 16)],
                              out.at[pl.ds(0, 16)], ssem).wait()
        pltpu.make_async_copy(wbuf.at[k],
                              out.at[pl.ds(0, TAIL)], ssem).wait()
    pltpu.sync_copy(mmall.at[pl.ds(0, PAIRS_PER_W * MAX_LEN)],
                    mask.at[pl.ds(wbase * MAX_LEN, PAIRS_PER_W * MAX_LEN)])


def kernel(token_embedding, ctx, last_clip_labels, prompt_prefix_tokens, label_tokens):
    labels_s = last_clip_labels[:, ::SAMPLE_RATE].reshape(NPAIR).astype(jnp.int32)
    tok16f = jnp.concatenate(
        [jnp.full((NPAIR, 1), SOS_ID, jnp.int32),
         prompt_prefix_tokens.reshape(NPAIR, P).astype(jnp.int32)],
        axis=1).reshape(NPAIR * 16)
    ctx_flat = ctx.reshape(N_CLS * N_CTX, D)
    sc_of_pair = (jnp.arange(NPAIR, dtype=jnp.int32) // PAIRS_PER_W) % 2
    labp_h = jnp.pad(
        (labels_s + N_CLS * sc_of_pair).reshape(NPAIR // CPAIRS, CPAIRS),
        ((0, 0), (0, 8 - CPAIRS)))
    metac = jnp.concatenate(
        [label_tokens.astype(jnp.int32),
         jnp.full((N_CLS, 128 - L_LAB), EOS_ID, jnp.int32)], axis=1)
    zrows = jnp.zeros((8, D), jnp.float32)

    mesh = plsc.VectorSubcoreMesh(core_axis_name="c", subcore_axis_name="s")
    run = functools.partial(
        pl.kernel,
        out_type=(jax.ShapeDtypeStruct((NPAIR * MAX_LEN, D), jnp.float32),
                  jax.ShapeDtypeStruct((NPAIR * MAX_LEN,), jnp.float32),
                  jax.ShapeDtypeStruct((2 * N_CLS, TAIL, D), jnp.float32)),
        mesh=mesh,
        scratch_types=[
            pltpu.VMEM((16 * CPAIRS, D), jnp.float32),
            pltpu.VMEM((CPAIRS, TAIL, D), jnp.float32),
            pltpu.VMEM((PAIRS_PER_W * MAX_LEN + 8,), jnp.float32),
            pltpu.VMEM((PAIRS_PER_W * 16,), jnp.int32),
            pltpu.VMEM((NCHUNK, 8), jnp.int32),
            pltpu.VMEM((N_CLS, 128), jnp.int32),
            pltpu.SemaphoreType.DMA,
            pltpu.SemaphoreType.DMA,
        ],
    )(_sc_body)
    out, mask, _ = run(token_embedding, ctx_flat, tok16f, labp_h, metac, zrows)
    prompts = out.reshape(B, T, MAX_LEN, D)
    pad_masks = mask.reshape(B, T, MAX_LEN, 1)
    return (prompts, pad_masks)

# --- scband reference (transcript-rebuilt; emitter-appended) ---
"""Pipeline reference for scband-learner-prompt-text-encoder-16509854285939 (READ-ONLY COPY).

The authoritative reference and input builder live on the scoring server;
editing this copy changes nothing except your own understanding.
"""

import jax, jax.numpy as jnp
import numpy as np

VOCAB = 49408
D = 512
N_CLS = 48
N_CTX = 8
MAX_LEN = 40
SAMPLE_RATE = 4
B = 8
T_FULL = 1024
T = T_FULL // SAMPLE_RATE
P = 15
L_LAB = 5
SOS_ID = VOCAB - 2
EOS_ID = VOCAB - 1


def setup_inputs(seed: int = 0) -> dict:
    key = jax.random.key(seed)
    k1, k2, k3, k4, k5 = jax.random.split(key, 5)
    last_clip_labels = jax.random.randint(k1, (B, T_FULL), 0, N_CLS, dtype=jnp.int32)
    prompt_prefix_tokens = jax.random.randint(k2, (B, T, P), 0, VOCAB - 2, dtype=jnp.int32)
    label_tokens = jax.random.randint(k3, (N_CLS, L_LAB), 0, VOCAB - 2, dtype=jnp.int32)
    token_embedding = jax.random.normal(k4, (VOCAB, D), dtype=jnp.float32) * 0.02
    ctx = jax.random.normal(k5, (N_CLS, N_CTX, D), dtype=jnp.float32) * 0.2
    return {
        "token_embedding": token_embedding,
        "ctx": ctx,
        "last_clip_labels": last_clip_labels,
        "prompt_prefix_tokens": prompt_prefix_tokens,
        "label_tokens": label_tokens,
    }


def _build_prompts(token_embedding, ctx, last_clip_labels, prompt_prefix_tokens, label_tokens):
    # subsample frames as in forward: last_clip_labels[b, ::sample_rate]
    labels_s = last_clip_labels[:, ::SAMPLE_RATE]  # [B, T]
    # SOS / EOS token embeddings (token_prefix / token_suffix in the torch code)
    sos = jnp.broadcast_to(token_embedding[SOS_ID][None, None, None, :], (B, T, 1, D))
    eos = jnp.broadcast_to(token_embedding[EOS_ID][None, None, None, :], (B, T, 1, D))
    # ordinal/seg-len/frame-position prefix string -> pre-tokenized ids, embedded
    prefix_emb = jnp.take(token_embedding, prompt_prefix_tokens, axis=0)  # [B, T, P, D]
    # class-specific learned context vectors, selected per frame label
    ctx_emb = jnp.take(ctx, labels_s, axis=0)  # [B, T, N_CTX, D]
    # class-name tokens (incl trailing '.'), embedded
    lab_tok = jnp.take(label_tokens, labels_s, axis=0)  # [B, T, L_LAB]
    lab_emb = jnp.take(token_embedding, lab_tok, axis=0)  # [B, T, L_LAB, D]
    # class_token_position == 'end': [SOS, prefix, ctx, label, EOS]
    prompts = jnp.concatenate([sos, prefix_emb, ctx_emb, lab_emb, eos], axis=2)
    seq = prompts.shape[2]
    if seq < MAX_LEN:
        prompts = jnp.pad(prompts, ((0, 0), (0, 0), (0, MAX_LEN - seq), (0, 0)))
    else:
        prompts = prompts[:, :, :MAX_LEN, :]
    return prompts


def reference(token_embedding, ctx, last_clip_labels, prompt_prefix_tokens, label_tokens):
    prompts = _build_prompts(token_embedding, ctx, last_clip_labels, prompt_prefix_tokens, label_tokens)
    pad_masks = jnp.where(prompts != 0.0, jnp.ones_like(prompts), jnp.zeros_like(prompts))[:, :, :, 0:1]
    return (prompts, pad_masks)

if __name__ == "__main__":
    import jax
    _d = setup_inputs()
    print(jax.jit(kernel)(*tuple(_d.values())))

</pallas_src>

<mosaic_0001>
#map = affine_map<(d0, d1) -> (0, 0)>
#map1 = affine_map<(d0, d1) -> (0)>
#map2 = affine_map<(d0, d1) -> (0, 0, 0)>
module attributes {stable_mosaic.version = 14 : i64} {
  func.func @_sc_body(%arg0: i32, %arg1: i32, %arg2: memref<49408x512xf32, #tpu.memory_space<hbm>>, %arg3: memref<384x512xf32, #tpu.memory_space<hbm>>, %arg4: memref<32768xi32, #tpu.memory_space<hbm>>, %arg5: memref<512x8xi32, #tpu.memory_space<hbm>>, %arg6: memref<48x128xi32, #tpu.memory_space<hbm>>, %arg7: memref<8x512xf32, #tpu.memory_space<hbm>>, %arg8: memref<81920x512xf32, #tpu.memory_space<hbm>>, %arg9: memref<81920xf32, #tpu.memory_space<hbm>>, %arg10: memref<96x24x512xf32, #tpu.memory_space<hbm>>, %arg11: memref<64x512xf32, #tpu.memory_space<vmem>>, %arg12: memref<4x24x512xf32, #tpu.memory_space<vmem>>, %arg13: memref<2568xf32, #tpu.memory_space<vmem>>, %arg14: memref<1024xi32, #tpu.memory_space<vmem>>, %arg15: memref<16x8xi32, #tpu.memory_space<vmem>>, %arg16: memref<48x128xi32, #tpu.memory_space<vmem>>, %arg17: memref<!tpu.dma_semaphore, #tpu.memory_space<semaphore_mem>>, %arg18: memref<!tpu.dma_semaphore, #tpu.memory_space<semaphore_mem>>) attributes {dimension_semantics = [#tpu.dimension_semantics<core_parallel>, #tpu.dimension_semantics<subcore_parallel>], iteration_bounds = array<i64: 2, 16>, scalar_prefetch = 0 : i64, scratch_operands = 8 : i64, tpu.core_type = #tpu.core_type<sc_vector_subcore>, window_params = [{transform_indices = #map}, {transform_indices = #map}, {transform_indices = #map1}, {transform_indices = #map}, {transform_indices = #map}, {transform_indices = #map}, {transform_indices = #map}, {transform_indices = #map1}, {transform_indices = #map2}]} {
    %mul3A = arith.constant 2 : i32
    %mul3A_0 = arith.muli %arg1, %mul3A : i32
    %add3A = arith.addi %mul3A_0, %arg0 : i32
    %mul3A_1 = arith.constant 64 : i32
    %mul3A_2 = arith.muli %add3A, %mul3A_1 : i32
    %broadcast_in_dim3A = arith.constant 0.000000e+00 : f32
    %broadcast_in_dim3A_3 = vector.broadcast %broadcast_in_dim3A : f32 to vector<16xf32>
    "tpu.region"() ({
      %run_scoped3A = tpu.sem_alloc : memref<!tpu.dma_semaphore, #tpu.memory_space<semaphore_mem>>
      tpu.enqueue_dma source(%arg6 : memref<48x128xi32, #tpu.memory_space<hbm>>) target(%arg16 : memref<48x128xi32, #tpu.memory_space<vmem>>) target_semaphore(%run_scoped3A : memref<!tpu.dma_semaphore, #tpu.memory_space<semaphore_mem>>)
      tpu.wait_dma2 semaphore(%run_scoped3A : memref<!tpu.dma_semaphore, #tpu.memory_space<semaphore_mem>>) src(%arg6 : memref<48x128xi32, #tpu.memory_space<hbm>>) dst(%arg16 : memref<48x128xi32, #tpu.memory_space<vmem>>)
      tpu.yield
    }) : () -> ()
    %mul3A_4 = arith.constant 3 : i32
    %mul3A_5 = arith.muli %arg1, %mul3A_4 : i32
    %add3A_6 = arith.constant 0 : i32
    %add3A_7 = arith.addi %mul3A_5, %add3A_6 : i32
    %mul3A_8 = arith.constant 48 : i32
    %mul3A_9 = arith.muli %arg0, %mul3A_8 : i32
    %add3A_10 = arith.addi %mul3A_9, %add3A_7 : i32
    %mul3A_11 = arith.constant 8 : i32
    %mul3A_12 = arith.muli %add3A_7, %mul3A_11 : i32
    "tpu.region"() ({
      %run_scoped3A = tpu.sem_alloc : memref<!tpu.dma_semaphore, #tpu.memory_space<semaphore_mem>>
      %dma_start3A_1355 = arith.constant 0 : i32
      %dma_start3A_1356 = arith.constant 0 : i32
      %dma_start3A_1357 = tpu.memref_slice %arg11[%dma_start3A_1355, %dma_start3A_1356] : memref<64x512xf32, #tpu.memory_space<vmem>> -> memref<8x512xf32, #tpu.memory_space<vmem>>
      %dma_start3A_1358 = arith.constant 0 : i32
      %dma_start3A_1359 = tpu.memref_slice %arg3[%mul3A_12, %dma_start3A_1358] : memref<384x512xf32, #tpu.memory_space<hbm>> -> memref<8x512xf32, #tpu.memory_space<hbm>>
      %dma_start3A_1360 = arith.constant 0 : i32
      %dma_start3A_1361 = arith.constant 0 : i32
      %dma_start3A_1362 = tpu.memref_slice %arg11[%dma_start3A_1360, %dma_start3A_1361] : memref<64x512xf32, #tpu.memory_space<vmem>> -> memref<8x512xf32, #tpu.memory_space<vmem>>
      %dma_start3A_1363 = arith.constant 0 : i32
      %dma_start3A_1364 = tpu.memref_slice %arg3[%mul3A_12, %dma_start3A_1363] : memref<384x512xf32, #tpu.memory_space<hbm>> -> memref<8x512xf32, #tpu.memory_space<hbm>>
      tpu.enqueue_dma source(%dma_start3A_1364 : memref<8x512xf32, #tpu.memory_space<hbm>>) target(%dma_start3A_1362 : memref<8x512xf32, #tpu.memory_space<vmem>>) target_semaphore(%run_scoped3A : memref<!tpu.dma_semaphore, #tpu.memory_space<semaphore_mem>>)
      %dma_wait3A_1365 = arith.constant 0 : i32
      %dma_wait3A_1366 = arith.constant 0 : i32
      %dma_wait3A_1367 = tpu.memref_slice %arg11[%dma_wait3A_1365, %dma_wait3A_1366] : memref<64x512xf32, #tpu.memory_space<vmem>> -> memref<8x512xf32, #tpu.memory_space<vmem>>
      %dma_wait3A_1368 = arith.constant 0 : i32
      %dma_wait3A_1369 = tpu.memref_slice %arg3[%mul3A_12, %dma_wait3A_1368] : memref<384x512xf32, #tpu.memory_space<hbm>> -> memref<8x512xf32, #tpu.memory_space<hbm>>
      %dma_wait3A_1370 = arith.constant 0 : i32
      %dma_wait3A_1371 = arith.constant 0 : i32
      %dma_wait3A_1372 = tpu.memref_slice %arg11[%dma_wait3A_1370, %dma_wait3A_1371] : memref<64x512xf32, #tpu.memory_space<vmem>> -> memref<8x512xf32, #tpu.memory_space<vmem>>
      %dma_wait3A_1373 = arith.constant 0 : i32
      %dma_wait3A_1374 = tpu.memref_slice %arg3[%mul3A_12, %dma_wait3A_1373] : memref<384x512xf32, #tpu.memory_space<hbm>> -> memref<8x512xf32, #tpu.memory_space<hbm>>
      tpu.wait_dma2 semaphore(%run_scoped3A : memref<!tpu.dma_semaphore, #tpu.memory_space<semaphore_mem>>) src(%dma_wait3A_1374 : memref<8x512xf32, #tpu.memory_space<hbm>>) dst(%dma_wait3A_1372 : memref<8x512xf32, #tpu.memory_space<vmem>>)
      tpu.yield
    }) : () -> ()
    %dma_start3A = arith.constant 8 : i32
    %dma_start3A_13 = arith.constant 0 : i32
    %dma_start3A_14 = tpu.memref_slice %arg11[%dma_start3A, %dma_start3A_13] : memref<64x512xf32, #tpu.memory_space<vmem>> -> memref<8x512xf32, #tpu.memory_space<vmem>>
    %dma_start3A_15 = arith.constant 0 : i32
    %dma_start3A_16 = tpu.memref_slice %arg16[%add3A_7, %dma_start3A_15] : memref<48x128xi32, #tpu.memory_space<vmem>> -> memref<1x8xi32, #tpu.memory_space<vmem>>
    %dma_start3A_17 = tpu.memref_squeeze %dma_start3A_16 : memref<1x8xi32, #tpu.memory_space<vmem>> -> memref<8xi32, #tpu.memory_space<vmem>>
    %dma_start3A_18 = arith.constant 0 : i32
    %dma_start3A_19 = arith.constant 0 : i32
    %dma_start3A_20 = tpu.memref_slice %arg2[%dma_start3A_18, %dma_start3A_19] : memref<49408x512xf32, #tpu.memory_space<hbm>> -> memref<49408x512xf32, #tpu.memory_space<hbm>>
    tpu.enqueue_indirect_dma source(%dma_start3A_20 : memref<49408x512xf32, #tpu.memory_space<hbm>>) target(%dma_start3A_14 : memref<8x512xf32, #tpu.memory_space<vmem>>) offsets(%dma_start3A_17 : memref<8xi32, #tpu.memory_space<vmem>>) semaphore(%arg17 : memref<!tpu.dma_semaphore, #tpu.memory_space<semaphore_mem>>)
    %dma_wait3A = arith.constant 8 : i32
    %dma_wait3A_21 = arith.constant 0 : i32
    %dma_wait3A_22 = tpu.memref_slice %arg11[%dma_wait3A, %dma_wait3A_21] : memref<64x512xf32, #tpu.memory_space<vmem>> -> memref<8x512xf32, #tpu.memory_space<vmem>>
    %dma_wait3A_23 = arith.constant 0 : i32
    %dma_wait3A_24 = tpu.memref_slice %arg16[%add3A_7, %dma_wait3A_23] : memref<48x128xi32, #tpu.memory_space<vmem>> -> memref<1x8xi32, #tpu.memory_space<vmem>>
    %dma_wait3A_25 = tpu.memref_squeeze %dma_wait3A_24 : memref<1x8xi32, #tpu.memory_space<vmem>> -> memref<8xi32, #tpu.memory_space<vmem>>
    %dma_wait3A_26 = arith.constant 0 : i32
    %dma_wait3A_27 = arith.constant 0 : i32
    %dma_wait3A_28 = tpu.memref_slice %arg2[%dma_wait3A_26, %dma_wait3A_27] : memref<49408x512xf32, #tpu.memory_space<hbm>> -> memref<49408x512xf32, #tpu.memory_space<hbm>>
    tpu.wait_indirect_dma semaphore(%arg17 : memref<!tpu.dma_semaphore, #tpu.memory_space<semaphore_mem>>) src(%dma_wait3A_28 : memref<49408x512xf32, #tpu.memory_space<hbm>>) dst(%dma_wait3A_22 : memref<8x512xf32, #tpu.memory_space<vmem>>)
    %swap3A = arith.constant 14 : i32
    %swap3A_29 = arith.index_cast %swap3A : i32 to index
    %swap3A_30 = arith.constant 0 : index
    %swap3A_31 = tpu.vector_load %arg11[%swap3A_29, %swap3A_30] {strides = array<i32>} : memref<64x512xf32, #tpu.memory_space<vmem>>, vector<1x16xf32>,
    %swap3A_32 = vector.shape_cast %swap3A_31 : vector<1x16xf32> to vector<16xf32>
    %swap3A_33 = vector.shape_cast %broadcast_in_dim3A_3 : vector<16xf32> to vector<1x16xf32>
    tpu.vector_store %arg11[%swap3A_29, %swap3A_30], %swap3A_33 {strides = array<i32>} : memref<64x512xf32, #tpu.memory_space<vmem>>, vector<1x16xf32>,
    %swap3A_34 = arith.constant 14 : i32
    %swap3A_35 = arith.index_cast %swap3A_34 : i32 to index
    %swap3A_36 = arith.constant 16 : index
    %swap3A_37 = tpu.vector_load %arg11[%swap3A_35, %swap3A_36] {strides = array<i32>} : memref<64x512xf32, #tpu.memory_space<vmem>>, vector<1x16xf32>,
    %swap3A_38 = vector.shape_cast %swap3A_37 : vector<1x16xf32> to vector<16xf32>
    %swap3A_39 = vector.shape_cast %broadcast_in_dim3A_3 : vector<16xf32> to vector<1x16xf32>
    tpu.vector_store %arg11[%swap3A_35, %swap3A_36], %swap3A_39 {strides = array<i32>} : memref<64x512xf32, #tpu.memory_space<vmem>>, vector<1x16xf32>,
    %swap3A_40 = arith.constant 14 : i32
    %swap3A_41 = arith.index_cast %swap3A_40 : i32 to index
    %swap3A_42 = arith.constant 32 : index
    %swap3A_43 = tpu.vector_load %arg11[%swap3A_41, %swap3A_42] {strides = array<i32>} : memref<64x512xf32, #tpu.memory_space<vmem>>, vector<1x16xf32>,
    %swap3A_44 = vector.shape_cast %swap3A_43 : vector<1x16xf32> to vector<16xf32>
    %swap3A_45 = vector.shape_cast %broadcast_in_dim3A_3 : vector<16xf32> to vector<1x16xf32>
    tpu.vector_store %arg11[%swap3A_41, %swap3A_42], %swap3A_45 {strides = array<i32>} : memref<64x512xf32, #tpu.memory_space<vmem>>, vector<1x16xf32>,
    %swap3A_46 = arith.constant 14 : i32
    %swap3A_47 = arith.index_cast %swap3A_46 : i32 to index
    %swap3A_48 = arith.constant 48 : index
    %swap3A_49 = tpu.vector_load %arg11[%swap3A_47, %swap3A_48] {strides = array<i32>} : memref<64x512xf32, #tpu.memory_space<vmem>>, vector<1x16xf32>,
    %swap3A_50 = vector.shape_cast %swap3A_49 : vector<1x16xf32> to vector<16xf32>
    %swap3A_51 = vector.shape_cast %broadcast_in_dim3A_3 : vector<16xf32> to vector<1x16xf32>
    tpu.vector_store %arg11[%swap3A_47, %swap3A_48], %swap3A_51 {strides = array<i32>} : memref<64x512xf32, #tpu.memory_space<vmem>>, vector<1x16xf32>,
    %swap3A_52 = arith.constant 14 : i32
    %swap3A_53 = arith.index_cast %swap3A_52 : i32 to index
    %swap3A_54 = arith.constant 64 : index
    %swap3A_55 = tpu.vector_load %arg11[%swap3A_53, %swap3A_54] {strides = array<i32>} : memref<64x512xf32, #tpu.memory_space<vmem>>, vector<1x16xf32>,
    %swap3A_56 = vector.shape_cast %swap3A_55 : vector<1x16xf32> to vector<16xf32>
    %swap3A_57 = vector.shape_cast %broadcast_in_dim3A_3 : vector<16xf32> to vector<1x16xf32>
    tpu.vector_store %arg11[%swap3A_53, %swap3A_54], %swap3A_57 {strides = array<i32>} : memref<64x512xf32, #tpu.memory_space<vmem>>, vector<1x16xf32>,
    %swap3A_58 = arith.constant 14 : i32
    %swap3A_59 = arith.index_cast %swap3A_58 : i32 to index
    %swap3A_60 = arith.constant 80 : index
    %swap3A_61 = tpu.vector_load %arg11[%swap3A_59, %swap3A_60] {strides = array<i32>} : memref<64x512xf32, #tpu.memory_space<vmem>>, vector<1x16xf32>,
    %swap3A_62 = vector.shape_cast %swap3A_61 : vector<1x16xf32> to vector<16xf32>
    %swap3A_63 = vector.shape_cast %broadcast_in_dim3A_3 : vector<16xf32> to vector<1x16xf32>
    tpu.vector_store %arg11[%swap3A_59, %swap3A_60], %swap3A_63 {strides = array<i32>} : memref<64x512xf32, #tpu.memory_space<vmem>>, vector<1x16xf32>,
    %swap3A_64 = arith.constant 14 : i32
    %swap3A_65 = arith.index_cast %swap3A_64 : i32 to index
    %swap3A_66 = arith.constant 96 : index
    %swap3A_67 = tpu.vector_load %arg11[%swap3A_65, %swap3A_66] {strides = array<i32>} : memref<64x512xf32, #tpu.memory_space<vmem>>, vector<1x16xf32>,
    %swap3A_68 = vector.shape_cast %swap3A_67 : vector<1x16xf32> to vector<16xf32>
    %swap3A_69 = vector.shape_cast %broadcast_in_dim3A_3 : vector<16xf32> to vector<1x16xf32>
    tpu.vector_store %arg11[%swap3A_65, %swap3A_66], %swap3A_69 {strides = array<i32>} : memref<64x512xf32, #tpu.memory_space<vmem>>, vector<1x16xf32>,
    %swap3A_70 = arith.constant 14 : i32
    %swap3A_71 = arith.index_cast %swap3A_70 : i32 to index
    %swap3A_72 = arith.constant 112 : index
    %swap3A_73 = tpu.vector_load %arg11[%swap3A_71, %swap3A_72] {strides = array<i32>} : memref<64x512xf32, #tpu.memory_space<vmem>>, vector<1x16xf32>,
    %swap3A_74 = vector.shape_cast %swap3A_73 : vector<1x16xf32> to vector<16xf32>
    %swap3A_75 = vector.shape_cast %broadcast_in_dim3A_3 : vector<16xf32> to vector<1x16xf32>
    tpu.vector_store %arg11[%swap3A_71, %swap3A_72], %swap3A_75 {strides = array<i32>} : memref<64x512xf32, #tpu.memory_space<vmem>>, vector<1x16xf32>,
    %swap3A_76 = arith.constant 14 : i32
    %swap3A_77 = arith.index_cast %swap3A_76 : i32 to index
    %swap3A_78 = arith.constant 128 : index
    %swap3A_79 = tpu.vector_load %arg11[%swap3A_77, %swap3A_78] {strides = array<i32>} : memref<64x512xf32, #tpu.memory_space<vmem>>, vector<1x16xf32>,
    %swap3A_80 = vector.shape_cast %swap3A_79 : vector<1x16xf32> to vector<16xf32>
    %swap3A_81 = vector.shape_cast %broadcast_in_dim3A_3 : vector<16xf32> to vector<1x16xf32>
    tpu.vector_store %arg11[%swap3A_77, %swap3A_78], %swap3A_81 {strides = array<i32>} : memref<64x512xf32, #tpu.memory_space<vmem>>, vector<1x16xf32>,
    %swap3A_82 = arith.constant 14 : i32
    %swap3A_83 = arith.index_cast %swap3A_82 : i32 to index
    %swap3A_84 = arith.constant 144 : index
    %swap3A_85 = tpu.vector_load %arg11[%swap3A_83, %swap3A_84] {strides = array<i32>} : memref<64x512xf32, #tpu.memory_space<vmem>>, vector<1x16xf32>,
    %swap3A_86 = vector.shape_cast %swap3A_85 : vector<1x16xf32> to vector<16xf32>
    %swap3A_87 = vector.shape_cast %broadcast_in_dim3A_3 : vector<16xf32> to vector<1x16xf32>
    tpu.vector_store %arg11[%swap3A_83, %swap3A_84], %swap3A_87 {strides = array<i32>} : memref<64x512xf32, #tpu.memory_space<vmem>>, vector<1x16xf32>,
    %swap3A_88 = arith.constant 14 : i32
    %swap3A_89 = arith.index_cast %swap3A_88 : i32 to index
    %swap3A_90 = arith.constant 160 : index
    %swap3A_91 = tpu.vector_load %arg11[%swap3A_89, %swap3A_90] {strides = array<i32>} : memref<64x512xf32, #tpu.memory_space<vmem>>, vector<1x16xf32>,
    %swap3A_92 = vector.shape_cast %swap3A_91 : vector<1x16xf32> to vector<16xf32>
    %swap3A_93 = vector.shape_cast %broadcast_in_dim3A_3 : vector<16xf32> to vector<1x16xf32>
    tpu.vector_store %arg11[%swap3A_89, %swap3A_90], %swap3A_93 {strides = array<i32>} : memref<64x512xf32, #tpu.memory_space<vmem>>, vector<1x16xf32>,
    %swap3A_94 = arith.constant 14 : i32
    %swap3A_95 = arith.index_cast %swap3A_94 : i32 to index
    %swap3A_96 = arith.constant 176 : index
    %swap3A_97 = tpu.vector_load %arg11[%swap3A_95, %swap3A_96] {strides = array<i32>} : memref<64x512xf32, #tpu.memory_space<vmem>>, vector<1x16xf32>,
    %swap3A_98 = vector.shape_cast %swap3A_97 : vector<1x16xf32> to vector<16xf32>
    %swap3A_99 = vector.shape_cast %broadcast_in_dim3A_3 : vector<16xf32> to vector<1x16xf32>
    tpu.vector_store %arg11[%swap3A_95, %swap3A_96], %swap3A_99 {strides = array<i32>} : memref<64x512xf32, #tpu.memory_space<vmem>>, vector<1x16xf32>,
    %swap3A_100 = arith.constant 14 : i32
    %swap3A_101 = arith.index_cast %swap3A_100 : i32 to index
    %swap3A_102 = arith.constant 192 : index
    %swap3A_103 = tpu.vector_load %arg11[%swap3A_101, %swap3A_102] {strides = array<i32>} : memref<64x512xf32, #tpu.memory_space<vmem>>, vector<1x16xf32>,
    %swap3A_104 = vector.shape_cast %swap3A_103 : vector<1x16xf32> to vector<16xf32>
    %swap3A_105 = vector.shape_cast %broadcast_in_dim3A_3 : vector<16xf32> to vector<1x16xf32>
    tpu.vector_store %arg11[%swap3A_101, %swap3A_102], %swap3A_105 {strides = array<i32>} : memref<64x512xf32, #tpu.memory_space<vmem>>, vector<1x16xf32>,
    %swap3A_106 = arith.constant 14 : i32
    %swap3A_107 = arith.index_cast %swap3A_106 : i32 to index
    %swap3A_108 = arith.constant 208 : index
    %swap3A_109 = tpu.vector_load %arg11[%swap3A_107, %swap3A_108] {strides = array<i32>} : memref<64x512xf32, #tpu.memory_space<vmem>>, vector<1x16xf32>,
    %swap3A_110 = vector.shape_cast %swap3A_109 : vector<1x16xf32> to vector<16xf32>
    %swap3A_111 = vector.shape_cast %broadcast_in_dim3A_3 : vector<16xf32> to vector<1x16xf32>
    tpu.vector_store %arg11[%swap3A_107, %swap3A_108], %swap3A_111 {strides = array<i32>} : memref<64x512xf32, #tpu.memory_space<vmem>>, vector<1x16xf32>,
    %swap3A_112 = arith.constant 14 : i32
    %swap3A_113 = arith.index_cast %swap3A_112 : i32 to index
    %swap3A_114 = arith.constant 224 : index
    %swap3A_115 = tpu.vector_load %arg11[%swap3A_113, %swap3A_114] {strides = array<i32>} : memref<64x512xf32, #tpu.memory_space<vmem>>, vector<1x16xf32>,
    %swap3A_116 = vector.shape_cast %swap3A_115 : vector<1x16xf32> to vector<16xf32>
    %swap3A_117 = vector.shape_cast %broadcast_in_dim3A_3 : vector<16xf32> to vector<1x16xf32>
    tpu.vector_store %arg11[%swap3A_113, %swap3A_114], %swap3A_117 {strides = array<i32>} : memref<64x512xf32, #tpu.memory_space<vmem>>, vector<1x16xf32>,
    %swap3A_118 = arith.constant 14 : i32
    %swap3A_119 = arith.index_cast %swap3A_118 : i32 to index
    %swap3A_120 = arith.constant 240 : index
    %swap3A_121 = tpu.vector_load %arg11[%swap3A_119, %swap3A_120] {strides = array<i32>} : memref<64x512xf32, #tpu.memory_space<vmem>>, vector<1x16xf32>,
    %swap3A_122 = vector.shape_cast %swap3A_121 : vector<1x16xf32> to vector<16xf32>
    %swap3A_123 = vector.shape_cast %broadcast_in_dim3A_3 : vector<16xf32> to vector<1x16xf32>
    tpu.vector_store %arg11[%swap3A_119, %swap3A_120], %swap3A_123 {strides = array<i32>} : memref<64x512xf32, #tpu.memory_space<vmem>>, vector<1x16xf32>,
    %swap3A_124 = arith.constant 14 : i32
    %swap3A_125 = arith.index_cast %swap3A_124 : i32 to index
    %swap3A_126 = arith.constant 256 : index
    %swap3A_127 = tpu.vector_load %arg11[%swap3A_125, %swap3A_126] {strides = array<i32>} : memref<64x512xf32, #tpu.memory_space<vmem>>, vector<1x16xf32>,
    %swap3A_128 = vector.shape_cast %swap3A_127 : vector<1x16xf32> to vector<16xf32>
    %swap3A_129 = vector.shape_cast %broadcast_in_dim3A_3 : vector<16xf32> to vector<1x16xf32>
    tpu.vector_store %arg11[%swap3A_125, %swap3A_126], %swap3A_129 {strides = array<i32>} : memref<64x512xf32, #tpu.memory_space<vmem>>, vector<1x16xf32>,
    %swap3A_130 = arith.constant 14 : i32
    %swap3A_131 = arith.index_cast %swap3A_130 : i32 to index
    %swap3A_132 = arith.constant 272 : index
    %swap3A_133 = tpu.vector_load %arg11[%swap3A_131, %swap3A_132] {strides = array<i32>} : memref<64x512xf32, #tpu.memory_space<vmem>>, vector<1x16xf32>,
    %swap3A_134 = vector.shape_cast %swap3A_133 : vector<1x16xf32> to vector<16xf32>
    %swap3A_135 = vector.shape_cast %broadcast_in_dim3A_3 : vector<16xf32> to vector<1x16xf32>
    tpu.vector_store %arg11[%swap3A_131, %swap3A_132], %swap3A_135 {strides = array<i32>} : memref<64x512xf32, #tpu.memory_space<vmem>>, vector<1x16xf32>,
    %swap3A_136 = arith.constant 14 : i32
    %swap3A_137 = arith.index_cast %swap3A_136 : i32 to index
    %swap3A_138 = arith.constant 288 : index
    %swap3A_139 = tpu.vector_load %arg11[%swap3A_137, %swap3A_138] {strides = array<i32>} : memref<64x512xf32, #tpu.memory_space<vmem>>, vector<1x16xf32>,
    %swap3A_140 = vector.shape_cast %swap3A_139 : vector<1x16xf32> to vector<16xf32>
    %swap3A_141 = vector.shape_cast %broadcast_in_dim3A_3 : vector<16xf32> to vector<1x16xf32>
    tpu.vector_store %arg11[%swap3A_137, %swap3A_138], %swap3A_141 {strides = array<i32>} : memref<64x512xf32, #tpu.memory_space<vmem>>, vector<1x16xf32>,
    %swap3A_142 = arith.constant 14 : i32
    %swap3A_143 = arith.index_cast %swap3A_142 : i32 to index
    %swap3A_144 = arith.constant 304 : index
    %swap3A_145 = tpu.vector_load %arg11[%swap3A_143, %swap3A_144] {strides = array<i32>} : memref<64x512xf32, #tpu.memory_space<vmem>>, vector<1x16xf32>,
    %swap3A_146 = vector.shape_cast %swap3A_145 : vector<1x16xf32> to vector<16xf32>
    %swap3A_147 = vector.shape_cast %broadcast_in_dim3A_3 : vector<16xf32> to vector<1x16xf32>
    tpu.vector_store %arg11[%swap3A_143, %swap3A_144], %swap3A_147 {strides = array<i32>} : memref<64x512xf32, #tpu.memory_space<vmem>>, vector<1x16xf32>,
    %swap3A_148 = arith.constant 14 : i32
    %swap3A_149 = arith.index_cast %swap3A_148 : i32 to index
    %swap3A_150 = arith.constant 320 : index
    %swap3A_151 = tpu.vector_load %arg11[%swap3A_149, %swap3A_150] {strides = array<i32>} : memref<64x512xf32, #tpu.memory_space<vmem>>, vector<1x16xf32>,
    %swap3A_152 = vector.shape_cast %swap3A_151 : vector<1x16xf32> to vector<16xf32>
    %swap3A_153 = vector.shape_cast %broadcast_in_dim3A_3 : vector<16xf32> to vector<1x16xf32>
    tpu.vector_store %arg11[%swap3A_149, %swap3A_150], %swap3A_153 {strides = array<i32>} : memref<64x512xf32, #tpu.memory_space<vmem>>, vector<1x16xf32>,
    %swap3A_154 = arith.constant 14 : i32
    %swap3A_155 = arith.index_cast %swap3A_154 : i32 to index
    %swap3A_156 = arith.constant 336 : index
    %swap3A_157 = tpu.vector_load %arg11[%swap3A_155, %swap3A_156] {strides = array<i32>} : memref<64x512xf32, #tpu.memory_space<vmem>>, vector<1x16xf32>,
    %swap3A_158 = vector.shape_cast %swap3A_157 : vector<1x16xf32> to vector<16xf32>
    %swap3A_159 = vector.shape_cast %broadcast_in_dim3A_3 : vector<16xf32> to vector<1x16xf32>
    tpu.vector_store %arg11[%swap3A_155, %swap3A_156], %swap3A_159 {strides = array<i32>} : memref<64x512xf32, #tpu.memory_space<vmem>>, vector<1x16xf32>,
    %swap3A_160 = arith.constant 14 : i32
    %swap3A_161 = arith.index_cast %swap3A_160 : i32 to index
    %swap3A_162 = arith.constant 352 : index
    %swap3A_163 = tpu.vector_load %arg11[%swap3A_161, %swap3A_162] {strides = array<i32>} : memref<64x512xf32, #tpu.memory_space<vmem>>, vector<1x16xf32>,
    %swap3A_164 = vector.shape_cast %swap3A_163 : vector<1x16xf32> to vector<16xf32>
    %swap3A_165 = vector.shape_cast %broadcast_in_dim3A_3 : vector<16xf32> to vector<1x16xf32>
    tpu.vector_store %arg11[%swap3A_161, %swap3A_162], %swap3A_165 {strides = array<i32>} : memref<64x512xf32, #tpu.memory_space<vmem>>, vector<1x16xf32>,
    %swap3A_166 = arith.constant 14 : i32
    %swap3A_167 = arith.index_cast %swap3A_166 : i32 to index
    %swap3A_168 = arith.constant 368 : index
    %swap3A_169 = tpu.vector_load %arg11[%swap3A_167, %swap3A_168] {strides = array<i32>} : memref<64x512xf32, #tpu.memory_space<vmem>>, vector<1x16xf32>,
    %swap3A_170 = vector.shape_cast %swap3A_169 : vector<1x16xf32> to vector<16xf32>
    %swap3A_171 = vector.shape_cast %broadcast_in_dim3A_3 : vector<16xf32> to vector<1x16xf32>
    tpu.vector_store %arg11[%swap3A_167, %swap3A_168], %swap3A_171 {strides = array<i32>} : memref<64x512xf32, #tpu.memory_space<vmem>>, vector<1x16xf32>,
    %swap3A_172 = arith.constant 14 : i32
    %swap3A_173 = arith.index_cast %swap3A_172 : i32 to index
    %swap3A_174 = arith.constant 384 : index
    %swap3A_175 = tpu.vector_load %arg11[%swap3A_173, %swap3A_174] {strides = array<i32>} : memref<64x512xf32, #tpu.memory_space<vmem>>, vector<1x16xf32>,
    %swap3A_176 = vector.shape_cast %swap3A_175 : vector<1x16xf32> to vector<16xf32>
    %swap3A_177 = vector.shape_cast %broadcast_in_dim3A_3 : vector<16xf32> to vector<1x16xf32>
    tpu.vector_store %arg11[%swap3A_173, %swap3A_174], %swap3A_177 {strides = array<i32>} : memref<64x512xf32, #tpu.memory_space<vmem>>, vector<1x16xf32>,
    %swap3A_178 = arith.constant 14 : i32
    %swap3A_179 = arith.index_cast %swap3A_178 : i32 to index
    %swap3A_180 = arith.constant 400 : index
    %swap3A_181 = tpu.vector_load %arg11[%swap3A_179, %swap3A_180] {strides = array<i32>} : memref<64x512xf32, #tpu.memory_space<vmem>>, vector<1x16xf32>,
    %swap3A_182 = vector.shape_cast %swap3A_181 : vector<1x16xf32> to vector<16xf32>
    %swap3A_183 = vector.shape_cast %broadcast_in_dim3A_3 : vector<16xf32> to vector<1x16xf32>
    tpu.vector_store %arg11[%swap3A_179, %swap3A_180], %swap3A_183 {strides = array<i32>} : memref<64x512xf32, #tpu.memory_space<vmem>>, vector<1x16xf32>,
    %swap3A_184 = arith.constant 14 : i32
    %swap3A_185 = arith.index_cast %swap3A_184 : i32 to index
    %swap3A_186 = arith.constant 416 : index
    %swap3A_187 = tpu.vector_load %arg11[%swap3A_185, %swap3A_186] {strides = array<i32>} : memref<64x512xf32, #tpu.memory_space<vmem>>, vector<1x16xf32>,
    %swap3A_188 = vector.shape_cast %swap3A_187 : vector<1x16xf32> to vector<16xf32>
    %swap3A_189 = vector.shape_cast %broadcast_in_dim3A_3 : vector<16xf32> to vector<1x16xf32>
    tpu.vector_store %arg11[%swap3A_185, %swap3A_186], %swap3A_189 {strides = array<i32>} : memref<64x512xf32, #tpu.memory_space<vmem>>, vector<1x16xf32>,
    %swap3A_190 = arith.constant 14 : i32
    %swap3A_191 = arith.index_cast %swap3A_190 : i32 to index
    %swap3A_192 = arith.constant 432 : index
    %swap3A_193 = tpu.vector_load %arg11[%swap3A_191, %swap3A_192] {strides = array<i32>} : memref<64x512xf32, #tpu.memory_space<vmem>>, vector<1x16xf32>,
    %swap3A_194 = vector.shape_cast %swap3A_193 : vector<1x16xf32> to vector<16xf32>
    %swap3A_195 = vector.shape_cast %broadcast_in_dim3A_3 : vector<16xf32> to vector<1x16xf32>
    tpu.vector_store %arg11[%swap3A_191, %swap3A_192], %swap3A_195 {strides = array<i32>} : memref<64x512xf32, #tpu.memory_space<vmem>>, vector<1x16xf32>,
    %swap3A_196 = arith.constant 14 : i32
    %swap3A_197 = arith.index_cast %swap3A_196 : i32 to index
    %swap3A_198 = arith.constant 448 : index
    %swap3A_199 = tpu.vector_load %arg11[%swap3A_197, %swap3A_198] {strides = array<i32>} : memref<64x512xf32, #tpu.memory_space<vmem>>, vector<1x16xf32>,
    %swap3A_200 = vector.shape_cast %swap3A_199 : vector<1x16xf32> to vector<16xf32>
    %swap3A_201 = vector.shape_cast %broadcast_in_dim3A_3 : vector<16xf32> to vector<1x16xf32>
    tpu.vector_store %arg11[%swap3A_197, %swap3A_198], %swap3A_201 {strides = array<i32>} : memref<64x512xf32, #tpu.memory_space<vmem>>, vector<1x16xf32>,
    %swap3A_202 = arith.constant 14 : i32
    %swap3A_203 = arith.index_cast %swap3A_202 : i32 to index
    %swap3A_204 = arith.constant 464 : index
    %swap3A_205 = tpu.vector_load %arg11[%swap3A_203, %swap3A_204] {strides = array<i32>} : memref<64x512xf32, #tpu.memory_space<vmem>>, vector<1x16xf32>,
    %swap3A_206 = vector.shape_cast %swap3A_205 : vector<1x16xf32> to vector<16xf32>
    %swap3A_207 = vector.shape_cast %broadcast_in_dim3A_3 : vector<16xf32> to vector<1x16xf32>
    tpu.vector_store %arg11[%swap3A_203, %swap3A_204], %swap3A_207 {strides = array<i32>} : memref<64x512xf32, #tpu.memory_space<vmem>>, vector<1x16xf32>,
    %swap3A_208 = arith.constant 14 : i32
    %swap3A_209 = arith.index_cast %swap3A_208 : i32 to index
    %swap3A_210 = arith.constant 480 : index
    %swap3A_211 = tpu.vector_load %arg11[%swap3A_209, %swap3A_210] {strides = array<i32>} : memref<64x512xf32, #tpu.memory_space<vmem>>, vector<1x16xf32>,
    %swap3A_212 = vector.shape_cast %swap3A_211 : vector<1x16xf32> to vector<16xf32>
    %swap3A_213 = vector.shape_cast %broadcast_in_dim3A_3 : vector<16xf32> to vector<1x16xf32>
    tpu.vector_store %arg11[%swap3A_209, %swap3A_210], %swap3A_213 {strides = array<i32>} : memref<64x512xf32, #tpu.memory_space<vmem>>, vector<1x16xf32>,
    %swap3A_214 = arith.constant 14 : i32
    %swap3A_215 = arith.index_cast %swap3A_214 : i32 to index
    %swap3A_216 = arith.constant 496 : index
    %swap3A_217 = tpu.vector_load %arg11[%swap3A_215, %swap3A_216] {strides = array<i32>} : memref<64x512xf32, #tpu.memory_space<vmem>>, vector<1x16xf32>,
    %swap3A_218 = vector.shape_cast %swap3A_217 : vector<1x16xf32> to vector<16xf32>
    %swap3A_219 = vector.shape_cast %broadcast_in_dim3A_3 : vector<16xf32> to vector<1x16xf32>
    tpu.vector_store %arg11[%swap3A_215, %swap3A_216], %swap3A_219 {strides = array<i32>} : memref<64x512xf32, #tpu.memory_space<vmem>>, vector<1x16xf32>,
    %swap3A_220 = arith.constant 15 : i32
    %swap3A_221 = arith.index_cast %swap3A_220 : i32 to index
    %swap3A_222 = arith.constant 0 : index
    %swap3A_223 = tpu.vector_load %arg11[%swap3A_221, %swap3A_222] {strides = array<i32>} : memref<64x512xf32, #tpu.memory_space<vmem>>, vector<1x16xf32>,
    %swap3A_224 = vector.shape_cast %swap3A_223 : vector<1x16xf32> to vector<16xf32>
    %swap3A_225 = vector.shape_cast %broadcast_in_dim3A_3 : vector<16xf32> to vector<1x16xf32>
    tpu.vector_store %arg11[%swap3A_221, %swap3A_222], %swap3A_225 {strides = array<i32>} : memref<64x512xf32, #tpu.memory_space<vmem>>, vector<1x16xf32>,
    %swap3A_226 = arith.constant 15 : i32
    %swap3A_227 = arith.index_cast %swap3A_226 : i32 to index
    %swap3A_228 = arith.constant 16 : index
    %swap3A_229 = tpu.vector_load %arg11[%swap3A_227, %swap3A_228] {strides = array<i32>} : memref<64x512xf32, #tpu.memory_space<vmem>>, vector<1x16xf32>,
    %swap3A_230 = vector.shape_cast %swap3A_229 : vector<1x16xf32> to vector<16xf32>
    %swap3A_231 = vector.shape_cast %broadcast_in_dim3A_3 : vector<16xf32> to vector<1x16xf32>
    tpu.vector_store %arg11[%swap3A_227, %swap3A_228], %swap3A_231 {strides = array<i32>} : memref<64x512xf32, #tpu.memory_space<vmem>>, vector<1x16xf32>,
    %swap3A_232 = arith.constant 15 : i32
    %swap3A_233 = arith.index_cast %swap3A_232 : i32 to index
    %swap3A_234 = arith.constant 32 : index
    %swap3A_235 = tpu.vector_load %arg11[%swap3A_233, %swap3A_234] {strides = array<i32>} : memref<64x512xf32, #tpu.memory_space<vmem>>, vector<1x16xf32>,
    %swap3A_236 = vector.shape_cast %swap3A_235 : vector<1x16xf32> to vector<16xf32>
    %swap3A_237 = vector.shape_cast %broadcast_in_dim3A_3 : vector<16xf32> to vector<1x16xf32>
    tpu.vector_store %arg11[%swap3A_233, %swap3A_234], %swap3A_237 {strides = array<i32>} : memref<64x512xf32, #tpu.memory_space<vmem>>, vector<1x16xf32>,
    %swap3A_238 = arith.constant 15 : i32
    %swap3A_239 = arith.index_cast %swap3A_238 : i32 to index
    %swap3A_240 = arith.constant 48 : index
    %swap3A_241 = tpu.vector_load %arg11[%swap3A_239, %swap3A_240] {strides = array<i32>} : memref<64x512xf32, #tpu.memory_space<vmem>>, vector<1x16xf32>,
    %swap3A_242 = vector.shape_cast %swap3A_241 : vector<1x16xf32> to vector<16xf32>
    %swap3A_243 = vector.shape_cast %broadcast_in_dim3A_3 : vector<16xf32> to vector<1x16xf32>
    tpu.vector_store %arg11[%swap3A_239, %swap3A_240], %swap3A_243 {strides = array<i32>} : memref<64x512xf32, #tpu.memory_space<vmem>>, vector<1x16xf32>,
    %swap3A_244 = arith.constant 15 : i32
    %swap3A_245 = arith.index_cast %swap3A_244 : i32 to index
    %swap3A_246 = arith.constant 64 : index
    %swap3A_247 = tpu.vector_load %arg11[%swap3A_245, %swap3A_246] {strides = array<i32>} : memref<64x512xf32, #tpu.memory_space<vmem>>, vector<1x16xf32>,
    %swap3A_248 = vector.shape_cast %swap3A_247 : vector<1x16xf32> to vector<16xf32>
    %swap3A_249 = vector.shape_cast %broadcast_in_dim3A_3 : vector<16xf32> to vector<1x16xf32>
    tpu.vector_store %arg11[%swap3A_245, %swap3A_246], %swap3A_249 {strides = array<i32>} : memref<64x512xf32, #tpu.memory_space<vmem>>, vector<1x16xf32>,
    %swap3A_250 = arith.constant 15 : i32
    %swap3A_251 = arith.index_cast %swap3A_250 : i32 to index
    %swap3A_252 = arith.constant 80 : index
    %swap3A_253 = tpu.vector_load %arg11[%swap3A_251, %swap3A_252] {strides = array<i32>} : memref<64x512xf32, #tpu.memory_space<vmem>>, vector<1x16xf32>,
    %swap3A_254 = vector.shape_cast %swap3A_253 : vector<1x16xf32> to vector<16xf32>
    %swap3A_255 = vector.shape_cast %broadcast_in_dim3A_3 : vector<16xf32> to vector<1x16xf32>
    tpu.vector_store %arg11[%swap3A_251, %swap3A_252], %swap3A_255 {strides = array<i32>} : memref<64x512xf32, #tpu.memory_space<vmem>>, vector<1x16xf32>,
    %swap3A_256 = arith.constant 15 : i32
    %swap3A_257 = arith.index_cast %swap3A_256 : i32 to index
    %swap3A_258 = arith.constant 96 : index
    %swap3A_259 = tpu.vector_load %arg11[%swap3A_257, %swap3A_258] {strides = array<i32>} : memref<64x512xf32, #tpu.memory_space<vmem>>, vector<1x16xf32>,
    %swap3A_260 = vector.shape_cast %swap3A_259 : vector<1x16xf32> to vector<16xf32>
    %swap3A_261 = vector.shape_cast %broadcast_in_dim3A_3 : vector<16xf32> to vector<1x16xf32>
    tpu.vector_store %arg11[%swap3A_257, %swap3A_258], %swap3A_261 {strides = array<i32>} : memref<64x512xf32, #tpu.memory_space<vmem>>, vector<1x16xf32>,
    %swap3A_262 = arith.constant 15 : i32
    %swap3A_263 = arith.index_cast %swap3A_262 : i32 to index
    %swap3A_264 = arith.constant 112 : index
    %swap3A_265 = tpu.vector_load %arg11[%swap3A_263, %swap3A_264] {strides = array<i32>} : memref<64x512xf32, #tpu.memory_space<vmem>>, vector<1x16xf32>,
    %swap3A_266 = vector.shape_cast %swap3A_265 : vector<1x16xf32> to vector<16xf32>
    %swap3A_267 = vector.shape_cast %broadcast_in_dim3A_3 : vector<16xf32> to vector<1x16xf32>
    tpu.vector_store %arg11[%swap3A_263, %swap3A_264], %swap3A_267 {strides = array<i32>} : memref<64x512xf32, #tpu.memory_space<vmem>>, vector<1x16xf32>,
    %swap3A_268 = arith.constant 15 : i32
    %swap3A_269 = arith.index_cast %swap3A_268 : i32 to index
    %swap3A_270 = arith.constant 128 : index
    %swap3A_271 = tpu.vector_load %arg11[%swap3A_269, %swap3A_270] {strides = array<i32>} : memref<64x512xf32, #tpu.memory_space<vmem>>, vector<1x16xf32>,
    %swap3A_272 = vector.shape_cast %swap3A_271 : vector<1x16xf32> to vector<16xf32>
    %swap3A_273 = vector.shape_cast %broadcast_in_dim3A_3 : vector<16xf32> to vector<1x16xf32>
    tpu.vector_store %arg11[%swap3A_269, %swap3A_270], %swap3A_273 {strides = array<i32>} : memref<64x512xf32, #tpu.memory_space<vmem>>, vector<1x16xf32>,
    %swap3A_274 = arith.constant 15 : i32
    %swap3A_275 = arith.index_cast %swap3A_274 : i32 to index
    %swap3A_276 = arith.constant 144 : index
    %swap3A_277 = tpu.vector_load %arg11[%swap3A_275, %swap3A_276] {strides = array<i32>} : memref<64x512xf32, #tpu.memory_space<vmem>>, vector<1x16xf32>,
    %swap3A_278 = vector.shape_cast %swap3A_277 : vector<1x16xf32> to vector<16xf32>
    %swap3A_279 = vector.shape_cast %broadcast_in_dim3A_3 : vector<16xf32> to vector<1x16xf32>
    tpu.vector_store %arg11[%swap3A_275, %swap3A_276], %swap3A_279 {strides = array<i32>} : memref<64x512xf32, #tpu.memory_space<vmem>>, vector<1x16xf32>,
    %swap3A_280 = arith.constant 15 : i32
    %swap3A_281 = arith.index_cast %swap3A_280 : i32 to index
    %swap3A_282 = arith.constant 160 : index
    %swap3A_283 = tpu.vector_load %arg11[%swap3A_281, %swap3A_282] {strides = array<i32>} : memref<64x512xf32, #tpu.memory_space<vmem>>, vector<1x16xf32>,
    %swap3A_284 = vector.shape_cast %swap3A_283 : vector<1x16xf32> to vector<16xf32>
    %swap3A_285 = vector.shape_cast %broadcast_in_dim3A_3 : vector<16xf32> to vector<1x16xf32>
    tpu.vector_store %arg11[%swap3A_281, %swap3A_282], %swap3A_285 {strides = array<i32>} : memref<64x512xf32, #tpu.memory_space<vmem>>, vector<1x16xf32>,
    %swap3A_286 = arith.constant 15 : i32
    %swap3A_287 = arith.index_cast %swap3A_286 : i32 to index
    %swap3A_288 = arith.constant 176 : index
    %swap3A_289 = tpu.vector_load %arg11[%swap3A_287, %swap3A_288] {strides = array<i32>} : memref<64x512xf32, #tpu.memory_space<vmem>>, vector<1x16xf32>,
    %swap3A_290 = vector.shape_cast %swap3A_289 : vector<1x16xf32> to vector<16xf32>
    %swap3A_291 = vector.shape_cast %broadcast_in_dim3A_3 : vector<16xf32> to vector<1x16xf32>
    tpu.vector_store %arg11[%swap3A_287, %swap3A_288], %swap3A_291 {strides = array<i32>} : memref<64x512xf32, #tpu.memory_space<vmem>>, vector<1x16xf32>,
    %swap3A_292 = arith.constant 15 : i32
    %swap3A_293 = arith.index_cast %swap3A_292 : i32 to index
    %swap3A_294 = arith.constant 192 : index
    %swap3A_295 = tpu.vector_load %arg11[%swap3A_293, %swap3A_294] {strides = array<i32>} : memref<64x512xf32, #tpu.memory_space<vmem>>, vector<1x16xf32>,
    %swap3A_296 = vector.shape_cast %swap3A_295 : vector<1x16xf32> to vector<16xf32>
    %swap3A_297 = vector.shape_cast %broadcast_in_dim3A_3 : vector<16xf32> to vector<1x16xf32>
    tpu.vector_store %arg11[%swap3A_293, %swap3A_294], %swap3A_297 {strides = array<i32>} : memref<64x512xf32, #tpu.memory_space<vmem>>, vector<1x16xf32>,
    %swap3A_298 = arith.constant 15 : i32
    %swap3A_299 = arith.index_cast %swap3A_298 : i32 to index
    %swap3A_300 = arith.constant 208 : index
    %swap3A_301 = tpu.vector_load %arg11[%swap3A_299, %swap3A_300] {strides = array<i32>} : memref<64x512xf32, #tpu.memory_space<vmem>>, vector<1x16xf32>,
    %swap3A_302 = vector.shape_cast %swap3A_301 : vector<1x16xf32> to vector<16xf32>
    %swap3A_303 = vector.shape_cast %broadcast_in_dim3A_3 : vector<16xf32> to vector<1x16xf32>
    tpu.vector_store %arg11[%swap3A_299, %swap3A_300], %swap3A_303 {strides = array<i32>} : memref<64x512xf32, #tpu.memory_space<vmem>>, vector<1x16xf32>,
    %swap3A_304 = arith.constant 15 : i32
    %swap3A_305 = arith.index_cast %swap3A_304 : i32 to index
    %swap3A_306 = arith.constant 224 : index
    %swap3A_307 = tpu.vector_load %arg11[%swap3A_305, %swap3A_306] {strides = array<i32>} : memref<64x512xf32, #tpu.memory_space<vmem>>, vector<1x16xf32>,
    %swap3A_308 = vector.shape_cast %swap3A_307 : vector<1x16xf32> to vector<16xf32>
    %swap3A_309 = vector.shape_cast %broadcast_in_dim3A_3 : vector<16xf32> to vector<1x16xf32>
    tpu.vector_store %arg11[%swap3A_305, %swap3A_306], %swap3A_309 {strides = array<i32>} : memref<64x512xf32, #tpu.memory_space<vmem>>, vector<1x16xf32>,
    %swap3A_310 = arith.constant 15 : i32
    %swap3A_311 = arith.index_cast %swap3A_310 : i32 to index
    %swap3A_312 = arith.constant 240 : index
    %swap3A_313 = tpu.vector_load %arg11[%swap3A_311, %swap3A_312] {strides = array<i32>} : memref<64x512xf32, #tpu.memory_space<vmem>>, vector<1x16xf32>,
    %swap3A_314 = vector.shape_cast %swap3A_313 : vector<1x16xf32> to vector<16xf32>
    %swap3A_315 = vector.shape_cast %broadcast_in_dim3A_3 : vector<16xf32> to vector<1x16xf32>
    tpu.vector_store %arg11[%swap3A_311, %swap3A_312], %swap3A_315 {strides = array<i32>} : memref<64x512xf32, #tpu.memory_space<vmem>>, vector<1x16xf32>,
    %swap3A_316 = arith.constant 15 : i32
    %swap3A_317 = arith.index_cast %swap3A_316 : i32 to index
    %swap3A_318 = arith.constant 256 : index
    %swap3A_319 = tpu.vector_load %arg11[%swap3A_317, %swap3A_318] {strides = array<i32>} : memref<64x512xf32, #tpu.memory_space<vmem>>, vector<1x16xf32>,
    %swap3A_320 = vector.shape_cast %swap3A_319 : vector<1x16xf32> to vector<16xf32>
    %swap3A_321 = vector.shape_cast %broadcast_in_dim3A_3 : vector<16xf32> to vector<1x16xf32>
    tpu.vector_store %arg11[%swap3A_317, %swap3A_318], %swap3A_321 {strides = array<i32>} : memref<64x512xf32, #tpu.memory_space<vmem>>, vector<1x16xf32>,
    %swap3A_322 = arith.constant 15 : i32
    %swap3A_323 = arith.index_cast %swap3A_322 : i32 to index
    %swap3A_324 = arith.constant 272 : index
    %swap3A_325 = tpu.vector_load %arg11[%swap3A_323, %swap3A_324] {strides = array<i32>} : memref<64x512xf32, #tpu.memory_space<vmem>>, vector<1x16xf32>,
    %swap3A_326 = vector.shape_cast %swap3A_325 : vector<1x16xf32> to vector<16xf32>
    %swap3A_327 = vector.shape_cast %broadcast_in_dim3A_3 : vector<16xf32> to vector<1x16xf32>
    tpu.vector_store %arg11[%swap3A_323, %swap3A_324], %swap3A_327 {strides = array<i32>} : memref<64x512xf32, #tpu.memory_space<vmem>>, vector<1x16xf32>,
    %swap3A_328 = arith.constant 15 : i32
    %swap3A_329 = arith.index_cast %swap3A_328 : i32 to index
    %swap3A_330 = arith.constant 288 : index
    %swap3A_331 = tpu.vector_load %arg11[%swap3A_329, %swap3A_330] {strides = array<i32>} : memref<64x512xf32, #tpu.memory_space<vmem>>, vector<1x16xf32>,
    %swap3A_332 = vector.shape_cast %swap3A_331 : vector<1x16xf32> to vector<16xf32>
    %swap3A_333 = vector.shape_cast %broadcast_in_dim3A_3 : vector<16xf32> to vector<1x16xf32>
    tpu.vector_store %arg11[%swap3A_329, %swap3A_330], %swap3A_333 {strides = array<i32>} : memref<64x512xf32, #tpu.memory_space<vmem>>, vector<1x16xf32>,
    %swap3A_334 = arith.constant 15 : i32
    %swap3A_335 = arith.index_cast %swap3A_334 : i32 to index
    %swap3A_336 = arith.constant 304 : index
    %swap3A_337 = tpu.vector_load %arg11[%swap3A_335, %swap3A_336] {strides = array<i32>} : memref<64x512xf32, #tpu.memory_space<vmem>>, vector<1x16xf32>,
    %swap3A_338 = vector.shape_cast %swap3A_337 : vector<1x16xf32> to vector<16xf32>
    %swap3A_339 = vector.shape_cast %broadcast_in_dim3A_3 : vector<16xf32> to vector<1x16xf32>
    tpu.vector_store %arg11[%swap3A_335, %swap3A_336], %swap3A_339 {strides = array<i32>} : memref<64x512xf32, #tpu.memory_space<vmem>>, vector<1x16xf32>,
    %swap3A_340 = arith.constant 15 : i32
    %swap3A_341 = arith.index_cast %swap3A_340 : i32 to index
    %swap3A_342 = arith.constant 320 : index
    %swap3A_343 = tpu.vector_load %arg11[%swap3A_341, %swap3A_342] {strides = array<i32>} : memref<64x512xf32, #tpu.memory_space<vmem>>, vector<1x16xf32>,
    %swap3A_344 = vector.shape_cast %swap3A_343 : vector<1x16xf32> to vector<16xf32>
    %swap3A_345 = vector.shape_cast %broadcast_in_dim3A_3 : vector<16xf32> to vector<1x16xf32>
    tpu.vector_store %arg11[%swap3A_341, %swap3A_342], %swap3A_345 {strides = array<i32>} : memref<64x512xf32, #tpu.memory_space<vmem>>, vector<1x16xf32>,
    %swap3A_346 = arith.constant 15 : i32
    %swap3A_347 = arith.index_cast %swap3A_346 : i32 to index
    %swap3A_348 = arith.constant 336 : index
    %swap3A_349 = tpu.vector_load %arg11[%swap3A_347, %swap3A_348] {strides = array<i32>} : memref<64x512xf32, #tpu.memory_space<vmem>>, vector<1x16xf32>,
    %swap3A_350 = vector.shape_cast %swap3A_349 : vector<1x16xf32> to vector<16xf32>
    %swap3A_351 = vector.shape_cast %broadcast_in_dim3A_3 : vector<16xf32> to vector<1x16xf32>
    tpu.vector_store %arg11[%swap3A_347, %swap3A_348], %swap3A_351 {strides = array<i32>} : memref<64x512xf32, #tpu.memory_space<vmem>>, vector<1x16xf32>,
    %swap3A_352 = arith.constant 15 : i32
    %swap3A_353 = arith.index_cast %swap3A_352 : i32 to index
    %swap3A_354 = arith.constant 352 : index
    %swap3A_355 = tpu.vector_load %arg11[%swap3A_353, %swap3A_354] {strides = array<i32>} : memref<64x512xf32, #tpu.memory_space<vmem>>, vector<1x16xf32>,
    %swap3A_356 = vector.shape_cast %swap3A_355 : vector<1x16xf32> to vector<16xf32>
    %swap3A_357 = vector.shape_cast %broadcast_in_dim3A_3 : vector<16xf32> to vector<1x16xf32>
    tpu.vector_store %arg11[%swap3A_353, %swap3A_354], %swap3A_357 {strides = array<i32>} : memref<64x512xf32, #tpu.memory_space<vmem>>, vector<1x16xf32>,
    %swap3A_358 = arith.constant 15 : i32
    %swap3A_359 = arith.index_cast %swap3A_358 : i32 to index
    %swap3A_360 = arith.constant 368 : index
    %swap3A_361 = tpu.vector_load %arg11[%swap3A_359, %swap3A_360] {strides = array<i32>} : memref<64x512xf32, #tpu.memory_space<vmem>>, vector<1x16xf32>,
    %swap3A_362 = vector.shape_cast %swap3A_361 : vector<1x16xf32> to vector<16xf32>
    %swap3A_363 = vector.shape_cast %broadcast_in_dim3A_3 : vector<16xf32> to vector<1x16xf32>
    tpu.vector_store %arg11[%swap3A_359, %swap3A_360], %swap3A_363 {strides = array<i32>} : memref<64x512xf32, #tpu.memory_space<vmem>>, vector<1x16xf32>,
    %swap3A_364 = arith.constant 15 : i32
    %swap3A_365 = arith.index_cast %swap3A_364 : i32 to index
    %swap3A_366 = arith.constant 384 : index
    %swap3A_367 = tpu.vector_load %arg11[%swap3A_365, %swap3A_366] {strides = array<i32>} : memref<64x512xf32, #tpu.memory_space<vmem>>, vector<1x16xf32>,
    %swap3A_368 = vector.shape_cast %swap3A_367 : vector<1x16xf32> to vector<16xf32>
    %swap3A_369 = vector.shape_cast %broadcast_in_dim3A_3 : vector<16xf32> to vector<1x16xf32>
    tpu.vector_store %arg11[%swap3A_365, %swap3A_366], %swap3A_369 {strides = array<i32>} : memref<64x512xf32, #tpu.memory_space<vmem>>, vector<1x16xf32>,
    %swap3A_370 = arith.constant 15 : i32
    %swap3A_371 = arith.index_cast %swap3A_370 : i32 to index
    %swap3A_372 = arith.constant 400 : index
    %swap3A_373 = tpu.vector_load %arg11[%swap3A_371, %swap3A_372] {strides = array<i32>} : memref<64x512xf32, #tpu.memory_space<vmem>>, vector<1x16xf32>,
    %swap3A_374 = vector.shape_cast %swap3A_373 : vector<1x16xf32> to vector<16xf32>
    %swap3A_375 = vector.shape_cast %broadcast_in_dim3A_3 : vector<16xf32> to vector<1x16xf32>
    tpu.vector_store %arg11[%swap3A_371, %swap3A_372], %swap3A_375 {strides = array<i32>} : memref<64x512xf32, #tpu.memory_space<vmem>>, vector<1x16xf32>,
    %swap3A_376 = arith.constant 15 : i32
    %swap3A_377 = arith.index_cast %swap3A_376 : i32 to index
    %swap3A_378 = arith.constant 416 : index
    %swap3A_379 = tpu.vector_load %arg11[%swap3A_377, %swap3A_378] {strides = array<i32>} : memref<64x512xf32, #tpu.memory_space<vmem>>, vector<1x16xf32>,
    %swap3A_380 = vector.shape_cast %swap3A_379 : vector<1x16xf32> to vector<16xf32>
    %swap3A_381 = vector.shape_cast %broadcast_in_dim3A_3 : vector<16xf32> to vector<1x16xf32>
    tpu.vector_store %arg11[%swap3A_377, %swap3A_378], %swap3A_381 {strides = array<i32>} : memref<64x512xf32, #tpu.memory_space<vmem>>, vector<1x16xf32>,
    %swap3A_382 = arith.constant 15 : i32
    %swap3A_383 = arith.index_cast %swap3A_382 : i32 to index
    %swap3A_384 = arith.constant 432 : index
    %swap3A_385 = tpu.vector_load %arg11[%swap3A_383, %swap3A_384] {strides = array<i32>} : memref<64x512xf32, #tpu.memory_space<vmem>>, vector<1x16xf32>,
    %swap3A_386 = vector.shape_cast %swap3A_385 : vector<1x16xf32> to vector<16xf32>
    %swap3A_387 = vector.shape_cast %broadcast_in_dim3A_3 : vector<16xf32> to vector<1x16xf32>
    tpu.vector_store %arg11[%swap3A_383, %swap3A_384], %swap3A_387 {strides = array<i32>} : memref<64x512xf32, #tpu.memory_space<vmem>>, vector<1x16xf32>,
    %swap3A_388 = arith.constant 15 : i32
    %swap3A_389 = arith.index_cast %swap3A_388 : i32 to index
    %swap3A_390 = arith.constant 448 : index
    %swap3A_391 = tpu.vector_load %arg11[%swap3A_389, %swap3A_390] {strides = array<i32>} : memref<64x512xf32, #tpu.memory_space<vmem>>, vector<1x16xf32>,
    %swap3A_392 = vector.shape_cast %swap3A_391 : vector<1x16xf32> to vector<16xf32>
    %swap3A_393 = vector.shape_cast %broadcast_in_dim3A_3 : vector<16xf32> to vector<1x16xf32>
    tpu.vector_store %arg11[%swap3A_389, %swap3A_390], %swap3A_393 {strides = array<i32>} : memref<64x512xf32, #tpu.memory_space<vmem>>, vector<1x16xf32>,
    %swap3A_394 = arith.constant 15 : i32
    %swap3A_395 = arith.index_cast %swap3A_394 : i32 to index
    %swap3A_396 = arith.constant 464 : index
    %swap3A_397 = tpu.vector_load %arg11[%swap3A_395, %swap3A_396] {strides = array<i32>} : memref<64x512xf32, #tpu.memory_space<vmem>>, vector<1x16xf32>,
    %swap3A_398 = vector.shape_cast %swap3A_397 : vector<1x16xf32> to vector<16xf32>
    %swap3A_399 = vector.shape_cast %broadcast_in_dim3A_3 : vector<16xf32> to vector<1x16xf32>
    tpu.vector_store %arg11[%swap3A_395, %swap3A_396], %swap3A_399 {strides = array<i32>} : memref<64x512xf32, #tpu.memory_space<vmem>>, vector<1x16xf32>,
    %swap3A_400 = arith.constant 15 : i32
    %swap3A_401 = arith.index_cast %swap3A_400 : i32 to index
    %swap3A_402 = arith.constant 480 : index
    %swap3A_403 = tpu.vector_load %arg11[%swap3A_401, %swap3A_402] {strides = array<i32>} : memref<64x512xf32, #tpu.memory_space<vmem>>, vector<1x16xf32>,
    %swap3A_404 = vector.shape_cast %swap3A_403 : vector<1x16xf32> to vector<16xf32>
    %swap3A_405 = vector.shape_cast %broadcast_in_dim3A_3 : vector<16xf32> to vector<1x16xf32>
    tpu.vector_store %arg11[%swap3A_401, %swap3A_402], %swap3A_405 {strides = array<i32>} : memref<64x512xf32, #tpu.memory_space<vmem>>, vector<1x16xf32>,
    %swap3A_406 = arith.constant 15 : i32
    %swap3A_407 = arith.index_cast %swap3A_406 : i32 to index
    %swap3A_408 = arith.constant 496 : index
    %swap3A_409 = tpu.vector_load %arg11[%swap3A_407, %swap3A_408] {strides = array<i32>} : memref<64x512xf32, #tpu.memory_space<vmem>>, vector<1x16xf32>,
    %swap3A_410 = vector.shape_cast %swap3A_409 : vector<1x16xf32> to vector<16xf32>
    %swap3A_411 = vector.shape_cast %broadcast_in_dim3A_3 : vector<16xf32> to vector<1x16xf32>
    tpu.vector_store %arg11[%swap3A_407, %swap3A_408], %swap3A_411 {strides = array<i32>} : memref<64x512xf32, #tpu.memory_space<vmem>>, vector<1x16xf32>,
    "tpu.region"() ({
      %run_scoped3A = tpu.sem_alloc : memref<!tpu.dma_semaphore, #tpu.memory_space<semaphore_mem>>
      %dma_start3A_1355 = arith.constant 16 : i32
      %dma_start3A_1356 = arith.constant 0 : i32
      %dma_start3A_1357 = tpu.memref_slice %arg11[%dma_start3A_1355, %dma_start3A_1356] : memref<64x512xf32, #tpu.memory_space<vmem>> -> memref<8x512xf32, #tpu.memory_space<vmem>>
      %dma_start3A_1358 = arith.constant 16 : i32
      %dma_start3A_1359 = arith.constant 0 : i32
      %dma_start3A_1360 = tpu.memref_slice %arg11[%dma_start3A_1358, %dma_start3A_1359] : memref<64x512xf32, #tpu.memory_space<vmem>> -> memref<8x512xf32, #tpu.memory_space<vmem>>
      tpu.enqueue_dma source(%arg7 : memref<8x512xf32, #tpu.memory_space<hbm>>) target(%dma_start3A_1360 : memref<8x512xf32, #tpu.memory_space<vmem>>) target_semaphore(%run_scoped3A : memref<!tpu.dma_semaphore, #tpu.memory_space<semaphore_mem>>)
      %dma_wait3A_1361 = arith.constant 16 : i32
      %dma_wait3A_1362 = arith.constant 0 : i32
      %dma_wait3A_1363 = tpu.memref_slice %arg11[%dma_wait3A_1361, %dma_wait3A_1362] : memref<64x512xf32, #tpu.memory_space<vmem>> -> memref<8x512xf32, #tpu.memory_space<vmem>>
      %dma_wait3A_1364 = arith.constant 16 : i32
      %dma_wait3A_1365 = arith.constant 0 : i32
      %dma_wait3A_1366 = tpu.memref_slice %arg11[%dma_wait3A_1364, %dma_wait3A_1365] : memref<64x512xf32, #tpu.memory_space<vmem>> -> memref<8x512xf32, #tpu.memory_space<vmem>>
      tpu.wait_dma2 semaphore(%run_scoped3A : memref<!tpu.dma_semaphore, #tpu.memory_space<semaphore_mem>>) src(%arg7 : memref<8x512xf32, #tpu.memory_space<hbm>>) dst(%dma_wait3A_1366 : memref<8x512xf32, #tpu.memory_space<vmem>>)
      tpu.yield
    }) : () -> ()
    "tpu.region"() ({
      %run_scoped3A = tpu.sem_alloc : memref<!tpu.dma_semaphore, #tpu.memory_space<semaphore_mem>>
      %dma_start3A_1355 = arith.constant 0 : i32
      %dma_start3A_1356 = arith.constant 0 : i32
      %dma_start3A_1357 = tpu.memref_slice %arg11[%dma_start3A_1355, %dma_start3A_1356] : memref<64x512xf32, #tpu.memory_space<vmem>> -> memref<24x512xf32, #tpu.memory_space<vmem>>
      %dma_start3A_1358 = arith.constant 0 : i32
      %dma_start3A_1359 = arith.constant 0 : i32
      %dma_start3A_1360 = tpu.memref_slice %arg10[%add3A_10, %dma_start3A_1358, %dma_start3A_1359] : memref<96x24x512xf32, #tpu.memory_space<hbm>> -> memref<1x24x512xf32, #tpu.memory_space<hbm>>
      %dma_start3A_1361 = tpu.memref_squeeze %dma_start3A_1360 : memref<1x24x512xf32, #tpu.memory_space<hbm>> -> memref<24x512xf32, #tpu.memory_space<hbm>>
      %dma_start3A_1362 = arith.constant 0 : i32
      %dma_start3A_1363 = arith.constant 0 : i32
      %dma_start3A_1364 = tpu.memref_slice %arg10[%add3A_10, %dma_start3A_1362, %dma_start3A_1363] : memref<96x24x512xf32, #tpu.memory_space<hbm>> -> memref<1x24x512xf32, #tpu.memory_space<hbm>>
      %dma_start3A_1365 = tpu.memref_squeeze %dma_start3A_1364 : memref<1x24x512xf32, #tpu.memory_space<hbm>> -> memref<24x512xf32, #tpu.memory_space<hbm>>
      %dma_start3A_1366 = arith.constant 0 : i32
      %dma_start3A_1367 = arith.constant 0 : i32
      %dma_start3A_1368 = tpu.memref_slice %arg11[%dma_start3A_1366, %dma_start3A_1367] : memref<64x512xf32, #tpu.memory_space<vmem>> -> memref<24x512xf32, #tpu.memory_space<vmem>>
      tpu.enqueue_dma source(%dma_start3A_1368 : memref<24x512xf32, #tpu.memory_space<vmem>>) target(%dma_start3A_1365 : memref<24x512xf32, #tpu.memory_space<hbm>>) target_semaphore(%run_scoped3A : memref<!tpu.dma_semaphore, #tpu.memory_space<semaphore_mem>>)
      %dma_wait3A_1369 = arith.constant 0 : i32
      %dma_wait3A_1370 = arith.constant 0 : i32
      %dma_wait3A_1371 = tpu.memref_slice %arg11[%dma_wait3A_1369, %dma_wait3A_1370] : memref<64x512xf32, #tpu.memory_space<vmem>> -> memref<24x512xf32, #tpu.memory_space<vmem>>
      %dma_wait3A_1372 = arith.constant 0 : i32
      %dma_wait3A_1373 = arith.constant 0 : i32
      %dma_wait3A_1374 = tpu.memref_slice %arg10[%add3A_10, %dma_wait3A_1372, %dma_wait3A_1373] : memref<96x24x512xf32, #tpu.memory_space<hbm>> -> memref<1x24x512xf32, #tpu.memory_space<hbm>>
      %dma_wait3A_1375 = tpu.memref_squeeze %dma_wait3A_1374 : memref<1x24x512xf32, #tpu.memory_space<hbm>> -> memref<24x512xf32, #tpu.memory_space<hbm>>
      %dma_wait3A_1376 = arith.constant 0 : i32
      %dma_wait3A_1377 = arith.constant 0 : i32
      %dma_wait3A_1378 = tpu.memref_slice %arg10[%add3A_10, %dma_wait3A_1376, %dma_wait3A_1377] : memref<96x24x512xf32, #tpu.memory_space<hbm>> -> memref<1x24x512xf32, #tpu.memory_space<hbm>>
      %dma_wait3A_1379 = tpu.memref_squeeze %dma_wait3A_1378 : memref<1x24x512xf32, #tpu.memory_space<hbm>> -> memref<24x512xf32, #tpu.memory_space<hbm>>
      %dma_wait3A_1380 = arith.constant 0 : i32
      %dma_wait3A_1381 = arith.constant 0 : i32
      %dma_wait3A_1382 = tpu.memref_slice %arg11[%dma_wait3A_1380, %dma_wait3A_1381] : memref<64x512xf32, #tpu.memory_space<vmem>> -> memref<24x512xf32, #tpu.memory_space<vmem>>
      tpu.wait_dma2 semaphore(%run_scoped3A : memref<!tpu.dma_semaphore, #tpu.memory_space<semaphore_mem>>) src(%dma_wait3A_1382 : memref<24x512xf32, #tpu.memory_space<vmem>>) dst(%dma_wait3A_1379 : memref<24x512xf32, #tpu.memory_space<hbm>>)
      tpu.yield
    }) : () -> ()
    %mul3A_412 = arith.constant 3 : i32
    %mul3A_413 = arith.muli %arg1, %mul3A_412 : i32
    %add3A_414 = arith.constant 1 : i32
    %add3A_415 = arith.addi %mul3A_413, %add3A_414 : i32
    %mul3A_416 = arith.constant 48 : i32
    %mul3A_417 = arith.muli %arg0, %mul3A_416 : i32
    %add3A_418 = arith.addi %mul3A_417, %add3A_415 : i32
    %mul3A_419 = arith.constant 8 : i32
    %mul3A_420 = arith.muli %add3A_415, %mul3A_419 : i32
    "tpu.region"() ({
      %run_scoped3A = tpu.sem_alloc : memref<!tpu.dma_semaphore, #tpu.memory_space<semaphore_mem>>
      %dma_start3A_1355 = arith.constant 0 : i32
      %dma_start3A_1356 = arith.constant 0 : i32
      %dma_start3A_1357 = tpu.memref_slice %arg11[%dma_start3A_1355, %dma_start3A_1356] : memref<64x512xf32, #tpu.memory_space<vmem>> -> memref<8x512xf32, #tpu.memory_space<vmem>>
      %dma_start3A_1358 = arith.constant 0 : i32
      %dma_start3A_1359 = tpu.memref_slice %arg3[%mul3A_420, %dma_start3A_1358] : memref<384x512xf32, #tpu.memory_space<hbm>> -> memref<8x512xf32, #tpu.memory_space<hbm>>
      %dma_start3A_1360 = arith.constant 0 : i32
      %dma_start3A_1361 = arith.constant 0 : i32
      %dma_start3A_1362 = tpu.memref_slice %arg11[%dma_start3A_1360, %dma_start3A_1361] : memref<64x512xf32, #tpu.memory_space<vmem>> -> memref<8x512xf32, #tpu.memory_space<vmem>>
      %dma_start3A_1363 = arith.constant 0 : i32
      %dma_start3A_1364 = tpu.memref_slice %arg3[%mul3A_420, %dma_start3A_1363] : memref<384x512xf32, #tpu.memory_space<hbm>> -> memref<8x512xf32, #tpu.memory_space<hbm>>
      tpu.enqueue_dma source(%dma_start3A_1364 : memref<8x512xf32, #tpu.memory_space<hbm>>) target(%dma_start3A_1362 : memref<8x512xf32, #tpu.memory_space<vmem>>) target_semaphore(%run_scoped3A : memref<!tpu.dma_semaphore, #tpu.memory_space<semaphore_mem>>)
      %dma_wait3A_1365 = arith.constant 0 : i32
      %dma_wait3A_1366 = arith.constant 0 : i32
      %dma_wait3A_1367 = tpu.memref_slice %arg11[%dma_wait3A_1365, %dma_wait3A_1366] : memref<64x512xf32, #tpu.memory_space<vmem>> -> memref<8x512xf32, #tpu.memory_space<vmem>>
      %dma_wait3A_1368 = arith.constant 0 : i32
      %dma_wait3A_1369 = tpu.memref_slice %arg3[%mul3A_420, %dma_wait3A_1368] : memref<384x512xf32, #tpu.memory_space<hbm>> -> memref<8x512xf32, #tpu.memory_space<hbm>>
      %dma_wait3A_1370 = arith.constant 0 : i32
      %dma_wait3A_1371 = arith.constant 0 : i32
      %dma_wait3A_1372 = tpu.memref_slice %arg11[%dma_wait3A_1370, %dma_wait3A_1371] : memref<64x512xf32, #tpu.memory_space<vmem>> -> memref<8x512xf32, #tpu.memory_space<vmem>>
      %dma_wait3A_1373 = arith.constant 0 : i32
      %dma_wait3A_1374 = tpu.memref_slice %arg3[%mul3A_420, %dma_wait3A_1373] : memref<384x512xf32, #tpu.memory_space<hbm>> -> memref<8x512xf32, #tpu.memory_space<hbm>>
      tpu.wait_dma2 semaphore(%run_scoped3A : memref<!tpu.dma_semaphore, #tpu.memory_space<semaphore_mem>>) src(%dma_wait3A_1374 : memref<8x512xf32, #tpu.memory_space<hbm>>) dst(%dma_wait3A_1372 : memref<8x512xf32, #tpu.memory_space<vmem>>)
      tpu.yield
    }) : () -> ()
    %dma_start3A_421 = arith.constant 8 : i32
    %dma_start3A_422 = arith.constant 0 : i32
    %dma_start3A_423 = tpu.memref_slice %arg11[%dma_start3A_421, %dma_start3A_422] : memref<64x512xf32, #tpu.memory_space<vmem>> -> memref<8x512xf32, #tpu.memory_space<vmem>>
    %dma_start3A_424 = arith.constant 0 : i32
    %dma_start3A_425 = tpu.memref_slice %arg16[%add3A_415, %dma_start3A_424] : memref<48x128xi32, #tpu.memory_space<vmem>> -> memref<1x8xi32, #tpu.memory_space<vmem>>
    %dma_start3A_426 = tpu.memref_squeeze %dma_start3A_425 : memref<1x8xi32, #tpu.memory_space<vmem>> -> memref<8xi32, #tpu.memory_space<vmem>>
    %dma_start3A_427 = arith.constant 0 : i32
    %dma_start3A_428 = arith.constant 0 : i32
    %dma_start3A_429 = tpu.memref_slice %arg2[%dma_start3A_427, %dma_start3A_428] : memref<49408x512xf32, #tpu.memory_space<hbm>> -> memref<49408x512xf32, #tpu.memory_space<hbm>>
    tpu.enqueue_indirect_dma source(%dma_start3A_429 : memref<49408x512xf32, #tpu.memory_space<hbm>>) target(%dma_start3A_423 : memref<8x512xf32, #tpu.memory_space<vmem>>) offsets(%dma_start3A_426 : memref<8xi32, #tpu.memory_space<vmem>>) semaphore(%arg17 : memref<!tpu.dma_semaphore, #tpu.memory_space<semaphore_mem>>)
    %dma_wait3A_430 = arith.constant 8 : i32
    %dma_wait3A_431 = arith.constant 0 : i32
    %dma_wait3A_432 = tpu.memref_slice %arg11[%dma_wait3A_430, %dma_wait3A_431] : memref<64x512xf32, #tpu.memory_space<vmem>> -> memref<8x512xf32, #tpu.memory_space<vmem>>
    %dma_wait3A_433 = arith.constant 0 : i32
    %dma_wait3A_434 = tpu.memref_slice %arg16[%add3A_415, %dma_wait3A_433] : memref<48x128xi32, #tpu.memory_space<vmem>> -> memref<1x8xi32, #tpu.memory_space<vmem>>
    %dma_wait3A_435 = tpu.memref_squeeze %dma_wait3A_434 : memref<1x8xi32, #tpu.memory_space<vmem>> -> memref<8xi32, #tpu.memory_space<vmem>>
    %dma_wait3A_436 = arith.constant 0 : i32
    %dma_wait3A_437 = arith.constant 0 : i32
    %dma_wait3A_438 = tpu.memref_slice %arg2[%dma_wait3A_436, %dma_wait3A_437] : memref<49408x512xf32, #tpu.memory_space<hbm>> -> memref<49408x512xf32, #tpu.memory_space<hbm>>
    tpu.wait_indirect_dma semaphore(%arg17 : memref<!tpu.dma_semaphore, #tpu.memory_space<semaphore_mem>>) src(%dma_wait3A_438 : memref<49408x512xf32, #tpu.memory_space<hbm>>) dst(%dma_wait3A_432 : memref<8x512xf32, #tpu.memory_space<vmem>>)
    %swap3A_439 = arith.constant 14 : i32
    %swap3A_440 = arith.index_cast %swap3A_439 : i32 to index
    %swap3A_441 = arith.constant 0 : index
    %swap3A_442 = tpu.vector_load %arg11[%swap3A_440, %swap3A_441] {strides = array<i32>} : memref<64x512xf32, #tpu.memory_space<vmem>>, vector<1x16xf32>,
    %swap3A_443 = vector.shape_cast %swap3A_442 : vector<1x16xf32> to vector<16xf32>
    %swap3A_444 = vector.shape_cast %broadcast_in_dim3A_3 : vector<16xf32> to vector<1x16xf32>
    tpu.vector_store %arg11[%swap3A_440, %swap3A_441], %swap3A_444 {strides = array<i32>} : memref<64x512xf32, #tpu.memory_space<vmem>>, vector<1x16xf32>,
    %swap3A_445 = arith.constant 14 : i32
    %swap3A_446 = arith.index_cast %swap3A_445 : i32 to index
    %swap3A_447 = arith.constant 16 : index
    %swap3A_448 = tpu.vector_load %arg11[%swap3A_446, %swap3A_447] {strides = array<i32>} : memref<64x512xf32, #tpu.memory_space<vmem>>, vector<1x16xf32>,
    %swap3A_449 = vector.shape_cast %swap3A_448 : vector<1x16xf32> to vector<16xf32>
    %swap3A_450 = vector.shape_cast %broadcast_in_dim3A_3 : vector<16xf32> to vector<1x16xf32>
    tpu.vector_store %arg11[%swap3A_446, %swap3A_447], %swap3A_450 {strides = array<i32>} : memref<64x512xf32, #tpu.memory_space<vmem>>, vector<1x16xf32>,
    %swap3A_451 = arith.constant 14 : i32
    %swap3A_452 = arith.index_cast %swap3A_451 : i32 to index
    %swap3A_453 = arith.constant 32 : index
    %swap3A_454 = tpu.vector_load %arg11[%swap3A_452, %swap3A_453] {strides = array<i32>} : memref<64x512xf32, #tpu.memory_space<vmem>>, vector<1x16xf32>,
    %swap3A_455 = vector.shape_cast %swap3A_454 : vector<1x16xf32> to vector<16xf32>
    %swap3A_456 = vector.shape_cast %broadcast_in_dim3A_3 : vector<16xf32> to vector<1x16xf32>
    tpu.vector_store %arg11[%swap3A_452, %swap3A_453], %swap3A_456 {strides = array<i32>} : memref<64x512xf32, #tpu.memory_space<vmem>>, vector<1x16xf32>,
    %swap3A_457 = arith.constant 14 : i32
    %swap3A_458 = arith.index_cast %swap3A_457 : i32 to index
    %swap3A_459 = arith.constant 48 : index
    %swap3A_460 = tpu.vector_load %arg11[%swap3A_458, %swap3A_459] {strides = array<i32>} : memref<64x512xf32, #tpu.memory_space<vmem>>, vector<1x16xf32>,
    %swap3A_461 = vector.shape_cast %swap3A_460 : vector<1x16xf32> to vector<16xf32>
    %swap3A_462 = vector.shape_cast %broadcast_in_dim3A_3 : vector<16xf32> to vector<1x16xf32>
    tpu.vector_store %arg11[%swap3A_458, %swap3A_459], %swap3A_462 {strides = array<i32>} : memref<64x512xf32, #tpu.memory_space<vmem>>, vector<1x16xf32>,
    %swap3A_463 = arith.constant 14 : i32
    %swap3A_464 = arith.index_cast %swap3A_463 : i32 to index
    %swap3A_465 = arith.constant 64 : index
    %swap3A_466 = tpu.vector_load %arg11[%swap3A_464, %swap3A_465] {strides = array<i32>} : memref<64x512xf32, #tpu.memory_space<vmem>>, vector<1x16xf32>,
    %swap3A_467 = vector.shape_cast %swap3A_466 : vector<1x16xf32> to vector<16xf32>
    %swap3A_468 = vector.shape_cast %broadcast_in_dim3A_3 : vector<16xf32> to vector<1x16xf32>
    tpu.vector_store %arg11[%swap3A_464, %swap3A_465], %swap3A_468 {strides = array<i32>} : memref<64x512xf32, #tpu.memory_space<vmem>>, vector<1x16xf32>,
    %swap3A_469 = arith.constant 14 : i32
    %swap3A_470 = arith.index_cast %swap3A_469 : i32 to index
    %swap3A_471 = arith.constant 80 : index
    %swap3A_472 = tpu.vector_load %arg11[%swap3A_470, %swap3A_471] {strides = array<i32>} : memref<64x512xf32, #tpu.memory_space<vmem>>, vector<1x16xf32>,
    %swap3A_473 = vector.shape_cast %swap3A_472 : vector<1x16xf32> to vector<16xf32>
    %swap3A_474 = vector.shape_cast %broadcast_in_dim3A_3 : vector<16xf32> to vector<1x16xf32>
    tpu.vector_store %arg11[%swap3A_470, %swap3A_471], %swap3A_474 {strides = array<i32>} : memref<64x512xf32, #tpu.memory_space<vmem>>, vector<1x16xf32>,
    %swap3A_475 = arith.constant 14 : i32
    %swap3A_476 = arith.index_cast %swap3A_475 : i32 to index
    %swap3A_477 = arith.constant 96 : index
    %swap3A_478 = tpu.vector_load %arg11[%swap3A_476, %swap3A_477] {strides = array<i32>} : memref<64x512xf32, #tpu.memory_space<vmem>>, vector<1x16xf32>,
    %swap3A_479 = vector.shape_cast %swap3A_478 : vector<1x16xf32> to vector<16xf32>
    %swap3A_480 = vector.shape_cast %broadcast_in_dim3A_3 : vector<16xf32> to vector<1x16xf32>
    tpu.vector_store %arg11[%swap3A_476, %swap3A_477], %swap3A_480 {strides = array<i32>} : memref<64x512xf32, #tpu.memory_space<vmem>>, vector<1x16xf32>,
    %swap3A_481 = arith.constant 14 : i32
    %swap3A_482 = arith.index_cast %swap3A_481 : i32 to index
    %swap3A_483 = arith.constant 112 : index
    %swap3A_484 = tpu.vector_load %arg11[%swap3A_482, %swap3A_483] {strides = array<i32>} : memref<64x512xf32, #tpu.memory_space<vmem>>, vector<1x16xf32>,
    %swap3A_485 = vector.shape_cast %swap3A_484 : vector<1x16xf32> to vector<16xf32>
    %swap3A_486 = vector.shape_cast %broadcast_in_dim3A_3 : vector<16xf32> to vector<1x16xf32>
    tpu.vector_store %arg11[%swap3A_482, %swap3A_483], %swap3A_486 {strides = array<i32>} : memref<64x512xf32, #tpu.memory_space<vmem>>, vector<1x16xf32>,
    %swap3A_487 = arith.constant 14 : i32
    %swap3A_488 = arith.index_cast %swap3A_487 : i32 to index
    %swap3A_489 = arith.constant 128 : index
    %swap3A_490 = tpu.vector_load %arg11[%swap3A_488, %swap3A_489] {strides = array<i32>} : memref<64x512xf32, #tpu.memory_space<vmem>>, vector<1x16xf32>,
    %swap3A_491 = vector.shape_cast %swap3A_490 : vector<1x16xf32> to vector<16xf32>
    %swap3A_492 = vector.shape_cast %broadcast_in_dim3A_3 : vector<16xf32> to vector<1x16xf32>
    tpu.vector_store %arg11[%swap3A_488, %swap3A_489], %swap3A_492 {strides = array<i32>} : memref<64x512xf32, #tpu.memory_space<vmem>>, vector<1x16xf32>,
    %swap3A_493 = arith.constant 14 : i32
    %swap3A_494 = arith.index_cast %swap3A_493 : i32 to index
    %swap3A_495 = arith.constant 144 : index
    %swap3A_496 = tpu.vector_load %arg11[%swap3A_494, %swap3A_495] {strides = array<i32>} : memref<64x512xf32, #tpu.memory_space<vmem>>, vector<1x16xf32>,
    %swap3A_497 = vector.shape_cast %swap3A_496 : vector<1x16xf32> to vector<16xf32>
    %swap3A_498 = vector.shape_cast %broadcast_in_dim3A_3 : vector<16xf32> to vector<1x16xf32>
    tpu.vector_store %arg11[%swap3A_494, %swap3A_495], %swap3A_498 {strides = array<i32>} : memref<64x512xf32, #tpu.memory_space<vmem>>, vector<1x16xf32>,
    %swap3A_499 = arith.constant 14 : i32
    %swap3A_500 = arith.index_cast %swap3A_499 : i32 to index
    %swap3A_501 = arith.constant 160 : index
    %swap3A_502 = tpu.vector_load %arg11[%swap3A_500, %swap3A_501] {strides = array<i32>} : memref<64x512xf32, #tpu.memory_space<vmem>>, vector<1x16xf32>,
    %swap3A_503 = vector.shape_cast %swap3A_502 : vector<1x16xf32> to vector<16xf32>
    %swap3A_504 = vector.shape_cast %broadcast_in_dim3A_3 : vector<16xf32> to vector<1x16xf32>
    tpu.vector_store %arg11[%swap3A_500, %swap3A_501], %swap3A_504 {strides = array<i32>} : memref<64x512xf32, #tpu.memory_space<vmem>>, vector<1x16xf32>,
    %swap3A_505 = arith.constant 14 : i32
    %swap3A_506 = arith.index_cast %swap3A_505 : i32 to index
    %swap3A_507 = arith.constant 176 : index
    %swap3A_508 = tpu.vector_load %arg11[%swap3A_506, %swap3A_507] {strides = array<i32>} : memref<64x512xf32, #tpu.memory_space<vmem>>, vector<1x16xf32>,
    %swap3A_509 = vector.shape_cast %swap3A_508 : vector<1x16xf32> to vector<16xf32>
    %swap3A_510 = vector.shape_cast %broadcast_in_dim3A_3 : vector<16xf32> to vector<1x16xf32>
    tpu.vector_store %arg11[%swap3A_506, %swap3A_507], %swap3A_510 {strides = array<i32>} : memref<64x512xf32, #tpu.memory_space<vmem>>, vector<1x16xf32>,
    %swap3A_511 = arith.constant 14 : i32
    %swap3A_512 = arith.index_cast %swap3A_511 : i32 to index
    %swap3A_513 = arith.constant 192 : index
    %swap3A_514 = tpu.vector_load %arg11[%swap3A_512, %swap3A_513] {strides = array<i32>} : memref<64x512xf32, #tpu.memory_space<vmem>>, vector<1x16xf32>,
    %swap3A_515 = vector.shape_cast %swap3A_514 : vector<1x16xf32> to vector<16xf32>
    %swap3A_516 = vector.shape_cast %broadcast_in_dim3A_3 : vector<16xf32> to vector<1x16xf32>
    tpu.vector_store %arg11[%swap3A_512, %swap3A_513], %swap3A_516 {strides = array<i32>} : memref<64x512xf32, #tpu.memory_space<vmem>>, vector<1x16xf32>,
    %swap3A_517 = arith.constant 14 : i32
    %swap3A_518 = arith.index_cast %swap3A_517 : i32 to index
    %swap3A_519 = arith.constant 208 : index
    %swap3A_520 = tpu.vector_load %arg11[%swap3A_518, %swap3A_519] {strides = array<i32>} : memref<64x512xf32, #tpu.memory_space<vmem>>, vector<1x16xf32>,
    %swap3A_521 = vector.shape_cast %swap3A_520 : vector<1x16xf32> to vector<16xf32>
    %swap3A_522 = vector.shape_cast %broadcast_in_dim3A_3 : vector<16xf32> to vector<1x16xf32>
    tpu.vector_store %arg11[%swap3A_518, %swap3A_519], %swap3A_522 {strides = array<i32>} : memref<64x512xf32, #tpu.memory_space<vmem>>, vector<1x16xf32>,
    %swap3A_523 = arith.constant 14 : i32
    %swap3A_524 = arith.index_cast %swap3A_523 : i32 to index
    %swap3A_525 = arith.constant 224 : index
    %swap3A_526 = tpu.vector_load %arg11[%swap3A_524, %swap3A_525] {strides = array<i32>} : memref<64x512xf32, #tpu.memory_space<vmem>>, vector<1x16xf32>,
    %swap3A_527 = vector.shape_cast %swap3A_526 : vector<1x16xf32> to vector<16xf32>
    %swap3A_528 = vector.shape_cast %broadcast_in_dim3A_3 : vector<16xf32> to vector<1x16xf32>
    tpu.vector_store %arg11[%swap3A_524, %swap3A_525], %swap3A_528 {strides = array<i32>} : memref<64x512xf32, #tpu.memory_space<vmem>>, vector<1x16xf32>,
    %swap3A_529 = arith.constant 14 : i32
    %swap3A_530 = arith.index_cast %swap3A_529 : i32 to index
    %swap3A_531 = arith.constant 240 : index
    %swap3A_532 = tpu.vector_load %arg11[%swap3A_530, %swap3A_531] {strides = array<i32>} : memref<64x512xf32, #tpu.memory_space<vmem>>, vector<1x16xf32>,
    %swap3A_533 = vector.shape_cast %swap3A_532 : vector<1x16xf32> to vector<16xf32>
    %swap3A_534 = vector.shape_cast %broadcast_in_dim3A_3 : vector<16xf32> to vector<1x16xf32>
    tpu.vector_store %arg11[%swap3A_530, %swap3A_531], %swap3A_534 {strides = array<i32>} : memref<64x512xf32, #tpu.memory_space<vmem>>, vector<1x16xf32>,
    %swap3A_535 = arith.constant 14 : i32
    %swap3A_536 = arith.index_cast %swap3A_535 : i32 to index
    %swap3A_537 = arith.constant 256 : index
    %swap3A_538 = tpu.vector_load %arg11[%swap3A_536, %swap3A_537] {strides = array<i32>} : memref<64x512xf32, #tpu.memory_space<vmem>>, vector<1x16xf32>,
    %swap3A_539 = vector.shape_cast %swap3A_538 : vector<1x16xf32> to vector<16xf32>
    %swap3A_540 = vector.shape_cast %broadcast_in_dim3A_3 : vector<16xf32> to vector<1x16xf32>
    tpu.vector_store %arg11[%swap3A_536, %swap3A_537], %swap3A_540 {strides = array<i32>} : memref<64x512xf32, #tpu.memory_space<vmem>>, vector<1x16xf32>,
    %swap3A_541 = arith.constant 14 : i32
    %swap3A_542 = arith.index_cast %swap3A_541 : i32 to index
    %swap3A_543 = arith.constant 272 : index
    %swap3A_544 = tpu.vector_load %arg11[%swap3A_542, %swap3A_543] {strides = array<i32>} : memref<64x512xf32, #tpu.memory_space<vmem>>, vector<1x16xf32>,
    %swap3A_545 = vector.shape_cast %swap3A_544 : vector<1x16xf32> to vector<16xf32>
    %swap3A_546 = vector.shape_cast %broadcast_in_dim3A_3 : vector<16xf32> to vector<1x16xf32>
    tpu.vector_store %arg11[%swap3A_542, %swap3A_543], %swap3A_546 {strides = array<i32>} : memref<64x512xf32, #tpu.memory_space<vmem>>, vector<1x16xf32>,
    %swap3A_547 = arith.constant 14 : i32
    %swap3A_548 = arith.index_cast %swap3A_547 : i32 to index
    %swap3A_549 = arith.constant 288 : index
    %swap3A_550 = tpu.vector_load %arg11[%swap3A_548, %swap3A_549] {strides = array<i32>} : memref<64x512xf32, #tpu.memory_space<vmem>>, vector<1x16xf32>,
    %swap3A_551 = vector.shape_cast %swap3A_550 : vector<1x16xf32> to vector<16xf32>
    %swap3A_552 = vector.shape_cast %broadcast_in_dim3A_3 : vector<16xf32> to vector<1x16xf32>
    tpu.vector_store %arg11[%swap3A_548, %swap3A_549], %swap3A_552 {strides = array<i32>} : memref<64x512xf32, #tpu.memory_space<vmem>>, vector<1x16xf32>,
    %swap3A_553 = arith.constant 14 : i32
    %swap3A_554 = arith.index_cast %swap3A_553 : i32 to index
    %swap3A_555 = arith.constant 304 : index
    %swap3A_556 = tpu.vector_load %arg11[%swap3A_554, %swap3A_555] {strides = array<i32>} : memref<64x512xf32, #tpu.memory_space<vmem>>, vector<1x16xf32>,
    %swap3A_557 = vector.shape_cast %swap3A_556 : vector<1x16xf32> to vector<16xf32>
    %swap3A_558 = vector.shape_cast %broadcast_in_dim3A_3 : vector<16xf32> to vector<1x16xf32>
    tpu.vector_store %arg11[%swap3A_554, %swap3A_555], %swap3A_558 {strides = array<i32>} : memref<64x512xf32, #tpu.memory_space<vmem>>, vector<1x16xf32>,
    %swap3A_559 = arith.constant 14 : i32
    %swap3A_560 = arith.index_cast %swap3A_559 : i32 to index
    %swap3A_561 = arith.constant 320 : index
    %swap3A_562 = tpu.vector_load %arg11[%swap3A_560, %swap3A_561] {strides = array<i32>} : memref<64x512xf32, #tpu.memory_space<vmem>>, vector<1x16xf32>,
    %swap3A_563 = vector.shape_cast %swap3A_562 : vector<1x16xf32> to vector<16xf32>
    %swap3A_564 = vector.shape_cast %broadcast_in_dim3A_3 : vector<16xf32> to vector<1x16xf32>
    tpu.vector_store %arg11[%swap3A_560, %swap3A_561], %swap3A_564 {strides = array<i32>} : memref<64x512xf32, #tpu.memory_space<vmem>>, vector<1x16xf32>,
    %swap3A_565 = arith.constant 14 : i32
    %swap3A_566 = arith.index_cast %swap3A_565 : i32 to index
    %swap3A_567 = arith.constant 336 : index
    %swap3A_568 = tpu.vector_load %arg11[%swap3A_566, %swap3A_567] {strides = array<i32>} : memref<64x512xf32, #tpu.memory_space<vmem>>, vector<1x16xf32>,
    %swap3A_569 = vector.shape_cast %swap3A_568 : vector<1x16xf32> to vector<16xf32>
    %swap3A_570 = vector.shape_cast %broadcast_in_dim3A_3 : vector<16xf32> to vector<1x16xf32>
    tpu.vector_store %arg11[%swap3A_566, %swap3A_567], %swap3A_570 {strides = array<i32>} : memref<64x512xf32, #tpu.memory_space<vmem>>, vector<1x16xf32>,
    %swap3A_571 = arith.constant 14 : i32
    %swap3A_572 = arith.index_cast %swap3A_571 : i32 to index
    %swap3A_573 = arith.constant 352 : index
    %swap3A_574 = tpu.vector_load %arg11[%swap3A_572, %swap3A_573] {strides = array<i32>} : memref<64x512xf32, #tpu.memory_space<vmem>>, vector<1x16xf32>,
    %swap3A_575 = vector.shape_cast %swap3A_574 : vector<1x16xf32> to vector<16xf32>
    %swap3A_576 = vector.shape_cast %broadcast_in_dim3A_3 : vector<16xf32> to vector<1x16xf32>
    tpu.vector_store %arg11[%swap3A_572, %swap3A_573], %swap3A_576 {strides = array<i32>} : memref<64x512xf32, #tpu.memory_space<vmem>>, vector<1x16xf32>,
    %swap3A_577 = arith.constant 14 : i32
    %swap3A_578 = arith.index_cast %swap3A_577 : i32 to index
    %swap3A_579 = arith.constant 368 : index
    %swap3A_580 = tpu.vector_load %arg11[%swap3A_578, %swap3A_579] {strides = array<i32>} : memref<64x512xf32, #tpu.memory_space<vmem>>, vector<1x16xf32>,
    %swap3A_581 = vector.shape_cast %swap3A_580 : vector<1x16xf32> to vector<16xf32>
    %swap3A_582 = vector.shape_cast %broadcast_in_dim3A_3 : vector<16xf32> to vector<1x16xf32>
    tpu.vector_store %arg11[%swap3A_578, %swap3A_579], %swap3A_582 {strides = array<i32>} : memref<64x512xf32, #tpu.memory_space<vmem>>, vector<1x16xf32>,
    %swap3A_583 = arith.constant 14 : i32
    %swap3A_584 = arith.index_cast %swap3A_583 : i32 to index
    %swap3A_585 = arith.constant 384 : index
    %swap3A_586 = tpu.vector_load %arg11[%swap3A_584, %swap3A_585] {strides = array<i32>} : memref<64x512xf32, #tpu.memory_space<vmem>>, vector<1x16xf32>,
    %swap3A_587 = vector.shape_cast %swap3A_586 : vector<1x16xf32> to vector<16xf32>
    %swap3A_588 = vector.shape_cast %broadcast_in_dim3A_3 : vector<16xf32> to vector<1x16xf32>
    tpu.vector_store %arg11[%swap3A_584, %swap3A_585], %swap3A_588 {strides = array<i32>} : memref<64x512xf32, #tpu.memory_space<vmem>>, vector<1x16xf32>,
    %swap3A_589 = arith.constant 14 : i32
    %swap3A_590 = arith.index_cast %swap3A_589 : i32 to index
    %swap3A_591 = arith.constant 400 : index
    %swap3A_592 = tpu.vector_load %arg11[%swap3A_590, %swap3A_591] {strides = array<i32>} : memref<64x512xf32, #tpu.memory_space<vmem>>, vector<1x16xf32>,
    %swap3A_593 = vector.shape_cast %swap3A_592 : vector<1x16xf32> to vector<16xf32>
    %swap3A_594 = vector.shape_cast %broadcast_in_dim3A_3 : vector<16xf32> to vector<1x16xf32>
    tpu.vector_store %arg11[%swap3A_590, %swap3A_591], %swap3A_594 {strides = array<i32>} : memref<64x512xf32, #tpu.memory_space<vmem>>, vector<1x16xf32>,
    %swap3A_595 = arith.constant 14 : i32
    %swap3A_596 = arith.index_cast %swap3A_595 : i32 to index
    %swap3A_597 = arith.constant 416 : index
    %swap3A_598 = tpu.vector_load %arg11[%swap3A_596, %swap3A_597] {strides = array<i32>} : memref<64x512xf32, #tpu.memory_space<vmem>>, vector<1x16xf32>,
    %swap3A_599 = vector.shape_cast %swap3A_598 : vector<1x16xf32> to vector<16xf32>
    %swap3A_600 = vector.shape_cast %broadcast_in_dim3A_3 : vector<16xf32> to vector<1x16xf32>
    tpu.vector_store %arg11[%swap3A_596, %swap3A_597], %swap3A_600 {strides = array<i32>} : memref<64x512xf32, #tpu.memory_space<vmem>>, vector<1x16xf32>,
    %swap3A_601 = arith.constant 14 : i32
    %swap3A_602 = arith.index_cast %swap3A_601 : i32 to index
    %swap3A_603 = arith.constant 432 : index
    %swap3A_604 = tpu.vector_load %arg11[%swap3A_602, %swap3A_603] {strides = array<i32>} : memref<64x512xf32, #tpu.memory_space<vmem>>, vector<1x16xf32>,
    %swap3A_605 = vector.shape_cast %swap3A_604 : vector<1x16xf32> to vector<16xf32>
    %swap3A_606 = vector.shape_cast %broadcast_in_dim3A_3 : vector<16xf32> to vector<1x16xf32>
    tpu.vector_store %arg11[%swap3A_602, %swap3A_603], %swap3A_606 {strides = array<i32>} : memref<64x512xf32, #tpu.memory_space<vmem>>, vector<1x16xf32>,
    %swap3A_607 = arith.constant 14 : i32
    %swap3A_608 = arith.index_cast %swap3A_607 : i32 to index
    %swap3A_609 = arith.constant 448 : index
    %swap3A_610 = tpu.vector_load %arg11[%swap3A_608, %swap3A_609] {strides = array<i32>} : memref<64x512xf32, #tpu.memory_space<vmem>>, vector<1x16xf32>,
    %swap3A_611 = vector.shape_cast %swap3A_610 : vector<1x16xf32> to vector<16xf32>
    %swap3A_612 = vector.shape_cast %broadcast_in_dim3A_3 : vector<16xf32> to vector<1x16xf32>
    tpu.vector_store %arg11[%swap3A_608, %swap3A_609], %swap3A_612 {strides = array<i32>} : memref<64x512xf32, #tpu.memory_space<vmem>>, vector<1x16xf32>,
    %swap3A_613 = arith.constant 14 : i32
    %swap3A_614 = arith.index_cast %swap3A_613 : i32 to index
    %swap3A_615 = arith.constant 464 : index
    %swap3A_616 = tpu.vector_load %arg11[%swap3A_614, %swap3A_615] {strides = array<i32>} : memref<64x512xf32, #tpu.memory_space<vmem>>, vector<1x16xf32>,
    %swap3A_617 = vector.shape_cast %swap3A_616 : vector<1x16xf32> to vector<16xf32>
    %swap3A_618 = vector.shape_cast %broadcast_in_dim3A_3 : vector<16xf32> to vector<1x16xf32>
    tpu.vector_store %arg11[%swap3A_614, %swap3A_615], %swap3A_618 {strides = array<i32>} : memref<64x512xf32, #tpu.memory_space<vmem>>, vector<1x16xf32>,
    %swap3A_619 = arith.constant 14 : i32
    %swap3A_620 = arith.index_cast %swap3A_619 : i32 to index
    %swap3A_621 = arith.constant 480 : index
    %swap3A_622 = tpu.vector_load %arg11[%swap3A_620, %swap3A_621] {strides = array<i32>} : memref<64x512xf32, #tpu.memory_space<vmem>>, vector<1x16xf32>,
    %swap3A_623 = vector.shape_cast %swap3A_622 : vector<1x16xf32> to vector<16xf32>
    %swap3A_624 = vector.shape_cast %broadcast_in_dim3A_3 : vector<16xf32> to vector<1x16xf32>
    tpu.vector_store %arg11[%swap3A_620, %swap3A_621], %swap3A_624 {strides = array<i32>} : memref<64x512xf32, #tpu.memory_space<vmem>>, vector<1x16xf32>,
    %swap3A_625 = arith.constant 14 : i32
    %swap3A_626 = arith.index_cast %swap3A_625 : i32 to index
    %swap3A_627 = arith.constant 496 : index
    %swap3A_628 = tpu.vector_load %arg11[%swap3A_626, %swap3A_627] {strides = array<i32>} : memref<64x512xf32, #tpu.memory_space<vmem>>, vector<1x16xf32>,
    %swap3A_629 = vector.shape_cast %swap3A_628 : vector<1x16xf32> to vector<16xf32>
    %swap3A_630 = vector.shape_cast %broadcast_in_dim3A_3 : vector<16xf32> to vector<1x16xf32>
    tpu.vector_store %arg11[%swap3A_626, %swap3A_627], %swap3A_630 {strides = array<i32>} : memref<64x512xf32, #tpu.memory_space<vmem>>, vector<1x16xf32>,
    %swap3A_631 = arith.constant 15 : i32
    %swap3A_632 = arith.index_cast %swap3A_631 : i32 to index
    %swap3A_633 = arith.constant 0 : index
    %swap3A_634 = tpu.vector_load %arg11[%swap3A_632, %swap3A_633] {strides = array<i32>} : memref<64x512xf32, #tpu.memory_space<vmem>>, vector<1x16xf32>,
    %swap3A_635 = vector.shape_cast %swap3A_634 : vector<1x16xf32> to vector<16xf32>
    %swap3A_636 = vector.shape_cast %broadcast_in_dim3A_3 : vector<16xf32> to vector<1x16xf32>
    tpu.vector_store %arg11[%swap3A_632, %swap3A_633], %swap3A_636 {strides = array<i32>} : memref<64x512xf32, #tpu.memory_space<vmem>>, vector<1x16xf32>,
    %swap3A_637 = arith.constant 15 : i32
    %swap3A_638 = arith.index_cast %swap3A_637 : i32 to index
    %swap3A_639 = arith.constant 16 : index
    %swap3A_640 = tpu.vector_load %arg11[%swap3A_638, %swap3A_639] {strides = array<i32>} : memref<64x512xf32, #tpu.memory_space<vmem>>, vector<1x16xf32>,
    %swap3A_641 = vector.shape_cast %swap3A_640 : vector<1x16xf32> to vector<16xf32>
    %swap3A_642 = vector.shape_cast %broadcast_in_dim3A_3 : vector<16xf32> to vector<1x16xf32>
    tpu.vector_store %arg11[%swap3A_638, %swap3A_639], %swap3A_642 {strides = array<i32>} : memref<64x512xf32, #tpu.memory_space<vmem>>, vector<1x16xf32>,
    %swap3A_643 = arith.constant 15 : i32
    %swap3A_644 = arith.index_cast %swap3A_643 : i32 to index
    %swap3A_645 = arith.constant 32 : index
    %swap3A_646 = tpu.vector_load %arg11[%swap3A_644, %swap3A_645] {strides = array<i32>} : memref<64x512xf32, #tpu.memory_space<vmem>>, vector<1x16xf32>,
    %swap3A_647 = vector.shape_cast %swap3A_646 : vector<1x16xf32> to vector<16xf32>
    %swap3A_648 = vector.shape_cast %broadcast_in_dim3A_3 : vector<16xf32> to vector<1x16xf32>
    tpu.vector_store %arg11[%swap3A_644, %swap3A_645], %swap3A_648 {strides = array<i32>} : memref<64x512xf32, #tpu.memory_space<vmem>>, vector<1x16xf32>,
    %swap3A_649 = arith.constant 15 : i32
    %swap3A_650 = arith.index_cast %swap3A_649 : i32 to index
    %swap3A_651 = arith.constant 48 : index
    %swap3A_652 = tpu.vector_load %arg11[%swap3A_650, %swap3A_651] {strides = array<i32>} : memref<64x512xf32, #tpu.memory_space<vmem>>, vector<1x16xf32>,
    %swap3A_653 = vector.shape_cast %swap3A_652 : vector<1x16xf32> to vector<16xf32>
    %swap3A_654 = vector.shape_cast %broadcast_in_dim3A_3 : vector<16xf32> to vector<1x16xf32>
    tpu.vector_store %arg11[%swap3A_650, %swap3A_651], %swap3A_654 {strides = array<i32>} : memref<64x512xf32, #tpu.memory_space<vmem>>, vector<1x16xf32>,
    %swap3A_655 = arith.constant 15 : i32
    %swap3A_656 = arith.index_cast %swap3A_655 : i32 to index
    %swap3A_657 = arith.constant 64 : index
    %swap3A_658 = tpu.vector_load %arg11[%swap3A_656, %swap3A_657] {strides = array<i32>} : memref<64x512xf32, #tpu.memory_space<vmem>>, vector<1x16xf32>,
    %swap3A_659 = vector.shape_cast %swap3A_658 : vector<1x16xf32> to vector<16xf32>
    %swap3A_660 = vector.shape_cast %broadcast_in_dim3A_3 : vector<16xf32> to vector<1x16xf32>
    tpu.vector_store %arg11[%swap3A_656, %swap3A_657], %swap3A_660 {strides = array<i32>} : memref<64x512xf32, #tpu.memory_space<vmem>>, vector<1x16xf32>,
    %swap3A_661 = arith.constant 15 : i32
    %swap3A_662 = arith.index_cast %swap3A_661 : i32 to index
    %swap3A_663 = arith.constant 80 : index
    %swap3A_664 = tpu.vector_load %arg11[%swap3A_662, %swap3A_663] {strides = array<i32>} : memref<64x512xf32, #tpu.memory_space<vmem>>, vector<1x16xf32>,
    %swap3A_665 = vector.shape_cast %swap3A_664 : vector<1x16xf32> to vector<16xf32>
    %swap3A_666 = vector.shape_cast %broadcast_in_dim3A_3 : vector<16xf32> to vector<1x16xf32>
    tpu.vector_store %arg11[%swap3A_662, %swap3A_663], %swap3A_666 {strides = array<i32>} : memref<64x512xf32, #tpu.memory_space<vmem>>, vector<1x16xf32>,
    %swap3A_667 = arith.constant 15 : i32
    %swap3A_668 = arith.index_cast %swap3A_667 : i32 to index
    %swap3A_669 = arith.constant 96 : index
    %swap3A_670 = tpu.vector_load %arg11[%swap3A_668, %swap3A_669] {strides = array<i32>} : memref<64x512xf32, #tpu.memory_space<vmem>>, vector<1x16xf32>,
    %swap3A_671 = vector.shape_cast %swap3A_670 : vector<1x16xf32> to vector<16xf32>
    %swap3A_672 = vector.shape_cast %broadcast_in_dim3A_3 : vector<16xf32> to vector<1x16xf32>
    tpu.vector_store %arg11[%swap3A_668, %swap3A_669], %swap3A_672 {strides = array<i32>} : memref<64x512xf32, #tpu.memory_space<vmem>>, vector<1x16xf32>,
    %swap3A_673 = arith.constant 15 : i32
    %swap3A_674 = arith.index_cast %swap3A_673 : i32 to index
    %swap3A_675 = arith.constant 112 : index
    %swap3A_676 = tpu.vector_load %arg11[%swap3A_674, %swap3A_675] {strides = array<i32>} : memref<64x512xf32, #tpu.memory_space<vmem>>, vector<1x16xf32>,
    %swap3A_677 = vector.shape_cast %swap3A_676 : vector<1x16xf32> to vector<16xf32>
    %swap3A_678 = vector.shape_cast %broadcast_in_dim3A_3 : vector<16xf32> to vector<1x16xf32>
    tpu.vector_store %arg11[%swap3A_674, %swap3A_675], %swap3A_678 {strides = array<i32>} : memref<64x512xf32, #tpu.memory_space<vmem>>, vector<1x16xf32>,
    %swap3A_679 = arith.constant 15 : i32
    %swap3A_680 = arith.index_cast %swap3A_679 : i32 to index
    %swap3A_681 = arith.constant 128 : index
    %swap3A_682 = tpu.vector_load %arg11[%swap3A_680, %swap3A_681] {strides = array<i32>} : memref<64x512xf32, #tpu.memory_space<vmem>>, vector<1x16xf32>,
    %swap3A_683 = vector.shape_cast %swap3A_682 : vector<1x16xf32> to vector<16xf32>
    %swap3A_684 = vector.shape_cast %broadcast_in_dim3A_3 : vector<16xf32> to vector<1x16xf32>
    tpu.vector_store %arg11[%swap3A_680, %swap3A_681], %swap3A_684 {strides = array<i32>} : memref<64x512xf32, #tpu.memory_space<vmem>>, vector<1x16xf32>,
    %swap3A_685 = arith.constant 15 : i32
    %swap3A_686 = arith.index_cast %swap3A_685 : i32 to index
    %swap3A_687 = arith.constant 144 : index
    %swap3A_688 = tpu.vector_load %arg11[%swap3A_686, %swap3A_687] {strides = array<i32>} : memref<64x512xf32, #tpu.memory_space<vmem>>, vector<1x16xf32>,
    %swap3A_689 = vector.shape_cast %swap3A_688 : vector<1x16xf32> to vector<16xf32>
    %swap3A_690 = vector.shape_cast %broadcast_in_dim3A_3 : vector<16xf32> to vector<1x16xf32>
    tpu.vector_store %arg11[%swap3A_686, %swap3A_687], %swap3A_690 {strides = array<i32>} : memref<64x512xf32, #tpu.memory_space<vmem>>, vector<1x16xf32>,
    %swap3A_691 = arith.constant 15 : i32
    %swap3A_692 = arith.index_cast %swap3A_691 : i32 to index
    %swap3A_693 = arith.constant 160 : index
    %swap3A_694 = tpu.vector_load %arg11[%swap3A_692, %swap3A_693] {strides = array<i32>} : memref<64x512xf32, #tpu.memory_space<vmem>>, vector<1x16xf32>,
    %swap3A_695 = vector.shape_cast %swap3A_694 : vector<1x16xf32> to vector<16xf32>
    %swap3A_696 = vector.shape_cast %broadcast_in_dim3A_3 : vector<16xf32> to vector<1x16xf32>
    tpu.vector_store %arg11[%swap3A_692, %swap3A_693], %swap3A_696 {strides = array<i32>} : memref<64x512xf32, #tpu.memory_space<vmem>>, vector<1x16xf32>,
    %swap3A_697 = arith.constant 15 : i32
    %swap3A_698 = arith.index_cast %swap3A_697 : i32 to index
    %swap3A_699 = arith.constant 176 : index
    %swap3A_700 = tpu.vector_load %arg11[%swap3A_698, %swap3A_699] {strides = array<i32>} : memref<64x512xf32, #tpu.memory_space<vmem>>, vector<1x16xf32>,
    %swap3A_701 = vector.shape_cast %swap3A_700 : vector<1x16xf32> to vector<16xf32>
    %swap3A_702 = vector.shape_cast %broadcast_in_dim3A_3 : vector<16xf32> to vector<1x16xf32>
    tpu.vector_store %arg11[%swap3A_698, %swap3A_699], %swap3A_702 {strides = array<i32>} : memref<64x512xf32, #tpu.memory_space<vmem>>, vector<1x16xf32>,
    %swap3A_703 = arith.constant 15 : i32
    %swap3A_704 = arith.index_cast %swap3A_703 : i32 to index
    %swap3A_705 = arith.constant 192 : index
    %swap3A_706 = tpu.vector_load %arg11[%swap3A_704, %swap3A_705] {strides = array<i32>} : memref<64x512xf32, #tpu.memory_space<vmem>>, vector<1x16xf32>,
    %swap3A_707 = vector.shape_cast %swap3A_706 : vector<1x16xf32> to vector<16xf32>
    %swap3A_708 = vector.shape_cast %broadcast_in_dim3A_3 : vector<16xf32> to vector<1x16xf32>
    tpu.vector_store %arg11[%swap3A_704, %swap3A_705], %swap3A_708 {strides = array<i32>} : memref<64x512xf32, #tpu.memory_space<vmem>>, vector<1x16xf32>,
    %swap3A_709 = arith.constant 15 : i32
    %swap3A_710 = arith.index_cast %swap3A_709 : i32 to index
    %swap3A_711 = arith.constant 208 : index
    %swap3A_712 = tpu.vector_load %arg11[%swap3A_710, %swap3A_711] {strides = array<i32>} : memref<64x512xf32, #tpu.memory_space<vmem>>, vector<1x16xf32>,
    %swap3A_713 = vector.shape_cast %swap3A_712 : vector<1x16xf32> to vector<16xf32>
    %swap3A_714 = vector.shape_cast %broadcast_in_dim3A_3 : vector<16xf32> to vector<1x16xf32>
    tpu.vector_store %arg11[%swap3A_710, %swap3A_711], %swap3A_714 {strides = array<i32>} : memref<64x512xf32, #tpu.memory_space<vmem>>, vector<1x16xf32>,
    %swap3A_715 = arith.constant 15 : i32
    %swap3A_716 = arith.index_cast %swap3A_715 : i32 to index
    %swap3A_717 = arith.constant 224 : index
    %swap3A_718 = tpu.vector_load %arg11[%swap3A_716, %swap3A_717] {strides = array<i32>} : memref<64x512xf32, #tpu.memory_space<vmem>>, vector<1x16xf32>,
    %swap3A_719 = vector.shape_cast %swap3A_718 : vector<1x16xf32> to vector<16xf32>
    %swap3A_720 = vector.shape_cast %broadcast_in_dim3A_3 : vector<16xf32> to vector<1x16xf32>
    tpu.vector_store %arg11[%swap3A_716, %swap3A_717], %swap3A_720 {strides = array<i32>} : memref<64x512xf32, #tpu.memory_space<vmem>>, vector<1x16xf32>,
    %swap3A_721 = arith.constant 15 : i32
    %swap3A_722 = arith.index_cast %swap3A_721 : i32 to index
    %swap3A_723 = arith.constant 240 : index
    %swap3A_724 = tpu.vector_load %arg11[%swap3A_722, %swap3A_723] {strides = array<i32>} : memref<64x512xf32, #tpu.memory_space<vmem>>, vector<1x16xf32>,
    %swap3A_725 = vector.shape_cast %swap3A_724 : vector<1x16xf32> to vector<16xf32>
    %swap3A_726 = vector.shape_cast %broadcast_in_dim3A_3 : vector<16xf32> to vector<1x16xf32>
    tpu.vector_store %arg11[%swap3A_722, %swap3A_723], %swap3A_726 {strides = array<i32>} : memref<64x512xf32, #tpu.memory_space<vmem>>, vector<1x16xf32>,
    %swap3A_727 = arith.constant 15 : i32
    %swap3A_728 = arith.index_cast %swap3A_727 : i32 to index
    %swap3A_729 = arith.constant 256 : index
    %swap3A_730 = tpu.vector_load %arg11[%swap3A_728, %swap3A_729] {strides = array<i32>} : memref<64x512xf32, #tpu.memory_space<vmem>>, vector<1x16xf32>,
    %swap3A_731 = vector.shape_cast %swap3A_730 : vector<1x16xf32> to vector<16xf32>
    %swap3A_732 = vector.shape_cast %broadcast_in_dim3A_3 : vector<16xf32> to vector<1x16xf32>
    tpu.vector_store %arg11[%swap3A_728, %swap3A_729], %swap3A_732 {strides = array<i32>} : memref<64x512xf32, #tpu.memory_space<vmem>>, vector<1x16xf32>,
    %swap3A_733 = arith.constant 15 : i32
    %swap3A_734 = arith.index_cast %swap3A_733 : i32 to index
    %swap3A_735 = arith.constant 272 : index
    %swap3A_736 = tpu.vector_load %arg11[%swap3A_734, %swap3A_735] {strides = array<i32>} : memref<64x512xf32, #tpu.memory_space<vmem>>, vector<1x16xf32>,
    %swap3A_737 = vector.shape_cast %swap3A_736 : vector<1x16xf32> to vector<16xf32>
    %swap3A_738 = vector.shape_cast %broadcast_in_dim3A_3 : vector<16xf32> to vector<1x16xf32>
    tpu.vector_store %arg11[%swap3A_734, %swap3A_735], %swap3A_738 {strides = array<i32>} : memref<64x512xf32, #tpu.memory_space<vmem>>, vector<1x16xf32>,
    %swap3A_739 = arith.constant 15 : i32
    %swap3A_740 = arith.index_cast %swap3A_739 : i32 to index
    %swap3A_741 = arith.constant 288 : index
    %swap3A_742 = tpu.vector_load %arg11[%swap3A_740, %swap3A_741] {strides = array<i32>} : memref<64x512xf32, #tpu.memory_space<vmem>>, vector<1x16xf32>,
    %swap3A_743 = vector.shape_cast %swap3A_742 : vector<1x16xf32> to vector<16xf32>
    %swap3A_744 = vector.shape_cast %broadcast_in_dim3A_3 : vector<16xf32> to vector<1x16xf32>
    tpu.vector_store %arg11[%swap3A_740, %swap3A_741], %swap3A_744 {strides = array<i32>} : memref<64x512xf32, #tpu.memory_space<vmem>>, vector<1x16xf32>,
    %swap3A_745 = arith.constant 15 : i32
    %swap3A_746 = arith.index_cast %swap3A_745 : i32 to index
    %swap3A_747 = arith.constant 304 : index
    %swap3A_748 = tpu.vector_load %arg11[%swap3A_746, %swap3A_747] {strides = array<i32>} : memref<64x512xf32, #tpu.memory_space<vmem>>, vector<1x16xf32>,
    %swap3A_749 = vector.shape_cast %swap3A_748 : vector<1x16xf32> to vector<16xf32>
    %swap3A_750 = vector.shape_cast %broadcast_in_dim3A_3 : vector<16xf32> to vector<1x16xf32>
    tpu.vector_store %arg11[%swap3A_746, %swap3A_747], %swap3A_750 {strides = array<i32>} : memref<64x512xf32, #tpu.memory_space<vmem>>, vector<1x16xf32>,
    %swap3A_751 = arith.constant 15 : i32
    %swap3A_752 = arith.index_cast %swap3A_751 : i32 to index
    %swap3A_753 = arith.constant 320 : index
    %swap3A_754 = tpu.vector_load %arg11[%swap3A_752, %swap3A_753] {strides = array<i32>} : memref<64x512xf32, #tpu.memory_space<vmem>>, vector<1x16xf32>,
    %swap3A_755 = vector.shape_cast %swap3A_754 : vector<1x16xf32> to vector<16xf32>
    %swap3A_756 = vector.shape_cast %broadcast_in_dim3A_3 : vector<16xf32> to vector<1x16xf32>
    tpu.vector_store %arg11[%swap3A_752, %swap3A_753], %swap3A_756 {strides = array<i32>} : memref<64x512xf32, #tpu.memory_space<vmem>>, vector<1x16xf32>,
    %swap3A_757 = arith.constant 15 : i32
    %swap3A_758 = arith.index_cast %swap3A_757 : i32 to index
    %swap3A_759 = arith.constant 336 : index
    %swap3A_760 = tpu.vector_load %arg11[%swap3A_758, %swap3A_759] {strides = array<i32>} : memref<64x512xf32, #tpu.memory_space<vmem>>, vector<1x16xf32>,
    %swap3A_761 = vector.shape_cast %swap3A_760 : vector<1x16xf32> to vector<16xf32>
    %swap3A_762 = vector.shape_cast %broadcast_in_dim3A_3 : vector<16xf32> to vector<1x16xf32>
    tpu.vector_store %arg11[%swap3A_758, %swap3A_759], %swap3A_762 {strides = array<i32>} : memref<64x512xf32, #tpu.memory_space<vmem>>, vector<1x16xf32>,
    %swap3A_763 = arith.constant 15 : i32
    %swap3A_764 = arith.index_cast %swap3A_763 : i32 to index
    %swap3A_765 = arith.constant 352 : index
    %swap3A_766 = tpu.vector_load %arg11[%swap3A_764, %swap3A_765] {strides = array<i32>} : memref<64x512xf32, #tpu.memory_space<vmem>>, vector<1x16xf32>,
    %swap3A_767 = vector.shape_cast %swap3A_766 : vector<1x16xf32> to vector<16xf32>
    %swap3A_768 = vector.shape_cast %broadcast_in_dim3A_3 : vector<16xf32> to vector<1x16xf32>
    tpu.vector_store %arg11[%swap3A_764, %swap3A_765], %swap3A_768 {strides = array<i32>} : memref<64x512xf32, #tpu.memory_space<vmem>>, vector<1x16xf32>,
    %swap3A_769 = arith.constant 15 : i32
    %swap3A_770 = arith.index_cast %swap3A_769 : i32 to index
    %swap3A_771 = arith.constant 368 : index
    %swap3A_772 = tpu.vector_load %arg11[%swap3A_770, %swap3A_771] {strides = array<i32>} : memref<64x512xf32, #tpu.memory_space<vmem>>, vector<1x16xf32>,
    %swap3A_773 = vector.shape_cast %swap3A_772 : vector<1x16xf32> to vector<16xf32>
    %swap3A_774 = vector.shape_cast %broadcast_in_dim3A_3 : vector<16xf32> to vector<1x16xf32>
    tpu.vector_store %arg11[%swap3A_770, %swap3A_771], %swap3A_774 {strides = array<i32>} : memref<64x512xf32, #tpu.memory_space<vmem>>, vector<1x16xf32>,
    %swap3A_775 = arith.constant 15 : i32
    %swap3A_776 = arith.index_cast %swap3A_775 : i32 to index
    %swap3A_777 = arith.constant 384 : index
    %swap3A_778 = tpu.vector_load %arg11[%swap3A_776, %swap3A_777] {strides = array<i32>} : memref<64x512xf32, #tpu.memory_space<vmem>>, vector<1x16xf32>,
    %swap3A_779 = vector.shape_cast %swap3A_778 : vector<1x16xf32> to vector<16xf32>
    %swap3A_780 = vector.shape_cast %broadcast_in_dim3A_3 : vector<16xf32> to vector<1x16xf32>
    tpu.vector_store %arg11[%swap3A_776, %swap3A_777], %swap3A_780 {strides = array<i32>} : memref<64x512xf32, #tpu.memory_space<vmem>>, vector<1x16xf32>,
    %swap3A_781 = arith.constant 15 : i32
    %swap3A_782 = arith.index_cast %swap3A_781 : i32 to index
    %swap3A_783 = arith.constant 400 : index
    %swap3A_784 = tpu.vector_load %arg11[%swap3A_782, %swap3A_783] {strides = array<i32>} : memref<64x512xf32, #tpu.memory_space<vmem>>, vector<1x16xf32>,
    %swap3A_785 = vector.shape_cast %swap3A_784 : vector<1x16xf32> to vector<16xf32>
    %swap3A_786 = vector.shape_cast %broadcast_in_dim3A_3 : vector<16xf32> to vector<1x16xf32>
    tpu.vector_store %arg11[%swap3A_782, %swap3A_783], %swap3A_786 {strides = array<i32>} : memref<64x512xf32, #tpu.memory_space<vmem>>, vector<1x16xf32>,
    %swap3A_787 = arith.constant 15 : i32
    %swap3A_788 = arith.index_cast %swap3A_787 : i32 to index
    %swap3A_789 = arith.constant 416 : index
    %swap3A_790 = tpu.vector_load %arg11[%swap3A_788, %swap3A_789] {strides = array<i32>} : memref<64x512xf32, #tpu.memory_space<vmem>>, vector<1x16xf32>,
    %swap3A_791 = vector.shape_cast %swap3A_790 : vector<1x16xf32> to vector<16xf32>
    %swap3A_792 = vector.shape_cast %broadcast_in_dim3A_3 : vector<16xf32> to vector<1x16xf32>
    tpu.vector_store %arg11[%swap3A_788, %swap3A_789], %swap3A_792 {strides = array<i32>} : memref<64x512xf32, #tpu.memory_space<vmem>>, vector<1x16xf32>,
    %swap3A_793 = arith.constant 15 : i32
    %swap3A_794 = arith.index_cast %swap3A_793 : i32 to index
    %swap3A_795 = arith.constant 432 : index
    %swap3A_796 = tpu.vector_load %arg11[%swap3A_794, %swap3A_795] {strides = array<i32>} : memref<64x512xf32, #tpu.memory_space<vmem>>, vector<1x16xf32>,
    %swap3A_797 = vector.shape_cast %swap3A_796 : vector<1x16xf32> to vector<16xf32>
    %swap3A_798 = vector.shape_cast %broadcast_in_dim3A_3 : vector<16xf32> to vector<1x16xf32>
    tpu.vector_store %arg11[%swap3A_794, %swap3A_795], %swap3A_798 {strides = array<i32>} : memref<64x512xf32, #tpu.memory_space<vmem>>, vector<1x16xf32>,
    %swap3A_799 = arith.constant 15 : i32
    %swap3A_800 = arith.index_cast %swap3A_799 : i32 to index
    %swap3A_801 = arith.constant 448 : index
    %swap3A_802 = tpu.vector_load %arg11[%swap3A_800, %swap3A_801] {strides = array<i32>} : memref<64x512xf32, #tpu.memory_space<vmem>>, vector<1x16xf32>,
    %swap3A_803 = vector.shape_cast %swap3A_802 : vector<1x16xf32> to vector<16xf32>
    %swap3A_804 = vector.shape_cast %broadcast_in_dim3A_3 : vector<16xf32> to vector<1x16xf32>
    tpu.vector_store %arg11[%swap3A_800, %swap3A_801], %swap3A_804 {strides = array<i32>} : memref<64x512xf32, #tpu.memory_space<vmem>>, vector<1x16xf32>,
    %swap3A_805 = arith.constant 15 : i32
    %swap3A_806 = arith.index_cast %swap3A_805 : i32 to index
    %swap3A_807 = arith.constant 464 : index
    %swap3A_808 = tpu.vector_load %arg11[%swap3A_806, %swap3A_807] {strides = array<i32>} : memref<64x512xf32, #tpu.memory_space<vmem>>, vector<1x16xf32>,
    %swap3A_809 = vector.shape_cast %swap3A_808 : vector<1x16xf32> to vector<16xf32>
    %swap3A_810 = vector.shape_cast %broadcast_in_dim3A_3 : vector<16xf32> to vector<1x16xf32>
    tpu.vector_store %arg11[%swap3A_806, %swap3A_807], %swap3A_810 {strides = array<i32>} : memref<64x512xf32, #tpu.memory_space<vmem>>, vector<1x16xf32>,
    %swap3A_811 = arith.constant 15 : i32
    %swap3A_812 = arith.index_cast %swap3A_811 : i32 to index
    %swap3A_813 = arith.constant 480 : index
    %swap3A_814 = tpu.vector_load %arg11[%swap3A_812, %swap3A_813] {strides = array<i32>} : memref<64x512xf32, #tpu.memory_space<vmem>>, vector<1x16xf32>,
    %swap3A_815 = vector.shape_cast %swap3A_814 : vector<1x16xf32> to vector<16xf32>
    %swap3A_816 = vector.shape_cast %broadcast_in_dim3A_3 : vector<16xf32> to vector<1x16xf32>
    tpu.vector_store %arg11[%swap3A_812, %swap3A_813], %swap3A_816 {strides = array<i32>} : memref<64x512xf32, #tpu.memory_space<vmem>>, vector<1x16xf32>,
    %swap3A_817 = arith.constant 15 : i32
    %swap3A_818 = arith.index_cast %swap3A_817 : i32 to index
    %swap3A_819 = arith.constant 496 : index
    %swap3A_820 = tpu.vector_load %arg11[%swap3A_818, %swap3A_819] {strides = array<i32>} : memref<64x512xf32, #tpu.memory_space<vmem>>, vector<1x16xf32>,
    %swap3A_821 = vector.shape_cast %swap3A_820 : vector<1x16xf32> to vector<16xf32>
    %swap3A_822 = vector.shape_cast %broadcast_in_dim3A_3 : vector<16xf32> to vector<1x16xf32>
    tpu.vector_store %arg11[%swap3A_818, %swap3A_819], %swap3A_822 {strides = array<i32>} : memref<64x512xf32, #tpu.memory_space<vmem>>, vector<1x16xf32>,
    "tpu.region"() ({
      %run_scoped3A = tpu.sem_alloc : memref<!tpu.dma_semaphore, #tpu.memory_space<semaphore_mem>>
      %dma_start3A_1355 = arith.constant 16 : i32
      %dma_start3A_1356 = arith.constant 0 : i32
      %dma_start3A_1357 = tpu.memref_slice %arg11[%dma_start3A_1355, %dma_start3A_1356] : memref<64x512xf32, #tpu.memory_space<vmem>> -> memref<8x512xf32, #tpu.memory_space<vmem>>
      %dma_start3A_1358 = arith.constant 16 : i32
      %dma_start3A_1359 = arith.constant 0 : i32
      %dma_start3A_1360 = tpu.memref_slice %arg11[%dma_start3A_1358, %dma_start3A_1359] : memref<64x512xf32, #tpu.memory_space<vmem>> -> memref<8x512xf32, #tpu.memory_space<vmem>>
      tpu.enqueue_dma source(%arg7 : memref<8x512xf32, #tpu.memory_space<hbm>>) target(%dma_start3A_1360 : memref<8x512xf32, #tpu.memory_space<vmem>>) target_semaphore(%run_scoped3A : memref<!tpu.dma_semaphore, #tpu.memory_space<semaphore_mem>>)
      %dma_wait3A_1361 = arith.constant 16 : i32
      %dma_wait3A_1362 = arith.constant 0 : i32
      %dma_wait3A_1363 = tpu.memref_slice %arg11[%dma_wait3A_1361, %dma_wait3A_1362] : memref<64x512xf32, #tpu.memory_space<vmem>> -> memref<8x512xf32, #tpu.memory_space<vmem>>
      %dma_wait3A_1364 = arith.constant 16 : i32
      %dma_wait3A_1365 = arith.constant 0 : i32
      %dma_wait3A_1366 = tpu.memref_slice %arg11[%dma_wait3A_1364, %dma_wait3A_1365] : memref<64x512xf32, #tpu.memory_space<vmem>> -> memref<8x512xf32, #tpu.memory_space<vmem>>
      tpu.wait_dma2 semaphore(%run_scoped3A : memref<!tpu.dma_semaphore, #tpu.memory_space<semaphore_mem>>) src(%arg7 : memref<8x512xf32, #tpu.memory_space<hbm>>) dst(%dma_wait3A_1366 : memref<8x512xf32, #tpu.memory_space<vmem>>)
      tpu.yield
    }) : () -> ()
    "tpu.region"() ({
      %run_scoped3A = tpu.sem_alloc : memref<!tpu.dma_semaphore, #tpu.memory_space<semaphore_mem>>
      %dma_start3A_1355 = arith.constant 0 : i32
      %dma_start3A_1356 = arith.constant 0 : i32
      %dma_start3A_1357 = tpu.memref_slice %arg11[%dma_start3A_1355, %dma_start3A_1356] : memref<64x512xf32, #tpu.memory_space<vmem>> -> memref<24x512xf32, #tpu.memory_space<vmem>>
      %dma_start3A_1358 = arith.constant 0 : i32
      %dma_start3A_1359 = arith.constant 0 : i32
      %dma_start3A_1360 = tpu.memref_slice %arg10[%add3A_418, %dma_start3A_1358, %dma_start3A_1359] : memref<96x24x512xf32, #tpu.memory_space<hbm>> -> memref<1x24x512xf32, #tpu.memory_space<hbm>>
      %dma_start3A_1361 = tpu.memref_squeeze %dma_start3A_1360 : memref<1x24x512xf32, #tpu.memory_space<hbm>> -> memref<24x512xf32, #tpu.memory_space<hbm>>
      %dma_start3A_1362 = arith.constant 0 : i32
      %dma_start3A_1363 = arith.constant 0 : i32
      %dma_start3A_1364 = tpu.memref_slice %arg10[%add3A_418, %dma_start3A_1362, %dma_start3A_1363] : memref<96x24x512xf32, #tpu.memory_space<hbm>> -> memref<1x24x512xf32, #tpu.memory_space<hbm>>
      %dma_start3A_1365 = tpu.memref_squeeze %dma_start3A_1364 : memref<1x24x512xf32, #tpu.memory_space<hbm>> -> memref<24x512xf32, #tpu.memory_space<hbm>>
      %dma_start3A_1366 = arith.constant 0 : i32
      %dma_start3A_1367 = arith.constant 0 : i32
      %dma_start3A_1368 = tpu.memref_slice %arg11[%dma_start3A_1366, %dma_start3A_1367] : memref<64x512xf32, #tpu.memory_space<vmem>> -> memref<24x512xf32, #tpu.memory_space<vmem>>
      tpu.enqueue_dma source(%dma_start3A_1368 : memref<24x512xf32, #tpu.memory_space<vmem>>) target(%dma_start3A_1365 : memref<24x512xf32, #tpu.memory_space<hbm>>) target_semaphore(%run_scoped3A : memref<!tpu.dma_semaphore, #tpu.memory_space<semaphore_mem>>)
      %dma_wait3A_1369 = arith.constant 0 : i32
      %dma_wait3A_1370 = arith.constant 0 : i32
      %dma_wait3A_1371 = tpu.memref_slice %arg11[%dma_wait3A_1369, %dma_wait3A_1370] : memref<64x512xf32, #tpu.memory_space<vmem>> -> memref<24x512xf32, #tpu.memory_space<vmem>>
      %dma_wait3A_1372 = arith.constant 0 : i32
      %dma_wait3A_1373 = arith.constant 0 : i32
      %dma_wait3A_1374 = tpu.memref_slice %arg10[%add3A_418, %dma_wait3A_1372, %dma_wait3A_1373] : memref<96x24x512xf32, #tpu.memory_space<hbm>> -> memref<1x24x512xf32, #tpu.memory_space<hbm>>
      %dma_wait3A_1375 = tpu.memref_squeeze %dma_wait3A_1374 : memref<1x24x512xf32, #tpu.memory_space<hbm>> -> memref<24x512xf32, #tpu.memory_space<hbm>>
      %dma_wait3A_1376 = arith.constant 0 : i32
      %dma_wait3A_1377 = arith.constant 0 : i32
      %dma_wait3A_1378 = tpu.memref_slice %arg10[%add3A_418, %dma_wait3A_1376, %dma_wait3A_1377] : memref<96x24x512xf32, #tpu.memory_space<hbm>> -> memref<1x24x512xf32, #tpu.memory_space<hbm>>
      %dma_wait3A_1379 = tpu.memref_squeeze %dma_wait3A_1378 : memref<1x24x512xf32, #tpu.memory_space<hbm>> -> memref<24x512xf32, #tpu.memory_space<hbm>>
      %dma_wait3A_1380 = arith.constant 0 : i32
      %dma_wait3A_1381 = arith.constant 0 : i32
      %dma_wait3A_1382 = tpu.memref_slice %arg11[%dma_wait3A_1380, %dma_wait3A_1381] : memref<64x512xf32, #tpu.memory_space<vmem>> -> memref<24x512xf32, #tpu.memory_space<vmem>>
      tpu.wait_dma2 semaphore(%run_scoped3A : memref<!tpu.dma_semaphore, #tpu.memory_space<semaphore_mem>>) src(%dma_wait3A_1382 : memref<24x512xf32, #tpu.memory_space<vmem>>) dst(%dma_wait3A_1379 : memref<24x512xf32, #tpu.memory_space<hbm>>)
      tpu.yield
    }) : () -> ()
    %mul3A_823 = arith.constant 3 : i32
    %mul3A_824 = arith.muli %arg1, %mul3A_823 : i32
    %add3A_825 = arith.constant 2 : i32
    %add3A_826 = arith.addi %mul3A_824, %add3A_825 : i32
    %mul3A_827 = arith.constant 48 : i32
    %mul3A_828 = arith.muli %arg0, %mul3A_827 : i32
    %add3A_829 = arith.addi %mul3A_828, %add3A_826 : i32
    %mul3A_830 = arith.constant 8 : i32
    %mul3A_831 = arith.muli %add3A_826, %mul3A_830 : i32
    "tpu.region"() ({
      %run_scoped3A = tpu.sem_alloc : memref<!tpu.dma_semaphore, #tpu.memory_space<semaphore_mem>>
      %dma_start3A_1355 = arith.constant 0 : i32
      %dma_start3A_1356 = arith.constant 0 : i32
      %dma_start3A_1357 = tpu.memref_slice %arg11[%dma_start3A_1355, %dma_start3A_1356] : memref<64x512xf32, #tpu.memory_space<vmem>> -> memref<8x512xf32, #tpu.memory_space<vmem>>
      %dma_start3A_1358 = arith.constant 0 : i32
      %dma_start3A_1359 = tpu.memref_slice %arg3[%mul3A_831, %dma_start3A_1358] : memref<384x512xf32, #tpu.memory_space<hbm>> -> memref<8x512xf32, #tpu.memory_space<hbm>>
      %dma_start3A_1360 = arith.constant 0 : i32
      %dma_start3A_1361 = arith.constant 0 : i32
      %dma_start3A_1362 = tpu.memref_slice %arg11[%dma_start3A_1360, %dma_start3A_1361] : memref<64x512xf32, #tpu.memory_space<vmem>> -> memref<8x512xf32, #tpu.memory_space<vmem>>
      %dma_start3A_1363 = arith.constant 0 : i32
      %dma_start3A_1364 = tpu.memref_slice %arg3[%mul3A_831, %dma_start3A_1363] : memref<384x512xf32, #tpu.memory_space<hbm>> -> memref<8x512xf32, #tpu.memory_space<hbm>>
      tpu.enqueue_dma source(%dma_start3A_1364 : memref<8x512xf32, #tpu.memory_space<hbm>>) target(%dma_start3A_1362 : memref<8x512xf32, #tpu.memory_space<vmem>>) target_semaphore(%run_scoped3A : memref<!tpu.dma_semaphore, #tpu.memory_space<semaphore_mem>>)
      %dma_wait3A_1365 = arith.constant 0 : i32
      %dma_wait3A_1366 = arith.constant 0 : i32
      %dma_wait3A_1367 = tpu.memref_slice %arg11[%dma_wait3A_1365, %dma_wait3A_1366] : memref<64x512xf32, #tpu.memory_space<vmem>> -> memref<8x512xf32, #tpu.memory_space<vmem>>
      %dma_wait3A_1368 = arith.constant 0 : i32
      %dma_wait3A_1369 = tpu.memref_slice %arg3[%mul3A_831, %dma_wait3A_1368] : memref<384x512xf32, #tpu.memory_space<hbm>> -> memref<8x512xf32, #tpu.memory_space<hbm>>
      %dma_wait3A_1370 = arith.constant 0 : i32
      %dma_wait3A_1371 = arith.constant 0 : i32
      %dma_wait3A_1372 = tpu.memref_slice %arg11[%dma_wait3A_1370, %dma_wait3A_1371] : memref<64x512xf32, #tpu.memory_space<vmem>> -> memref<8x512xf32, #tpu.memory_space<vmem>>
      %dma_wait3A_1373 = arith.constant 0 : i32
      %dma_wait3A_1374 = tpu.memref_slice %arg3[%mul3A_831, %dma_wait3A_1373] : memref<384x512xf32, #tpu.memory_space<hbm>> -> memref<8x512xf32, #tpu.memory_space<hbm>>
      tpu.wait_dma2 semaphore(%run_scoped3A : memref<!tpu.dma_semaphore, #tpu.memory_space<semaphore_mem>>) src(%dma_wait3A_1374 : memref<8x512xf32, #tpu.memory_space<hbm>>) dst(%dma_wait3A_1372 : memref<8x512xf32, #tpu.memory_space<vmem>>)
      tpu.yield
    }) : () -> ()
    %dma_start3A_832 = arith.constant 8 : i32
    %dma_start3A_833 = arith.constant 0 : i32
    %dma_start3A_834 = tpu.memref_slice %arg11[%dma_start3A_832, %dma_start3A_833] : memref<64x512xf32, #tpu.memory_space<vmem>> -> memref<8x512xf32, #tpu.memory_space<vmem>>
    %dma_start3A_835 = arith.constant 0 : i32
    %dma_start3A_836 = tpu.memref_slice %arg16[%add3A_826, %dma_start3A_835] : memref<48x128xi32, #tpu.memory_space<vmem>> -> memref<1x8xi32, #tpu.memory_space<vmem>>
    %dma_start3A_837 = tpu.memref_squeeze %dma_start3A_836 : memref<1x8xi32, #tpu.memory_space<vmem>> -> memref<8xi32, #tpu.memory_space<vmem>>
    %dma_start3A_838 = arith.constant 0 : i32
    %dma_start3A_839 = arith.constant 0 : i32
    %dma_start3A_840 = tpu.memref_slice %arg2[%dma_start3A_838, %dma_start3A_839] : memref<49408x512xf32, #tpu.memory_space<hbm>> -> memref<49408x512xf32, #tpu.memory_space<hbm>>
    tpu.enqueue_indirect_dma source(%dma_start3A_840 : memref<49408x512xf32, #tpu.memory_space<hbm>>) target(%dma_start3A_834 : memref<8x512xf32, #tpu.memory_space<vmem>>) offsets(%dma_start3A_837 : memref<8xi32, #tpu.memory_space<vmem>>) semaphore(%arg17 : memref<!tpu.dma_semaphore, #tpu.memory_space<semaphore_mem>>)
    %dma_wait3A_841 = arith.constant 8 : i32
    %dma_wait3A_842 = arith.constant 0 : i32
    %dma_wait3A_843 = tpu.memref_slice %arg11[%dma_wait3A_841, %dma_wait3A_842] : memref<64x512xf32, #tpu.memory_space<vmem>> -> memref<8x512xf32, #tpu.memory_space<vmem>>
    %dma_wait3A_844 = arith.constant 0 : i32
    %dma_wait3A_845 = tpu.memref_slice %arg16[%add3A_826, %dma_wait3A_844] : memref<48x128xi32, #tpu.memory_space<vmem>> -> memref<1x8xi32, #tpu.memory_space<vmem>>
    %dma_wait3A_846 = tpu.memref_squeeze %dma_wait3A_845 : memref<1x8xi32, #tpu.memory_space<vmem>> -> memref<8xi32, #tpu.memory_space<vmem>>
    %dma_wait3A_847 = arith.constant 0 : i32
    %dma_wait3A_848 = arith.constant 0 : i32
    %dma_wait3A_849 = tpu.memref_slice %arg2[%dma_wait3A_847, %dma_wait3A_848] : memref<49408x512xf32, #tpu.memory_space<hbm>> -> memref<49408x512xf32, #tpu.memory_space<hbm>>
    tpu.wait_indirect_dma semaphore(%arg17 : memref<!tpu.dma_semaphore, #tpu.memory_space<semaphore_mem>>) src(%dma_wait3A_849 : memref<49408x512xf32, #tpu.memory_space<hbm>>) dst(%dma_wait3A_843 : memref<8x512xf32, #tpu.memory_space<vmem>>)
    %swap3A_850 = arith.constant 14 : i32
    %swap3A_851 = arith.index_cast %swap3A_850 : i32 to index
    %swap3A_852 = arith.constant 0 : index
    %swap3A_853 = tpu.vector_load %arg11[%swap3A_851, %swap3A_852] {strides = array<i32>} : memref<64x512xf32, #tpu.memory_space<vmem>>, vector<1x16xf32>,
    %swap3A_854 = vector.shape_cast %swap3A_853 : vector<1x16xf32> to vector<16xf32>
    %swap3A_855 = vector.shape_cast %broadcast_in_dim3A_3 : vector<16xf32> to vector<1x16xf32>
    tpu.vector_store %arg11[%swap3A_851, %swap3A_852], %swap3A_855 {strides = array<i32>} : memref<64x512xf32, #tpu.memory_space<vmem>>, vector<1x16xf32>,
    %swap3A_856 = arith.constant 14 : i32
    %swap3A_857 = arith.index_cast %swap3A_856 : i32 to index
    %swap3A_858 = arith.constant 16 : index
    %swap3A_859 = tpu.vector_load %arg11[%swap3A_857, %swap3A_858] {strides = array<i32>} : memref<64x512xf32, #tpu.memory_space<vmem>>, vector<1x16xf32>,
    %swap3A_860 = vector.shape_cast %swap3A_859 : vector<1x16xf32> to vector<16xf32>
    %swap3A_861 = vector.shape_cast %broadcast_in_dim3A_3 : vector<16xf32> to vector<1x16xf32>
    tpu.vector_store %arg11[%swap3A_857, %swap3A_858], %swap3A_861 {strides = array<i32>} : memref<64x512xf32, #tpu.memory_space<vmem>>, vector<1x16xf32>,
    %swap3A_862 = arith.constant 14 : i32
    %swap3A_863 = arith.index_cast %swap3A_862 : i32 to index
    %swap3A_864 = arith.constant 32 : index
    %swap3A_865 = tpu.vector_load %arg11[%swap3A_863, %swap3A_864] {strides = array<i32>} : memref<64x512xf32, #tpu.memory_space<vmem>>, vector<1x16xf32>,
    %swap3A_866 = vector.shape_cast %swap3A_865 : vector<1x16xf32> to vector<16xf32>
    %swap3A_867 = vector.shape_cast %broadcast_in_dim3A_3 : vector<16xf32> to vector<1x16xf32>
    tpu.vector_store %arg11[%swap3A_863, %swap3A_864], %swap3A_867 {strides = array<i32>} : memref<64x512xf32, #tpu.memory_space<vmem>>, vector<1x16xf32>,
    %swap3A_868 = arith.constant 14 : i32
    %swap3A_869 = arith.index_cast %swap3A_868 : i32 to index
    %swap3A_870 = arith.constant 48 : index
    %swap3A_871 = tpu.vector_load %arg11[%swap3A_869, %swap3A_870] {strides = array<i32>} : memref<64x512xf32, #tpu.memory_space<vmem>>, vector<1x16xf32>,
    %swap3A_872 = vector.shape_cast %swap3A_871 : vector<1x16xf32> to vector<16xf32>
    %swap3A_873 = vector.shape_cast %broadcast_in_dim3A_3 : vector<16xf32> to vector<1x16xf32>
    tpu.vector_store %arg11[%swap3A_869, %swap3A_870], %swap3A_873 {strides = array<i32>} : memref<64x512xf32, #tpu.memory_space<vmem>>, vector<1x16xf32>,
    %swap3A_874 = arith.constant 14 : i32
    %swap3A_875 = arith.index_cast %swap3A_874 : i32 to index
    %swap3A_876 = arith.constant 64 : index
    %swap3A_877 = tpu.vector_load %arg11[%swap3A_875, %swap3A_876] {strides = array<i32>} : memref<64x512xf32, #tpu.memory_space<vmem>>, vector<1x16xf32>,
    %swap3A_878 = vector.shape_cast %swap3A_877 : vector<1x16xf32> to vector<16xf32>
    %swap3A_879 = vector.shape_cast %broadcast_in_dim3A_3 : vector<16xf32> to vector<1x16xf32>
    tpu.vector_store %arg11[%swap3A_875, %swap3A_876], %swap3A_879 {strides = array<i32>} : memref<64x512xf32, #tpu.memory_space<vmem>>, vector<1x16xf32>,
    %swap3A_880 = arith.constant 14 : i32
    %swap3A_881 = arith.index_cast %swap3A_880 : i32 to index
    %swap3A_882 = arith.constant 80 : index
    %swap3A_883 = tpu.vector_load %arg11[%swap3A_881, %swap3A_882] {strides = array<i32>} : memref<64x512xf32, #tpu.memory_space<vmem>>, vector<1x16xf32>,
    %swap3A_884 = vector.shape_cast %swap3A_883 : vector<1x16xf32> to vector<16xf32>
    %swap3A_885 = vector.shape_cast %broadcast_in_dim3A_3 : vector<16xf32> to vector<1x16xf32>
    tpu.vector_store %arg11[%swap3A_881, %swap3A_882], %swap3A_885 {strides = array<i32>} : memref<64x512xf32, #tpu.memory_space<vmem>>, vector<1x16xf32>,
    %swap3A_886 = arith.constant 14 : i32
    %swap3A_887 = arith.index_cast %swap3A_886 : i32 to index
    %swap3A_888 = arith.constant 96 : index
    %swap3A_889 = tpu.vector_load %arg11[%swap3A_887, %swap3A_888] {strides = array<i32>} : memref<64x512xf32, #tpu.memory_space<vmem>>, vector<1x16xf32>,
    %swap3A_890 = vector.shape_cast %swap3A_889 : vector<1x16xf32> to vector<16xf32>
    %swap3A_891 = vector.shape_cast %broadcast_in_dim3A_3 : vector<16xf32> to vector<1x16xf32>
    tpu.vector_store %arg11[%swap3A_887, %swap3A_888], %swap3A_891 {strides = array<i32>} : memref<64x512xf32, #tpu.memory_space<vmem>>, vector<1x16xf32>,
    %swap3A_892 = arith.constant 14 : i32
    %swap3A_893 = arith.index_cast %swap3A_892 : i32 to index
    %swap3A_894 = arith.constant 112 : index
    %swap3A_895 = tpu.vector_load %arg11[%swap3A_893, %swap3A_894] {strides = array<i32>} : memref<64x512xf32, #tpu.memory_space<vmem>>, vector<1x16xf32>,
    %swap3A_896 = vector.shape_cast %swap3A_895 : vector<1x16xf32> to vector<16xf32>
    %swap3A_897 = vector.shape_cast %broadcast_in_dim3A_3 : vector<16xf32> to vector<1x16xf32>
    tpu.vector_store %arg11[%swap3A_893, %swap3A_894], %swap3A_897 {strides = array<i32>} : memref<64x512xf32, #tpu.memory_space<vmem>>, vector<1x16xf32>,
    %swap3A_898 = arith.constant 14 : i32
    %swap3A_899 = arith.index_cast %swap3A_898 : i32 to index
    %swap3A_900 = arith.constant 128 : index
    %swap3A_901 = tpu.vector_load %arg11[%swap3A_899, %swap3A_900] {strides = array<i32>} : memref<64x512xf32, #tpu.memory_space<vmem>>, vector<1x16xf32>,
    %swap3A_902 = vector.shape_cast %swap3A_901 : vector<1x16xf32> to vector<16xf32>
    %swap3A_903 = vector.shape_cast %broadcast_in_dim3A_3 : vector<16xf32> to vector<1x16xf32>
    tpu.vector_store %arg11[%swap3A_899, %swap3A_900], %swap3A_903 {strides = array<i32>} : memref<64x512xf32, #tpu.memory_space<vmem>>, vector<1x16xf32>,
    %swap3A_904 = arith.constant 14 : i32
    %swap3A_905 = arith.index_cast %swap3A_904 : i32 to index
    %swap3A_906 = arith.constant 144 : index
    %swap3A_907 = tpu.vector_load %arg11[%swap3A_905, %swap3A_906] {strides = array<i32>} : memref<64x512xf32, #tpu.memory_space<vmem>>, vector<1x16xf32>,
    %swap3A_908 = vector.shape_cast %swap3A_907 : vector<1x16xf32> to vector<16xf32>
    %swap3A_909 = vector.shape_cast %broadcast_in_dim3A_3 : vector<16xf32> to vector<1x16xf32>
    tpu.vector_store %arg11[%swap3A_905, %swap3A_906], %swap3A_909 {strides = array<i32>} : memref<64x512xf32, #tpu.memory_space<vmem>>, vector<1x16xf32>,
    %swap3A_910 = arith.constant 14 : i32
    %swap3A_911 = arith.index_cast %swap3A_910 : i32 to index
    %swap3A_912 = arith.constant 160 : index
    %swap3A_913 = tpu.vector_load %arg11[%swap3A_911, %swap3A_912] {strides = array<i32>} : memref<64x512xf32, #tpu.memory_space<vmem>>, vector<1x16xf32>,
    %swap3A_914 = vector.shape_cast %swap3A_913 : vector<1x16xf32> to vector<16xf32>
    %swap3A_915 = vector.shape_cast %broadcast_in_dim3A_3 : vector<16xf32> to vector<1x16xf32>
    tpu.vector_store %arg11[%swap3A_911, %swap3A_912], %swap3A_915 {strides = array<i32>} : memref<64x512xf32, #tpu.memory_space<vmem>>, vector<1x16xf32>,
    %swap3A_916 = arith.constant 14 : i32
    %swap3A_917 = arith.index_cast %swap3A_916 : i32 to index
    %swap3A_918 = arith.constant 176 : index
    %swap3A_919 = tpu.vector_load %arg11[%swap3A_917, %swap3A_918] {strides = array<i32>} : memref<64x512xf32, #tpu.memory_space<vmem>>, vector<1x16xf32>,
    %swap3A_920 = vector.shape_cast %swap3A_919 : vector<1x16xf32> to vector<16xf32>
    %swap3A_921 = vector.shape_cast %broadcast_in_dim3A_3 : vector<16xf32> to vector<1x16xf32>
    tpu.vector_store %arg11[%swap3A_917, %swap3A_918], %swap3A_921 {strides = array<i32>} : memref<64x512xf32, #tpu.memory_space<vmem>>, vector<1x16xf32>,
    %swap3A_922 = arith.constant 14 : i32
    %swap3A_923 = arith.index_cast %swap3A_922 : i32 to index
    %swap3A_924 = arith.constant 192 : index
    %swap3A_925 = tpu.vector_load %arg11[%swap3A_923, %swap3A_924] {strides = array<i32>} : memref<64x512xf32, #tpu.memory_space<vmem>>, vector<1x16xf32>,
    %swap3A_926 = vector.shape_cast %swap3A_925 : vector<1x16xf32> to vector<16xf32>
    %swap3A_927 = vector.shape_cast %broadcast_in_dim3A_3 : vector<16xf32> to vector<1x16xf32>
    tpu.vector_store %arg11[%swap3A_923, %swap3A_924], %swap3A_927 {strides = array<i32>} : memref<64x512xf32, #tpu.memory_space<vmem>>, vector<1x16xf32>,
    %swap3A_928 = arith.constant 14 : i32
    %swap3A_929 = arith.index_cast %swap3A_928 : i32 to index
    %swap3A_930 = arith.constant 208 : index
    %swap3A_931 = tpu.vector_load %arg11[%swap3A_929, %swap3A_930] {strides = array<i32>} : memref<64x512xf32, #tpu.memory_space<vmem>>, vector<1x16xf32>,
    %swap3A_932 = vector.shape_cast %swap3A_931 : vector<1x16xf32> to vector<16xf32>
    %swap3A_933 = vector.shape_cast %broadcast_in_dim3A_3 : vector<16xf32> to vector<1x16xf32>
    tpu.vector_store %arg11[%swap3A_929, %swap3A_930], %swap3A_933 {strides = array<i32>} : memref<64x512xf32, #tpu.memory_space<vmem>>, vector<1x16xf32>,
    %swap3A_934 = arith.constant 14 : i32
    %swap3A_935 = arith.index_cast %swap3A_934 : i32 to index
    %swap3A_936 = arith.constant 224 : index
    %swap3A_937 = tpu.vector_load %arg11[%swap3A_935, %swap3A_936] {strides = array<i32>} : memref<64x512xf32, #tpu.memory_space<vmem>>, vector<1x16xf32>,
    %swap3A_938 = vector.shape_cast %swap3A_937 : vector<1x16xf32> to vector<16xf32>
    %swap3A_939 = vector.shape_cast %broadcast_in_dim3A_3 : vector<16xf32> to vector<1x16xf32>
    tpu.vector_store %arg11[%swap3A_935, %swap3A_936], %swap3A_939 {strides = array<i32>} : memref<64x512xf32, #tpu.memory_space<vmem>>, vector<1x16xf32>,
    %swap3A_940 = arith.constant 14 : i32
    %swap3A_941 = arith.index_cast %swap3A_940 : i32 to index
    %swap3A_942 = arith.constant 240 : index
    %swap3A_943 = tpu.vector_load %arg11[%swap3A_941, %swap3A_942] {strides = array<i32>} : memref<64x512xf32, #tpu.memory_space<vmem>>, vector<1x16xf32>,
    %swap3A_944 = vector.shape_cast %swap3A_943 : vector<1x16xf32> to vector<16xf32>
    %swap3A_945 = vector.shape_cast %broadcast_in_dim3A_3 : vector<16xf32> to vector<1x16xf32>
    tpu.vector_store %arg11[%swap3A_941, %swap3A_942], %swap3A_945 {strides = array<i32>} : memref<64x512xf32, #tpu.memory_space<vmem>>, vector<1x16xf32>,
    %swap3A_946 = arith.constant 14 : i32
    %swap3A_947 = arith.index_cast %swap3A_946 : i32 to index
    %swap3A_948 = arith.constant 256 : index
    %swap3A_949 = tpu.vector_load %arg11[%swap3A_947, %swap3A_948] {strides = array<i32>} : memref<64x512xf32, #tpu.memory_space<vmem>>, vector<1x16xf32>,
    %swap3A_950 = vector.shape_cast %swap3A_949 : vector<1x16xf32> to vector<16xf32>
    %swap3A_951 = vector.shape_cast %broadcast_in_dim3A_3 : vector<16xf32> to vector<1x16xf32>
    tpu.vector_store %arg11[%swap3A_947, %swap3A_948], %swap3A_951 {strides = array<i32>} : memref<64x512xf32, #tpu.memory_space<vmem>>, vector<1x16xf32>,
    %swap3A_952 = arith.constant 14 : i32
    %swap3A_953 = arith.index_cast %swap3A_952 : i32 to index
    %swap3A_954 = arith.constant 272 : index
    %swap3A_955 = tpu.vector_load %arg11[%swap3A_953, %swap3A_954] {strides = array<i32>} : memref<64x512xf32, #tpu.memory_space<vmem>>, vector<1x16xf32>,
    %swap3A_956 = vector.shape_cast %swap3A_955 : vector<1x16xf32> to vector<16xf32>
    %swap3A_957 = vector.shape_cast %broadcast_in_dim3A_3 : vector<16xf32> to vector<1x16xf32>
    tpu.vector_store %arg11[%swap3A_953, %swap3A_954], %swap3A_957 {strides = array<i32>} : memref<64x512xf32, #tpu.memory_space<vmem>>, vector<1x16xf32>,
    %swap3A_958 = arith.constant 14 : i32
    %swap3A_959 = arith.index_cast %swap3A_958 : i32 to index
    %swap3A_960 = arith.constant 288 : index
    %swap3A_961 = tpu.vector_load %arg11[%swap3A_959, %swap3A_960] {strides = array<i32>} : memref<64x512xf32, #tpu.memory_space<vmem>>, vector<1x16xf32>,
    %swap3A_962 = vector.shape_cast %swap3A_961 : vector<1x16xf32> to vector<16xf32>
    %swap3A_963 = vector.shape_cast %broadcast_in_dim3A_3 : vector<16xf32> to vector<1x16xf32>
    tpu.vector_store %arg11[%swap3A_959, %swap3A_960], %swap3A_963 {strides = array<i32>} : memref<64x512xf32, #tpu.memory_space<vmem>>, vector<1x16xf32>,
    %swap3A_964 = arith.constant 14 : i32
    %swap3A_965 = arith.index_cast %swap3A_964 : i32 to index
    %swap3A_966 = arith.constant 304 : index
    %swap3A_967 = tpu.vector_load %arg11[%swap3A_965, %swap3A_966] {strides = array<i32>} : memref<64x512xf32, #tpu.memory_space<vmem>>, vector<1x16xf32>,
    %swap3A_968 = vector.shape_cast %swap3A_967 : vector<1x16xf32> to vector<16xf32>
    %swap3A_969 = vector.shape_cast %broadcast_in_dim3A_3 : vector<16xf32> to vector<1x16xf32>
    tpu.vector_store %arg11[%swap3A_965, %swap3A_966], %swap3A_969 {strides = array<i32>} : memref<64x512xf32, #tpu.memory_space<vmem>>, vector<1x16xf32>,
    %swap3A_970 = arith.constant 14 : i32
    %swap3A_971 = arith.index_cast %swap3A_970 : i32 to index
    %swap3A_972 = arith.constant 320 : index
    %swap3A_973 = tpu.vector_load %arg11[%swap3A_971, %swap3A_972] {strides = array<i32>} : memref<64x512xf32, #tpu.memory_space<vmem>>, vector<1x16xf32>,
    %swap3A_974 = vector.shape_cast %swap3A_973 : vector<1x16xf32> to vector<16xf32>
    %swap3A_975 = vector.shape_cast %broadcast_in_dim3A_3 : vector<16xf32> to vector<1x16xf32>
    tpu.vector_store %arg11[%swap3A_971, %swap3A_972], %swap3A_975 {strides = array<i32>} : memref<64x512xf32, #tpu.memory_space<vmem>>, vector<1x16xf32>,
    %swap3A_976 = arith.constant 14 : i32
    %swap3A_977 = arith.index_cast %swap3A_976 : i32 to index
    %swap3A_978 = arith.constant 336 : index
    %swap3A_979 = tpu.vector_load %arg11[%swap3A_977, %swap3A_978] {strides = array<i32>} : memref<64x512xf32, #tpu.memory_space<vmem>>, vector<1x16xf32>,
    %swap3A_980 = vector.shape_cast %swap3A_979 : vector<1x16xf32> to vector<16xf32>
    %swap3A_981 = vector.shape_cast %broadcast_in_dim3A_3 : vector<16xf32> to vector<1x16xf32>
    tpu.vector_store %arg11[%swap3A_977, %swap3A_978], %swap3A_981 {strides = array<i32>} : memref<64x512xf32, #tpu.memory_space<vmem>>, vector<1x16xf32>,
    %swap3A_982 = arith.constant 14 : i32
    %swap3A_983 = arith.index_cast %swap3A_982 : i32 to index
    %swap3A_984 = arith.constant 352 : index
    %swap3A_985 = tpu.vector_load %arg11[%swap3A_983, %swap3A_984] {strides = array<i32>} : memref<64x512xf32, #tpu.memory_space<vmem>>, vector<1x16xf32>,
    %swap3A_986 = vector.shape_cast %swap3A_985 : vector<1x16xf32> to vector<16xf32>
    %swap3A_987 = vector.shape_cast %broadcast_in_dim3A_3 : vector<16xf32> to vector<1x16xf32>
    tpu.vector_store %arg11[%swap3A_983, %swap3A_984], %swap3A_987 {strides = array<i32>} : memref<64x512xf32, #tpu.memory_space<vmem>>, vector<1x16xf32>,
    %swap3A_988 = arith.constant 14 : i32
    %swap3A_989 = arith.index_cast %swap3A_988 : i32 to index
    %swap3A_990 = arith.constant 368 : index
    %swap3A_991 = tpu.vector_load %arg11[%swap3A_989, %swap3A_990] {strides = array<i32>} : memref<64x512xf32, #tpu.memory_space<vmem>>, vector<1x16xf32>,
    %swap3A_992 = vector.shape_cast %swap3A_991 : vector<1x16xf32> to vector<16xf32>
    %swap3A_993 = vector.shape_cast %broadcast_in_dim3A_3 : vector<16xf32> to vector<1x16xf32>
    tpu.vector_store %arg11[%swap3A_989, %swap3A_990], %swap3A_993 {strides = array<i32>} : memref<64x512xf32, #tpu.memory_space<vmem>>, vector<1x16xf32>,
    %swap3A_994 = arith.constant 14 : i32
    %swap3A_995 = arith.index_cast %swap3A_994 : i32 to index
    %swap3A_996 = arith.constant 384 : index
    %swap3A_997 = tpu.vector_load %arg11[%swap3A_995, %swap3A_996] {strides = array<i32>} : memref<64x512xf32, #tpu.memory_space<vmem>>, vector<1x16xf32>,
    %swap3A_998 = vector.shape_cast %swap3A_997 : vector<1x16xf32> to vector<16xf32>
    %swap3A_999 = vector.shape_cast %broadcast_in_dim3A_3 : vector<16xf32> to vector<1x16xf32>
    tpu.vector_store %arg11[%swap3A_995, %swap3A_996], %swap3A_999 {strides = array<i32>} : memref<64x512xf32, #tpu.memory_space<vmem>>, vector<1x16xf32>,
    %swap3A_1000 = arith.constant 14 : i32
    %swap3A_1001 = arith.index_cast %swap3A_1000 : i32 to index
    %swap3A_1002 = arith.constant 400 : index
    %swap3A_1003 = tpu.vector_load %arg11[%swap3A_1001, %swap3A_1002] {strides = array<i32>} : memref<64x512xf32, #tpu.memory_space<vmem>>, vector<1x16xf32>,
    %swap3A_1004 = vector.shape_cast %swap3A_1003 : vector<1x16xf32> to vector<16xf32>
    %swap3A_1005 = vector.shape_cast %broadcast_in_dim3A_3 : vector<16xf32> to vector<1x16xf32>
    tpu.vector_store %arg11[%swap3A_1001, %swap3A_1002], %swap3A_1005 {strides = array<i32>} : memref<64x512xf32, #tpu.memory_space<vmem>>, vector<1x16xf32>,
    %swap3A_1006 = arith.constant 14 : i32
    %swap3A_1007 = arith.index_cast %swap3A_1006 : i32 to index
    %swap3A_1008 = arith.constant 416 : index
    %swap3A_1009 = tpu.vector_load %arg11[%swap3A_1007, %swap3A_1008] {strides = array<i32>} : memref<64x512xf32, #tpu.memory_space<vmem>>, vector<1x16xf32>,
    %swap3A_1010 = vector.shape_cast %swap3A_1009 : vector<1x16xf32> to vector<16xf32>
    %swap3A_1011 = vector.shape_cast %broadcast_in_dim3A_3 : vector<16xf32> to vector<1x16xf32>
    tpu.vector_store %arg11[%swap3A_1007, %swap3A_1008], %swap3A_1011 {strides = array<i32>} : memref<64x512xf32, #tpu.memory_space<vmem>>, vector<1x16xf32>,
    %swap3A_1012 = arith.constant 14 : i32
    %swap3A_1013 = arith.index_cast %swap3A_1012 : i32 to index
    %swap3A_1014 = arith.constant 432 : index
    %swap3A_1015 = tpu.vector_load %arg11[%swap3A_1013, %swap3A_1014] {strides = array<i32>} : memref<64x512xf32, #tpu.memory_space<vmem>>, vector<1x16xf32>,
    %swap3A_1016 = vector.shape_cast %swap3A_1015 : vector<1x16xf32> to vector<16xf32>
    %swap3A_1017 = vector.shape_cast %broadcast_in_dim3A_3 : vector<16xf32> to vector<1x16xf32>
    tpu.vector_store %arg11[%swap3A_1013, %swap3A_1014], %swap3A_1017 {strides = array<i32>} : memref<64x512xf32, #tpu.memory_space<vmem>>, vector<1x16xf32>,
    %swap3A_1018 = arith.constant 14 : i32
    %swap3A_1019 = arith.index_cast %swap3A_1018 : i32 to index
    %swap3A_1020 = arith.constant 448 : index
    %swap3A_1021 = tpu.vector_load %arg11[%swap3A_1019, %swap3A_1020] {strides = array<i32>} : memref<64x512xf32, #tpu.memory_space<vmem>>, vector<1x16xf32>,
    %swap3A_1022 = vector.shape_cast %swap3A_1021 : vector<1x16xf32> to vector<16xf32>
    %swap3A_1023 = vector.shape_cast %broadcast_in_dim3A_3 : vector<16xf32> to vector<1x16xf32>
    tpu.vector_store %arg11[%swap3A_1019, %swap3A_1020], %swap3A_1023 {strides = array<i32>} : memref<64x512xf32, #tpu.memory_space<vmem>>, vector<1x16xf32>,
    %swap3A_1024 = arith.constant 14 : i32
    %swap3A_1025 = arith.index_cast %swap3A_1024 : i32 to index
    %swap3A_1026 = arith.constant 464 : index
    %swap3A_1027 = tpu.vector_load %arg11[%swap3A_1025, %swap3A_1026] {strides = array<i32>} : memref<64x512xf32, #tpu.memory_space<vmem>>, vector<1x16xf32>,
    %swap3A_1028 = vector.shape_cast %swap3A_1027 : vector<1x16xf32> to vector<16xf32>
    %swap3A_1029 = vector.shape_cast %broadcast_in_dim3A_3 : vector<16xf32> to vector<1x16xf32>
    tpu.vector_store %arg11[%swap3A_1025, %swap3A_1026], %swap3A_1029 {strides = array<i32>} : memref<64x512xf32, #tpu.memory_space<vmem>>, vector<1x16xf32>,
    %swap3A_1030 = arith.constant 14 : i32
    %swap3A_1031 = arith.index_cast %swap3A_1030 : i32 to index
    %swap3A_1032 = arith.constant 480 : index
    %swap3A_1033 = tpu.vector_load %arg11[%swap3A_1031, %swap3A_1032] {strides = array<i32>} : memref<64x512xf32, #tpu.memory_space<vmem>>, vector<1x16xf32>,
    %swap3A_1034 = vector.shape_cast %swap3A_1033 : vector<1x16xf32> to vector<16xf32>
    %swap3A_1035 = vector.shape_cast %broadcast_in_dim3A_3 : vector<16xf32> to vector<1x16xf32>
    tpu.vector_store %arg11[%swap3A_1031, %swap3A_1032], %swap3A_1035 {strides = array<i32>} : memref<64x512xf32, #tpu.memory_space<vmem>>, vector<1x16xf32>,
    %swap3A_1036 = arith.constant 14 : i32
    %swap3A_1037 = arith.index_cast %swap3A_1036 : i32 to index
    %swap3A_1038 = arith.constant 496 : index
    %swap3A_1039 = tpu.vector_load %arg11[%swap3A_1037, %swap3A_1038] {strides = array<i32>} : memref<64x512xf32, #tpu.memory_space<vmem>>, vector<1x16xf32>,
    %swap3A_1040 = vector.shape_cast %swap3A_1039 : vector<1x16xf32> to vector<16xf32>
    %swap3A_1041 = vector.shape_cast %broadcast_in_dim3A_3 : vector<16xf32> to vector<1x16xf32>
    tpu.vector_store %arg11[%swap3A_1037, %swap3A_1038], %swap3A_1041 {strides = array<i32>} : memref<64x512xf32, #tpu.memory_space<vmem>>, vector<1x16xf32>,
    %swap3A_1042 = arith.constant 15 : i32
    %swap3A_1043 = arith.index_cast %swap3A_1042 : i32 to index
    %swap3A_1044 = arith.constant 0 : index
    %swap3A_1045 = tpu.vector_load %arg11[%swap3A_1043, %swap3A_1044] {strides = array<i32>} : memref<64x512xf32, #tpu.memory_space<vmem>>, vector<1x16xf32>,
    %swap3A_1046 = vector.shape_cast %swap3A_1045 : vector<1x16xf32> to vector<16xf32>
    %swap3A_1047 = vector.shape_cast %broadcast_in_dim3A_3 : vector<16xf32> to vector<1x16xf32>
    tpu.vector_store %arg11[%swap3A_1043, %swap3A_1044], %swap3A_1047 {strides = array<i32>} : memref<64x512xf32, #tpu.memory_space<vmem>>, vector<1x16xf32>,
    %swap3A_1048 = arith.constant 15 : i32
    %swap3A_1049 = arith.index_cast %swap3A_1048 : i32 to index
    %swap3A_1050 = arith.constant 16 : index
    %swap3A_1051 = tpu.vector_load %arg11[%swap3A_1049, %swap3A_1050] {strides = array<i32>} : memref<64x512xf32, #tpu.memory_space<vmem>>, vector<1x16xf32>,
    %swap3A_1052 = vector.shape_cast %swap3A_1051 : vector<1x16xf32> to vector<16xf32>
    %swap3A_1053 = vector.shape_cast %broadcast_in_dim3A_3 : vector<16xf32> to vector<1x16xf32>
    tpu.vector_store %arg11[%swap3A_1049, %swap3A_1050], %swap3A_1053 {strides = array<i32>} : memref<64x512xf32, #tpu.memory_space<vmem>>, vector<1x16xf32>,
    %swap3A_1054 = arith.constant 15 : i32
    %swap3A_1055 = arith.index_cast %swap3A_1054 : i32 to index
    %swap3A_1056 = arith.constant 32 : index
    %swap3A_1057 = tpu.vector_load %arg11[%swap3A_1055, %swap3A_1056] {strides = array<i32>} : memref<64x512xf32, #tpu.memory_space<vmem>>, vector<1x16xf32>,
    %swap3A_1058 = vector.shape_cast %swap3A_1057 : vector<1x16xf32> to vector<16xf32>
    %swap3A_1059 = vector.shape_cast %broadcast_in_dim3A_3 : vector<16xf32> to vector<1x16xf32>
    tpu.vector_store %arg11[%swap3A_1055, %swap3A_1056], %swap3A_1059 {strides = array<i32>} : memref<64x512xf32, #tpu.memory_space<vmem>>, vector<1x16xf32>,
    %swap3A_1060 = arith.constant 15 : i32
    %swap3A_1061 = arith.index_cast %swap3A_1060 : i32 to index
    %swap3A_1062 = arith.constant 48 : index
    %swap3A_1063 = tpu.vector_load %arg11[%swap3A_1061, %swap3A_1062] {strides = array<i32>} : memref<64x512xf32, #tpu.memory_space<vmem>>, vector<1x16xf32>,
    %swap3A_1064 = vector.shape_cast %swap3A_1063 : vector<1x16xf32> to vector<16xf32>
    %swap3A_1065 = vector.shape_cast %broadcast_in_dim3A_3 : vector<16xf32> to vector<1x16xf32>
    tpu.vector_store %arg11[%swap3A_1061, %swap3A_1062], %swap3A_1065 {strides = array<i32>} : memref<64x512xf32, #tpu.memory_space<vmem>>, vector<1x16xf32>,
    %swap3A_1066 = arith.constant 15 : i32
    %swap3A_1067 = arith.index_cast %swap3A_1066 : i32 to index
    %swap3A_1068 = arith.constant 64 : index
    %swap3A_1069 = tpu.vector_load %arg11[%swap3A_1067, %swap3A_1068] {strides = array<i32>} : memref<64x512xf32, #tpu.memory_space<vmem>>, vector<1x16xf32>,
    %swap3A_1070 = vector.shape_cast %swap3A_1069 : vector<1x16xf32> to vector<16xf32>
    %swap3A_1071 = vector.shape_cast %broadcast_in_dim3A_3 : vector<16xf32> to vector<1x16xf32>
    tpu.vector_store %arg11[%swap3A_1067, %swap3A_1068], %swap3A_1071 {strides = array<i32>} : memref<64x512xf32, #tpu.memory_space<vmem>>, vector<1x16xf32>,
    %swap3A_1072 = arith.constant 15 : i32
    %swap3A_1073 = arith.index_cast %swap3A_1072 : i32 to index
    %swap3A_1074 = arith.constant 80 : index
    %swap3A_1075 = tpu.vector_load %arg11[%swap3A_1073, %swap3A_1074] {strides = array<i32>} : memref<64x512xf32, #tpu.memory_space<vmem>>, vector<1x16xf32>,
    %swap3A_1076 = vector.shape_cast %swap3A_1075 : vector<1x16xf32> to vector<16xf32>
    %swap3A_1077 = vector.shape_cast %broadcast_in_dim3A_3 : vector<16xf32> to vector<1x16xf32>
    tpu.vector_store %arg11[%swap3A_1073, %swap3A_1074], %swap3A_1077 {strides = array<i32>} : memref<64x512xf32, #tpu.memory_space<vmem>>, vector<1x16xf32>,
    %swap3A_1078 = arith.constant 15 : i32
    %swap3A_1079 = arith.index_cast %swap3A_1078 : i32 to index
    %swap3A_1080 = arith.constant 96 : index
    %swap3A_1081 = tpu.vector_load %arg11[%swap3A_1079, %swap3A_1080] {strides = array<i32>} : memref<64x512xf32, #tpu.memory_space<vmem>>, vector<1x16xf32>,
    %swap3A_1082 = vector.shape_cast %swap3A_1081 : vector<1x16xf32> to vector<16xf32>
    %swap3A_1083 = vector.shape_cast %broadcast_in_dim3A_3 : vector<16xf32> to vector<1x16xf32>
    tpu.vector_store %arg11[%swap3A_1079, %swap3A_1080], %swap3A_1083 {strides = array<i32>} : memref<64x512xf32, #tpu.memory_space<vmem>>, vector<1x16xf32>,
    %swap3A_1084 = arith.constant 15 : i32
    %swap3A_1085 = arith.index_cast %swap3A_1084 : i32 to index
    %swap3A_1086 = arith.constant 112 : index
    %swap3A_1087 = tpu.vector_load %arg11[%swap3A_1085, %swap3A_1086] {strides = array<i32>} : memref<64x512xf32, #tpu.memory_space<vmem>>, vector<1x16xf32>,
    %swap3A_1088 = vector.shape_cast %swap3A_1087 : vector<1x16xf32> to vector<16xf32>
    %swap3A_1089 = vector.shape_cast %broadcast_in_dim3A_3 : vector<16xf32> to vector<1x16xf32>
    tpu.vector_store %arg11[%swap3A_1085, %swap3A_1086], %swap3A_1089 {strides = array<i32>} : memref<64x512xf32, #tpu.memory_space<vmem>>, vector<1x16xf32>,
    %swap3A_1090 = arith.constant 15 : i32
    %swap3A_1091 = arith.index_cast %swap3A_1090 : i32 to index
    %swap3A_1092 = arith.constant 128 : index
    %swap3A_1093 = tpu.vector_load %arg11[%swap3A_1091, %swap3A_1092] {strides = array<i32>} : memref<64x512xf32, #tpu.memory_space<vmem>>, vector<1x16xf32>,
    %swap3A_1094 = vector.shape_cast %swap3A_1093 : vector<1x16xf32> to vector<16xf32>
    %swap3A_1095 = vector.shape_cast %broadcast_in_dim3A_3 : vector<16xf32> to vector<1x16xf32>
    tpu.vector_store %arg11[%swap3A_1091, %swap3A_1092], %swap3A_1095 {strides = array<i32>} : memref<64x512xf32, #tpu.memory_space<vmem>>, vector<1x16xf32>,
    %swap3A_1096 = arith.constant 15 : i32
    %swap3A_1097 = arith.index_cast %swap3A_1096 : i32 to index
    %swap3A_1098 = arith.constant 144 : index
    %swap3A_1099 = tpu.vector_load %arg11[%swap3A_1097, %swap3A_1098] {strides = array<i32>} : memref<64x512xf32, #tpu.memory_space<vmem>>, vector<1x16xf32>,
    %swap3A_1100 = vector.shape_cast %swap3A_1099 : vector<1x16xf32> to vector<16xf32>
    %swap3A_1101 = vector.shape_cast %broadcast_in_dim3A_3 : vector<16xf32> to vector<1x16xf32>
    tpu.vector_store %arg11[%swap3A_1097, %swap3A_1098], %swap3A_1101 {strides = array<i32>} : memref<64x512xf32, #tpu.memory_space<vmem>>, vector<1x16xf32>,
    %swap3A_1102 = arith.constant 15 : i32
    %swap3A_1103 = arith.index_cast %swap3A_1102 : i32 to index
    %swap3A_1104 = arith.constant 160 : index
    %swap3A_1105 = tpu.vector_load %arg11[%swap3A_1103, %swap3A_1104] {strides = array<i32>} : memref<64x512xf32, #tpu.memory_space<vmem>>, vector<1x16xf32>,
    %swap3A_1106 = vector.shape_cast %swap3A_1105 : vector<1x16xf32> to vector<16xf32>
    %swap3A_1107 = vector.shape_cast %broadcast_in_dim3A_3 : vector<16xf32> to vector<1x16xf32>
    tpu.vector_store %arg11[%swap3A_1103, %swap3A_1104], %swap3A_1107 {strides = array<i32>} : memref<64x512xf32, #tpu.memory_space<vmem>>, vector<1x16xf32>,
    %swap3A_1108 = arith.constant 15 : i32
    %swap3A_1109 = arith.index_cast %swap3A_1108 : i32 to index
    %swap3A_1110 = arith.constant 176 : index
    %swap3A_1111 = tpu.vector_load %arg11[%swap3A_1109, %swap3A_1110] {strides = array<i32>} : memref<64x512xf32, #tpu.memory_space<vmem>>, vector<1x16xf32>,
    %swap3A_1112 = vector.shape_cast %swap3A_1111 : vector<1x16xf32> to vector<16xf32>
    %swap3A_1113 = vector.shape_cast %broadcast_in_dim3A_3 : vector<16xf32> to vector<1x16xf32>
    tpu.vector_store %arg11[%swap3A_1109, %swap3A_1110], %swap3A_1113 {strides = array<i32>} : memref<64x512xf32, #tpu.memory_space<vmem>>, vector<1x16xf32>,
    %swap3A_1114 = arith.constant 15 : i32
    %swap3A_1115 = arith.index_cast %swap3A_1114 : i32 to index
    %swap3A_1116 = arith.constant 192 : index
    %swap3A_1117 = tpu.vector_load %arg11[%swap3A_1115, %swap3A_1116] {strides = array<i32>} : memref<64x512xf32, #tpu.memory_space<vmem>>, vector<1x16xf32>,
    %swap3A_1118 = vector.shape_cast %swap3A_1117 : vector<1x16xf32> to vector<16xf32>
    %swap3A_1119 = vector.shape_cast %broadcast_in_dim3A_3 : vector<16xf32> to vector<1x16xf32>
    tpu.vector_store %arg11[%swap3A_1115, %swap3A_1116], %swap3A_1119 {strides = array<i32>} : memref<64x512xf32, #tpu.memory_space<vmem>>, vector<1x16xf32>,
    %swap3A_1120 = arith.constant 15 : i32
    %swap3A_1121 = arith.index_cast %swap3A_1120 : i32 to index
    %swap3A_1122 = arith.constant 208 : index
    %swap3A_1123 = tpu.vector_load %arg11[%swap3A_1121, %swap3A_1122] {strides = array<i32>} : memref<64x512xf32, #tpu.memory_space<vmem>>, vector<1x16xf32>,
    %swap3A_1124 = vector.shape_cast %swap3A_1123 : vector<1x16xf32> to vector<16xf32>
    %swap3A_1125 = vector.shape_cast %broadcast_in_dim3A_3 : vector<16xf32> to vector<1x16xf32>
    tpu.vector_store %arg11[%swap3A_1121, %swap3A_1122], %swap3A_1125 {strides = array<i32>} : memref<64x512xf32, #tpu.memory_space<vmem>>, vector<1x16xf32>,
    %swap3A_1126 = arith.constant 15 : i32
    %swap3A_1127 = arith.index_cast %swap3A_1126 : i32 to index
    %swap3A_1128 = arith.constant 224 : index
    %swap3A_1129 = tpu.vector_load %arg11[%swap3A_1127, %swap3A_1128] {strides = array<i32>} : memref<64x512xf32, #tpu.memory_space<vmem>>, vector<1x16xf32>,
    %swap3A_1130 = vector.shape_cast %swap3A_1129 : vector<1x16xf32> to vector<16xf32>
    %swap3A_1131 = vector.shape_cast %broadcast_in_dim3A_3 : vector<16xf32> to vector<1x16xf32>
    tpu.vector_store %arg11[%swap3A_1127, %swap3A_1128], %swap3A_1131 {strides = array<i32>} : memref<64x512xf32, #tpu.memory_space<vmem>>, vector<1x16xf32>,
    %swap3A_1132 = arith.constant 15 : i32
    %swap3A_1133 = arith.index_cast %swap3A_1132 : i32 to index
    %swap3A_1134 = arith.constant 240 : index
    %swap3A_1135 = tpu.vector_load %arg11[%swap3A_1133, %swap3A_1134] {strides = array<i32>} : memref<64x512xf32, #tpu.memory_space<vmem>>, vector<1x16xf32>,
    %swap3A_1136 = vector.shape_cast %swap3A_1135 : vector<1x16xf32> to vector<16xf32>
    %swap3A_1137 = vector.shape_cast %broadcast_in_dim3A_3 : vector<16xf32> to vector<1x16xf32>
    tpu.vector_store %arg11[%swap3A_1133, %swap3A_1134], %swap3A_1137 {strides = array<i32>} : memref<64x512xf32, #tpu.memory_space<vmem>>, vector<1x16xf32>,
    %swap3A_1138 = arith.constant 15 : i32
    %swap3A_1139 = arith.index_cast %swap3A_1138 : i32 to index
    %swap3A_1140 = arith.constant 256 : index
    %swap3A_1141 = tpu.vector_load %arg11[%swap3A_1139, %swap3A_1140] {strides = array<i32>} : memref<64x512xf32, #tpu.memory_space<vmem>>, vector<1x16xf32>,
    %swap3A_1142 = vector.shape_cast %swap3A_1141 : vector<1x16xf32> to vector<16xf32>
    %swap3A_1143 = vector.shape_cast %broadcast_in_dim3A_3 : vector<16xf32> to vector<1x16xf32>
    tpu.vector_store %arg11[%swap3A_1139, %swap3A_1140], %swap3A_1143 {strides = array<i32>} : memref<64x512xf32, #tpu.memory_space<vmem>>, vector<1x16xf32>,
    %swap3A_1144 = arith.constant 15 : i32
    %swap3A_1145 = arith.index_cast %swap3A_1144 : i32 to index
    %swap3A_1146 = arith.constant 272 : index
    %swap3A_1147 = tpu.vector_load %arg11[%swap3A_1145, %swap3A_1146] {strides = array<i32>} : memref<64x512xf32, #tpu.memory_space<vmem>>, vector<1x16xf32>,
    %swap3A_1148 = vector.shape_cast %swap3A_1147 : vector<1x16xf32> to vector<16xf32>
    %swap3A_1149 = vector.shape_cast %broadcast_in_dim3A_3 : vector<16xf32> to vector<1x16xf32>
    tpu.vector_store %arg11[%swap3A_1145, %swap3A_1146], %swap3A_1149 {strides = array<i32>} : memref<64x512xf32, #tpu.memory_space<vmem>>, vector<1x16xf32>,
    %swap3A_1150 = arith.constant 15 : i32
    %swap3A_1151 = arith.index_cast %swap3A_1150 : i32 to index
    %swap3A_1152 = arith.constant 288 : index
    %swap3A_1153 = tpu.vector_load %arg11[%swap3A_1151, %swap3A_1152] {strides = array<i32>} : memref<64x512xf32, #tpu.memory_space<vmem>>, vector<1x16xf32>,
    %swap3A_1154 = vector.shape_cast %swap3A_1153 : vector<1x16xf32> to vector<16xf32>
    %swap3A_1155 = vector.shape_cast %broadcast_in_dim3A_3 : vector<16xf32> to vector<1x16xf32>
    tpu.vector_store %arg11[%swap3A_1151, %swap3A_1152], %swap3A_1155 {strides = array<i32>} : memref<64x512xf32, #tpu.memory_space<vmem>>, vector<1x16xf32>,
    %swap3A_1156 = arith.constant 15 : i32
    %swap3A_1157 = arith.index_cast %swap3A_1156 : i32 to index
    %swap3A_1158 = arith.constant 304 : index
    %swap3A_1159 = tpu.vector_load %arg11[%swap3A_1157, %swap3A_1158] {strides = array<i32>} : memref<64x512xf32, #tpu.memory_space<vmem>>, vector<1x16xf32>,
    %swap3A_1160 = vector.shape_cast %swap3A_1159 : vector<1x16xf32> to vector<16xf32>
    %swap3A_1161 = vector.shape_cast %broadcast_in_dim3A_3 : vector<16xf32> to vector<1x16xf32>
    tpu.vector_store %arg11[%swap3A_1157, %swap3A_1158], %swap3A_1161 {strides = array<i32>} : memref<64x512xf32, #tpu.memory_space<vmem>>, vector<1x16xf32>,
    %swap3A_1162 = arith.constant 15 : i32
    %swap3A_1163 = arith.index_cast %swap3A_1162 : i32 to index
    %swap3A_1164 = arith.constant 320 : index
    %swap3A_1165 = tpu.vector_load %arg11[%swap3A_1163, %swap3A_1164] {strides = array<i32>} : memref<64x512xf32, #tpu.memory_space<vmem>>, vector<1x16xf32>,
    %swap3A_1166 = vector.shape_cast %swap3A_1165 : vector<1x16xf32> to vector<16xf32>
    %swap3A_1167 = vector.shape_cast %broadcast_in_dim3A_3 : vector<16xf32> to vector<1x16xf32>
    tpu.vector_store %arg11[%swap3A_1163, %swap3A_1164], %swap3A_1167 {strides = array<i32>} : memref<64x512xf32, #tpu.memory_space<vmem>>, vector<1x16xf32>,
    %swap3A_1168 = arith.constant 15 : i32
    %swap3A_1169 = arith.index_cast %swap3A_1168 : i32 to index
    %swap3A_1170 = arith.constant 336 : index
    %swap3A_1171 = tpu.vector_load %arg11[%swap3A_1169, %swap3A_1170] {strides = array<i32>} : memref<64x512xf32, #tpu.memory_space<vmem>>, vector<1x16xf32>,
    %swap3A_1172 = vector.shape_cast %swap3A_1171 : vector<1x16xf32> to vector<16xf32>
    %swap3A_1173 = vector.shape_cast %broadcast_in_dim3A_3 : vector<16xf32> to vector<1x16xf32>
    tpu.vector_store %arg11[%swap3A_1169, %swap3A_1170], %swap3A_1173 {strides = array<i32>} : memref<64x512xf32, #tpu.memory_space<vmem>>, vector<1x16xf32>,
    %swap3A_1174 = arith.constant 15 : i32
    %swap3A_1175 = arith.index_cast %swap3A_1174 : i32 to index
    %swap3A_1176 = arith.constant 352 : index
    %swap3A_1177 = tpu.vector_load %arg11[%swap3A_1175, %swap3A_1176] {strides = array<i32>} : memref<64x512xf32, #tpu.memory_space<vmem>>, vector<1x16xf32>,
    %swap3A_1178 = vector.shape_cast %swap3A_1177 : vector<1x16xf32> to vector<16xf32>
    %swap3A_1179 = vector.shape_cast %broadcast_in_dim3A_3 : vector<16xf32> to vector<1x16xf32>
    tpu.vector_store %arg11[%swap3A_1175, %swap3A_1176], %swap3A_1179 {strides = array<i32>} : memref<64x512xf32, #tpu.memory_space<vmem>>, vector<1x16xf32>,
    %swap3A_1180 = arith.constant 15 : i32
    %swap3A_1181 = arith.index_cast %swap3A_1180 : i32 to index
    %swap3A_1182 = arith.constant 368 : index
    %swap3A_1183 = tpu.vector_load %arg11[%swap3A_1181, %swap3A_1182] {strides = array<i32>} : memref<64x512xf32, #tpu.memory_space<vmem>>, vector<1x16xf32>,
    %swap3A_1184 = vector.shape_cast %swap3A_1183 : vector<1x16xf32> to vector<16xf32>
    %swap3A_1185 = vector.shape_cast %broadcast_in_dim3A_3 : vector<16xf32> to vector<1x16xf32>
    tpu.vector_store %arg11[%swap3A_1181, %swap3A_1182], %swap3A_1185 {strides = array<i32>} : memref<64x512xf32, #tpu.memory_space<vmem>>, vector<1x16xf32>,
    %swap3A_1186 = arith.constant 15 : i32
    %swap3A_1187 = arith.index_cast %swap3A_1186 : i32 to index
    %swap3A_1188 = arith.constant 384 : index
    %swap3A_1189 = tpu.vector_load %arg11[%swap3A_1187, %swap3A_1188] {strides = array<i32>} : memref<64x512xf32, #tpu.memory_space<vmem>>, vector<1x16xf32>,
    %swap3A_1190 = vector.shape_cast %swap3A_1189 : vector<1x16xf32> to vector<16xf32>
    %swap3A_1191 = vector.shape_cast %broadcast_in_dim3A_3 : vector<16xf32> to vector<1x16xf32>
    tpu.vector_store %arg11[%swap3A_1187, %swap3A_1188], %swap3A_1191 {strides = array<i32>} : memref<64x512xf32, #tpu.memory_space<vmem>>, vector<1x16xf32>,
    %swap3A_1192 = arith.constant 15 : i32
    %swap3A_1193 = arith.index_cast %swap3A_1192 : i32 to index
    %swap3A_1194 = arith.constant 400 : index
    %swap3A_1195 = tpu.vector_load %arg11[%swap3A_1193, %swap3A_1194] {strides = array<i32>} : memref<64x512xf32, #tpu.memory_space<vmem>>, vector<1x16xf32>,
    %swap3A_1196 = vector.shape_cast %swap3A_1195 : vector<1x16xf32> to vector<16xf32>
    %swap3A_1197 = vector.shape_cast %broadcast_in_dim3A_3 : vector<16xf32> to vector<1x16xf32>
    tpu.vector_store %arg11[%swap3A_1193, %swap3A_1194], %swap3A_1197 {strides = array<i32>} : memref<64x512xf32, #tpu.memory_space<vmem>>, vector<1x16xf32>,
    %swap3A_1198 = arith.constant 15 : i32
    %swap3A_1199 = arith.index_cast %swap3A_1198 : i32 to index
    %swap3A_1200 = arith.constant 416 : index
    %swap3A_1201 = tpu.vector_load %arg11[%swap3A_1199, %swap3A_1200] {strides = array<i32>} : memref<64x512xf32, #tpu.memory_space<vmem>>, vector<1x16xf32>,
    %swap3A_1202 = vector.shape_cast %swap3A_1201 : vector<1x16xf32> to vector<16xf32>
    %swap3A_1203 = vector.shape_cast %broadcast_in_dim3A_3 : vector<16xf32> to vector<1x16xf32>
    tpu.vector_store %arg11[%swap3A_1199, %swap3A_1200], %swap3A_1203 {strides = array<i32>} : memref<64x512xf32, #tpu.memory_space<vmem>>, vector<1x16xf32>,
    %swap3A_1204 = arith.constant 15 : i32
    %swap3A_1205 = arith.index_cast %swap3A_1204 : i32 to index
    %swap3A_1206 = arith.constant 432 : index
    %swap3A_1207 = tpu.vector_load %arg11[%swap3A_1205, %swap3A_1206] {strides = array<i32>} : memref<64x512xf32, #tpu.memory_space<vmem>>, vector<1x16xf32>,
    %swap3A_1208 = vector.shape_cast %swap3A_1207 : vector<1x16xf32> to vector<16xf32>
    %swap3A_1209 = vector.shape_cast %broadcast_in_dim3A_3 : vector<16xf32> to vector<1x16xf32>
    tpu.vector_store %arg11[%swap3A_1205, %swap3A_1206], %swap3A_1209 {strides = array<i32>} : memref<64x512xf32, #tpu.memory_space<vmem>>, vector<1x16xf32>,
    %swap3A_1210 = arith.constant 15 : i32
    %swap3A_1211 = arith.index_cast %swap3A_1210 : i32 to index
    %swap3A_1212 = arith.constant 448 : index
    %swap3A_1213 = tpu.vector_load %arg11[%swap3A_1211, %swap3A_1212] {strides = array<i32>} : memref<64x512xf32, #tpu.memory_space<vmem>>, vector<1x16xf32>,
    %swap3A_1214 = vector.shape_cast %swap3A_1213 : vector<1x16xf32> to vector<16xf32>
    %swap3A_1215 = vector.shape_cast %broadcast_in_dim3A_3 : vector<16xf32> to vector<1x16xf32>
    tpu.vector_store %arg11[%swap3A_1211, %swap3A_1212], %swap3A_1215 {strides = array<i32>} : memref<64x512xf32, #tpu.memory_space<vmem>>, vector<1x16xf32>,
    %swap3A_1216 = arith.constant 15 : i32
    %swap3A_1217 = arith.index_cast %swap3A_1216 : i32 to index
    %swap3A_1218 = arith.constant 464 : index
    %swap3A_1219 = tpu.vector_load %arg11[%swap3A_1217, %swap3A_1218] {strides = array<i32>} : memref<64x512xf32, #tpu.memory_space<vmem>>, vector<1x16xf32>,
    %swap3A_1220 = vector.shape_cast %swap3A_1219 : vector<1x16xf32> to vector<16xf32>
    %swap3A_1221 = vector.shape_cast %broadcast_in_dim3A_3 : vector<16xf32> to vector<1x16xf32>
    tpu.vector_store %arg11[%swap3A_1217, %swap3A_1218], %swap3A_1221 {strides = array<i32>} : memref<64x512xf32, #tpu.memory_space<vmem>>, vector<1x16xf32>,
    %swap3A_1222 = arith.constant 15 : i32
    %swap3A_1223 = arith.index_cast %swap3A_1222 : i32 to index
    %swap3A_1224 = arith.constant 480 : index
    %swap3A_1225 = tpu.vector_load %arg11[%swap3A_1223, %swap3A_1224] {strides = array<i32>} : memref<64x512xf32, #tpu.memory_space<vmem>>, vector<1x16xf32>,
    %swap3A_1226 = vector.shape_cast %swap3A_1225 : vector<1x16xf32> to vector<16xf32>
    %swap3A_1227 = vector.shape_cast %broadcast_in_dim3A_3 : vector<16xf32> to vector<1x16xf32>
    tpu.vector_store %arg11[%swap3A_1223, %swap3A_1224], %swap3A_1227 {strides = array<i32>} : memref<64x512xf32, #tpu.memory_space<vmem>>, vector<1x16xf32>,
    %swap3A_1228 = arith.constant 15 : i32
    %swap3A_1229 = arith.index_cast %swap3A_1228 : i32 to index
    %swap3A_1230 = arith.constant 496 : index
    %swap3A_1231 = tpu.vector_load %arg11[%swap3A_1229, %swap3A_1230] {strides = array<i32>} : memref<64x512xf32, #tpu.memory_space<vmem>>, vector<1x16xf32>,
    %swap3A_1232 = vector.shape_cast %swap3A_1231 : vector<1x16xf32> to vector<16xf32>
    %swap3A_1233 = vector.shape_cast %broadcast_in_dim3A_3 : vector<16xf32> to vector<1x16xf32>
    tpu.vector_store %arg11[%swap3A_1229, %swap3A_1230], %swap3A_1233 {strides = array<i32>} : memref<64x512xf32, #tpu.memory_space<vmem>>, vector<1x16xf32>,
    "tpu.region"() ({
      %run_scoped3A = tpu.sem_alloc : memref<!tpu.dma_semaphore, #tpu.memory_space<semaphore_mem>>
      %dma_start3A_1355 = arith.constant 16 : i32
      %dma_start3A_1356 = arith.constant 0 : i32
      %dma_start3A_1357 = tpu.memref_slice %arg11[%dma_start3A_1355, %dma_start3A_1356] : memref<64x512xf32, #tpu.memory_space<vmem>> -> memref<8x512xf32, #tpu.memory_space<vmem>>
      %dma_start3A_1358 = arith.constant 16 : i32
      %dma_start3A_1359 = arith.constant 0 : i32
      %dma_start3A_1360 = tpu.memref_slice %arg11[%dma_start3A_1358, %dma_start3A_1359] : memref<64x512xf32, #tpu.memory_space<vmem>> -> memref<8x512xf32, #tpu.memory_space<vmem>>
      tpu.enqueue_dma source(%arg7 : memref<8x512xf32, #tpu.memory_space<hbm>>) target(%dma_start3A_1360 : memref<8x512xf32, #tpu.memory_space<vmem>>) target_semaphore(%run_scoped3A : memref<!tpu.dma_semaphore, #tpu.memory_space<semaphore_mem>>)
      %dma_wait3A_1361 = arith.constant 16 : i32
      %dma_wait3A_1362 = arith.constant 0 : i32
      %dma_wait3A_1363 = tpu.memref_slice %arg11[%dma_wait3A_1361, %dma_wait3A_1362] : memref<64x512xf32, #tpu.memory_space<vmem>> -> memref<8x512xf32, #tpu.memory_space<vmem>>
      %dma_wait3A_1364 = arith.constant 16 : i32
      %dma_wait3A_1365 = arith.constant 0 : i32
      %dma_wait3A_1366 = tpu.memref_slice %arg11[%dma_wait3A_1364, %dma_wait3A_1365] : memref<64x512xf32, #tpu.memory_space<vmem>> -> memref<8x512xf32, #tpu.memory_space<vmem>>
      tpu.wait_dma2 semaphore(%run_scoped3A : memref<!tpu.dma_semaphore, #tpu.memory_space<semaphore_mem>>) src(%arg7 : memref<8x512xf32, #tpu.memory_space<hbm>>) dst(%dma_wait3A_1366 : memref<8x512xf32, #tpu.memory_space<vmem>>)
      tpu.yield
    }) : () -> ()
    "tpu.region"() ({
      %run_scoped3A = tpu.sem_alloc : memref<!tpu.dma_semaphore, #tpu.memory_space<semaphore_mem>>
      %dma_start3A_1355 = arith.constant 0 : i32
      %dma_start3A_1356 = arith.constant 0 : i32
      %dma_start3A_1357 = tpu.memref_slice %arg11[%dma_start3A_1355, %dma_start3A_1356] : memref<64x512xf32, #tpu.memory_space<vmem>> -> memref<24x512xf32, #tpu.memory_space<vmem>>
      %dma_start3A_1358 = arith.constant 0 : i32
      %dma_start3A_1359 = arith.constant 0 : i32
      %dma_start3A_1360 = tpu.memref_slice %arg10[%add3A_829, %dma_start3A_1358, %dma_start3A_1359] : memref<96x24x512xf32, #tpu.memory_space<hbm>> -> memref<1x24x512xf32, #tpu.memory_space<hbm>>
      %dma_start3A_1361 = tpu.memref_squeeze %dma_start3A_1360 : memref<1x24x512xf32, #tpu.memory_space<hbm>> -> memref<24x512xf32, #tpu.memory_space<hbm>>
      %dma_start3A_1362 = arith.constant 0 : i32
      %dma_start3A_1363 = arith.constant 0 : i32
      %dma_start3A_1364 = tpu.memref_slice %arg10[%add3A_829, %dma_start3A_1362, %dma_start3A_1363] : memref<96x24x512xf32, #tpu.memory_space<hbm>> -> memref<1x24x512xf32, #tpu.memory_space<hbm>>
      %dma_start3A_1365 = tpu.memref_squeeze %dma_start3A_1364 : memref<1x24x512xf32, #tpu.memory_space<hbm>> -> memref<24x512xf32, #tpu.memory_space<hbm>>
      %dma_start3A_1366 = arith.constant 0 : i32
      %dma_start3A_1367 = arith.constant 0 : i32
      %dma_start3A_1368 = tpu.memref_slice %arg11[%dma_start3A_1366, %dma_start3A_1367] : memref<64x512xf32, #tpu.memory_space<vmem>> -> memref<24x512xf32, #tpu.memory_space<vmem>>
      tpu.enqueue_dma source(%dma_start3A_1368 : memref<24x512xf32, #tpu.memory_space<vmem>>) target(%dma_start3A_1365 : memref<24x512xf32, #tpu.memory_space<hbm>>) target_semaphore(%run_scoped3A : memref<!tpu.dma_semaphore, #tpu.memory_space<semaphore_mem>>)
      %dma_wait3A_1369 = arith.constant 0 : i32
      %dma_wait3A_1370 = arith.constant 0 : i32
      %dma_wait3A_1371 = tpu.memref_slice %arg11[%dma_wait3A_1369, %dma_wait3A_1370] : memref<64x512xf32, #tpu.memory_space<vmem>> -> memref<24x512xf32, #tpu.memory_space<vmem>>
      %dma_wait3A_1372 = arith.constant 0 : i32
      %dma_wait3A_1373 = arith.constant 0 : i32
      %dma_wait3A_1374 = tpu.memref_slice %arg10[%add3A_829, %dma_wait3A_1372, %dma_wait3A_1373] : memref<96x24x512xf32, #tpu.memory_space<hbm>> -> memref<1x24x512xf32, #tpu.memory_space<hbm>>
      %dma_wait3A_1375 = tpu.memref_squeeze %dma_wait3A_1374 : memref<1x24x512xf32, #tpu.memory_space<hbm>> -> memref<24x512xf32, #tpu.memory_space<hbm>>
      %dma_wait3A_1376 = arith.constant 0 : i32
      %dma_wait3A_1377 = arith.constant 0 : i32
      %dma_wait3A_1378 = tpu.memref_slice %arg10[%add3A_829, %dma_wait3A_1376, %dma_wait3A_1377] : memref<96x24x512xf32, #tpu.memory_space<hbm>> -> memref<1x24x512xf32, #tpu.memory_space<hbm>>
      %dma_wait3A_1379 = tpu.memref_squeeze %dma_wait3A_1378 : memref<1x24x512xf32, #tpu.memory_space<hbm>> -> memref<24x512xf32, #tpu.memory_space<hbm>>
      %dma_wait3A_1380 = arith.constant 0 : i32
      %dma_wait3A_1381 = arith.constant 0 : i32
      %dma_wait3A_1382 = tpu.memref_slice %arg11[%dma_wait3A_1380, %dma_wait3A_1381] : memref<64x512xf32, #tpu.memory_space<vmem>> -> memref<24x512xf32, #tpu.memory_space<vmem>>
      tpu.wait_dma2 semaphore(%run_scoped3A : memref<!tpu.dma_semaphore, #tpu.memory_space<semaphore_mem>>) src(%dma_wait3A_1382 : memref<24x512xf32, #tpu.memory_space<vmem>>) dst(%dma_wait3A_1379 : memref<24x512xf32, #tpu.memory_space<hbm>>)
      tpu.yield
    }) : () -> ()
    %barrier3A = arith.constant 0 : index
    tpu.barrier barrier_id(%barrier3A)
    %mul3A_1234 = arith.constant 16 : i32
    %mul3A_1235 = arith.muli %mul3A_2, %mul3A_1234 : i32
    "tpu.region"() ({
      %run_scoped3A = tpu.sem_alloc : memref<!tpu.dma_semaphore, #tpu.memory_space<semaphore_mem>>
      %dma_start3A_1355 = tpu.memref_slice %arg4[%mul3A_1235] : memref<32768xi32, #tpu.memory_space<hbm>> -> memref<1024xi32, #tpu.memory_space<hbm>>
      %dma_start3A_1356 = tpu.memref_slice %arg4[%mul3A_1235] : memref<32768xi32, #tpu.memory_space<hbm>> -> memref<1024xi32, #tpu.memory_space<hbm>>
      tpu.enqueue_dma source(%dma_start3A_1356 : memref<1024xi32, #tpu.memory_space<hbm>>) target(%arg14 : memref<1024xi32, #tpu.memory_space<vmem>>) target_semaphore(%run_scoped3A : memref<!tpu.dma_semaphore, #tpu.memory_space<semaphore_mem>>)
      %dma_wait3A_1357 = tpu.memref_slice %arg4[%mul3A_1235] : memref<32768xi32, #tpu.memory_space<hbm>> -> memref<1024xi32, #tpu.memory_space<hbm>>
      %dma_wait3A_1358 = tpu.memref_slice %arg4[%mul3A_1235] : memref<32768xi32, #tpu.memory_space<hbm>> -> memref<1024xi32, #tpu.memory_space<hbm>>
      tpu.wait_dma2 semaphore(%run_scoped3A : memref<!tpu.dma_semaphore, #tpu.memory_space<semaphore_mem>>) src(%dma_wait3A_1358 : memref<1024xi32, #tpu.memory_space<hbm>>) dst(%arg14 : memref<1024xi32, #tpu.memory_space<vmem>>)
      tpu.yield
    }) : () -> ()
    %mul3A_1236 = arith.constant 16 : i32
    %mul3A_1237 = arith.muli %add3A, %mul3A_1236 : i32
    "tpu.region"() ({
      %run_scoped3A = tpu.sem_alloc : memref<!tpu.dma_semaphore, #tpu.memory_space<semaphore_mem>>
      %dma_start3A_1355 = arith.constant 0 : i32
      %dma_start3A_1356 = tpu.memref_slice %arg5[%mul3A_1237, %dma_start3A_1355] : memref<512x8xi32, #tpu.memory_space<hbm>> -> memref<16x8xi32, #tpu.memory_space<hbm>>
      %dma_start3A_1357 = arith.constant 0 : i32
      %dma_start3A_1358 = tpu.memref_slice %arg5[%mul3A_1237, %dma_start3A_1357] : memref<512x8xi32, #tpu.memory_space<hbm>> -> memref<16x8xi32, #tpu.memory_space<hbm>>
      tpu.enqueue_dma source(%dma_start3A_1358 : memref<16x8xi32, #tpu.memory_space<hbm>>) target(%arg15 : memref<16x8xi32, #tpu.memory_space<vmem>>) target_semaphore(%run_scoped3A : memref<!tpu.dma_semaphore, #tpu.memory_space<semaphore_mem>>)
      %dma_wait3A_1359 = arith.constant 0 : i32
      %dma_wait3A_1360 = tpu.memref_slice %arg5[%mul3A_1237, %dma_wait3A_1359] : memref<512x8xi32, #tpu.memory_space<hbm>> -> memref<16x8xi32, #tpu.memory_space<hbm>>
      %dma_wait3A_1361 = arith.constant 0 : i32
      %dma_wait3A_1362 = tpu.memref_slice %arg5[%mul3A_1237, %dma_wait3A_1361] : memref<512x8xi32, #tpu.memory_space<hbm>> -> memref<16x8xi32, #tpu.memory_space<hbm>>
      tpu.wait_dma2 semaphore(%run_scoped3A : memref<!tpu.dma_semaphore, #tpu.memory_space<semaphore_mem>>) src(%dma_wait3A_1362 : memref<16x8xi32, #tpu.memory_space<hbm>>) dst(%arg15 : memref<16x8xi32, #tpu.memory_space<vmem>>)
      tpu.yield
    }) : () -> ()
    %iota3A = tpu.iota {dimensions = array<i32: 0>} : vector<16xi32>
    %broadcast_in_dim3A_1238 = arith.constant 1.000000e+00 : f32
    %broadcast_in_dim3A_1239 = vector.broadcast %broadcast_in_dim3A_1238 : f32 to vector<16xf32>
    %scan3A = arith.constant 0 : i32
    %scan3A_1240 = arith.constant 0 : i32
    %scan3A_1241 = arith.constant 16 : i32
    %scan3A_1242 = arith.addi %scan3A_1240, %scan3A_1241 : i32
    %scan3A_1243 = arith.constant 1 : i32
    scf.for %scan3A_1355 = %scan3A_1240 to %scan3A_1242 step %scan3A_1243  : i32 {
      %gt3A = arith.constant 0 : i32
      %gt3A_1356 = arith.cmpi sgt, %scan3A_1355, %gt3A : i32
      %convert_element_type3A = arith.extui %gt3A_1356 : i1 to i32
      %cond3A = arith.constant 0 : i32
      %cond3A_1357 = arith.cmpi ne, %convert_element_type3A, %cond3A : i32
      scf.if %cond3A_1357 {
        %dma_wait3A_3185 = arith.constant 0 : i32
        %dma_wait3A_3186 = arith.constant 0 : i32
        %dma_wait3A_3187 = tpu.memref_slice %arg11[%dma_wait3A_3185, %dma_wait3A_3186] : memref<64x512xf32, #tpu.memory_space<vmem>> -> memref<16x512xf32, #tpu.memory_space<vmem>>
        %dma_wait3A_3188 = arith.constant 0 : i32
        %dma_wait3A_3189 = arith.constant 0 : i32
        %dma_wait3A_3190 = tpu.memref_slice %arg8[%dma_wait3A_3188, %dma_wait3A_3189] : memref<81920x512xf32, #tpu.memory_space<hbm>> -> memref<16x512xf32, #tpu.memory_space<hbm>>
        %dma_wait3A_3191 = arith.constant 0 : i32
        %dma_wait3A_3192 = arith.constant 0 : i32
        %dma_wait3A_3193 = tpu.memref_slice %arg8[%dma_wait3A_3191, %dma_wait3A_3192] : memref<81920x512xf32, #tpu.memory_space<hbm>> -> memref<16x512xf32, #tpu.memory_space<hbm>>
        %dma_wait3A_3194 = arith.constant 0 : i32
        %dma_wait3A_3195 = arith.constant 0 : i32
        %dma_wait3A_3196 = tpu.memref_slice %arg11[%dma_wait3A_3194, %dma_wait3A_3195] : memref<64x512xf32, #tpu.memory_space<vmem>> -> memref<16x512xf32, #tpu.memory_space<vmem>>
        tpu.wait_dma2 semaphore(%arg18 : memref<!tpu.dma_semaphore, #tpu.memory_space<semaphore_mem>>) src(%dma_wait3A_3196 : memref<16x512xf32, #tpu.memory_space<vmem>>) dst(%dma_wait3A_3193 : memref<16x512xf32, #tpu.memory_space<hbm>>)
        %dma_wait3A_3197 = arith.constant 0 : i32
        %dma_wait3A_3198 = arith.constant 0 : i32
        %dma_wait3A_3199 = arith.constant 0 : i32
        %dma_wait3A_3200 = tpu.memref_slice %arg12[%dma_wait3A_3197, %dma_wait3A_3198, %dma_wait3A_3199] : memref<4x24x512xf32, #tpu.memory_space<vmem>> -> memref<1x24x512xf32, #tpu.memory_space<vmem>>
        %dma_wait3A_3201 = tpu.memref_squeeze %dma_wait3A_3200 : memref<1x24x512xf32, #tpu.memory_space<vmem>> -> memref<24x512xf32, #tpu.memory_space<vmem>>
        %dma_wait3A_3202 = arith.constant 0 : i32
        %dma_wait3A_3203 = arith.constant 0 : i32
        %dma_wait3A_3204 = tpu.memref_slice %arg8[%dma_wait3A_3202, %dma_wait3A_3203] : memref<81920x512xf32, #tpu.memory_space<hbm>> -> memref<24x512xf32, #tpu.memory_space<hbm>>
        %dma_wait3A_3205 = arith.constant 0 : i32
        %dma_wait3A_3206 = arith.constant 0 : i32
        %dma_wait3A_3207 = tpu.memref_slice %arg8[%dma_wait3A_3205, %dma_wait3A_3206] : memref<81920x512xf32, #tpu.memory_space<hbm>> -> memref<24x512xf32, #tpu.memory_space<hbm>>
        %dma_wait3A_3208 = arith.constant 0 : i32
        %dma_wait3A_3209 = arith.constant 0 : i32
        %dma_wait3A_3210 = tpu.memref_slice %arg12[%dma_wait3A_3197, %dma_wait3A_3208, %dma_wait3A_3209] : memref<4x24x512xf32, #tpu.memory_space<vmem>> -> memref<1x24x512xf32, #tpu.memory_space<vmem>>
        %dma_wait3A_3211 = tpu.memref_squeeze %dma_wait3A_3210 : memref<1x24x512xf32, #tpu.memory_space<vmem>> -> memref<24x512xf32, #tpu.memory_space<vmem>>
        tpu.wait_dma2 semaphore(%arg18 : memref<!tpu.dma_semaphore, #tpu.memory_space<semaphore_mem>>) src(%dma_wait3A_3211 : memref<24x512xf32, #tpu.memory_space<vmem>>) dst(%dma_wait3A_3207 : memref<24x512xf32, #tpu.memory_space<hbm>>)
        %dma_wait3A_3212 = arith.constant 0 : i32
        %dma_wait3A_3213 = arith.constant 0 : i32
        %dma_wait3A_3214 = tpu.memref_slice %arg11[%dma_wait3A_3212, %dma_wait3A_3213] : memref<64x512xf32, #tpu.memory_space<vmem>> -> memref<16x512xf32, #tpu.memory_space<vmem>>
        %dma_wait3A_3215 = arith.constant 0 : i32
        %dma_wait3A_3216 = arith.constant 0 : i32
        %dma_wait3A_3217 = tpu.memref_slice %arg8[%dma_wait3A_3215, %dma_wait3A_3216] : memref<81920x512xf32, #tpu.memory_space<hbm>> -> memref<16x512xf32, #tpu.memory_space<hbm>>
        %dma_wait3A_3218 = arith.constant 0 : i32
        %dma_wait3A_3219 = arith.constant 0 : i32
        %dma_wait3A_3220 = tpu.memref_slice %arg8[%dma_wait3A_3218, %dma_wait3A_3219] : memref<81920x512xf32, #tpu.memory_space<hbm>> -> memref<16x512xf32, #tpu.memory_space<hbm>>
        %dma_wait3A_3221 = arith.constant 0 : i32
        %dma_wait3A_3222 = arith.constant 0 : i32
        %dma_wait3A_3223 = tpu.memref_slice %arg11[%dma_wait3A_3221, %dma_wait3A_3222] : memref<64x512xf32, #tpu.memory_space<vmem>> -> memref<16x512xf32, #tpu.memory_space<vmem>>
        tpu.wait_dma2 semaphore(%arg18 : memref<!tpu.dma_semaphore, #tpu.memory_space<semaphore_mem>>) src(%dma_wait3A_3223 : memref<16x512xf32, #tpu.memory_space<vmem>>) dst(%dma_wait3A_3220 : memref<16x512xf32, #tpu.memory_space<hbm>>)
        %dma_wait3A_3224 = arith.constant 1 : i32
        %dma_wait3A_3225 = arith.constant 0 : i32
        %dma_wait3A_3226 = arith.constant 0 : i32
        %dma_wait3A_3227 = tpu.memref_slice %arg12[%dma_wait3A_3224, %dma_wait3A_3225, %dma_wait3A_3226] : memref<4x24x512xf32, #tpu.memory_space<vmem>> -> memref<1x24x512xf32, #tpu.memory_space<vmem>>
        %dma_wait3A_3228 = tpu.memref_squeeze %dma_wait3A_3227 : memref<1x24x512xf32, #tpu.memory_space<vmem>> -> memref<24x512xf32, #tpu.memory_space<vmem>>
        %dma_wait3A_3229 = arith.constant 0 : i32
        %dma_wait3A_3230 = arith.constant 0 : i32
        %dma_wait3A_3231 = tpu.memref_slice %arg8[%dma_wait3A_3229, %dma_wait3A_3230] : memref<81920x512xf32, #tpu.memory_space<hbm>> -> memref<24x512xf32, #tpu.memory_space<hbm>>
        %dma_wait3A_3232 = arith.constant 0 : i32
        %dma_wait3A_3233 = arith.constant 0 : i32
        %dma_wait3A_3234 = tpu.memref_slice %arg8[%dma_wait3A_3232, %dma_wait3A_3233] : memref<81920x512xf32, #tpu.memory_space<hbm>> -> memref<24x512xf32, #tpu.memory_space<hbm>>
        %dma_wait3A_3235 = arith.constant 0 : i32
        %dma_wait3A_3236 = arith.constant 0 : i32
        %dma_wait3A_3237 = tpu.memref_slice %arg12[%dma_wait3A_3224, %dma_wait3A_3235, %dma_wait3A_3236] : memref<4x24x512xf32, #tpu.memory_space<vmem>> -> memref<1x24x512xf32, #tpu.memory_space<vmem>>
        %dma_wait3A_3238 = tpu.memref_squeeze %dma_wait3A_3237 : memref<1x24x512xf32, #tpu.memory_space<vmem>> -> memref<24x512xf32, #tpu.memory_space<vmem>>
        tpu.wait_dma2 semaphore(%arg18 : memref<!tpu.dma_semaphore, #tpu.memory_space<semaphore_mem>>) src(%dma_wait3A_3238 : memref<24x512xf32, #tpu.memory_space<vmem>>) dst(%dma_wait3A_3234 : memref<24x512xf32, #tpu.memory_space<hbm>>)
        %dma_wait3A_3239 = arith.constant 0 : i32
        %dma_wait3A_3240 = arith.constant 0 : i32
        %dma_wait3A_3241 = tpu.memref_slice %arg11[%dma_wait3A_3239, %dma_wait3A_3240] : memref<64x512xf32, #tpu.memory_space<vmem>> -> memref<16x512xf32, #tpu.memory_space<vmem>>
        %dma_wait3A_3242 = arith.constant 0 : i32
        %dma_wait3A_3243 = arith.constant 0 : i32
        %dma_wait3A_3244 = tpu.memref_slice %arg8[%dma_wait3A_3242, %dma_wait3A_3243] : memref<81920x512xf32, #tpu.memory_space<hbm>> -> memref<16x512xf32, #tpu.memory_space<hbm>>
        %dma_wait3A_3245 = arith.constant 0 : i32
        %dma_wait3A_3246 = arith.constant 0 : i32
        %dma_wait3A_3247 = tpu.memref_slice %arg8[%dma_wait3A_3245, %dma_wait3A_3246] : memref<81920x512xf32, #tpu.memory_space<hbm>> -> memref<16x512xf32, #tpu.memory_space<hbm>>
        %dma_wait3A_3248 = arith.constant 0 : i32
        %dma_wait3A_3249 = arith.constant 0 : i32
        %dma_wait3A_3250 = tpu.memref_slice %arg11[%dma_wait3A_3248, %dma_wait3A_3249] : memref<64x512xf32, #tpu.memory_space<vmem>> -> memref<16x512xf32, #tpu.memory_space<vmem>>
        tpu.wait_dma2 semaphore(%arg18 : memref<!tpu.dma_semaphore, #tpu.memory_space<semaphore_mem>>) src(%dma_wait3A_3250 : memref<16x512xf32, #tpu.memory_space<vmem>>) dst(%dma_wait3A_3247 : memref<16x512xf32, #tpu.memory_space<hbm>>)
        %dma_wait3A_3251 = arith.constant 2 : i32
        %dma_wait3A_3252 = arith.constant 0 : i32
        %dma_wait3A_3253 = arith.constant 0 : i32
        %dma_wait3A_3254 = tpu.memref_slice %arg12[%dma_wait3A_3251, %dma_wait3A_3252, %dma_wait3A_3253] : memref<4x24x512xf32, #tpu.memory_space<vmem>> -> memref<1x24x512xf32, #tpu.memory_space<vmem>>
        %dma_wait3A_3255 = tpu.memref_squeeze %dma_wait3A_3254 : memref<1x24x512xf32, #tpu.memory_space<vmem>> -> memref<24x512xf32, #tpu.memory_space<vmem>>
        %dma_wait3A_3256 = arith.constant 0 : i32
        %dma_wait3A_3257 = arith.constant 0 : i32
        %dma_wait3A_3258 = tpu.memref_slice %arg8[%dma_wait3A_3256, %dma_wait3A_3257] : memref<81920x512xf32, #tpu.memory_space<hbm>> -> memref<24x512xf32, #tpu.memory_space<hbm>>
        %dma_wait3A_3259 = arith.constant 0 : i32
        %dma_wait3A_3260 = arith.constant 0 : i32
        %dma_wait3A_3261 = tpu.memref_slice %arg8[%dma_wait3A_3259, %dma_wait3A_3260] : memref<81920x512xf32, #tpu.memory_space<hbm>> -> memref<24x512xf32, #tpu.memory_space<hbm>>
        %dma_wait3A_3262 = arith.constant 0 : i32
        %dma_wait3A_3263 = arith.constant 0 : i32
        %dma_wait3A_3264 = tpu.memref_slice %arg12[%dma_wait3A_3251, %dma_wait3A_3262, %dma_wait3A_3263] : memref<4x24x512xf32, #tpu.memory_space<vmem>> -> memref<1x24x512xf32, #tpu.memory_space<vmem>>
        %dma_wait3A_3265 = tpu.memref_squeeze %dma_wait3A_3264 : memref<1x24x512xf32, #tpu.memory_space<vmem>> -> memref<24x512xf32, #tpu.memory_space<vmem>>
        tpu.wait_dma2 semaphore(%arg18 : memref<!tpu.dma_semaphore, #tpu.memory_space<semaphore_mem>>) src(%dma_wait3A_3265 : memref<24x512xf32, #tpu.memory_space<vmem>>) dst(%dma_wait3A_3261 : memref<24x512xf32, #tpu.memory_space<hbm>>)
        %dma_wait3A_3266 = arith.constant 0 : i32
        %dma_wait3A_3267 = arith.constant 0 : i32
        %dma_wait3A_3268 = tpu.memref_slice %arg11[%dma_wait3A_3266, %dma_wait3A_3267] : memref<64x512xf32, #tpu.memory_space<vmem>> -> memref<16x512xf32, #tpu.memory_space<vmem>>
        %dma_wait3A_3269 = arith.constant 0 : i32
        %dma_wait3A_3270 = arith.constant 0 : i32
        %dma_wait3A_3271 = tpu.memref_slice %arg8[%dma_wait3A_3269, %dma_wait3A_3270] : memref<81920x512xf32, #tpu.memory_space<hbm>> -> memref<16x512xf32, #tpu.memory_space<hbm>>
        %dma_wait3A_3272 = arith.constant 0 : i32
        %dma_wait3A_3273 = arith.constant 0 : i32
        %dma_wait3A_3274 = tpu.memref_slice %arg8[%dma_wait3A_3272, %dma_wait3A_3273] : memref<81920x512xf32, #tpu.memory_space<hbm>> -> memref<16x512xf32, #tpu.memory_space<hbm>>
        %dma_wait3A_3275 = arith.constant 0 : i32
        %dma_wait3A_3276 = arith.constant 0 : i32
        %dma_wait3A_3277 = tpu.memref_slice %arg11[%dma_wait3A_3275, %dma_wait3A_3276] : memref<64x512xf32, #tpu.memory_space<vmem>> -> memref<16x512xf32, #tpu.memory_space<vmem>>
        tpu.wait_dma2 semaphore(%arg18 : memref<!tpu.dma_semaphore, #tpu.memory_space<semaphore_mem>>) src(%dma_wait3A_3277 : memref<16x512xf32, #tpu.memory_space<vmem>>) dst(%dma_wait3A_3274 : memref<16x512xf32, #tpu.memory_space<hbm>>)
        %dma_wait3A_3278 = arith.constant 3 : i32
        %dma_wait3A_3279 = arith.constant 0 : i32
        %dma_wait3A_3280 = arith.constant 0 : i32
        %dma_wait3A_3281 = tpu.memref_slice %arg12[%dma_wait3A_3278, %dma_wait3A_3279, %dma_wait3A_3280] : memref<4x24x512xf32, #tpu.memory_space<vmem>> -> memref<1x24x512xf32, #tpu.memory_space<vmem>>
        %dma_wait3A_3282 = tpu.memref_squeeze %dma_wait3A_3281 : memref<1x24x512xf32, #tpu.memory_space<vmem>> -> memref<24x512xf32, #tpu.memory_space<vmem>>
        %dma_wait3A_3283 = arith.constant 0 : i32
        %dma_wait3A_3284 = arith.constant 0 : i32
        %dma_wait3A_3285 = tpu.memref_slice %arg8[%dma_wait3A_3283, %dma_wait3A_3284] : memref<81920x512xf32, #tpu.memory_space<hbm>> -> memref<24x512xf32, #tpu.memory_space<hbm>>
        %dma_wait3A_3286 = arith.constant 0 : i32
        %dma_wait3A_3287 = arith.constant 0 : i32
        %dma_wait3A_3288 = tpu.memref_slice %arg8[%dma_wait3A_3286, %dma_wait3A_3287] : memref<81920x512xf32, #tpu.memory_space<hbm>> -> memref<24x512xf32, #tpu.memory_space<hbm>>
        %dma_wait3A_3289 = arith.constant 0 : i32
        %dma_wait3A_3290 = arith.constant 0 : i32
        %dma_wait3A_3291 = tpu.memref_slice %arg12[%dma_wait3A_3278, %dma_wait3A_3289, %dma_wait3A_3290] : memref<4x24x512xf32, #tpu.memory_space<vmem>> -> memref<1x24x512xf32, #tpu.memory_space<vmem>>
        %dma_wait3A_3292 = tpu.memref_squeeze %dma_wait3A_3291 : memref<1x24x512xf32, #tpu.memory_space<vmem>> -> memref<24x512xf32, #tpu.memory_space<vmem>>
        tpu.wait_dma2 semaphore(%arg18 : memref<!tpu.dma_semaphore, #tpu.memory_space<semaphore_mem>>) src(%dma_wait3A_3292 : memref<24x512xf32, #tpu.memory_space<vmem>>) dst(%dma_wait3A_3288 : memref<24x512xf32, #tpu.memory_space<hbm>>)
      } else {
      }
      %mul3A_1358 = arith.constant 64 : i32
      %mul3A_1359 = arith.muli %scan3A_1355, %mul3A_1358 : i32
      %dma_start3A_1360 = tpu.memref_slice %arg14[%mul3A_1359] : memref<1024xi32, #tpu.memory_space<vmem>> -> memref<64xi32, #tpu.memory_space<vmem>>
      %dma_start3A_1361 = arith.constant 0 : i32
      %dma_start3A_1362 = arith.constant 0 : i32
      %dma_start3A_1363 = tpu.memref_slice %arg2[%dma_start3A_1361, %dma_start3A_1362] : memref<49408x512xf32, #tpu.memory_space<hbm>> -> memref<49408x512xf32, #tpu.memory_space<hbm>>
      tpu.enqueue_indirect_dma source(%dma_start3A_1363 : memref<49408x512xf32, #tpu.memory_space<hbm>>) target(%arg11 : memref<64x512xf32, #tpu.memory_space<vmem>>) offsets(%dma_start3A_1360 : memref<64xi32, #tpu.memory_space<vmem>>) semaphore(%arg17 : memref<!tpu.dma_semaphore, #tpu.memory_space<semaphore_mem>>)
      %dma_start3A_1364 = arith.constant 0 : i32
      %dma_start3A_1365 = tpu.memref_slice %arg15[%scan3A_1355, %dma_start3A_1364] : memref<16x8xi32, #tpu.memory_space<vmem>> -> memref<1x4xi32, #tpu.memory_space<vmem>>
      %dma_start3A_1366 = tpu.memref_squeeze %dma_start3A_1365 : memref<1x4xi32, #tpu.memory_space<vmem>> -> memref<4xi32, #tpu.memory_space<vmem>>
      %dma_start3A_1367 = arith.constant 0 : i32
      %dma_start3A_1368 = arith.constant 0 : i32
      %dma_start3A_1369 = arith.constant 0 : i32
      %dma_start3A_1370 = tpu.memref_slice %arg10[%dma_start3A_1367, %dma_start3A_1368, %dma_start3A_1369] : memref<96x24x512xf32, #tpu.memory_space<hbm>> -> memref<96x24x512xf32, #tpu.memory_space<hbm>>
      tpu.enqueue_indirect_dma source(%dma_start3A_1370 : memref<96x24x512xf32, #tpu.memory_space<hbm>>) target(%arg12 : memref<4x24x512xf32, #tpu.memory_space<vmem>>) offsets(%dma_start3A_1366 : memref<4xi32, #tpu.memory_space<vmem>>) semaphore(%arg17 : memref<!tpu.dma_semaphore, #tpu.memory_space<semaphore_mem>>)
      %dma_wait3A_1371 = tpu.memref_slice %arg14[%mul3A_1359] : memref<1024xi32, #tpu.memory_space<vmem>> -> memref<64xi32, #tpu.memory_space<vmem>>
      %dma_wait3A_1372 = arith.constant 0 : i32
      %dma_wait3A_1373 = arith.constant 0 : i32
      %dma_wait3A_1374 = tpu.memref_slice %arg2[%dma_wait3A_1372, %dma_wait3A_1373] : memref<49408x512xf32, #tpu.memory_space<hbm>> -> memref<49408x512xf32, #tpu.memory_space<hbm>>
      tpu.wait_indirect_dma semaphore(%arg17 : memref<!tpu.dma_semaphore, #tpu.memory_space<semaphore_mem>>) src(%dma_wait3A_1374 : memref<49408x512xf32, #tpu.memory_space<hbm>>) dst(%arg11 : memref<64x512xf32, #tpu.memory_space<vmem>>)
      %dma_wait3A_1375 = arith.constant 0 : i32
      %dma_wait3A_1376 = tpu.memref_slice %arg15[%scan3A_1355, %dma_wait3A_1375] : memref<16x8xi32, #tpu.memory_space<vmem>> -> memref<1x4xi32, #tpu.memory_space<vmem>>
      %dma_wait3A_1377 = tpu.memref_squeeze %dma_wait3A_1376 : memref<1x4xi32, #tpu.memory_space<vmem>> -> memref<4xi32, #tpu.memory_space<vmem>>
      %dma_wait3A_1378 = arith.constant 0 : i32
      %dma_wait3A_1379 = arith.constant 0 : i32
      %dma_wait3A_1380 = arith.constant 0 : i32
      %dma_wait3A_1381 = tpu.memref_slice %arg10[%dma_wait3A_1378, %dma_wait3A_1379, %dma_wait3A_1380] : memref<96x24x512xf32, #tpu.memory_space<hbm>> -> memref<96x24x512xf32, #tpu.memory_space<hbm>>
      tpu.wait_indirect_dma semaphore(%arg17 : memref<!tpu.dma_semaphore, #tpu.memory_space<semaphore_mem>>) src(%dma_wait3A_1381 : memref<96x24x512xf32, #tpu.memory_space<hbm>>) dst(%arg12 : memref<4x24x512xf32, #tpu.memory_space<vmem>>)
      %get3A = arith.constant 0 : i32
      %get3A_1382 = arith.index_cast %get3A : i32 to index
      %get3A_1383 = arith.constant 0 : index
      %get3A_1384 = tpu.vector_load %arg11[%get3A_1382, %get3A_1383] {strides = array<i32>} : memref<64x512xf32, #tpu.memory_space<vmem>>, vector<1x16xf32>,
      %get3A_1385 = vector.shape_cast %get3A_1384 : vector<1x16xf32> to vector<16xf32>
      %eq3A = arith.constant 0 : i32
      %eq3A_1386 = vector.broadcast %eq3A : i32 to vector<16xi32>
      %eq3A_1387 = arith.cmpi eq, %iota3A, %eq3A_1386 : vector<16xi32>
      %slice3A = vector.extract_strided_slice %get3A_1385 {offsets = [0], sizes = [1], strides = [1]} : vector<16xf32> to vector<1xf32>
      %broadcast_in_dim3A_1388 = vector.shape_cast %slice3A : vector<1xf32> to vector<1xf32>
      %broadcast_in_dim3A_1389 = vector.broadcast %broadcast_in_dim3A_1388 : vector<1xf32> to vector<16xf32>
      %select_n3A = arith.select %eq3A_1387, %broadcast_in_dim3A_1389, %broadcast_in_dim3A_3 : vector<16xi1>, vector<16xf32>
      %get3A_1390 = arith.constant 1 : i32
      %get3A_1391 = arith.index_cast %get3A_1390 : i32 to index
      %get3A_1392 = arith.constant 0 : index
      %get3A_1393 = tpu.vector_load %arg11[%get3A_1391, %get3A_1392] {strides = array<i32>} : memref<64x512xf32, #tpu.memory_space<vmem>>, vector<1x16xf32>,
      %get3A_1394 = vector.shape_cast %get3A_1393 : vector<1x16xf32> to vector<16xf32>
      %eq3A_1395 = arith.constant 1 : i32
      %eq3A_1396 = vector.broadcast %eq3A_1395 : i32 to vector<16xi32>
      %eq3A_1397 = arith.cmpi eq, %iota3A, %eq3A_1396 : vector<16xi32>
      %slice3A_1398 = vector.extract_strided_slice %get3A_1394 {offsets = [0], sizes = [1], strides = [1]} : vector<16xf32> to vector<1xf32>
      %broadcast_in_dim3A_1399 = vector.shape_cast %slice3A_1398 : vector<1xf32> to vector<1xf32>
      %broadcast_in_dim3A_1400 = vector.broadcast %broadcast_in_dim3A_1399 : vector<1xf32> to vector<16xf32>
      %select_n3A_1401 = arith.select %eq3A_1397, %broadcast_in_dim3A_1400, %select_n3A : vector<16xi1>, vector<16xf32>
      %get3A_1402 = arith.constant 2 : i32
      %get3A_1403 = arith.index_cast %get3A_1402 : i32 to index
      %get3A_1404 = arith.constant 0 : index
      %get3A_1405 = tpu.vector_load %arg11[%get3A_1403, %get3A_1404] {strides = array<i32>} : memref<64x512xf32, #tpu.memory_space<vmem>>, vector<1x16xf32>,
      %get3A_1406 = vector.shape_cast %get3A_1405 : vector<1x16xf32> to vector<16xf32>
      %eq3A_1407 = arith.constant 2 : i32
      %eq3A_1408 = vector.broadcast %eq3A_1407 : i32 to vector<16xi32>
      %eq3A_1409 = arith.cmpi eq, %iota3A, %eq3A_1408 : vector<16xi32>
      %slice3A_1410 = vector.extract_strided_slice %get3A_1406 {offsets = [0], sizes = [1], strides = [1]} : vector<16xf32> to vector<1xf32>
      %broadcast_in_dim3A_1411 = vector.shape_cast %slice3A_1410 : vector<1xf32> to vector<1xf32>
      %broadcast_in_dim3A_1412 = vector.broadcast %broadcast_in_dim3A_1411 : vector<1xf32> to vector<16xf32>
      %select_n3A_1413 = arith.select %eq3A_1409, %broadcast_in_dim3A_1412, %select_n3A_1401 : vector<16xi1>, vector<16xf32>
      %get3A_1414 = arith.constant 3 : i32
      %get3A_1415 = arith.index_cast %get3A_1414 : i32 to index
      %get3A_1416 = arith.constant 0 : index
      %get3A_1417 = tpu.vector_load %arg11[%get3A_1415, %get3A_1416] {strides = array<i32>} : memref<64x512xf32, #tpu.memory_space<vmem>>, vector<1x16xf32>,
      %get3A_1418 = vector.shape_cast %get3A_1417 : vector<1x16xf32> to vector<16xf32>
      %eq3A_1419 = arith.constant 3 : i32
      %eq3A_1420 = vector.broadcast %eq3A_1419 : i32 to vector<16xi32>
      %eq3A_1421 = arith.cmpi eq, %iota3A, %eq3A_1420 : vector<16xi32>
      %slice3A_1422 = vector.extract_strided_slice %get3A_1418 {offsets = [0], sizes = [1], strides = [1]} : vector<16xf32> to vector<1xf32>
      %broadcast_in_dim3A_1423 = vector.shape_cast %slice3A_1422 : vector<1xf32> to vector<1xf32>
      %broadcast_in_dim3A_1424 = vector.broadcast %broadcast_in_dim3A_1423 : vector<1xf32> to vector<16xf32>
      %select_n3A_1425 = arith.select %eq3A_1421, %broadcast_in_dim3A_1424, %select_n3A_1413 : vector<16xi1>, vector<16xf32>
      %get3A_1426 = arith.constant 4 : i32
      %get3A_1427 = arith.index_cast %get3A_1426 : i32 to index
      %get3A_1428 = arith.constant 0 : index
      %get3A_1429 = tpu.vector_load %arg11[%get3A_1427, %get3A_1428] {strides = array<i32>} : memref<64x512xf32, #tpu.memory_space<vmem>>, vector<1x16xf32>,
      %get3A_1430 = vector.shape_cast %get3A_1429 : vector<1x16xf32> to vector<16xf32>
      %eq3A_1431 = arith.constant 4 : i32
      %eq3A_1432 = vector.broadcast %eq3A_1431 : i32 to vector<16xi32>
      %eq3A_1433 = arith.cmpi eq, %iota3A, %eq3A_1432 : vector<16xi32>
      %slice3A_1434 = vector.extract_strided_slice %get3A_1430 {offsets = [0], sizes = [1], strides = [1]} : vector<16xf32> to vector<1xf32>
      %broadcast_in_dim3A_1435 = vector.shape_cast %slice3A_1434 : vector<1xf32> to vector<1xf32>
      %broadcast_in_dim3A_1436 = vector.broadcast %broadcast_in_dim3A_1435 : vector<1xf32> to vector<16xf32>
      %select_n3A_1437 = arith.select %eq3A_1433, %broadcast_in_dim3A_1436, %select_n3A_1425 : vector<16xi1>, vector<16xf32>
      %get3A_1438 = arith.constant 5 : i32
      %get3A_1439 = arith.index_cast %get3A_1438 : i32 to index
      %get3A_1440 = arith.constant 0 : index
      %get3A_1441 = tpu.vector_load %arg11[%get3A_1439, %get3A_1440] {strides = array<i32>} : memref<64x512xf32, #tpu.memory_space<vmem>>, vector<1x16xf32>,
      %get3A_1442 = vector.shape_cast %get3A_1441 : vector<1x16xf32> to vector<16xf32>
      %eq3A_1443 = arith.constant 5 : i32
      %eq3A_1444 = vector.broadcast %eq3A_1443 : i32 to vector<16xi32>
      %eq3A_1445 = arith.cmpi eq, %iota3A, %eq3A_1444 : vector<16xi32>
      %slice3A_1446 = vector.extract_strided_slice %get3A_1442 {offsets = [0], sizes = [1], strides = [1]} : vector<16xf32> to vector<1xf32>
      %broadcast_in_dim3A_1447 = vector.shape_cast %slice3A_1446 : vector<1xf32> to vector<1xf32>
      %broadcast_in_dim3A_1448 = vector.broadcast %broadcast_in_dim3A_1447 : vector<1xf32> to vector<16xf32>
      %select_n3A_1449 = arith.select %eq3A_1445, %broadcast_in_dim3A_1448, %select_n3A_1437 : vector<16xi1>, vector<16xf32>
      %get3A_1450 = arith.constant 6 : i32
      %get3A_1451 = arith.index_cast %get3A_1450 : i32 to index
      %get3A_1452 = arith.constant 0 : index
      %get3A_1453 = tpu.vector_load %arg11[%get3A_1451, %get3A_1452] {strides = array<i32>} : memref<64x512xf32, #tpu.memory_space<vmem>>, vector<1x16xf32>,
      %get3A_1454 = vector.shape_cast %get3A_1453 : vector<1x16xf32> to vector<16xf32>
      %eq3A_1455 = arith.constant 6 : i32
      %eq3A_1456 = vector.broadcast %eq3A_1455 : i32 to vector<16xi32>
      %eq3A_1457 = arith.cmpi eq, %iota3A, %eq3A_1456 : vector<16xi32>
      %slice3A_1458 = vector.extract_strided_slice %get3A_1454 {offsets = [0], sizes = [1], strides = [1]} : vector<16xf32> to vector<1xf32>
      %broadcast_in_dim3A_1459 = vector.shape_cast %slice3A_1458 : vector<1xf32> to vector<1xf32>
      %broadcast_in_dim3A_1460 = vector.broadcast %broadcast_in_dim3A_1459 : vector<1xf32> to vector<16xf32>
      %select_n3A_1461 = arith.select %eq3A_1457, %broadcast_in_dim3A_1460, %select_n3A_1449 : vector<16xi1>, vector<16xf32>
      %get3A_1462 = arith.constant 7 : i32
      %get3A_1463 = arith.index_cast %get3A_1462 : i32 to index
      %get3A_1464 = arith.constant 0 : index
      %get3A_1465 = tpu.vector_load %arg11[%get3A_1463, %get3A_1464] {strides = array<i32>} : memref<64x512xf32, #tpu.memory_space<vmem>>, vector<1x16xf32>,
      %get3A_1466 = vector.shape_cast %get3A_1465 : vector<1x16xf32> to vector<16xf32>
      %eq3A_1467 = arith.constant 7 : i32
      %eq3A_1468 = vector.broadcast %eq3A_1467 : i32 to vector<16xi32>
      %eq3A_1469 = arith.cmpi eq, %iota3A, %eq3A_1468 : vector<16xi32>
      %slice3A_1470 = vector.extract_strided_slice %get3A_1466 {offsets = [0], sizes = [1], strides = [1]} : vector<16xf32> to vector<1xf32>
      %broadcast_in_dim3A_1471 = vector.shape_cast %slice3A_1470 : vector<1xf32> to vector<1xf32>
      %broadcast_in_dim3A_1472 = vector.broadcast %broadcast_in_dim3A_1471 : vector<1xf32> to vector<16xf32>
      %select_n3A_1473 = arith.select %eq3A_1469, %broadcast_in_dim3A_1472, %select_n3A_1461 : vector<16xi1>, vector<16xf32>
      %get3A_1474 = arith.constant 8 : i32
      %get3A_1475 = arith.index_cast %get3A_1474 : i32 to index
      %get3A_1476 = arith.constant 0 : index
      %get3A_1477 = tpu.vector_load %arg11[%get3A_1475, %get3A_1476] {strides = array<i32>} : memref<64x512xf32, #tpu.memory_space<vmem>>, vector<1x16xf32>,
      %get3A_1478 = vector.shape_cast %get3A_1477 : vector<1x16xf32> to vector<16xf32>
      %eq3A_1479 = arith.constant 8 : i32
      %eq3A_1480 = vector.broadcast %eq3A_1479 : i32 to vector<16xi32>
      %eq3A_1481 = arith.cmpi eq, %iota3A, %eq3A_1480 : vector<16xi32>
      %slice3A_1482 = vector.extract_strided_slice %get3A_1478 {offsets = [0], sizes = [1], strides = [1]} : vector<16xf32> to vector<1xf32>
      %broadcast_in_dim3A_1483 = vector.shape_cast %slice3A_1482 : vector<1xf32> to vector<1xf32>
      %broadcast_in_dim3A_1484 = vector.broadcast %broadcast_in_dim3A_1483 : vector<1xf32> to vector<16xf32>
      %select_n3A_1485 = arith.select %eq3A_1481, %broadcast_in_dim3A_1484, %select_n3A_1473 : vector<16xi1>, vector<16xf32>
      %get3A_1486 = arith.constant 9 : i32
      %get3A_1487 = arith.index_cast %get3A_1486 : i32 to index
      %get3A_1488 = arith.constant 0 : index
      %get3A_1489 = tpu.vector_load %arg11[%get3A_1487, %get3A_1488] {strides = array<i32>} : memref<64x512xf32, #tpu.memory_space<vmem>>, vector<1x16xf32>,
      %get3A_1490 = vector.shape_cast %get3A_1489 : vector<1x16xf32> to vector<16xf32>
      %eq3A_1491 = arith.constant 9 : i32
      %eq3A_1492 = vector.broadcast %eq3A_1491 : i32 to vector<16xi32>
      %eq3A_1493 = arith.cmpi eq, %iota3A, %eq3A_1492 : vector<16xi32>
      %slice3A_1494 = vector.extract_strided_slice %get3A_1490 {offsets = [0], sizes = [1], strides = [1]} : vector<16xf32> to vector<1xf32>
      %broadcast_in_dim3A_1495 = vector.shape_cast %slice3A_1494 : vector<1xf32> to vector<1xf32>
      %broadcast_in_dim3A_1496 = vector.broadcast %broadcast_in_dim3A_1495 : vector<1xf32> to vector<16xf32>
      %select_n3A_1497 = arith.select %eq3A_1493, %broadcast_in_dim3A_1496, %select_n3A_1485 : vector<16xi1>, vector<16xf32>
      %get3A_1498 = arith.constant 10 : i32
      %get3A_1499 = arith.index_cast %get3A_1498 : i32 to index
      %get3A_1500 = arith.constant 0 : index
      %get3A_1501 = tpu.vector_load %arg11[%get3A_1499, %get3A_1500] {strides = array<i32>} : memref<64x512xf32, #tpu.memory_space<vmem>>, vector<1x16xf32>,
      %get3A_1502 = vector.shape_cast %get3A_1501 : vector<1x16xf32> to vector<16xf32>
      %eq3A_1503 = arith.constant 10 : i32
      %eq3A_1504 = vector.broadcast %eq3A_1503 : i32 to vector<16xi32>
      %eq3A_1505 = arith.cmpi eq, %iota3A, %eq3A_1504 : vector<16xi32>
      %slice3A_1506 = vector.extract_strided_slice %get3A_1502 {offsets = [0], sizes = [1], strides = [1]} : vector<16xf32> to vector<1xf32>
      %broadcast_in_dim3A_1507 = vector.shape_cast %slice3A_1506 : vector<1xf32> to vector<1xf32>
      %broadcast_in_dim3A_1508 = vector.broadcast %broadcast_in_dim3A_1507 : vector<1xf32> to vector<16xf32>
      %select_n3A_1509 = arith.select %eq3A_1505, %broadcast_in_dim3A_1508, %select_n3A_1497 : vector<16xi1>, vector<16xf32>
      %get3A_1510 = arith.constant 11 : i32
      %get3A_1511 = arith.index_cast %get3A_1510 : i32 to index
      %get3A_1512 = arith.constant 0 : index
      %get3A_1513 = tpu.vector_load %arg11[%get3A_1511, %get3A_1512] {strides = array<i32>} : memref<64x512xf32, #tpu.memory_space<vmem>>, vector<1x16xf32>,
      %get3A_1514 = vector.shape_cast %get3A_1513 : vector<1x16xf32> to vector<16xf32>
      %eq3A_1515 = arith.constant 11 : i32
      %eq3A_1516 = vector.broadcast %eq3A_1515 : i32 to vector<16xi32>
      %eq3A_1517 = arith.cmpi eq, %iota3A, %eq3A_1516 : vector<16xi32>
      %slice3A_1518 = vector.extract_strided_slice %get3A_1514 {offsets = [0], sizes = [1], strides = [1]} : vector<16xf32> to vector<1xf32>
      %broadcast_in_dim3A_1519 = vector.shape_cast %slice3A_1518 : vector<1xf32> to vector<1xf32>
      %broadcast_in_dim3A_1520 = vector.broadcast %broadcast_in_dim3A_1519 : vector<1xf32> to vector<16xf32>
      %select_n3A_1521 = arith.select %eq3A_1517, %broadcast_in_dim3A_1520, %select_n3A_1509 : vector<16xi1>, vector<16xf32>
      %get3A_1522 = arith.constant 12 : i32
      %get3A_1523 = arith.index_cast %get3A_1522 : i32 to index
      %get3A_1524 = arith.constant 0 : index
      %get3A_1525 = tpu.vector_load %arg11[%get3A_1523, %get3A_1524] {strides = array<i32>} : memref<64x512xf32, #tpu.memory_space<vmem>>, vector<1x16xf32>,
      %get3A_1526 = vector.shape_cast %get3A_1525 : vector<1x16xf32> to vector<16xf32>
      %eq3A_1527 = arith.constant 12 : i32
      %eq3A_1528 = vector.broadcast %eq3A_1527 : i32 to vector<16xi32>
      %eq3A_1529 = arith.cmpi eq, %iota3A, %eq3A_1528 : vector<16xi32>
      %slice3A_1530 = vector.extract_strided_slice %get3A_1526 {offsets = [0], sizes = [1], strides = [1]} : vector<16xf32> to vector<1xf32>
      %broadcast_in_dim3A_1531 = vector.shape_cast %slice3A_1530 : vector<1xf32> to vector<1xf32>
      %broadcast_in_dim3A_1532 = vector.broadcast %broadcast_in_dim3A_1531 : vector<1xf32> to vector<16xf32>
      %select_n3A_1533 = arith.select %eq3A_1529, %broadcast_in_dim3A_1532, %select_n3A_1521 : vector<16xi1>, vector<16xf32>
      %get3A_1534 = arith.constant 13 : i32
      %get3A_1535 = arith.index_cast %get3A_1534 : i32 to index
      %get3A_1536 = arith.constant 0 : index
      %get3A_1537 = tpu.vector_load %arg11[%get3A_1535, %get3A_1536] {strides = array<i32>} : memref<64x512xf32, #tpu.memory_space<vmem>>, vector<1x16xf32>,
      %get3A_1538 = vector.shape_cast %get3A_1537 : vector<1x16xf32> to vector<16xf32>
      %eq3A_1539 = arith.constant 13 : i32
      %eq3A_1540 = vector.broadcast %eq3A_1539 : i32 to vector<16xi32>
      %eq3A_1541 = arith.cmpi eq, %iota3A, %eq3A_1540 : vector<16xi32>
      %slice3A_1542 = vector.extract_strided_slice %get3A_1538 {offsets = [0], sizes = [1], strides = [1]} : vector<16xf32> to vector<1xf32>
      %broadcast_in_dim3A_1543 = vector.shape_cast %slice3A_1542 : vector<1xf32> to vector<1xf32>
      %broadcast_in_dim3A_1544 = vector.broadcast %broadcast_in_dim3A_1543 : vector<1xf32> to vector<16xf32>
      %select_n3A_1545 = arith.select %eq3A_1541, %broadcast_in_dim3A_1544, %select_n3A_1533 : vector<16xi1>, vector<16xf32>
      %get3A_1546 = arith.constant 14 : i32
      %get3A_1547 = arith.index_cast %get3A_1546 : i32 to index
      %get3A_1548 = arith.constant 0 : index
      %get3A_1549 = tpu.vector_load %arg11[%get3A_1547, %get3A_1548] {strides = array<i32>} : memref<64x512xf32, #tpu.memory_space<vmem>>, vector<1x16xf32>,
      %get3A_1550 = vector.shape_cast %get3A_1549 : vector<1x16xf32> to vector<16xf32>
      %eq3A_1551 = arith.constant 14 : i32
      %eq3A_1552 = vector.broadcast %eq3A_1551 : i32 to vector<16xi32>
      %eq3A_1553 = arith.cmpi eq, %iota3A, %eq3A_1552 : vector<16xi32>
      %slice3A_1554 = vector.extract_strided_slice %get3A_1550 {offsets = [0], sizes = [1], strides = [1]} : vector<16xf32> to vector<1xf32>
      %broadcast_in_dim3A_1555 = vector.shape_cast %slice3A_1554 : vector<1xf32> to vector<1xf32>
      %broadcast_in_dim3A_1556 = vector.broadcast %broadcast_in_dim3A_1555 : vector<1xf32> to vector<16xf32>
      %select_n3A_1557 = arith.select %eq3A_1553, %broadcast_in_dim3A_1556, %select_n3A_1545 : vector<16xi1>, vector<16xf32>
      %get3A_1558 = arith.constant 15 : i32
      %get3A_1559 = arith.index_cast %get3A_1558 : i32 to index
      %get3A_1560 = arith.constant 0 : index
      %get3A_1561 = tpu.vector_load %arg11[%get3A_1559, %get3A_1560] {strides = array<i32>} : memref<64x512xf32, #tpu.memory_space<vmem>>, vector<1x16xf32>,
      %get3A_1562 = vector.shape_cast %get3A_1561 : vector<1x16xf32> to vector<16xf32>
      %eq3A_1563 = arith.constant 15 : i32
      %eq3A_1564 = vector.broadcast %eq3A_1563 : i32 to vector<16xi32>
      %eq3A_1565 = arith.cmpi eq, %iota3A, %eq3A_1564 : vector<16xi32>
      %slice3A_1566 = vector.extract_strided_slice %get3A_1562 {offsets = [0], sizes = [1], strides = [1]} : vector<16xf32> to vector<1xf32>
      %broadcast_in_dim3A_1567 = vector.shape_cast %slice3A_1566 : vector<1xf32> to vector<1xf32>
      %broadcast_in_dim3A_1568 = vector.broadcast %broadcast_in_dim3A_1567 : vector<1xf32> to vector<16xf32>
      %select_n3A_1569 = arith.select %eq3A_1565, %broadcast_in_dim3A_1568, %select_n3A_1557 : vector<16xi1>, vector<16xf32>
      %get3A_1570 = arith.constant 0 : i32
      %get3A_1571 = arith.constant 0 : i32
      %get3A_1572 = arith.index_cast %get3A_1570 : i32 to index
      %get3A_1573 = arith.index_cast %get3A_1571 : i32 to index
      %get3A_1574 = arith.constant 0 : index
      %get3A_1575 = tpu.vector_load %arg12[%get3A_1572, %get3A_1573, %get3A_1574] {strides = array<i32>} : memref<4x24x512xf32, #tpu.memory_space<vmem>>, vector<1x1x16xf32>,
      %get3A_1576 = vector.shape_cast %get3A_1575 : vector<1x1x16xf32> to vector<16xf32>
      %eq3A_1577 = arith.constant 0 : i32
      %eq3A_1578 = vector.broadcast %eq3A_1577 : i32 to vector<16xi32>
      %eq3A_1579 = arith.cmpi eq, %iota3A, %eq3A_1578 : vector<16xi32>
      %slice3A_1580 = vector.extract_strided_slice %get3A_1576 {offsets = [0], sizes = [1], strides = [1]} : vector<16xf32> to vector<1xf32>
      %broadcast_in_dim3A_1581 = vector.shape_cast %slice3A_1580 : vector<1xf32> to vector<1xf32>
      %broadcast_in_dim3A_1582 = vector.broadcast %broadcast_in_dim3A_1581 : vector<1xf32> to vector<16xf32>
      %select_n3A_1583 = arith.select %eq3A_1579, %broadcast_in_dim3A_1582, %broadcast_in_dim3A_3 : vector<16xi1>, vector<16xf32>
      %get3A_1584 = arith.constant 0 : i32
      %get3A_1585 = arith.constant 1 : i32
      %get3A_1586 = arith.index_cast %get3A_1584 : i32 to index
      %get3A_1587 = arith.index_cast %get3A_1585 : i32 to index
      %get3A_1588 = arith.constant 0 : index
      %get3A_1589 = tpu.vector_load %arg12[%get3A_1586, %get3A_1587, %get3A_1588] {strides = array<i32>} : memref<4x24x512xf32, #tpu.memory_space<vmem>>, vector<1x1x16xf32>,
      %get3A_1590 = vector.shape_cast %get3A_1589 : vector<1x1x16xf32> to vector<16xf32>
      %eq3A_1591 = arith.constant 1 : i32
      %eq3A_1592 = vector.broadcast %eq3A_1591 : i32 to vector<16xi32>
      %eq3A_1593 = arith.cmpi eq, %iota3A, %eq3A_1592 : vector<16xi32>
      %slice3A_1594 = vector.extract_strided_slice %get3A_1590 {offsets = [0], sizes = [1], strides = [1]} : vector<16xf32> to vector<1xf32>
      %broadcast_in_dim3A_1595 = vector.shape_cast %slice3A_1594 : vector<1xf32> to vector<1xf32>
      %broadcast_in_dim3A_1596 = vector.broadcast %broadcast_in_dim3A_1595 : vector<1xf32> to vector<16xf32>
      %select_n3A_1597 = arith.select %eq3A_1593, %broadcast_in_dim3A_1596, %select_n3A_1583 : vector<16xi1>, vector<16xf32>
      %get3A_1598 = arith.constant 0 : i32
      %get3A_1599 = arith.constant 2 : i32
      %get3A_1600 = arith.index_cast %get3A_1598 : i32 to index
      %get3A_1601 = arith.index_cast %get3A_1599 : i32 to index
      %get3A_1602 = arith.constant 0 : index
      %get3A_1603 = tpu.vector_load %arg12[%get3A_1600, %get3A_1601, %get3A_1602] {strides = array<i32>} : memref<4x24x512xf32, #tpu.memory_space<vmem>>, vector<1x1x16xf32>,
      %get3A_1604 = vector.shape_cast %get3A_1603 : vector<1x1x16xf32> to vector<16xf32>
      %eq3A_1605 = arith.constant 2 : i32
      %eq3A_1606 = vector.broadcast %eq3A_1605 : i32 to vector<16xi32>
      %eq3A_1607 = arith.cmpi eq, %iota3A, %eq3A_1606 : vector<16xi32>
      %slice3A_1608 = vector.extract_strided_slice %get3A_1604 {offsets = [0], sizes = [1], strides = [1]} : vector<16xf32> to vector<1xf32>
      %broadcast_in_dim3A_1609 = vector.shape_cast %slice3A_1608 : vector<1xf32> to vector<1xf32>
      %broadcast_in_dim3A_1610 = vector.broadcast %broadcast_in_dim3A_1609 : vector<1xf32> to vector<16xf32>
      %select_n3A_1611 = arith.select %eq3A_1607, %broadcast_in_dim3A_1610, %select_n3A_1597 : vector<16xi1>, vector<16xf32>
      %get3A_1612 = arith.constant 0 : i32
      %get3A_1613 = arith.constant 3 : i32
      %get3A_1614 = arith.index_cast %get3A_1612 : i32 to index
      %get3A_1615 = arith.index_cast %get3A_1613 : i32 to index
      %get3A_1616 = arith.constant 0 : index
      %get3A_1617 = tpu.vector_load %arg12[%get3A_1614, %get3A_1615, %get3A_1616] {strides = array<i32>} : memref<4x24x512xf32, #tpu.memory_space<vmem>>, vector<1x1x16xf32>,
      %get3A_1618 = vector.shape_cast %get3A_1617 : vector<1x1x16xf32> to vector<16xf32>
      %eq3A_1619 = arith.constant 3 : i32
      %eq3A_1620 = vector.broadcast %eq3A_1619 : i32 to vector<16xi32>
      %eq3A_1621 = arith.cmpi eq, %iota3A, %eq3A_1620 : vector<16xi32>
      %slice3A_1622 = vector.extract_strided_slice %get3A_1618 {offsets = [0], sizes = [1], strides = [1]} : vector<16xf32> to vector<1xf32>
      %broadcast_in_dim3A_1623 = vector.shape_cast %slice3A_1622 : vector<1xf32> to vector<1xf32>
      %broadcast_in_dim3A_1624 = vector.broadcast %broadcast_in_dim3A_1623 : vector<1xf32> to vector<16xf32>
      %select_n3A_1625 = arith.select %eq3A_1621, %broadcast_in_dim3A_1624, %select_n3A_1611 : vector<16xi1>, vector<16xf32>
      %get3A_1626 = arith.constant 0 : i32
      %get3A_1627 = arith.constant 4 : i32
      %get3A_1628 = arith.index_cast %get3A_1626 : i32 to index
      %get3A_1629 = arith.index_cast %get3A_1627 : i32 to index
      %get3A_1630 = arith.constant 0 : index
      %get3A_1631 = tpu.vector_load %arg12[%get3A_1628, %get3A_1629, %get3A_1630] {strides = array<i32>} : memref<4x24x512xf32, #tpu.memory_space<vmem>>, vector<1x1x16xf32>,
      %get3A_1632 = vector.shape_cast %get3A_1631 : vector<1x1x16xf32> to vector<16xf32>
      %eq3A_1633 = arith.constant 4 : i32
      %eq3A_1634 = vector.broadcast %eq3A_1633 : i32 to vector<16xi32>
      %eq3A_1635 = arith.cmpi eq, %iota3A, %eq3A_1634 : vector<16xi32>
      %slice3A_1636 = vector.extract_strided_slice %get3A_1632 {offsets = [0], sizes = [1], strides = [1]} : vector<16xf32> to vector<1xf32>
      %broadcast_in_dim3A_1637 = vector.shape_cast %slice3A_1636 : vector<1xf32> to vector<1xf32>
      %broadcast_in_dim3A_1638 = vector.broadcast %broadcast_in_dim3A_1637 : vector<1xf32> to vector<16xf32>
      %select_n3A_1639 = arith.select %eq3A_1635, %broadcast_in_dim3A_1638, %select_n3A_1625 : vector<16xi1>, vector<16xf32>
      %get3A_1640 = arith.constant 0 : i32
      %get3A_1641 = arith.constant 5 : i32
      %get3A_1642 = arith.index_cast %get3A_1640 : i32 to index
      %get3A_1643 = arith.index_cast %get3A_1641 : i32 to index
      %get3A_1644 = arith.constant 0 : index
      %get3A_1645 = tpu.vector_load %arg12[%get3A_1642, %get3A_1643, %get3A_1644] {strides = array<i32>} : memref<4x24x512xf32, #tpu.memory_space<vmem>>, vector<1x1x16xf32>,
      %get3A_1646 = vector.shape_cast %get3A_1645 : vector<1x1x16xf32> to vector<16xf32>
      %eq3A_1647 = arith.constant 5 : i32
      %eq3A_1648 = vector.broadcast %eq3A_1647 : i32 to vector<16xi32>
      %eq3A_1649 = arith.cmpi eq, %iota3A, %eq3A_1648 : vector<16xi32>
      %slice3A_1650 = vector.extract_strided_slice %get3A_1646 {offsets = [0], sizes = [1], strides = [1]} : vector<16xf32> to vector<1xf32>
      %broadcast_in_dim3A_1651 = vector.shape_cast %slice3A_1650 : vector<1xf32> to vector<1xf32>
      %broadcast_in_dim3A_1652 = vector.broadcast %broadcast_in_dim3A_1651 : vector<1xf32> to vector<16xf32>
      %select_n3A_1653 = arith.select %eq3A_1649, %broadcast_in_dim3A_1652, %select_n3A_1639 : vector<16xi1>, vector<16xf32>
      %get3A_1654 = arith.constant 0 : i32
      %get3A_1655 = arith.constant 6 : i32
      %get3A_1656 = arith.index_cast %get3A_1654 : i32 to index
      %get3A_1657 = arith.index_cast %get3A_1655 : i32 to index
      %get3A_1658 = arith.constant 0 : index
      %get3A_1659 = tpu.vector_load %arg12[%get3A_1656, %get3A_1657, %get3A_1658] {strides = array<i32>} : memref<4x24x512xf32, #tpu.memory_space<vmem>>, vector<1x1x16xf32>,
      %get3A_1660 = vector.shape_cast %get3A_1659 : vector<1x1x16xf32> to vector<16xf32>
      %eq3A_1661 = arith.constant 6 : i32
      %eq3A_1662 = vector.broadcast %eq3A_1661 : i32 to vector<16xi32>
      %eq3A_1663 = arith.cmpi eq, %iota3A, %eq3A_1662 : vector<16xi32>
      %slice3A_1664 = vector.extract_strided_slice %get3A_1660 {offsets = [0], sizes = [1], strides = [1]} : vector<16xf32> to vector<1xf32>
      %broadcast_in_dim3A_1665 = vector.shape_cast %slice3A_1664 : vector<1xf32> to vector<1xf32>
      %broadcast_in_dim3A_1666 = vector.broadcast %broadcast_in_dim3A_1665 : vector<1xf32> to vector<16xf32>
      %select_n3A_1667 = arith.select %eq3A_1663, %broadcast_in_dim3A_1666, %select_n3A_1653 : vector<16xi1>, vector<16xf32>
      %get3A_1668 = arith.constant 0 : i32
      %get3A_1669 = arith.constant 7 : i32
      %get3A_1670 = arith.index_cast %get3A_1668 : i32 to index
      %get3A_1671 = arith.index_cast %get3A_1669 : i32 to index
      %get3A_1672 = arith.constant 0 : index
      %get3A_1673 = tpu.vector_load %arg12[%get3A_1670, %get3A_1671, %get3A_1672] {strides = array<i32>} : memref<4x24x512xf32, #tpu.memory_space<vmem>>, vector<1x1x16xf32>,
      %get3A_1674 = vector.shape_cast %get3A_1673 : vector<1x1x16xf32> to vector<16xf32>
      %eq3A_1675 = arith.constant 7 : i32
      %eq3A_1676 = vector.broadcast %eq3A_1675 : i32 to vector<16xi32>
      %eq3A_1677 = arith.cmpi eq, %iota3A, %eq3A_1676 : vector<16xi32>
      %slice3A_1678 = vector.extract_strided_slice %get3A_1674 {offsets = [0], sizes = [1], strides = [1]} : vector<16xf32> to vector<1xf32>
      %broadcast_in_dim3A_1679 = vector.shape_cast %slice3A_1678 : vector<1xf32> to vector<1xf32>
      %broadcast_in_dim3A_1680 = vector.broadcast %broadcast_in_dim3A_1679 : vector<1xf32> to vector<16xf32>
      %select_n3A_1681 = arith.select %eq3A_1677, %broadcast_in_dim3A_1680, %select_n3A_1667 : vector<16xi1>, vector<16xf32>
      %get3A_1682 = arith.constant 0 : i32
      %get3A_1683 = arith.constant 8 : i32
      %get3A_1684 = arith.index_cast %get3A_1682 : i32 to index
      %get3A_1685 = arith.index_cast %get3A_1683 : i32 to index
      %get3A_1686 = arith.constant 0 : index
      %get3A_1687 = tpu.vector_load %arg12[%get3A_1684, %get3A_1685, %get3A_1686] {strides = array<i32>} : memref<4x24x512xf32, #tpu.memory_space<vmem>>, vector<1x1x16xf32>,
      %get3A_1688 = vector.shape_cast %get3A_1687 : vector<1x1x16xf32> to vector<16xf32>
      %eq3A_1689 = arith.constant 8 : i32
      %eq3A_1690 = vector.broadcast %eq3A_1689 : i32 to vector<16xi32>
      %eq3A_1691 = arith.cmpi eq, %iota3A, %eq3A_1690 : vector<16xi32>
      %slice3A_1692 = vector.extract_strided_slice %get3A_1688 {offsets = [0], sizes = [1], strides = [1]} : vector<16xf32> to vector<1xf32>
      %broadcast_in_dim3A_1693 = vector.shape_cast %slice3A_1692 : vector<1xf32> to vector<1xf32>
      %broadcast_in_dim3A_1694 = vector.broadcast %broadcast_in_dim3A_1693 : vector<1xf32> to vector<16xf32>
      %select_n3A_1695 = arith.select %eq3A_1691, %broadcast_in_dim3A_1694, %select_n3A_1681 : vector<16xi1>, vector<16xf32>
      %get3A_1696 = arith.constant 0 : i32
      %get3A_1697 = arith.constant 9 : i32
      %get3A_1698 = arith.index_cast %get3A_1696 : i32 to index
      %get3A_1699 = arith.index_cast %get3A_1697 : i32 to index
      %get3A_1700 = arith.constant 0 : index
      %get3A_1701 = tpu.vector_load %arg12[%get3A_1698, %get3A_1699, %get3A_1700] {strides = array<i32>} : memref<4x24x512xf32, #tpu.memory_space<vmem>>, vector<1x1x16xf32>,
      %get3A_1702 = vector.shape_cast %get3A_1701 : vector<1x1x16xf32> to vector<16xf32>
      %eq3A_1703 = arith.constant 9 : i32
      %eq3A_1704 = vector.broadcast %eq3A_1703 : i32 to vector<16xi32>
      %eq3A_1705 = arith.cmpi eq, %iota3A, %eq3A_1704 : vector<16xi32>
      %slice3A_1706 = vector.extract_strided_slice %get3A_1702 {offsets = [0], sizes = [1], strides = [1]} : vector<16xf32> to vector<1xf32>
      %broadcast_in_dim3A_1707 = vector.shape_cast %slice3A_1706 : vector<1xf32> to vector<1xf32>
      %broadcast_in_dim3A_1708 = vector.broadcast %broadcast_in_dim3A_1707 : vector<1xf32> to vector<16xf32>
      %select_n3A_1709 = arith.select %eq3A_1705, %broadcast_in_dim3A_1708, %select_n3A_1695 : vector<16xi1>, vector<16xf32>
      %get3A_1710 = arith.constant 0 : i32
      %get3A_1711 = arith.constant 10 : i32
      %get3A_1712 = arith.index_cast %get3A_1710 : i32 to index
      %get3A_1713 = arith.index_cast %get3A_1711 : i32 to index
      %get3A_1714 = arith.constant 0 : index
      %get3A_1715 = tpu.vector_load %arg12[%get3A_1712, %get3A_1713, %get3A_1714] {strides = array<i32>} : memref<4x24x512xf32, #tpu.memory_space<vmem>>, vector<1x1x16xf32>,
      %get3A_1716 = vector.shape_cast %get3A_1715 : vector<1x1x16xf32> to vector<16xf32>
      %eq3A_1717 = arith.constant 10 : i32
      %eq3A_1718 = vector.broadcast %eq3A_1717 : i32 to vector<16xi32>
      %eq3A_1719 = arith.cmpi eq, %iota3A, %eq3A_1718 : vector<16xi32>
      %slice3A_1720 = vector.extract_strided_slice %get3A_1716 {offsets = [0], sizes = [1], strides = [1]} : vector<16xf32> to vector<1xf32>
      %broadcast_in_dim3A_1721 = vector.shape_cast %slice3A_1720 : vector<1xf32> to vector<1xf32>
      %broadcast_in_dim3A_1722 = vector.broadcast %broadcast_in_dim3A_1721 : vector<1xf32> to vector<16xf32>
      %select_n3A_1723 = arith.select %eq3A_1719, %broadcast_in_dim3A_1722, %select_n3A_1709 : vector<16xi1>, vector<16xf32>
      %get3A_1724 = arith.constant 0 : i32
      %get3A_1725 = arith.constant 11 : i32
      %get3A_1726 = arith.index_cast %get3A_1724 : i32 to index
      %get3A_1727 = arith.index_cast %get3A_1725 : i32 to index
      %get3A_1728 = arith.constant 0 : index
      %get3A_1729 = tpu.vector_load %arg12[%get3A_1726, %get3A_1727, %get3A_1728] {strides = array<i32>} : memref<4x24x512xf32, #tpu.memory_space<vmem>>, vector<1x1x16xf32>,
      %get3A_1730 = vector.shape_cast %get3A_1729 : vector<1x1x16xf32> to vector<16xf32>
      %eq3A_1731 = arith.constant 11 : i32
      %eq3A_1732 = vector.broadcast %eq3A_1731 : i32 to vector<16xi32>
      %eq3A_1733 = arith.cmpi eq, %iota3A, %eq3A_1732 : vector<16xi32>
      %slice3A_1734 = vector.extract_strided_slice %get3A_1730 {offsets = [0], sizes = [1], strides = [1]} : vector<16xf32> to vector<1xf32>
      %broadcast_in_dim3A_1735 = vector.shape_cast %slice3A_1734 : vector<1xf32> to vector<1xf32>
      %broadcast_in_dim3A_1736 = vector.broadcast %broadcast_in_dim3A_1735 : vector<1xf32> to vector<16xf32>
      %select_n3A_1737 = arith.select %eq3A_1733, %broadcast_in_dim3A_1736, %select_n3A_1723 : vector<16xi1>, vector<16xf32>
      %get3A_1738 = arith.constant 0 : i32
      %get3A_1739 = arith.constant 12 : i32
      %get3A_1740 = arith.index_cast %get3A_1738 : i32 to index
      %get3A_1741 = arith.index_cast %get3A_1739 : i32 to index
      %get3A_1742 = arith.constant 0 : index
      %get3A_1743 = tpu.vector_load %arg12[%get3A_1740, %get3A_1741, %get3A_1742] {strides = array<i32>} : memref<4x24x512xf32, #tpu.memory_space<vmem>>, vector<1x1x16xf32>,
      %get3A_1744 = vector.shape_cast %get3A_1743 : vector<1x1x16xf32> to vector<16xf32>
      %eq3A_1745 = arith.constant 12 : i32
      %eq3A_1746 = vector.broadcast %eq3A_1745 : i32 to vector<16xi32>
      %eq3A_1747 = arith.cmpi eq, %iota3A, %eq3A_1746 : vector<16xi32>
      %slice3A_1748 = vector.extract_strided_slice %get3A_1744 {offsets = [0], sizes = [1], strides = [1]} : vector<16xf32> to vector<1xf32>
      %broadcast_in_dim3A_1749 = vector.shape_cast %slice3A_1748 : vector<1xf32> to vector<1xf32>
      %broadcast_in_dim3A_1750 = vector.broadcast %broadcast_in_dim3A_1749 : vector<1xf32> to vector<16xf32>
      %select_n3A_1751 = arith.select %eq3A_1747, %broadcast_in_dim3A_1750, %select_n3A_1737 : vector<16xi1>, vector<16xf32>
      %get3A_1752 = arith.constant 0 : i32
      %get3A_1753 = arith.constant 13 : i32
      %get3A_1754 = arith.index_cast %get3A_1752 : i32 to index
      %get3A_1755 = arith.index_cast %get3A_1753 : i32 to index
      %get3A_1756 = arith.constant 0 : index
      %get3A_1757 = tpu.vector_load %arg12[%get3A_1754, %get3A_1755, %get3A_1756] {strides = array<i32>} : memref<4x24x512xf32, #tpu.memory_space<vmem>>, vector<1x1x16xf32>,
      %get3A_1758 = vector.shape_cast %get3A_1757 : vector<1x1x16xf32> to vector<16xf32>
      %eq3A_1759 = arith.constant 13 : i32
      %eq3A_1760 = vector.broadcast %eq3A_1759 : i32 to vector<16xi32>
      %eq3A_1761 = arith.cmpi eq, %iota3A, %eq3A_1760 : vector<16xi32>
      %slice3A_1762 = vector.extract_strided_slice %get3A_1758 {offsets = [0], sizes = [1], strides = [1]} : vector<16xf32> to vector<1xf32>
      %broadcast_in_dim3A_1763 = vector.shape_cast %slice3A_1762 : vector<1xf32> to vector<1xf32>
      %broadcast_in_dim3A_1764 = vector.broadcast %broadcast_in_dim3A_1763 : vector<1xf32> to vector<16xf32>
      %select_n3A_1765 = arith.select %eq3A_1761, %broadcast_in_dim3A_1764, %select_n3A_1751 : vector<16xi1>, vector<16xf32>
      %mul3A_1766 = arith.constant 4 : i32
      %mul3A_1767 = arith.muli %scan3A_1355, %mul3A_1766 : i32
      %add3A_1768 = arith.constant 0 : i32
      %add3A_1769 = arith.addi %mul3A_1767, %add3A_1768 : i32
      %mul3A_1770 = arith.constant 40 : i32
      %mul3A_1771 = arith.muli %add3A_1769, %mul3A_1770 : i32
      %ne3A = arith.constant 0.000000e+00 : f32
      %ne3A_1772 = vector.broadcast %ne3A : f32 to vector<16xf32>
      %ne3A_1773 = arith.cmpf one, %select_n3A_1569, %ne3A_1772 : vector<16xf32>
      %select_n3A_1774 = arith.select %ne3A_1773, %broadcast_in_dim3A_1239, %broadcast_in_dim3A_3 : vector<16xi1>, vector<16xf32>
      %swap3A_1775 = arith.index_cast %mul3A_1771 : i32 to index
      %swap3A_1776 = tpu.vector_load %arg13[%swap3A_1775] {strides = array<i32>} : memref<2568xf32, #tpu.memory_space<vmem>>, vector<16xf32>,
      %swap3A_1777 = vector.shape_cast %swap3A_1776 : vector<16xf32> to vector<16xf32>
      %swap3A_1778 = vector.shape_cast %select_n3A_1774 : vector<16xf32> to vector<16xf32>
      tpu.vector_store %arg13[%swap3A_1775], %swap3A_1778 {strides = array<i32>} : memref<2568xf32, #tpu.memory_space<vmem>>, vector<16xf32>,
      %ne3A_1779 = arith.constant 0.000000e+00 : f32
      %ne3A_1780 = vector.broadcast %ne3A_1779 : f32 to vector<16xf32>
      %ne3A_1781 = arith.cmpf one, %select_n3A_1765, %ne3A_1780 : vector<16xf32>
      %select_n3A_1782 = arith.select %ne3A_1781, %broadcast_in_dim3A_1239, %broadcast_in_dim3A_3 : vector<16xi1>, vector<16xf32>
      %add3A_1783 = arith.constant 16 : i32
      %add3A_1784 = arith.addi %mul3A_1771, %add3A_1783 : i32
      %swap3A_1785 = arith.index_cast %add3A_1784 : i32 to index
      %swap3A_1786 = tpu.vector_load %arg13[%swap3A_1785] {strides = array<i32>} : memref<2568xf32, #tpu.memory_space<vmem>>, vector<16xf32>,
      %swap3A_1787 = vector.shape_cast %swap3A_1786 : vector<16xf32> to vector<16xf32>
      %swap3A_1788 = vector.shape_cast %select_n3A_1782 : vector<16xf32> to vector<16xf32>
      tpu.vector_store %arg13[%swap3A_1785], %swap3A_1788 {strides = array<i32>} : memref<2568xf32, #tpu.memory_space<vmem>>, vector<16xf32>,
      %add3A_1789 = arith.constant 32 : i32
      %add3A_1790 = arith.addi %mul3A_1771, %add3A_1789 : i32
      %swap3A_1791 = arith.index_cast %add3A_1790 : i32 to index
      %swap3A_1792 = tpu.vector_load %arg13[%swap3A_1791] {strides = array<i32>} : memref<2568xf32, #tpu.memory_space<vmem>>, vector<16xf32>,
      %swap3A_1793 = vector.shape_cast %swap3A_1792 : vector<16xf32> to vector<16xf32>
      %swap3A_1794 = vector.shape_cast %broadcast_in_dim3A_3 : vector<16xf32> to vector<16xf32>
      tpu.vector_store %arg13[%swap3A_1791], %swap3A_1794 {strides = array<i32>} : memref<2568xf32, #tpu.memory_space<vmem>>, vector<16xf32>,
      %mul3A_1795 = arith.constant 4 : i32
      %mul3A_1796 = arith.muli %scan3A_1355, %mul3A_1795 : i32
      %add3A_1797 = arith.addi %mul3A_2, %mul3A_1796 : i32
      %add3A_1798 = arith.constant 0 : i32
      %add3A_1799 = arith.addi %add3A_1797, %add3A_1798 : i32
      %mul3A_1800 = arith.constant 40 : i32
      %mul3A_1801 = arith.muli %add3A_1799, %mul3A_1800 : i32
      %dma_start3A_1802 = arith.constant 0 : i32
      %dma_start3A_1803 = arith.constant 0 : i32
      %dma_start3A_1804 = tpu.memref_slice %arg11[%dma_start3A_1802, %dma_start3A_1803] : memref<64x512xf32, #tpu.memory_space<vmem>> -> memref<16x512xf32, #tpu.memory_space<vmem>>
      %dma_start3A_1805 = arith.constant 0 : i32
      %dma_start3A_1806 = tpu.memref_slice %arg8[%mul3A_1801, %dma_start3A_1805] : memref<81920x512xf32, #tpu.memory_space<hbm>> -> memref<16x512xf32, #tpu.memory_space<hbm>>
      %dma_start3A_1807 = arith.constant 0 : i32
      %dma_start3A_1808 = tpu.memref_slice %arg8[%mul3A_1801, %dma_start3A_1807] : memref<81920x512xf32, #tpu.memory_space<hbm>> -> memref<16x512xf32, #tpu.memory_space<hbm>>
      %dma_start3A_1809 = arith.constant 0 : i32
      %dma_start3A_1810 = arith.constant 0 : i32
      %dma_start3A_1811 = tpu.memref_slice %arg11[%dma_start3A_1809, %dma_start3A_1810] : memref<64x512xf32, #tpu.memory_space<vmem>> -> memref<16x512xf32, #tpu.memory_space<vmem>>
      tpu.enqueue_dma source(%dma_start3A_1811 : memref<16x512xf32, #tpu.memory_space<vmem>>) target(%dma_start3A_1808 : memref<16x512xf32, #tpu.memory_space<hbm>>) target_semaphore(%arg18 : memref<!tpu.dma_semaphore, #tpu.memory_space<semaphore_mem>>)
      %mul3A_1812 = arith.constant 40 : i32
      %mul3A_1813 = arith.muli %add3A_1799, %mul3A_1812 : i32
      %add3A_1814 = arith.constant 16 : i32
      %add3A_1815 = arith.addi %mul3A_1813, %add3A_1814 : i32
      %dma_start3A_1816 = arith.constant 0 : i32
      %dma_start3A_1817 = arith.constant 0 : i32
      %dma_start3A_1818 = arith.constant 0 : i32
      %dma_start3A_1819 = tpu.memref_slice %arg12[%dma_start3A_1816, %dma_start3A_1817, %dma_start3A_1818] : memref<4x24x512xf32, #tpu.memory_space<vmem>> -> memref<1x24x512xf32, #tpu.memory_space<vmem>>
      %dma_start3A_1820 = tpu.memref_squeeze %dma_start3A_1819 : memref<1x24x512xf32, #tpu.memory_space<vmem>> -> memref<24x512xf32, #tpu.memory_space<vmem>>
      %dma_start3A_1821 = arith.constant 0 : i32
      %dma_start3A_1822 = tpu.memref_slice %arg8[%add3A_1815, %dma_start3A_1821] : memref<81920x512xf32, #tpu.memory_space<hbm>> -> memref<24x512xf32, #tpu.memory_space<hbm>>
      %dma_start3A_1823 = arith.constant 0 : i32
      %dma_start3A_1824 = tpu.memref_slice %arg8[%add3A_1815, %dma_start3A_1823] : memref<81920x512xf32, #tpu.memory_space<hbm>> -> memref<24x512xf32, #tpu.memory_space<hbm>>
      %dma_start3A_1825 = arith.constant 0 : i32
      %dma_start3A_1826 = arith.constant 0 : i32
      %dma_start3A_1827 = tpu.memref_slice %arg12[%dma_start3A_1816, %dma_start3A_1825, %dma_start3A_1826] : memref<4x24x512xf32, #tpu.memory_space<vmem>> -> memref<1x24x512xf32, #tpu.memory_space<vmem>>
      %dma_start3A_1828 = tpu.memref_squeeze %dma_start3A_1827 : memref<1x24x512xf32, #tpu.memory_space<vmem>> -> memref<24x512xf32, #tpu.memory_space<vmem>>
      tpu.enqueue_dma source(%dma_start3A_1828 : memref<24x512xf32, #tpu.memory_space<vmem>>) target(%dma_start3A_1824 : memref<24x512xf32, #tpu.memory_space<hbm>>) target_semaphore(%arg18 : memref<!tpu.dma_semaphore, #tpu.memory_space<semaphore_mem>>)
      %get3A_1829 = arith.constant 16 : i32
      %get3A_1830 = arith.index_cast %get3A_1829 : i32 to index
      %get3A_1831 = arith.constant 0 : index
      %get3A_1832 = tpu.vector_load %arg11[%get3A_1830, %get3A_1831] {strides = array<i32>} : memref<64x512xf32, #tpu.memory_space<vmem>>, vector<1x16xf32>,
      %get3A_1833 = vector.shape_cast %get3A_1832 : vector<1x16xf32> to vector<16xf32>
      %eq3A_1834 = arith.constant 0 : i32
      %eq3A_1835 = vector.broadcast %eq3A_1834 : i32 to vector<16xi32>
      %eq3A_1836 = arith.cmpi eq, %iota3A, %eq3A_1835 : vector<16xi32>
      %slice3A_1837 = vector.extract_strided_slice %get3A_1833 {offsets = [0], sizes = [1], strides = [1]} : vector<16xf32> to vector<1xf32>
      %broadcast_in_dim3A_1838 = vector.shape_cast %slice3A_1837 : vector<1xf32> to vector<1xf32>
      %broadcast_in_dim3A_1839 = vector.broadcast %broadcast_in_dim3A_1838 : vector<1xf32> to vector<16xf32>
      %select_n3A_1840 = arith.select %eq3A_1836, %broadcast_in_dim3A_1839, %broadcast_in_dim3A_3 : vector<16xi1>, vector<16xf32>
      %get3A_1841 = arith.constant 17 : i32
      %get3A_1842 = arith.index_cast %get3A_1841 : i32 to index
      %get3A_1843 = arith.constant 0 : index
      %get3A_1844 = tpu.vector_load %arg11[%get3A_1842, %get3A_1843] {strides = array<i32>} : memref<64x512xf32, #tpu.memory_space<vmem>>, vector<1x16xf32>,
      %get3A_1845 = vector.shape_cast %get3A_1844 : vector<1x16xf32> to vector<16xf32>
      %eq3A_1846 = arith.constant 1 : i32
      %eq3A_1847 = vector.broadcast %eq3A_1846 : i32 to vector<16xi32>
      %eq3A_1848 = arith.cmpi eq, %iota3A, %eq3A_1847 : vector<16xi32>
      %slice3A_1849 = vector.extract_strided_slice %get3A_1845 {offsets = [0], sizes = [1], strides = [1]} : vector<16xf32> to vector<1xf32>
      %broadcast_in_dim3A_1850 = vector.shape_cast %slice3A_1849 : vector<1xf32> to vector<1xf32>
      %broadcast_in_dim3A_1851 = vector.broadcast %broadcast_in_dim3A_1850 : vector<1xf32> to vector<16xf32>
      %select_n3A_1852 = arith.select %eq3A_1848, %broadcast_in_dim3A_1851, %select_n3A_1840 : vector<16xi1>, vector<16xf32>
      %get3A_1853 = arith.constant 18 : i32
      %get3A_1854 = arith.index_cast %get3A_1853 : i32 to index
      %get3A_1855 = arith.constant 0 : index
      %get3A_1856 = tpu.vector_load %arg11[%get3A_1854, %get3A_1855] {strides = array<i32>} : memref<64x512xf32, #tpu.memory_space<vmem>>, vector<1x16xf32>,
      %get3A_1857 = vector.shape_cast %get3A_1856 : vector<1x16xf32> to vector<16xf32>
      %eq3A_1858 = arith.constant 2 : i32
      %eq3A_1859 = vector.broadcast %eq3A_1858 : i32 to vector<16xi32>
      %eq3A_1860 = arith.cmpi eq, %iota3A, %eq3A_1859 : vector<16xi32>
      %slice3A_1861 = vector.extract_strided_slice %get3A_1857 {offsets = [0], sizes = [1], strides = [1]} : vector<16xf32> to vector<1xf32>
      %broadcast_in_dim3A_1862 = vector.shape_cast %slice3A_1861 : vector<1xf32> to vector<1xf32>
      %broadcast_in_dim3A_1863 = vector.broadcast %broadcast_in_dim3A_1862 : vector<1xf32> to vector<16xf32>
      %select_n3A_1864 = arith.select %eq3A_1860, %broadcast_in_dim3A_1863, %select_n3A_1852 : vector<16xi1>, vector<16xf32>
      %get3A_1865 = arith.constant 19 : i32
      %get3A_1866 = arith.index_cast %get3A_1865 : i32 to index
      %get3A_1867 = arith.constant 0 : index
      %get3A_1868 = tpu.vector_load %arg11[%get3A_1866, %get3A_1867] {strides = array<i32>} : memref<64x512xf32, #tpu.memory_space<vmem>>, vector<1x16xf32>,
      %get3A_1869 = vector.shape_cast %get3A_1868 : vector<1x16xf32> to vector<16xf32>
      %eq3A_1870 = arith.constant 3 : i32
      %eq3A_1871 = vector.broadcast %eq3A_1870 : i32 to vector<16xi32>
      %eq3A_1872 = arith.cmpi eq, %iota3A, %eq3A_1871 : vector<16xi32>
      %slice3A_1873 = vector.extract_strided_slice %get3A_1869 {offsets = [0], sizes = [1], strides = [1]} : vector<16xf32> to vector<1xf32>
      %broadcast_in_dim3A_1874 = vector.shape_cast %slice3A_1873 : vector<1xf32> to vector<1xf32>
      %broadcast_in_dim3A_1875 = vector.broadcast %broadcast_in_dim3A_1874 : vector<1xf32> to vector<16xf32>
      %select_n3A_1876 = arith.select %eq3A_1872, %broadcast_in_dim3A_1875, %select_n3A_1864 : vector<16xi1>, vector<16xf32>
      %get3A_1877 = arith.constant 20 : i32
      %get3A_1878 = arith.index_cast %get3A_1877 : i32 to index
      %get3A_1879 = arith.constant 0 : index
      %get3A_1880 = tpu.vector_load %arg11[%get3A_1878, %get3A_1879] {strides = array<i32>} : memref<64x512xf32, #tpu.memory_space<vmem>>, vector<1x16xf32>,
      %get3A_1881 = vector.shape_cast %get3A_1880 : vector<1x16xf32> to vector<16xf32>
      %eq3A_1882 = arith.constant 4 : i32
      %eq3A_1883 = vector.broadcast %eq3A_1882 : i32 to vector<16xi32>
      %eq3A_1884 = arith.cmpi eq, %iota3A, %eq3A_1883 : vector<16xi32>
      %slice3A_1885 = vector.extract_strided_slice %get3A_1881 {offsets = [0], sizes = [1], strides = [1]} : vector<16xf32> to vector<1xf32>
      %broadcast_in_dim3A_1886 = vector.shape_cast %slice3A_1885 : vector<1xf32> to vector<1xf32>
      %broadcast_in_dim3A_1887 = vector.broadcast %broadcast_in_dim3A_1886 : vector<1xf32> to vector<16xf32>
      %select_n3A_1888 = arith.select %eq3A_1884, %broadcast_in_dim3A_1887, %select_n3A_1876 : vector<16xi1>, vector<16xf32>
      %get3A_1889 = arith.constant 21 : i32
      %get3A_1890 = arith.index_cast %get3A_1889 : i32 to index
      %get3A_1891 = arith.constant 0 : index
      %get3A_1892 = tpu.vector_load %arg11[%get3A_1890, %get3A_1891] {strides = array<i32>} : memref<64x512xf32, #tpu.memory_space<vmem>>, vector<1x16xf32>,
      %get3A_1893 = vector.shape_cast %get3A_1892 : vector<1x16xf32> to vector<16xf32>
      %eq3A_1894 = arith.constant 5 : i32
      %eq3A_1895 = vector.broadcast %eq3A_1894 : i32 to vector<16xi32>
      %eq3A_1896 = arith.cmpi eq, %iota3A, %eq3A_1895 : vector<16xi32>
      %slice3A_1897 = vector.extract_strided_slice %get3A_1893 {offsets = [0], sizes = [1], strides = [1]} : vector<16xf32> to vector<1xf32>
      %broadcast_in_dim3A_1898 = vector.shape_cast %slice3A_1897 : vector<1xf32> to vector<1xf32>
      %broadcast_in_dim3A_1899 = vector.broadcast %broadcast_in_dim3A_1898 : vector<1xf32> to vector<16xf32>
      %select_n3A_1900 = arith.select %eq3A_1896, %broadcast_in_dim3A_1899, %select_n3A_1888 : vector<16xi1>, vector<16xf32>
      %get3A_1901 = arith.constant 22 : i32
      %get3A_1902 = arith.index_cast %get3A_1901 : i32 to index
      %get3A_1903 = arith.constant 0 : index
      %get3A_1904 = tpu.vector_load %arg11[%get3A_1902, %get3A_1903] {strides = array<i32>} : memref<64x512xf32, #tpu.memory_space<vmem>>, vector<1x16xf32>,
      %get3A_1905 = vector.shape_cast %get3A_1904 : vector<1x16xf32> to vector<16xf32>
      %eq3A_1906 = arith.constant 6 : i32
      %eq3A_1907 = vector.broadcast %eq3A_1906 : i32 to vector<16xi32>
      %eq3A_1908 = arith.cmpi eq, %iota3A, %eq3A_1907 : vector<16xi32>
      %slice3A_1909 = vector.extract_strided_slice %get3A_1905 {offsets = [0], sizes = [1], strides = [1]} : vector<16xf32> to vector<1xf32>
      %broadcast_in_dim3A_1910 = vector.shape_cast %slice3A_1909 : vector<1xf32> to vector<1xf32>
      %broadcast_in_dim3A_1911 = vector.broadcast %broadcast_in_dim3A_1910 : vector<1xf32> to vector<16xf32>
      %select_n3A_1912 = arith.select %eq3A_1908, %broadcast_in_dim3A_1911, %select_n3A_1900 : vector<16xi1>, vector<16xf32>
      %get3A_1913 = arith.constant 23 : i32
      %get3A_1914 = arith.index_cast %get3A_1913 : i32 to index
      %get3A_1915 = arith.constant 0 : index
      %get3A_1916 = tpu.vector_load %arg11[%get3A_1914, %get3A_1915] {strides = array<i32>} : memref<64x512xf32, #tpu.memory_space<vmem>>, vector<1x16xf32>,
      %get3A_1917 = vector.shape_cast %get3A_1916 : vector<1x16xf32> to vector<16xf32>
      %eq3A_1918 = arith.constant 7 : i32
      %eq3A_1919 = vector.broadcast %eq3A_1918 : i32 to vector<16xi32>
      %eq3A_1920 = arith.cmpi eq, %iota3A, %eq3A_1919 : vector<16xi32>
      %slice3A_1921 = vector.extract_strided_slice %get3A_1917 {offsets = [0], sizes = [1], strides = [1]} : vector<16xf32> to vector<1xf32>
      %broadcast_in_dim3A_1922 = vector.shape_cast %slice3A_1921 : vector<1xf32> to vector<1xf32>
      %broadcast_in_dim3A_1923 = vector.broadcast %broadcast_in_dim3A_1922 : vector<1xf32> to vector<16xf32>
      %select_n3A_1924 = arith.select %eq3A_1920, %broadcast_in_dim3A_1923, %select_n3A_1912 : vector<16xi1>, vector<16xf32>
      %get3A_1925 = arith.constant 24 : i32
      %get3A_1926 = arith.index_cast %get3A_1925 : i32 to index
      %get3A_1927 = arith.constant 0 : index
      %get3A_1928 = tpu.vector_load %arg11[%get3A_1926, %get3A_1927] {strides = array<i32>} : memref<64x512xf32, #tpu.memory_space<vmem>>, vector<1x16xf32>,
      %get3A_1929 = vector.shape_cast %get3A_1928 : vector<1x16xf32> to vector<16xf32>
      %eq3A_1930 = arith.constant 8 : i32
      %eq3A_1931 = vector.broadcast %eq3A_1930 : i32 to vector<16xi32>
      %eq3A_1932 = arith.cmpi eq, %iota3A, %eq3A_1931 : vector<16xi32>
      %slice3A_1933 = vector.extract_strided_slice %get3A_1929 {offsets = [0], sizes = [1], strides = [1]} : vector<16xf32> to vector<1xf32>
      %broadcast_in_dim3A_1934 = vector.shape_cast %slice3A_1933 : vector<1xf32> to vector<1xf32>
      %broadcast_in_dim3A_1935 = vector.broadcast %broadcast_in_dim3A_1934 : vector<1xf32> to vector<16xf32>
      %select_n3A_1936 = arith.select %eq3A_1932, %broadcast_in_dim3A_1935, %select_n3A_1924 : vector<16xi1>, vector<16xf32>
      %get3A_1937 = arith.constant 25 : i32
      %get3A_1938 = arith.index_cast %get3A_1937 : i32 to index
      %get3A_1939 = arith.constant 0 : index
      %get3A_1940 = tpu.vector_load %arg11[%get3A_1938, %get3A_1939] {strides = array<i32>} : memref<64x512xf32, #tpu.memory_space<vmem>>, vector<1x16xf32>,
      %get3A_1941 = vector.shape_cast %get3A_1940 : vector<1x16xf32> to vector<16xf32>
      %eq3A_1942 = arith.constant 9 : i32
      %eq3A_1943 = vector.broadcast %eq3A_1942 : i32 to vector<16xi32>
      %eq3A_1944 = arith.cmpi eq, %iota3A, %eq3A_1943 : vector<16xi32>
      %slice3A_1945 = vector.extract_strided_slice %get3A_1941 {offsets = [0], sizes = [1], strides = [1]} : vector<16xf32> to vector<1xf32>
      %broadcast_in_dim3A_1946 = vector.shape_cast %slice3A_1945 : vector<1xf32> to vector<1xf32>
      %broadcast_in_dim3A_1947 = vector.broadcast %broadcast_in_dim3A_1946 : vector<1xf32> to vector<16xf32>
      %select_n3A_1948 = arith.select %eq3A_1944, %broadcast_in_dim3A_1947, %select_n3A_1936 : vector<16xi1>, vector<16xf32>
      %get3A_1949 = arith.constant 26 : i32
      %get3A_1950 = arith.index_cast %get3A_1949 : i32 to index
      %get3A_1951 = arith.constant 0 : index
      %get3A_1952 = tpu.vector_load %arg11[%get3A_1950, %get3A_1951] {strides = array<i32>} : memref<64x512xf32, #tpu.memory_space<vmem>>, vector<1x16xf32>,
      %get3A_1953 = vector.shape_cast %get3A_1952 : vector<1x16xf32> to vector<16xf32>
      %eq3A_1954 = arith.constant 10 : i32
      %eq3A_1955 = vector.broadcast %eq3A_1954 : i32 to vector<16xi32>
      %eq3A_1956 = arith.cmpi eq, %iota3A, %eq3A_1955 : vector<16xi32>
      %slice3A_1957 = vector.extract_strided_slice %get3A_1953 {offsets = [0], sizes = [1], strides = [1]} : vector<16xf32> to vector<1xf32>
      %broadcast_in_dim3A_1958 = vector.shape_cast %slice3A_1957 : vector<1xf32> to vector<1xf32>
      %broadcast_in_dim3A_1959 = vector.broadcast %broadcast_in_dim3A_1958 : vector<1xf32> to vector<16xf32>
      %select_n3A_1960 = arith.select %eq3A_1956, %broadcast_in_dim3A_1959, %select_n3A_1948 : vector<16xi1>, vector<16xf32>
      %get3A_1961 = arith.constant 27 : i32
      %get3A_1962 = arith.index_cast %get3A_1961 : i32 to index
      %get3A_1963 = arith.constant 0 : index
      %get3A_1964 = tpu.vector_load %arg11[%get3A_1962, %get3A_1963] {strides = array<i32>} : memref<64x512xf32, #tpu.memory_space<vmem>>, vector<1x16xf32>,
      %get3A_1965 = vector.shape_cast %get3A_1964 : vector<1x16xf32> to vector<16xf32>
      %eq3A_1966 = arith.constant 11 : i32
      %eq3A_1967 = vector.broadcast %eq3A_1966 : i32 to vector<16xi32>
      %eq3A_1968 = arith.cmpi eq, %iota3A, %eq3A_1967 : vector<16xi32>
      %slice3A_1969 = vector.extract_strided_slice %get3A_1965 {offsets = [0], sizes = [1], strides = [1]} : vector<16xf32> to vector<1xf32>
      %broadcast_in_dim3A_1970 = vector.shape_cast %slice3A_1969 : vector<1xf32> to vector<1xf32>
      %broadcast_in_dim3A_1971 = vector.broadcast %broadcast_in_dim3A_1970 : vector<1xf32> to vector<16xf32>
      %select_n3A_1972 = arith.select %eq3A_1968, %broadcast_in_dim3A_1971, %select_n3A_1960 : vector<16xi1>, vector<16xf32>
      %get3A_1973 = arith.constant 28 : i32
      %get3A_1974 = arith.index_cast %get3A_1973 : i32 to index
      %get3A_1975 = arith.constant 0 : index
      %get3A_1976 = tpu.vector_load %arg11[%get3A_1974, %get3A_1975] {strides = array<i32>} : memref<64x512xf32, #tpu.memory_space<vmem>>, vector<1x16xf32>,
      %get3A_1977 = vector.shape_cast %get3A_1976 : vector<1x16xf32> to vector<16xf32>
      %eq3A_1978 = arith.constant 12 : i32
      %eq3A_1979 = vector.broadcast %eq3A_1978 : i32 to vector<16xi32>
      %eq3A_1980 = arith.cmpi eq, %iota3A, %eq3A_1979 : vector<16xi32>
      %slice3A_1981 = vector.extract_strided_slice %get3A_1977 {offsets = [0], sizes = [1], strides = [1]} : vector<16xf32> to vector<1xf32>
      %broadcast_in_dim3A_1982 = vector.shape_cast %slice3A_1981 : vector<1xf32> to vector<1xf32>
      %broadcast_in_dim3A_1983 = vector.broadcast %broadcast_in_dim3A_1982 : vector<1xf32> to vector<16xf32>
      %select_n3A_1984 = arith.select %eq3A_1980, %broadcast_in_dim3A_1983, %select_n3A_1972 : vector<16xi1>, vector<16xf32>
      %get3A_1985 = arith.constant 29 : i32
      %get3A_1986 = arith.index_cast %get3A_1985 : i32 to index
      %get3A_1987 = arith.constant 0 : index
      %get3A_1988 = tpu.vector_load %arg11[%get3A_1986, %get3A_1987] {strides = array<i32>} : memref<64x512xf32, #tpu.memory_space<vmem>>, vector<1x16xf32>,
      %get3A_1989 = vector.shape_cast %get3A_1988 : vector<1x16xf32> to vector<16xf32>
      %eq3A_1990 = arith.constant 13 : i32
      %eq3A_1991 = vector.broadcast %eq3A_1990 : i32 to vector<16xi32>
      %eq3A_1992 = arith.cmpi eq, %iota3A, %eq3A_1991 : vector<16xi32>
      %slice3A_1993 = vector.extract_strided_slice %get3A_1989 {offsets = [0], sizes = [1], strides = [1]} : vector<16xf32> to vector<1xf32>
      %broadcast_in_dim3A_1994 = vector.shape_cast %slice3A_1993 : vector<1xf32> to vector<1xf32>
      %broadcast_in_dim3A_1995 = vector.broadcast %broadcast_in_dim3A_1994 : vector<1xf32> to vector<16xf32>
      %select_n3A_1996 = arith.select %eq3A_1992, %broadcast_in_dim3A_1995, %select_n3A_1984 : vector<16xi1>, vector<16xf32>
      %get3A_1997 = arith.constant 30 : i32
      %get3A_1998 = arith.index_cast %get3A_1997 : i32 to index
      %get3A_1999 = arith.constant 0 : index
      %get3A_2000 = tpu.vector_load %arg11[%get3A_1998, %get3A_1999] {strides = array<i32>} : memref<64x512xf32, #tpu.memory_space<vmem>>, vector<1x16xf32>,
      %get3A_2001 = vector.shape_cast %get3A_2000 : vector<1x16xf32> to vector<16xf32>
      %eq3A_2002 = arith.constant 14 : i32
      %eq3A_2003 = vector.broadcast %eq3A_2002 : i32 to vector<16xi32>
      %eq3A_2004 = arith.cmpi eq, %iota3A, %eq3A_2003 : vector<16xi32>
      %slice3A_2005 = vector.extract_strided_slice %get3A_2001 {offsets = [0], sizes = [1], strides = [1]} : vector<16xf32> to vector<1xf32>
      %broadcast_in_dim3A_2006 = vector.shape_cast %slice3A_2005 : vector<1xf32> to vector<1xf32>
      %broadcast_in_dim3A_2007 = vector.broadcast %broadcast_in_dim3A_2006 : vector<1xf32> to vector<16xf32>
      %select_n3A_2008 = arith.select %eq3A_2004, %broadcast_in_dim3A_2007, %select_n3A_1996 : vector<16xi1>, vector<16xf32>
      %get3A_2009 = arith.constant 31 : i32
      %get3A_2010 = arith.index_cast %get3A_2009 : i32 to index
      %get3A_2011 = arith.constant 0 : index
      %get3A_2012 = tpu.vector_load %arg11[%get3A_2010, %get3A_2011] {strides = array<i32>} : memref<64x512xf32, #tpu.memory_space<vmem>>, vector<1x16xf32>,
      %get3A_2013 = vector.shape_cast %get3A_2012 : vector<1x16xf32> to vector<16xf32>
      %eq3A_2014 = arith.constant 15 : i32
      %eq3A_2015 = vector.broadcast %eq3A_2014 : i32 to vector<16xi32>
      %eq3A_2016 = arith.cmpi eq, %iota3A, %eq3A_2015 : vector<16xi32>
      %slice3A_2017 = vector.extract_strided_slice %get3A_2013 {offsets = [0], sizes = [1], strides = [1]} : vector<16xf32> to vector<1xf32>
      %broadcast_in_dim3A_2018 = vector.shape_cast %slice3A_2017 : vector<1xf32> to vector<1xf32>
      %broadcast_in_dim3A_2019 = vector.broadcast %broadcast_in_dim3A_2018 : vector<1xf32> to vector<16xf32>
      %select_n3A_2020 = arith.select %eq3A_2016, %broadcast_in_dim3A_2019, %select_n3A_2008 : vector<16xi1>, vector<16xf32>
      %get3A_2021 = arith.constant 1 : i32
      %get3A_2022 = arith.constant 0 : i32
      %get3A_2023 = arith.index_cast %get3A_2021 : i32 to index
      %get3A_2024 = arith.index_cast %get3A_2022 : i32 to index
      %get3A_2025 = arith.constant 0 : index
      %get3A_2026 = tpu.vector_load %arg12[%get3A_2023, %get3A_2024, %get3A_2025] {strides = array<i32>} : memref<4x24x512xf32, #tpu.memory_space<vmem>>, vector<1x1x16xf32>,
      %get3A_2027 = vector.shape_cast %get3A_2026 : vector<1x1x16xf32> to vector<16xf32>
      %eq3A_2028 = arith.constant 0 : i32
      %eq3A_2029 = vector.broadcast %eq3A_2028 : i32 to vector<16xi32>
      %eq3A_2030 = arith.cmpi eq, %iota3A, %eq3A_2029 : vector<16xi32>
      %slice3A_2031 = vector.extract_strided_slice %get3A_2027 {offsets = [0], sizes = [1], strides = [1]} : vector<16xf32> to vector<1xf32>
      %broadcast_in_dim3A_2032 = vector.shape_cast %slice3A_2031 : vector<1xf32> to vector<1xf32>
      %broadcast_in_dim3A_2033 = vector.broadcast %broadcast_in_dim3A_2032 : vector<1xf32> to vector<16xf32>
      %select_n3A_2034 = arith.select %eq3A_2030, %broadcast_in_dim3A_2033, %broadcast_in_dim3A_3 : vector<16xi1>, vector<16xf32>
      %get3A_2035 = arith.constant 1 : i32
      %get3A_2036 = arith.constant 1 : i32
      %get3A_2037 = arith.index_cast %get3A_2035 : i32 to index
      %get3A_2038 = arith.index_cast %get3A_2036 : i32 to index
      %get3A_2039 = arith.constant 0 : index
      %get3A_2040 = tpu.vector_load %arg12[%get3A_2037, %get3A_2038, %get3A_2039] {strides = array<i32>} : memref<4x24x512xf32, #tpu.memory_space<vmem>>, vector<1x1x16xf32>,
      %get3A_2041 = vector.shape_cast %get3A_2040 : vector<1x1x16xf32> to vector<16xf32>
      %eq3A_2042 = arith.constant 1 : i32
      %eq3A_2043 = vector.broadcast %eq3A_2042 : i32 to vector<16xi32>
      %eq3A_2044 = arith.cmpi eq, %iota3A, %eq3A_2043 : vector<16xi32>
      %slice3A_2045 = vector.extract_strided_slice %get3A_2041 {offsets = [0], sizes = [1], strides = [1]} : vector<16xf32> to vector<1xf32>
      %broadcast_in_dim3A_2046 = vector.shape_cast %slice3A_2045 : vector<1xf32> to vector<1xf32>
      %broadcast_in_dim3A_2047 = vector.broadcast %broadcast_in_dim3A_2046 : vector<1xf32> to vector<16xf32>
      %select_n3A_2048 = arith.select %eq3A_2044, %broadcast_in_dim3A_2047, %select_n3A_2034 : vector<16xi1>, vector<16xf32>
      %get3A_2049 = arith.constant 1 : i32
      %get3A_2050 = arith.constant 2 : i32
      %get3A_2051 = arith.index_cast %get3A_2049 : i32 to index
      %get3A_2052 = arith.index_cast %get3A_2050 : i32 to index
      %get3A_2053 = arith.constant 0 : index
      %get3A_2054 = tpu.vector_load %arg12[%get3A_2051, %get3A_2052, %get3A_2053] {strides = array<i32>} : memref<4x24x512xf32, #tpu.memory_space<vmem>>, vector<1x1x16xf32>,
      %get3A_2055 = vector.shape_cast %get3A_2054 : vector<1x1x16xf32> to vector<16xf32>
      %eq3A_2056 = arith.constant 2 : i32
      %eq3A_2057 = vector.broadcast %eq3A_2056 : i32 to vector<16xi32>
      %eq3A_2058 = arith.cmpi eq, %iota3A, %eq3A_2057 : vector<16xi32>
      %slice3A_2059 = vector.extract_strided_slice %get3A_2055 {offsets = [0], sizes = [1], strides = [1]} : vector<16xf32> to vector<1xf32>
      %broadcast_in_dim3A_2060 = vector.shape_cast %slice3A_2059 : vector<1xf32> to vector<1xf32>
      %broadcast_in_dim3A_2061 = vector.broadcast %broadcast_in_dim3A_2060 : vector<1xf32> to vector<16xf32>
      %select_n3A_2062 = arith.select %eq3A_2058, %broadcast_in_dim3A_2061, %select_n3A_2048 : vector<16xi1>, vector<16xf32>
      %get3A_2063 = arith.constant 1 : i32
      %get3A_2064 = arith.constant 3 : i32
      %get3A_2065 = arith.index_cast %get3A_2063 : i32 to index
      %get3A_2066 = arith.index_cast %get3A_2064 : i32 to index
      %get3A_2067 = arith.constant 0 : index
      %get3A_2068 = tpu.vector_load %arg12[%get3A_2065, %get3A_2066, %get3A_2067] {strides = array<i32>} : memref<4x24x512xf32, #tpu.memory_space<vmem>>, vector<1x1x16xf32>,
      %get3A_2069 = vector.shape_cast %get3A_2068 : vector<1x1x16xf32> to vector<16xf32>
      %eq3A_2070 = arith.constant 3 : i32
      %eq3A_2071 = vector.broadcast %eq3A_2070 : i32 to vector<16xi32>
      %eq3A_2072 = arith.cmpi eq, %iota3A, %eq3A_2071 : vector<16xi32>
      %slice3A_2073 = vector.extract_strided_slice %get3A_2069 {offsets = [0], sizes = [1], strides = [1]} : vector<16xf32> to vector<1xf32>
      %broadcast_in_dim3A_2074 = vector.shape_cast %slice3A_2073 : vector<1xf32> to vector<1xf32>
      %broadcast_in_dim3A_2075 = vector.broadcast %broadcast_in_dim3A_2074 : vector<1xf32> to vector<16xf32>
      %select_n3A_2076 = arith.select %eq3A_2072, %broadcast_in_dim3A_2075, %select_n3A_2062 : vector<16xi1>, vector<16xf32>
      %get3A_2077 = arith.constant 1 : i32
      %get3A_2078 = arith.constant 4 : i32
      %get3A_2079 = arith.index_cast %get3A_2077 : i32 to index
      %get3A_2080 = arith.index_cast %get3A_2078 : i32 to index
      %get3A_2081 = arith.constant 0 : index
      %get3A_2082 = tpu.vector_load %arg12[%get3A_2079, %get3A_2080, %get3A_2081] {strides = array<i32>} : memref<4x24x512xf32, #tpu.memory_space<vmem>>, vector<1x1x16xf32>,
      %get3A_2083 = vector.shape_cast %get3A_2082 : vector<1x1x16xf32> to vector<16xf32>
      %eq3A_2084 = arith.constant 4 : i32
      %eq3A_2085 = vector.broadcast %eq3A_2084 : i32 to vector<16xi32>
      %eq3A_2086 = arith.cmpi eq, %iota3A, %eq3A_2085 : vector<16xi32>
      %slice3A_2087 = vector.extract_strided_slice %get3A_2083 {offsets = [0], sizes = [1], strides = [1]} : vector<16xf32> to vector<1xf32>
      %broadcast_in_dim3A_2088 = vector.shape_cast %slice3A_2087 : vector<1xf32> to vector<1xf32>
      %broadcast_in_dim3A_2089 = vector.broadcast %broadcast_in_dim3A_2088 : vector<1xf32> to vector<16xf32>
      %select_n3A_2090 = arith.select %eq3A_2086, %broadcast_in_dim3A_2089, %select_n3A_2076 : vector<16xi1>, vector<16xf32>
      %get3A_2091 = arith.constant 1 : i32
      %get3A_2092 = arith.constant 5 : i32
      %get3A_2093 = arith.index_cast %get3A_2091 : i32 to index
      %get3A_2094 = arith.index_cast %get3A_2092 : i32 to index
      %get3A_2095 = arith.constant 0 : index
      %get3A_2096 = tpu.vector_load %arg12[%get3A_2093, %get3A_2094, %get3A_2095] {strides = array<i32>} : memref<4x24x512xf32, #tpu.memory_space<vmem>>, vector<1x1x16xf32>,
      %get3A_2097 = vector.shape_cast %get3A_2096 : vector<1x1x16xf32> to vector<16xf32>
      %eq3A_2098 = arith.constant 5 : i32
      %eq3A_2099 = vector.broadcast %eq3A_2098 : i32 to vector<16xi32>
      %eq3A_2100 = arith.cmpi eq, %iota3A, %eq3A_2099 : vector<16xi32>
      %slice3A_2101 = vector.extract_strided_slice %get3A_2097 {offsets = [0], sizes = [1], strides = [1]} : vector<16xf32> to vector<1xf32>
      %broadcast_in_dim3A_2102 = vector.shape_cast %slice3A_2101 : vector<1xf32> to vector<1xf32>
      %broadcast_in_dim3A_2103 = vector.broadcast %broadcast_in_dim3A_2102 : vector<1xf32> to vector<16xf32>
      %select_n3A_2104 = arith.select %eq3A_2100, %broadcast_in_dim3A_2103, %select_n3A_2090 : vector<16xi1>, vector<16xf32>
      %get3A_2105 = arith.constant 1 : i32
      %get3A_2106 = arith.constant 6 : i32
      %get3A_2107 = arith.index_cast %get3A_2105 : i32 to index
      %get3A_2108 = arith.index_cast %get3A_2106 : i32 to index
      %get3A_2109 = arith.constant 0 : index
      %get3A_2110 = tpu.vector_load %arg12[%get3A_2107, %get3A_2108, %get3A_2109] {strides = array<i32>} : memref<4x24x512xf32, #tpu.memory_space<vmem>>, vector<1x1x16xf32>,
      %get3A_2111 = vector.shape_cast %get3A_2110 : vector<1x1x16xf32> to vector<16xf32>
      %eq3A_2112 = arith.constant 6 : i32
      %eq3A_2113 = vector.broadcast %eq3A_2112 : i32 to vector<16xi32>
      %eq3A_2114 = arith.cmpi eq, %iota3A, %eq3A_2113 : vector<16xi32>
      %slice3A_2115 = vector.extract_strided_slice %get3A_2111 {offsets = [0], sizes = [1], strides = [1]} : vector<16xf32> to vector<1xf32>
      %broadcast_in_dim3A_2116 = vector.shape_cast %slice3A_2115 : vector<1xf32> to vector<1xf32>
      %broadcast_in_dim3A_2117 = vector.broadcast %broadcast_in_dim3A_2116 : vector<1xf32> to vector<16xf32>
      %select_n3A_2118 = arith.select %eq3A_2114, %broadcast_in_dim3A_2117, %select_n3A_2104 : vector<16xi1>, vector<16xf32>
      %get3A_2119 = arith.constant 1 : i32
      %get3A_2120 = arith.constant 7 : i32
      %get3A_2121 = arith.index_cast %get3A_2119 : i32 to index
      %get3A_2122 = arith.index_cast %get3A_2120 : i32 to index
      %get3A_2123 = arith.constant 0 : index
      %get3A_2124 = tpu.vector_load %arg12[%get3A_2121, %get3A_2122, %get3A_2123] {strides = array<i32>} : memref<4x24x512xf32, #tpu.memory_space<vmem>>, vector<1x1x16xf32>,
      %get3A_2125 = vector.shape_cast %get3A_2124 : vector<1x1x16xf32> to vector<16xf32>
      %eq3A_2126 = arith.constant 7 : i32
      %eq3A_2127 = vector.broadcast %eq3A_2126 : i32 to vector<16xi32>
      %eq3A_2128 = arith.cmpi eq, %iota3A, %eq3A_2127 : vector<16xi32>
      %slice3A_2129 = vector.extract_strided_slice %get3A_2125 {offsets = [0], sizes = [1], strides = [1]} : vector<16xf32> to vector<1xf32>
      %broadcast_in_dim3A_2130 = vector.shape_cast %slice3A_2129 : vector<1xf32> to vector<1xf32>
      %broadcast_in_dim3A_2131 = vector.broadcast %broadcast_in_dim3A_2130 : vector<1xf32> to vector<16xf32>
      %select_n3A_2132 = arith.select %eq3A_2128, %broadcast_in_dim3A_2131, %select_n3A_2118 : vector<16xi1>, vector<16xf32>
      %get3A_2133 = arith.constant 1 : i32
      %get3A_2134 = arith.constant 8 : i32
      %get3A_2135 = arith.index_cast %get3A_2133 : i32 to index
      %get3A_2136 = arith.index_cast %get3A_2134 : i32 to index
      %get3A_2137 = arith.constant 0 : index
      %get3A_2138 = tpu.vector_load %arg12[%get3A_2135, %get3A_2136, %get3A_2137] {strides = array<i32>} : memref<4x24x512xf32, #tpu.memory_space<vmem>>, vector<1x1x16xf32>,
      %get3A_2139 = vector.shape_cast %get3A_2138 : vector<1x1x16xf32> to vector<16xf32>
      %eq3A_2140 = arith.constant 8 : i32
      %eq3A_2141 = vector.broadcast %eq3A_2140 : i32 to vector<16xi32>
      %eq3A_2142 = arith.cmpi eq, %iota3A, %eq3A_2141 : vector<16xi32>
      %slice3A_2143 = vector.extract_strided_slice %get3A_2139 {offsets = [0], sizes = [1], strides = [1]} : vector<16xf32> to vector<1xf32>
      %broadcast_in_dim3A_2144 = vector.shape_cast %slice3A_2143 : vector<1xf32> to vector<1xf32>
      %broadcast_in_dim3A_2145 = vector.broadcast %broadcast_in_dim3A_2144 : vector<1xf32> to vector<16xf32>
      %select_n3A_2146 = arith.select %eq3A_2142, %broadcast_in_dim3A_2145, %select_n3A_2132 : vector<16xi1>, vector<16xf32>
      %get3A_2147 = arith.constant 1 : i32
      %get3A_2148 = arith.constant 9 : i32
      %get3A_2149 = arith.index_cast %get3A_2147 : i32 to index
      %get3A_2150 = arith.index_cast %get3A_2148 : i32 to index
      %get3A_2151 = arith.constant 0 : index
      %get3A_2152 = tpu.vector_load %arg12[%get3A_2149, %get3A_2150, %get3A_2151] {strides = array<i32>} : memref<4x24x512xf32, #tpu.memory_space<vmem>>, vector<1x1x16xf32>,
      %get3A_2153 = vector.shape_cast %get3A_2152 : vector<1x1x16xf32> to vector<16xf32>
      %eq3A_2154 = arith.constant 9 : i32
      %eq3A_2155 = vector.broadcast %eq3A_2154 : i32 to vector<16xi32>
      %eq3A_2156 = arith.cmpi eq, %iota3A, %eq3A_2155 : vector<16xi32>
      %slice3A_2157 = vector.extract_strided_slice %get3A_2153 {offsets = [0], sizes = [1], strides = [1]} : vector<16xf32> to vector<1xf32>
      %broadcast_in_dim3A_2158 = vector.shape_cast %slice3A_2157 : vector<1xf32> to vector<1xf32>
      %broadcast_in_dim3A_2159 = vector.broadcast %broadcast_in_dim3A_2158 : vector<1xf32> to vector<16xf32>
      %select_n3A_2160 = arith.select %eq3A_2156, %broadcast_in_dim3A_2159, %select_n3A_2146 : vector<16xi1>, vector<16xf32>
      %get3A_2161 = arith.constant 1 : i32
      %get3A_2162 = arith.constant 10 : i32
      %get3A_2163 = arith.index_cast %get3A_2161 : i32 to index
      %get3A_2164 = arith.index_cast %get3A_2162 : i32 to index
      %get3A_2165 = arith.constant 0 : index
      %get3A_2166 = tpu.vector_load %arg12[%get3A_2163, %get3A_2164, %get3A_2165] {strides = array<i32>} : memref<4x24x512xf32, #tpu.memory_space<vmem>>, vector<1x1x16xf32>,
      %get3A_2167 = vector.shape_cast %get3A_2166 : vector<1x1x16xf32> to vector<16xf32>
      %eq3A_2168 = arith.constant 10 : i32
      %eq3A_2169 = vector.broadcast %eq3A_2168 : i32 to vector<16xi32>
      %eq3A_2170 = arith.cmpi eq, %iota3A, %eq3A_2169 : vector<16xi32>
      %slice3A_2171 = vector.extract_strided_slice %get3A_2167 {offsets = [0], sizes = [1], strides = [1]} : vector<16xf32> to vector<1xf32>
      %broadcast_in_dim3A_2172 = vector.shape_cast %slice3A_2171 : vector<1xf32> to vector<1xf32>
      %broadcast_in_dim3A_2173 = vector.broadcast %broadcast_in_dim3A_2172 : vector<1xf32> to vector<16xf32>
      %select_n3A_2174 = arith.select %eq3A_2170, %broadcast_in_dim3A_2173, %select_n3A_2160 : vector<16xi1>, vector<16xf32>
      %get3A_2175 = arith.constant 1 : i32
      %get3A_2176 = arith.constant 11 : i32
      %get3A_2177 = arith.index_cast %get3A_2175 : i32 to index
      %get3A_2178 = arith.index_cast %get3A_2176 : i32 to index
      %get3A_2179 = arith.constant 0 : index
      %get3A_2180 = tpu.vector_load %arg12[%get3A_2177, %get3A_2178, %get3A_2179] {strides = array<i32>} : memref<4x24x512xf32, #tpu.memory_space<vmem>>, vector<1x1x16xf32>,
      %get3A_2181 = vector.shape_cast %get3A_2180 : vector<1x1x16xf32> to vector<16xf32>
      %eq3A_2182 = arith.constant 11 : i32
      %eq3A_2183 = vector.broadcast %eq3A_2182 : i32 to vector<16xi32>
      %eq3A_2184 = arith.cmpi eq, %iota3A, %eq3A_2183 : vector<16xi32>
      %slice3A_2185 = vector.extract_strided_slice %get3A_2181 {offsets = [0], sizes = [1], strides = [1]} : vector<16xf32> to vector<1xf32>
      %broadcast_in_dim3A_2186 = vector.shape_cast %slice3A_2185 : vector<1xf32> to vector<1xf32>
      %broadcast_in_dim3A_2187 = vector.broadcast %broadcast_in_dim3A_2186 : vector<1xf32> to vector<16xf32>
      %select_n3A_2188 = arith.select %eq3A_2184, %broadcast_in_dim3A_2187, %select_n3A_2174 : vector<16xi1>, vector<16xf32>
      %get3A_2189 = arith.constant 1 : i32
      %get3A_2190 = arith.constant 12 : i32
      %get3A_2191 = arith.index_cast %get3A_2189 : i32 to index
      %get3A_2192 = arith.index_cast %get3A_2190 : i32 to index
      %get3A_2193 = arith.constant 0 : index
      %get3A_2194 = tpu.vector_load %arg12[%get3A_2191, %get3A_2192, %get3A_2193] {strides = array<i32>} : memref<4x24x512xf32, #tpu.memory_space<vmem>>, vector<1x1x16xf32>,
      %get3A_2195 = vector.shape_cast %get3A_2194 : vector<1x1x16xf32> to vector<16xf32>
      %eq3A_2196 = arith.constant 12 : i32
      %eq3A_2197 = vector.broadcast %eq3A_2196 : i32 to vector<16xi32>
      %eq3A_2198 = arith.cmpi eq, %iota3A, %eq3A_2197 : vector<16xi32>
      %slice3A_2199 = vector.extract_strided_slice %get3A_2195 {offsets = [0], sizes = [1], strides = [1]} : vector<16xf32> to vector<1xf32>
      %broadcast_in_dim3A_2200 = vector.shape_cast %slice3A_2199 : vector<1xf32> to vector<1xf32>
      %broadcast_in_dim3A_2201 = vector.broadcast %broadcast_in_dim3A_2200 : vector<1xf32> to vector<16xf32>
      %select_n3A_2202 = arith.select %eq3A_2198, %broadcast_in_dim3A_2201, %select_n3A_2188 : vector<16xi1>, vector<16xf32>
      %get3A_2203 = arith.constant 1 : i32
      %get3A_2204 = arith.constant 13 : i32
      %get3A_2205 = arith.index_cast %get3A_2203 : i32 to index
      %get3A_2206 = arith.index_cast %get3A_2204 : i32 to index
      %get3A_2207 = arith.constant 0 : index
      %get3A_2208 = tpu.vector_load %arg12[%get3A_2205, %get3A_2206, %get3A_2207] {strides = array<i32>} : memref<4x24x512xf32, #tpu.memory_space<vmem>>, vector<1x1x16xf32>,
      %get3A_2209 = vector.shape_cast %get3A_2208 : vector<1x1x16xf32> to vector<16xf32>
      %eq3A_2210 = arith.constant 13 : i32
      %eq3A_2211 = vector.broadcast %eq3A_2210 : i32 to vector<16xi32>
      %eq3A_2212 = arith.cmpi eq, %iota3A, %eq3A_2211 : vector<16xi32>
      %slice3A_2213 = vector.extract_strided_slice %get3A_2209 {offsets = [0], sizes = [1], strides = [1]} : vector<16xf32> to vector<1xf32>
      %broadcast_in_dim3A_2214 = vector.shape_cast %slice3A_2213 : vector<1xf32> to vector<1xf32>
      %broadcast_in_dim3A_2215 = vector.broadcast %broadcast_in_dim3A_2214 : vector<1xf32> to vector<16xf32>
      %select_n3A_2216 = arith.select %eq3A_2212, %broadcast_in_dim3A_2215, %select_n3A_2202 : vector<16xi1>, vector<16xf32>
      %mul3A_2217 = arith.constant 4 : i32
      %mul3A_2218 = arith.muli %scan3A_1355, %mul3A_2217 : i32
      %add3A_2219 = arith.constant 1 : i32
      %add3A_2220 = arith.addi %mul3A_2218, %add3A_2219 : i32
      %mul3A_2221 = arith.constant 40 : i32
      %mul3A_2222 = arith.muli %add3A_2220, %mul3A_2221 : i32
      %ne3A_2223 = arith.constant 0.000000e+00 : f32
      %ne3A_2224 = vector.broadcast %ne3A_2223 : f32 to vector<16xf32>
      %ne3A_2225 = arith.cmpf one, %select_n3A_2020, %ne3A_2224 : vector<16xf32>
      %select_n3A_2226 = arith.select %ne3A_2225, %broadcast_in_dim3A_1239, %broadcast_in_dim3A_3 : vector<16xi1>, vector<16xf32>
      %swap3A_2227 = arith.index_cast %mul3A_2222 : i32 to index
      %swap3A_2228 = tpu.vector_load %arg13[%swap3A_2227] {strides = array<i32>} : memref<2568xf32, #tpu.memory_space<vmem>>, vector<16xf32>,
      %swap3A_2229 = vector.shape_cast %swap3A_2228 : vector<16xf32> to vector<16xf32>
      %swap3A_2230 = vector.shape_cast %select_n3A_2226 : vector<16xf32> to vector<16xf32>
      tpu.vector_store %arg13[%swap3A_2227], %swap3A_2230 {strides = array<i32>} : memref<2568xf32, #tpu.memory_space<vmem>>, vector<16xf32>,
      %ne3A_2231 = arith.constant 0.000000e+00 : f32
      %ne3A_2232 = vector.broadcast %ne3A_2231 : f32 to vector<16xf32>
      %ne3A_2233 = arith.cmpf one, %select_n3A_2216, %ne3A_2232 : vector<16xf32>
      %select_n3A_2234 = arith.select %ne3A_2233, %broadcast_in_dim3A_1239, %broadcast_in_dim3A_3 : vector<16xi1>, vector<16xf32>
      %add3A_2235 = arith.constant 16 : i32
      %add3A_2236 = arith.addi %mul3A_2222, %add3A_2235 : i32
      %swap3A_2237 = arith.index_cast %add3A_2236 : i32 to index
      %swap3A_2238 = tpu.vector_load %arg13[%swap3A_2237] {strides = array<i32>} : memref<2568xf32, #tpu.memory_space<vmem>>, vector<16xf32>,
      %swap3A_2239 = vector.shape_cast %swap3A_2238 : vector<16xf32> to vector<16xf32>
      %swap3A_2240 = vector.shape_cast %select_n3A_2234 : vector<16xf32> to vector<16xf32>
      tpu.vector_store %arg13[%swap3A_2237], %swap3A_2240 {strides = array<i32>} : memref<2568xf32, #tpu.memory_space<vmem>>, vector<16xf32>,
      %add3A_2241 = arith.constant 32 : i32
      %add3A_2242 = arith.addi %mul3A_2222, %add3A_2241 : i32
      %swap3A_2243 = arith.index_cast %add3A_2242 : i32 to index
      %swap3A_2244 = tpu.vector_load %arg13[%swap3A_2243] {strides = array<i32>} : memref<2568xf32, #tpu.memory_space<vmem>>, vector<16xf32>,
      %swap3A_2245 = vector.shape_cast %swap3A_2244 : vector<16xf32> to vector<16xf32>
      %swap3A_2246 = vector.shape_cast %broadcast_in_dim3A_3 : vector<16xf32> to vector<16xf32>
      tpu.vector_store %arg13[%swap3A_2243], %swap3A_2246 {strides = array<i32>} : memref<2568xf32, #tpu.memory_space<vmem>>, vector<16xf32>,
      %mul3A_2247 = arith.constant 4 : i32
      %mul3A_2248 = arith.muli %scan3A_1355, %mul3A_2247 : i32
      %add3A_2249 = arith.addi %mul3A_2, %mul3A_2248 : i32
      %add3A_2250 = arith.constant 1 : i32
      %add3A_2251 = arith.addi %add3A_2249, %add3A_2250 : i32
      %mul3A_2252 = arith.constant 40 : i32
      %mul3A_2253 = arith.muli %add3A_2251, %mul3A_2252 : i32
      %dma_start3A_2254 = arith.constant 16 : i32
      %dma_start3A_2255 = arith.constant 0 : i32
      %dma_start3A_2256 = tpu.memref_slice %arg11[%dma_start3A_2254, %dma_start3A_2255] : memref<64x512xf32, #tpu.memory_space<vmem>> -> memref<16x512xf32, #tpu.memory_space<vmem>>
      %dma_start3A_2257 = arith.constant 0 : i32
      %dma_start3A_2258 = tpu.memref_slice %arg8[%mul3A_2253, %dma_start3A_2257] : memref<81920x512xf32, #tpu.memory_space<hbm>> -> memref<16x512xf32, #tpu.memory_space<hbm>>
      %dma_start3A_2259 = arith.constant 0 : i32
      %dma_start3A_2260 = tpu.memref_slice %arg8[%mul3A_2253, %dma_start3A_2259] : memref<81920x512xf32, #tpu.memory_space<hbm>> -> memref<16x512xf32, #tpu.memory_space<hbm>>
      %dma_start3A_2261 = arith.constant 16 : i32
      %dma_start3A_2262 = arith.constant 0 : i32
      %dma_start3A_2263 = tpu.memref_slice %arg11[%dma_start3A_2261, %dma_start3A_2262] : memref<64x512xf32, #tpu.memory_space<vmem>> -> memref<16x512xf32, #tpu.memory_space<vmem>>
      tpu.enqueue_dma source(%dma_start3A_2263 : memref<16x512xf32, #tpu.memory_space<vmem>>) target(%dma_start3A_2260 : memref<16x512xf32, #tpu.memory_space<hbm>>) target_semaphore(%arg18 : memref<!tpu.dma_semaphore, #tpu.memory_space<semaphore_mem>>)
      %mul3A_2264 = arith.constant 40 : i32
      %mul3A_2265 = arith.muli %add3A_2251, %mul3A_2264 : i32
      %add3A_2266 = arith.constant 16 : i32
      %add3A_2267 = arith.addi %mul3A_2265, %add3A_2266 : i32
      %dma_start3A_2268 = arith.constant 1 : i32
      %dma_start3A_2269 = arith.constant 0 : i32
      %dma_start3A_2270 = arith.constant 0 : i32
      %dma_start3A_2271 = tpu.memref_slice %arg12[%dma_start3A_2268, %dma_start3A_2269, %dma_start3A_2270] : memref<4x24x512xf32, #tpu.memory_space<vmem>> -> memref<1x24x512xf32, #tpu.memory_space<vmem>>
      %dma_start3A_2272 = tpu.memref_squeeze %dma_start3A_2271 : memref<1x24x512xf32, #tpu.memory_space<vmem>> -> memref<24x512xf32, #tpu.memory_space<vmem>>
      %dma_start3A_2273 = arith.constant 0 : i32
      %dma_start3A_2274 = tpu.memref_slice %arg8[%add3A_2267, %dma_start3A_2273] : memref<81920x512xf32, #tpu.memory_space<hbm>> -> memref<24x512xf32, #tpu.memory_space<hbm>>
      %dma_start3A_2275 = arith.constant 0 : i32
      %dma_start3A_2276 = tpu.memref_slice %arg8[%add3A_2267, %dma_start3A_2275] : memref<81920x512xf32, #tpu.memory_space<hbm>> -> memref<24x512xf32, #tpu.memory_space<hbm>>
      %dma_start3A_2277 = arith.constant 0 : i32
      %dma_start3A_2278 = arith.constant 0 : i32
      %dma_start3A_2279 = tpu.memref_slice %arg12[%dma_start3A_2268, %dma_start3A_2277, %dma_start3A_2278] : memref<4x24x512xf32, #tpu.memory_space<vmem>> -> memref<1x24x512xf32, #tpu.memory_space<vmem>>
      %dma_start3A_2280 = tpu.memref_squeeze %dma_start3A_2279 : memref<1x24x512xf32, #tpu.memory_space<vmem>> -> memref<24x512xf32, #tpu.memory_space<vmem>>
      tpu.enqueue_dma source(%dma_start3A_2280 : memref<24x512xf32, #tpu.memory_space<vmem>>) target(%dma_start3A_2276 : memref<24x512xf32, #tpu.memory_space<hbm>>) target_semaphore(%arg18 : memref<!tpu.dma_semaphore, #tpu.memory_space<semaphore_mem>>)
      %get3A_2281 = arith.constant 32 : i32
      %get3A_2282 = arith.index_cast %get3A_2281 : i32 to index
      %get3A_2283 = arith.constant 0 : index
      %get3A_2284 = tpu.vector_load %arg11[%get3A_2282, %get3A_2283] {strides = array<i32>} : memref<64x512xf32, #tpu.memory_space<vmem>>, vector<1x16xf32>,
      %get3A_2285 = vector.shape_cast %get3A_2284 : vector<1x16xf32> to vector<16xf32>
      %eq3A_2286 = arith.constant 0 : i32
      %eq3A_2287 = vector.broadcast %eq3A_2286 : i32 to vector<16xi32>
      %eq3A_2288 = arith.cmpi eq, %iota3A, %eq3A_2287 : vector<16xi32>
      %slice3A_2289 = vector.extract_strided_slice %get3A_2285 {offsets = [0], sizes = [1], strides = [1]} : vector<16xf32> to vector<1xf32>
      %broadcast_in_dim3A_2290 = vector.shape_cast %slice3A_2289 : vector<1xf32> to vector<1xf32>
      %broadcast_in_dim3A_2291 = vector.broadcast %broadcast_in_dim3A_2290 : vector<1xf32> to vector<16xf32>
      %select_n3A_2292 = arith.select %eq3A_2288, %broadcast_in_dim3A_2291, %broadcast_in_dim3A_3 : vector<16xi1>, vector<16xf32>
      %get3A_2293 = arith.constant 33 : i32
      %get3A_2294 = arith.index_cast %get3A_2293 : i32 to index
      %get3A_2295 = arith.constant 0 : index
      %get3A_2296 = tpu.vector_load %arg11[%get3A_2294, %get3A_2295] {strides = array<i32>} : memref<64x512xf32, #tpu.memory_space<vmem>>, vector<1x16xf32>,
      %get3A_2297 = vector.shape_cast %get3A_2296 : vector<1x16xf32> to vector<16xf32>
      %eq3A_2298 = arith.constant 1 : i32
      %eq3A_2299 = vector.broadcast %eq3A_2298 : i32 to vector<16xi32>
      %eq3A_2300 = arith.cmpi eq, %iota3A, %eq3A_2299 : vector<16xi32>
      %slice3A_2301 = vector.extract_strided_slice %get3A_2297 {offsets = [0], sizes = [1], strides = [1]} : vector<16xf32> to vector<1xf32>
      %broadcast_in_dim3A_2302 = vector.shape_cast %slice3A_2301 : vector<1xf32> to vector<1xf32>
      %broadcast_in_dim3A_2303 = vector.broadcast %broadcast_in_dim3A_2302 : vector<1xf32> to vector<16xf32>
      %select_n3A_2304 = arith.select %eq3A_2300, %broadcast_in_dim3A_2303, %select_n3A_2292 : vector<16xi1>, vector<16xf32>
      %get3A_2305 = arith.constant 34 : i32
      %get3A_2306 = arith.index_cast %get3A_2305 : i32 to index
      %get3A_2307 = arith.constant 0 : index
      %get3A_2308 = tpu.vector_load %arg11[%get3A_2306, %get3A_2307] {strides = array<i32>} : memref<64x512xf32, #tpu.memory_space<vmem>>, vector<1x16xf32>,
      %get3A_2309 = vector.shape_cast %get3A_2308 : vector<1x16xf32> to vector<16xf32>
      %eq3A_2310 = arith.constant 2 : i32
      %eq3A_2311 = vector.broadcast %eq3A_2310 : i32 to vector<16xi32>
      %eq3A_2312 = arith.cmpi eq, %iota3A, %eq3A_2311 : vector<16xi32>
      %slice3A_2313 = vector.extract_strided_slice %get3A_2309 {offsets = [0], sizes = [1], strides = [1]} : vector<16xf32> to vector<1xf32>
      %broadcast_in_dim3A_2314 = vector.shape_cast %slice3A_2313 : vector<1xf32> to vector<1xf32>
      %broadcast_in_dim3A_2315 = vector.broadcast %broadcast_in_dim3A_2314 : vector<1xf32> to vector<16xf32>
      %select_n3A_2316 = arith.select %eq3A_2312, %broadcast_in_dim3A_2315, %select_n3A_2304 : vector<16xi1>, vector<16xf32>
      %get3A_2317 = arith.constant 35 : i32
      %get3A_2318 = arith.index_cast %get3A_2317 : i32 to index
      %get3A_2319 = arith.constant 0 : index
      %get3A_2320 = tpu.vector_load %arg11[%get3A_2318, %get3A_2319] {strides = array<i32>} : memref<64x512xf32, #tpu.memory_space<vmem>>, vector<1x16xf32>,
      %get3A_2321 = vector.shape_cast %get3A_2320 : vector<1x16xf32> to vector<16xf32>
      %eq3A_2322 = arith.constant 3 : i32
      %eq3A_2323 = vector.broadcast %eq3A_2322 : i32 to vector<16xi32>
      %eq3A_2324 = arith.cmpi eq, %iota3A, %eq3A_2323 : vector<16xi32>
      %slice3A_2325 = vector.extract_strided_slice %get3A_2321 {offsets = [0], sizes = [1], strides = [1]} : vector<16xf32> to vector<1xf32>
      %broadcast_in_dim3A_2326 = vector.shape_cast %slice3A_2325 : vector<1xf32> to vector<1xf32>
      %broadcast_in_dim3A_2327 = vector.broadcast %broadcast_in_dim3A_2326 : vector<1xf32> to vector<16xf32>
      %select_n3A_2328 = arith.select %eq3A_2324, %broadcast_in_dim3A_2327, %select_n3A_2316 : vector<16xi1>, vector<16xf32>
      %get3A_2329 = arith.constant 36 : i32
      %get3A_2330 = arith.index_cast %get3A_2329 : i32 to index
      %get3A_2331 = arith.constant 0 : index
      %get3A_2332 = tpu.vector_load %arg11[%get3A_2330, %get3A_2331] {strides = array<i32>} : memref<64x512xf32, #tpu.memory_space<vmem>>, vector<1x16xf32>,
      %get3A_2333 = vector.shape_cast %get3A_2332 : vector<1x16xf32> to vector<16xf32>
      %eq3A_2334 = arith.constant 4 : i32
      %eq3A_2335 = vector.broadcast %eq3A_2334 : i32 to vector<16xi32>
      %eq3A_2336 = arith.cmpi eq, %iota3A, %eq3A_2335 : vector<16xi32>
      %slice3A_2337 = vector.extract_strided_slice %get3A_2333 {offsets = [0], sizes = [1], strides = [1]} : vector<16xf32> to vector<1xf32>
      %broadcast_in_dim3A_2338 = vector.shape_cast %slice3A_2337 : vector<1xf32> to vector<1xf32>
      %broadcast_in_dim3A_2339 = vector.broadcast %broadcast_in_dim3A_2338 : vector<1xf32> to vector<16xf32>
      %select_n3A_2340 = arith.select %eq3A_2336, %broadcast_in_dim3A_2339, %select_n3A_2328 : vector<16xi1>, vector<16xf32>
      %get3A_2341 = arith.constant 37 : i32
      %get3A_2342 = arith.index_cast %get3A_2341 : i32 to index
      %get3A_2343 = arith.constant 0 : index
      %get3A_2344 = tpu.vector_load %arg11[%get3A_2342, %get3A_2343] {strides = array<i32>} : memref<64x512xf32, #tpu.memory_space<vmem>>, vector<1x16xf32>,
      %get3A_2345 = vector.shape_cast %get3A_2344 : vector<1x16xf32> to vector<16xf32>
      %eq3A_2346 = arith.constant 5 : i32
      %eq3A_2347 = vector.broadcast %eq3A_2346 : i32 to vector<16xi32>
      %eq3A_2348 = arith.cmpi eq, %iota3A, %eq3A_2347 : vector<16xi32>
      %slice3A_2349 = vector.extract_strided_slice %get3A_2345 {offsets = [0], sizes = [1], strides = [1]} : vector<16xf32> to vector<1xf32>
      %broadcast_in_dim3A_2350 = vector.shape_cast %slice3A_2349 : vector<1xf32> to vector<1xf32>
      %broadcast_in_dim3A_2351 = vector.broadcast %broadcast_in_dim3A_2350 : vector<1xf32> to vector<16xf32>
      %select_n3A_2352 = arith.select %eq3A_2348, %broadcast_in_dim3A_2351, %select_n3A_2340 : vector<16xi1>, vector<16xf32>
      %get3A_2353 = arith.constant 38 : i32
      %get3A_2354 = arith.index_cast %get3A_2353 : i32 to index
      %get3A_2355 = arith.constant 0 : index
      %get3A_2356 = tpu.vector_load %arg11[%get3A_2354, %get3A_2355] {strides = array<i32>} : memref<64x512xf32, #tpu.memory_space<vmem>>, vector<1x16xf32>,
      %get3A_2357 = vector.shape_cast %get3A_2356 : vector<1x16xf32> to vector<16xf32>
      %eq3A_2358 = arith.constant 6 : i32
      %eq3A_2359 = vector.broadcast %eq3A_2358 : i32 to vector<16xi32>
      %eq3A_2360 = arith.cmpi eq, %iota3A, %eq3A_2359 : vector<16xi32>
      %slice3A_2361 = vector.extract_strided_slice %get3A_2357 {offsets = [0], sizes = [1], strides = [1]} : vector<16xf32> to vector<1xf32>
      %broadcast_in_dim3A_2362 = vector.shape_cast %slice3A_2361 : vector<1xf32> to vector<1xf32>
      %broadcast_in_dim3A_2363 = vector.broadcast %broadcast_in_dim3A_2362 : vector<1xf32> to vector<16xf32>
      %select_n3A_2364 = arith.select %eq3A_2360, %broadcast_in_dim3A_2363, %select_n3A_2352 : vector<16xi1>, vector<16xf32>
      %get3A_2365 = arith.constant 39 : i32
      %get3A_2366 = arith.index_cast %get3A_2365 : i32 to index
      %get3A_2367 = arith.constant 0 : index
      %get3A_2368 = tpu.vector_load %arg11[%get3A_2366, %get3A_2367] {strides = array<i32>} : memref<64x512xf32, #tpu.memory_space<vmem>>, vector<1x16xf32>,
      %get3A_2369 = vector.shape_cast %get3A_2368 : vector<1x16xf32> to vector<16xf32>
      %eq3A_2370 = arith.constant 7 : i32
      %eq3A_2371 = vector.broadcast %eq3A_2370 : i32 to vector<16xi32>
      %eq3A_2372 = arith.cmpi eq, %iota3A, %eq3A_2371 : vector<16xi32>
      %slice3A_2373 = vector.extract_strided_slice %get3A_2369 {offsets = [0], sizes = [1], strides = [1]} : vector<16xf32> to vector<1xf32>
      %broadcast_in_dim3A_2374 = vector.shape_cast %slice3A_2373 : vector<1xf32> to vector<1xf32>
      %broadcast_in_dim3A_2375 = vector.broadcast %broadcast_in_dim3A_2374 : vector<1xf32> to vector<16xf32>
      %select_n3A_2376 = arith.select %eq3A_2372, %broadcast_in_dim3A_2375, %select_n3A_2364 : vector<16xi1>, vector<16xf32>
      %get3A_2377 = arith.constant 40 : i32
      %get3A_2378 = arith.index_cast %get3A_2377 : i32 to index
      %get3A_2379 = arith.constant 0 : index
      %get3A_2380 = tpu.vector_load %arg11[%get3A_2378, %get3A_2379] {strides = array<i32>} : memref<64x512xf32, #tpu.memory_space<vmem>>, vector<1x16xf32>,
      %get3A_2381 = vector.shape_cast %get3A_2380 : vector<1x16xf32> to vector<16xf32>
      %eq3A_2382 = arith.constant 8 : i32
      %eq3A_2383 = vector.broadcast %eq3A_2382 : i32 to vector<16xi32>
      %eq3A_2384 = arith.cmpi eq, %iota3A, %eq3A_2383 : vector<16xi32>
      %slice3A_2385 = vector.extract_strided_slice %get3A_2381 {offsets = [0], sizes = [1], strides = [1]} : vector<16xf32> to vector<1xf32>
      %broadcast_in_dim3A_2386 = vector.shape_cast %slice3A_2385 : vector<1xf32> to vector<1xf32>
      %broadcast_in_dim3A_2387 = vector.broadcast %broadcast_in_dim3A_2386 : vector<1xf32> to vector<16xf32>
      %select_n3A_2388 = arith.select %eq3A_2384, %broadcast_in_dim3A_2387, %select_n3A_2376 : vector<16xi1>, vector<16xf32>
      %get3A_2389 = arith.constant 41 : i32
      %get3A_2390 = arith.index_cast %get3A_2389 : i32 to index
      %get3A_2391 = arith.constant 0 : index
      %get3A_2392 = tpu.vector_load %arg11[%get3A_2390, %get3A_2391] {strides = array<i32>} : memref<64x512xf32, #tpu.memory_space<vmem>>, vector<1x16xf32>,
      %get3A_2393 = vector.shape_cast %get3A_2392 : vector<1x16xf32> to vector<16xf32>
      %eq3A_2394 = arith.constant 9 : i32
      %eq3A_2395 = vector.broadcast %eq3A_2394 : i32 to vector<16xi32>
      %eq3A_2396 = arith.cmpi eq, %iota3A, %eq3A_2395 : vector<16xi32>
      %slice3A_2397 = vector.extract_strided_slice %get3A_2393 {offsets = [0], sizes = [1], strides = [1]} : vector<16xf32> to vector<1xf32>
      %broadcast_in_dim3A_2398 = vector.shape_cast %slice3A_2397 : vector<1xf32> to vector<1xf32>
      %broadcast_in_dim3A_2399 = vector.broadcast %broadcast_in_dim3A_2398 : vector<1xf32> to vector<16xf32>
      %select_n3A_2400 = arith.select %eq3A_2396, %broadcast_in_dim3A_2399, %select_n3A_2388 : vector<16xi1>, vector<16xf32>
      %get3A_2401 = arith.constant 42 : i32
      %get3A_2402 = arith.index_cast %get3A_2401 : i32 to index
      %get3A_2403 = arith.constant 0 : index
      %get3A_2404 = tpu.vector_load %arg11[%get3A_2402, %get3A_2403] {strides = array<i32>} : memref<64x512xf32, #tpu.memory_space<vmem>>, vector<1x16xf32>,
      %get3A_2405 = vector.shape_cast %get3A_2404 : vector<1x16xf32> to vector<16xf32>
      %eq3A_2406 = arith.constant 10 : i32
      %eq3A_2407 = vector.broadcast %eq3A_2406 : i32 to vector<16xi32>
      %eq3A_2408 = arith.cmpi eq, %iota3A, %eq3A_2407 : vector<16xi32>
      %slice3A_2409 = vector.extract_strided_slice %get3A_2405 {offsets = [0], sizes = [1], strides = [1]} : vector<16xf32> to vector<1xf32>
      %broadcast_in_dim3A_2410 = vector.shape_cast %slice3A_2409 : vector<1xf32> to vector<1xf32>
      %broadcast_in_dim3A_2411 = vector.broadcast %broadcast_in_dim3A_2410 : vector<1xf32> to vector<16xf32>
      %select_n3A_2412 = arith.select %eq3A_2408, %broadcast_in_dim3A_2411, %select_n3A_2400 : vector<16xi1>, vector<16xf32>
      %get3A_2413 = arith.constant 43 : i32
      %get3A_2414 = arith.index_cast %get3A_2413 : i32 to index
      %get3A_2415 = arith.constant 0 : index
      %get3A_2416 = tpu.vector_load %arg11[%get3A_2414, %get3A_2415] {strides = array<i32>} : memref<64x512xf32, #tpu.memory_space<vmem>>, vector<1x16xf32>,
      %get3A_2417 = vector.shape_cast %get3A_2416 : vector<1x16xf32> to vector<16xf32>
      %eq3A_2418 = arith.constant 11 : i32
      %eq3A_2419 = vector.broadcast %eq3A_2418 : i32 to vector<16xi32>
      %eq3A_2420 = arith.cmpi eq, %iota3A, %eq3A_2419 : vector<16xi32>
      %slice3A_2421 = vector.extract_strided_slice %get3A_2417 {offsets = [0], sizes = [1], strides = [1]} : vector<16xf32> to vector<1xf32>
      %broadcast_in_dim3A_2422 = vector.shape_cast %slice3A_2421 : vector<1xf32> to vector<1xf32>
      %broadcast_in_dim3A_2423 = vector.broadcast %broadcast_in_dim3A_2422 : vector<1xf32> to vector<16xf32>
      %select_n3A_2424 = arith.select %eq3A_2420, %broadcast_in_dim3A_2423, %select_n3A_2412 : vector<16xi1>, vector<16xf32>
      %get3A_2425 = arith.constant 44 : i32
      %get3A_2426 = arith.index_cast %get3A_2425 : i32 to index
      %get3A_2427 = arith.constant 0 : index
      %get3A_2428 = tpu.vector_load %arg11[%get3A_2426, %get3A_2427] {strides = array<i32>} : memref<64x512xf32, #tpu.memory_space<vmem>>, vector<1x16xf32>,
      %get3A_2429 = vector.shape_cast %get3A_2428 : vector<1x16xf32> to vector<16xf32>
      %eq3A_2430 = arith.constant 12 : i32
      %eq3A_2431 = vector.broadcast %eq3A_2430 : i32 to vector<16xi32>
      %eq3A_2432 = arith.cmpi eq, %iota3A, %eq3A_2431 : vector<16xi32>
      %slice3A_2433 = vector.extract_strided_slice %get3A_2429 {offsets = [0], sizes = [1], strides = [1]} : vector<16xf32> to vector<1xf32>
      %broadcast_in_dim3A_2434 = vector.shape_cast %slice3A_2433 : vector<1xf32> to vector<1xf32>
      %broadcast_in_dim3A_2435 = vector.broadcast %broadcast_in_dim3A_2434 : vector<1xf32> to vector<16xf32>
      %select_n3A_2436 = arith.select %eq3A_2432, %broadcast_in_dim3A_2435, %select_n3A_2424 : vector<16xi1>, vector<16xf32>
      %get3A_2437 = arith.constant 45 : i32
      %get3A_2438 = arith.index_cast %get3A_2437 : i32 to index
      %get3A_2439 = arith.constant 0 : index
      %get3A_2440 = tpu.vector_load %arg11[%get3A_2438, %get3A_2439] {strides = array<i32>} : memref<64x512xf32, #tpu.memory_space<vmem>>, vector<1x16xf32>,
      %get3A_2441 = vector.shape_cast %get3A_2440 : vector<1x16xf32> to vector<16xf32>
      %eq3A_2442 = arith.constant 13 : i32
      %eq3A_2443 = vector.broadcast %eq3A_2442 : i32 to vector<16xi32>
      %eq3A_2444 = arith.cmpi eq, %iota3A, %eq3A_2443 : vector<16xi32>
      %slice3A_2445 = vector.extract_strided_slice %get3A_2441 {offsets = [0], sizes = [1], strides = [1]} : vector<16xf32> to vector<1xf32>
      %broadcast_in_dim3A_2446 = vector.shape_cast %slice3A_2445 : vector<1xf32> to vector<1xf32>
      %broadcast_in_dim3A_2447 = vector.broadcast %broadcast_in_dim3A_2446 : vector<1xf32> to vector<16xf32>
      %select_n3A_2448 = arith.select %eq3A_2444, %broadcast_in_dim3A_2447, %select_n3A_2436 : vector<16xi1>, vector<16xf32>
      %get3A_2449 = arith.constant 46 : i32
      %get3A_2450 = arith.index_cast %get3A_2449 : i32 to index
      %get3A_2451 = arith.constant 0 : index
      %get3A_2452 = tpu.vector_load %arg11[%get3A_2450, %get3A_2451] {strides = array<i32>} : memref<64x512xf32, #tpu.memory_space<vmem>>, vector<1x16xf32>,
      %get3A_2453 = vector.shape_cast %get3A_2452 : vector<1x16xf32> to vector<16xf32>
      %eq3A_2454 = arith.constant 14 : i32
      %eq3A_2455 = vector.broadcast %eq3A_2454 : i32 to vector<16xi32>
      %eq3A_2456 = arith.cmpi eq, %iota3A, %eq3A_2455 : vector<16xi32>
      %slice3A_2457 = vector.extract_strided_slice %get3A_2453 {offsets = [0], sizes = [1], strides = [1]} : vector<16xf32> to vector<1xf32>
      %broadcast_in_dim3A_2458 = vector.shape_cast %slice3A_2457 : vector<1xf32> to vector<1xf32>
      %broadcast_in_dim3A_2459 = vector.broadcast %broadcast_in_dim3A_2458 : vector<1xf32> to vector<16xf32>
      %select_n3A_2460 = arith.select %eq3A_2456, %broadcast_in_dim3A_2459, %select_n3A_2448 : vector<16xi1>, vector<16xf32>
      %get3A_2461 = arith.constant 47 : i32
      %get3A_2462 = arith.index_cast %get3A_2461 : i32 to index
      %get3A_2463 = arith.constant 0 : index
      %get3A_2464 = tpu.vector_load %arg11[%get3A_2462, %get3A_2463] {strides = array<i32>} : memref<64x512xf32, #tpu.memory_space<vmem>>, vector<1x16xf32>,
      %get3A_2465 = vector.shape_cast %get3A_2464 : vector<1x16xf32> to vector<16xf32>
      %eq3A_2466 = arith.constant 15 : i32
      %eq3A_2467 = vector.broadcast %eq3A_2466 : i32 to vector<16xi32>
      %eq3A_2468 = arith.cmpi eq, %iota3A, %eq3A_2467 : vector<16xi32>
      %slice3A_2469 = vector.extract_strided_slice %get3A_2465 {offsets = [0], sizes = [1], strides = [1]} : vector<16xf32> to vector<1xf32>
      %broadcast_in_dim3A_2470 = vector.shape_cast %slice3A_2469 : vector<1xf32> to vector<1xf32>
      %broadcast_in_dim3A_2471 = vector.broadcast %broadcast_in_dim3A_2470 : vector<1xf32> to vector<16xf32>
      %select_n3A_2472 = arith.select %eq3A_2468, %broadcast_in_dim3A_2471, %select_n3A_2460 : vector<16xi1>, vector<16xf32>
      %get3A_2473 = arith.constant 2 : i32
      %get3A_2474 = arith.constant 0 : i32
      %get3A_2475 = arith.index_cast %get3A_2473 : i32 to index
      %get3A_2476 = arith.index_cast %get3A_2474 : i32 to index
      %get3A_2477 = arith.constant 0 : index
      %get3A_2478 = tpu.vector_load %arg12[%get3A_2475, %get3A_2476, %get3A_2477] {strides = array<i32>} : memref<4x24x512xf32, #tpu.memory_space<vmem>>, vector<1x1x16xf32>,
      %get3A_2479 = vector.shape_cast %get3A_2478 : vector<1x1x16xf32> to vector<16xf32>
      %eq3A_2480 = arith.constant 0 : i32
      %eq3A_2481 = vector.broadcast %eq3A_2480 : i32 to vector<16xi32>
      %eq3A_2482 = arith.cmpi eq, %iota3A, %eq3A_2481 : vector<16xi32>
      %slice3A_2483 = vector.extract_strided_slice %get3A_2479 {offsets = [0], sizes = [1], strides = [1]} : vector<16xf32> to vector<1xf32>
      %broadcast_in_dim3A_2484 = vector.shape_cast %slice3A_2483 : vector<1xf32> to vector<1xf32>
      %broadcast_in_dim3A_2485 = vector.broadcast %broadcast_in_dim3A_2484 : vector<1xf32> to vector<16xf32>
      %select_n3A_2486 = arith.select %eq3A_2482, %broadcast_in_dim3A_2485, %broadcast_in_dim3A_3 : vector<16xi1>, vector<16xf32>
      %get3A_2487 = arith.constant 2 : i32
      %get3A_2488 = arith.constant 1 : i32
      %get3A_2489 = arith.index_cast %get3A_2487 : i32 to index
      %get3A_2490 = arith.index_cast %get3A_2488 : i32 to index
      %get3A_2491 = arith.constant 0 : index
      %get3A_2492 = tpu.vector_load %arg12[%get3A_2489, %get3A_2490, %get3A_2491] {strides = array<i32>} : memref<4x24x512xf32, #tpu.memory_space<vmem>>, vector<1x1x16xf32>,
      %get3A_2493 = vector.shape_cast %get3A_2492 : vector<1x1x16xf32> to vector<16xf32>
      %eq3A_2494 = arith.constant 1 : i32
      %eq3A_2495 = vector.broadcast %eq3A_2494 : i32 to vector<16xi32>
      %eq3A_2496 = arith.cmpi eq, %iota3A, %eq3A_2495 : vector<16xi32>
      %slice3A_2497 = vector.extract_strided_slice %get3A_2493 {offsets = [0], sizes = [1], strides = [1]} : vector<16xf32> to vector<1xf32>
      %broadcast_in_dim3A_2498 = vector.shape_cast %slice3A_2497 : vector<1xf32> to vector<1xf32>
      %broadcast_in_dim3A_2499 = vector.broadcast %broadcast_in_dim3A_2498 : vector<1xf32> to vector<16xf32>
      %select_n3A_2500 = arith.select %eq3A_2496, %broadcast_in_dim3A_2499, %select_n3A_2486 : vector<16xi1>, vector<16xf32>
      %get3A_2501 = arith.constant 2 : i32
      %get3A_2502 = arith.constant 2 : i32
      %get3A_2503 = arith.index_cast %get3A_2501 : i32 to index
      %get3A_2504 = arith.index_cast %get3A_2502 : i32 to index
      %get3A_2505 = arith.constant 0 : index
      %get3A_2506 = tpu.vector_load %arg12[%get3A_2503, %get3A_2504, %get3A_2505] {strides = array<i32>} : memref<4x24x512xf32, #tpu.memory_space<vmem>>, vector<1x1x16xf32>,
      %get3A_2507 = vector.shape_cast %get3A_2506 : vector<1x1x16xf32> to vector<16xf32>
      %eq3A_2508 = arith.constant 2 : i32
      %eq3A_2509 = vector.broadcast %eq3A_2508 : i32 to vector<16xi32>
      %eq3A_2510 = arith.cmpi eq, %iota3A, %eq3A_2509 : vector<16xi32>
      %slice3A_2511 = vector.extract_strided_slice %get3A_2507 {offsets = [0], sizes = [1], strides = [1]} : vector<16xf32> to vector<1xf32>
      %broadcast_in_dim3A_2512 = vector.shape_cast %slice3A_2511 : vector<1xf32> to vector<1xf32>
      %broadcast_in_dim3A_2513 = vector.broadcast %broadcast_in_dim3A_2512 : vector<1xf32> to vector<16xf32>
      %select_n3A_2514 = arith.select %eq3A_2510, %broadcast_in_dim3A_2513, %select_n3A_2500 : vector<16xi1>, vector<16xf32>
      %get3A_2515 = arith.constant 2 : i32
      %get3A_2516 = arith.constant 3 : i32
      %get3A_2517 = arith.index_cast %get3A_2515 : i32 to index
      %get3A_2518 = arith.index_cast %get3A_2516 : i32 to index
      %get3A_2519 = arith.constant 0 : index
      %get3A_2520 = tpu.vector_load %arg12[%get3A_2517, %get3A_2518, %get3A_2519] {strides = array<i32>} : memref<4x24x512xf32, #tpu.memory_space<vmem>>, vector<1x1x16xf32>,
      %get3A_2521 = vector.shape_cast %get3A_2520 : vector<1x1x16xf32> to vector<16xf32>
      %eq3A_2522 = arith.constant 3 : i32
      %eq3A_2523 = vector.broadcast %eq3A_2522 : i32 to vector<16xi32>
      %eq3A_2524 = arith.cmpi eq, %iota3A, %eq3A_2523 : vector<16xi32>
      %slice3A_2525 = vector.extract_strided_slice %get3A_2521 {offsets = [0], sizes = [1], strides = [1]} : vector<16xf32> to vector<1xf32>
      %broadcast_in_dim3A_2526 = vector.shape_cast %slice3A_2525 : vector<1xf32> to vector<1xf32>
      %broadcast_in_dim3A_2527 = vector.broadcast %broadcast_in_dim3A_2526 : vector<1xf32> to vector<16xf32>
      %select_n3A_2528 = arith.select %eq3A_2524, %broadcast_in_dim3A_2527, %select_n3A_2514 : vector<16xi1>, vector<16xf32>
      %get3A_2529 = arith.constant 2 : i32
      %get3A_2530 = arith.constant 4 : i32
      %get3A_2531 = arith.index_cast %get3A_2529 : i32 to index
      %get3A_2532 = arith.index_cast %get3A_2530 : i32 to index
      %get3A_2533 = arith.constant 0 : index
      %get3A_2534 = tpu.vector_load %arg12[%get3A_2531, %get3A_2532, %get3A_2533] {strides = array<i32>} : memref<4x24x512xf32, #tpu.memory_space<vmem>>, vector<1x1x16xf32>,
      %get3A_2535 = vector.shape_cast %get3A_2534 : vector<1x1x16xf32> to vector<16xf32>
      %eq3A_2536 = arith.constant 4 : i32
      %eq3A_2537 = vector.broadcast %eq3A_2536 : i32 to vector<16xi32>
      %eq3A_2538 = arith.cmpi eq, %iota3A, %eq3A_2537 : vector<16xi32>
      %slice3A_2539 = vector.extract_strided_slice %get3A_2535 {offsets = [0], sizes = [1], strides = [1]} : vector<16xf32> to vector<1xf32>
      %broadcast_in_dim3A_2540 = vector.shape_cast %slice3A_2539 : vector<1xf32> to vector<1xf32>
      %broadcast_in_dim3A_2541 = vector.broadcast %broadcast_in_dim3A_2540 : vector<1xf32> to vector<16xf32>
      %select_n3A_2542 = arith.select %eq3A_2538, %broadcast_in_dim3A_2541, %select_n3A_2528 : vector<16xi1>, vector<16xf32>
      %get3A_2543 = arith.constant 2 : i32
      %get3A_2544 = arith.constant 5 : i32
      %get3A_2545 = arith.index_cast %get3A_2543 : i32 to index
      %get3A_2546 = arith.index_cast %get3A_2544 : i32 to index
      %get3A_2547 = arith.constant 0 : index
      %get3A_2548 = tpu.vector_load %arg12[%get3A_2545, %get3A_2546, %get3A_2547] {strides = array<i32>} : memref<4x24x512xf32, #tpu.memory_space<vmem>>, vector<1x1x16xf32>,
      %get3A_2549 = vector.shape_cast %get3A_2548 : vector<1x1x16xf32> to vector<16xf32>
      %eq3A_2550 = arith.constant 5 : i32
      %eq3A_2551 = vector.broadcast %eq3A_2550 : i32 to vector<16xi32>
      %eq3A_2552 = arith.cmpi eq, %iota3A, %eq3A_2551 : vector<16xi32>
      %slice3A_2553 = vector.extract_strided_slice %get3A_2549 {offsets = [0], sizes = [1], strides = [1]} : vector<16xf32> to vector<1xf32>
      %broadcast_in_dim3A_2554 = vector.shape_cast %slice3A_2553 : vector<1xf32> to vector<1xf32>
      %broadcast_in_dim3A_2555 = vector.broadcast %broadcast_in_dim3A_2554 : vector<1xf32> to vector<16xf32>
      %select_n3A_2556 = arith.select %eq3A_2552, %broadcast_in_dim3A_2555, %select_n3A_2542 : vector<16xi1>, vector<16xf32>
      %get3A_2557 = arith.constant 2 : i32
      %get3A_2558 = arith.constant 6 : i32
      %get3A_2559 = arith.index_cast %get3A_2557 : i32 to index
      %get3A_2560 = arith.index_cast %get3A_2558 : i32 to index
      %get3A_2561 = arith.constant 0 : index
      %get3A_2562 = tpu.vector_load %arg12[%get3A_2559, %get3A_2560, %get3A_2561] {strides = array<i32>} : memref<4x24x512xf32, #tpu.memory_space<vmem>>, vector<1x1x16xf32>,
      %get3A_2563 = vector.shape_cast %get3A_2562 : vector<1x1x16xf32> to vector<16xf32>
      %eq3A_2564 = arith.constant 6 : i32
      %eq3A_2565 = vector.broadcast %eq3A_2564 : i32 to vector<16xi32>
      %eq3A_2566 = arith.cmpi eq, %iota3A, %eq3A_2565 : vector<16xi32>
      %slice3A_2567 = vector.extract_strided_slice %get3A_2563 {offsets = [0], sizes = [1], strides = [1]} : vector<16xf32> to vector<1xf32>
      %broadcast_in_dim3A_2568 = vector.shape_cast %slice3A_2567 : vector<1xf32> to vector<1xf32>
      %broadcast_in_dim3A_2569 = vector.broadcast %broadcast_in_dim3A_2568 : vector<1xf32> to vector<16xf32>
      %select_n3A_2570 = arith.select %eq3A_2566, %broadcast_in_dim3A_2569, %select_n3A_2556 : vector<16xi1>, vector<16xf32>
      %get3A_2571 = arith.constant 2 : i32
      %get3A_2572 = arith.constant 7 : i32
      %get3A_2573 = arith.index_cast %get3A_2571 : i32 to index
      %get3A_2574 = arith.index_cast %get3A_2572 : i32 to index
      %get3A_2575 = arith.constant 0 : index
      %get3A_2576 = tpu.vector_load %arg12[%get3A_2573, %get3A_2574, %get3A_2575] {strides = array<i32>} : memref<4x24x512xf32, #tpu.memory_space<vmem>>, vector<1x1x16xf32>,
      %get3A_2577 = vector.shape_cast %get3A_2576 : vector<1x1x16xf32> to vector<16xf32>
      %eq3A_2578 = arith.constant 7 : i32
      %eq3A_2579 = vector.broadcast %eq3A_2578 : i32 to vector<16xi32>
      %eq3A_2580 = arith.cmpi eq, %iota3A, %eq3A_2579 : vector<16xi32>
      %slice3A_2581 = vector.extract_strided_slice %get3A_2577 {offsets = [0], sizes = [1], strides = [1]} : vector<16xf32> to vector<1xf32>
      %broadcast_in_dim3A_2582 = vector.shape_cast %slice3A_2581 : vector<1xf32> to vector<1xf32>
      %broadcast_in_dim3A_2583 = vector.broadcast %broadcast_in_dim3A_2582 : vector<1xf32> to vector<16xf32>
      %select_n3A_2584 = arith.select %eq3A_2580, %broadcast_in_dim3A_2583, %select_n3A_2570 : vector<16xi1>, vector<16xf32>
      %get3A_2585 = arith.constant 2 : i32
      %get3A_2586 = arith.constant 8 : i32
      %get3A_2587 = arith.index_cast %get3A_2585 : i32 to index
      %get3A_2588 = arith.index_cast %get3A_2586 : i32 to index
      %get3A_2589 = arith.constant 0 : index
      %get3A_2590 = tpu.vector_load %arg12[%get3A_2587, %get3A_2588, %get3A_2589] {strides = array<i32>} : memref<4x24x512xf32, #tpu.memory_space<vmem>>, vector<1x1x16xf32>,
      %get3A_2591 = vector.shape_cast %get3A_2590 : vector<1x1x16xf32> to vector<16xf32>
      %eq3A_2592 = arith.constant 8 : i32
      %eq3A_2593 = vector.broadcast %eq3A_2592 : i32 to vector<16xi32>
      %eq3A_2594 = arith.cmpi eq, %iota3A, %eq3A_2593 : vector<16xi32>
      %slice3A_2595 = vector.extract_strided_slice %get3A_2591 {offsets = [0], sizes = [1], strides = [1]} : vector<16xf32> to vector<1xf32>
      %broadcast_in_dim3A_2596 = vector.shape_cast %slice3A_2595 : vector<1xf32> to vector<1xf32>
      %broadcast_in_dim3A_2597 = vector.broadcast %broadcast_in_dim3A_2596 : vector<1xf32> to vector<16xf32>
      %select_n3A_2598 = arith.select %eq3A_2594, %broadcast_in_dim3A_2597, %select_n3A_2584 : vector<16xi1>, vector<16xf32>
      %get3A_2599 = arith.constant 2 : i32
      %get3A_2600 = arith.constant 9 : i32
      %get3A_2601 = arith.index_cast %get3A_2599 : i32 to index
      %get3A_2602 = arith.index_cast %get3A_2600 : i32 to index
      %get3A_2603 = arith.constant 0 : index
      %get3A_2604 = tpu.vector_load %arg12[%get3A_2601, %get3A_2602, %get3A_2603] {strides = array<i32>} : memref<4x24x512xf32, #tpu.memory_space<vmem>>, vector<1x1x16xf32>,
      %get3A_2605 = vector.shape_cast %get3A_2604 : vector<1x1x16xf32> to vector<16xf32>
      %eq3A_2606 = arith.constant 9 : i32
      %eq3A_2607 = vector.broadcast %eq3A_2606 : i32 to vector<16xi32>
      %eq3A_2608 = arith.cmpi eq, %iota3A, %eq3A_2607 : vector<16xi32>
      %slice3A_2609 = vector.extract_strided_slice %get3A_2605 {offsets = [0], sizes = [1], strides = [1]} : vector<16xf32> to vector<1xf32>
      %broadcast_in_dim3A_2610 = vector.shape_cast %slice3A_2609 : vector<1xf32> to vector<1xf32>
      %broadcast_in_dim3A_2611 = vector.broadcast %broadcast_in_dim3A_2610 : vector<1xf32> to vector<16xf32>
      %select_n3A_2612 = arith.select %eq3A_2608, %broadcast_in_dim3A_2611, %select_n3A_2598 : vector<16xi1>, vector<16xf32>
      %get3A_2613 = arith.constant 2 : i32
      %get3A_2614 = arith.constant 10 : i32
      %get3A_2615 = arith.index_cast %get3A_2613 : i32 to index
      %get3A_2616 = arith.index_cast %get3A_2614 : i32 to index
      %get3A_2617 = arith.constant 0 : index
      %get3A_2618 = tpu.vector_load %arg12[%get3A_2615, %get3A_2616, %get3A_2617] {strides = array<i32>} : memref<4x24x512xf32, #tpu.memory_space<vmem>>, vector<1x1x16xf32>,
      %get3A_2619 = vector.shape_cast %get3A_2618 : vector<1x1x16xf32> to vector<16xf32>
      %eq3A_2620 = arith.constant 10 : i32
      %eq3A_2621 = vector.broadcast %eq3A_2620 : i32 to vector<16xi32>
      %eq3A_2622 = arith.cmpi eq, %iota3A, %eq3A_2621 : vector<16xi32>
      %slice3A_2623 = vector.extract_strided_slice %get3A_2619 {offsets = [0], sizes = [1], strides = [1]} : vector<16xf32> to vector<1xf32>
      %broadcast_in_dim3A_2624 = vector.shape_cast %slice3A_2623 : vector<1xf32> to vector<1xf32>
      %broadcast_in_dim3A_2625 = vector.broadcast %broadcast_in_dim3A_2624 : vector<1xf32> to vector<16xf32>
      %select_n3A_2626 = arith.select %eq3A_2622, %broadcast_in_dim3A_2625, %select_n3A_2612 : vector<16xi1>, vector<16xf32>
      %get3A_2627 = arith.constant 2 : i32
      %get3A_2628 = arith.constant 11 : i32
      %get3A_2629 = arith.index_cast %get3A_2627 : i32 to index
      %get3A_2630 = arith.index_cast %get3A_2628 : i32 to index
      %get3A_2631 = arith.constant 0 : index
      %get3A_2632 = tpu.vector_load %arg12[%get3A_2629, %get3A_2630, %get3A_2631] {strides = array<i32>} : memref<4x24x512xf32, #tpu.memory_space<vmem>>, vector<1x1x16xf32>,
      %get3A_2633 = vector.shape_cast %get3A_2632 : vector<1x1x16xf32> to vector<16xf32>
      %eq3A_2634 = arith.constant 11 : i32
      %eq3A_2635 = vector.broadcast %eq3A_2634 : i32 to vector<16xi32>
      %eq3A_2636 = arith.cmpi eq, %iota3A, %eq3A_2635 : vector<16xi32>
      %slice3A_2637 = vector.extract_strided_slice %get3A_2633 {offsets = [0], sizes = [1], strides = [1]} : vector<16xf32> to vector<1xf32>
      %broadcast_in_dim3A_2638 = vector.shape_cast %slice3A_2637 : vector<1xf32> to vector<1xf32>
      %broadcast_in_dim3A_2639 = vector.broadcast %broadcast_in_dim3A_2638 : vector<1xf32> to vector<16xf32>
      %select_n3A_2640 = arith.select %eq3A_2636, %broadcast_in_dim3A_2639, %select_n3A_2626 : vector<16xi1>, vector<16xf32>
      %get3A_2641 = arith.constant 2 : i32
      %get3A_2642 = arith.constant 12 : i32
      %get3A_2643 = arith.index_cast %get3A_2641 : i32 to index
      %get3A_2644 = arith.index_cast %get3A_2642 : i32 to index
      %get3A_2645 = arith.constant 0 : index
      %get3A_2646 = tpu.vector_load %arg12[%get3A_2643, %get3A_2644, %get3A_2645] {strides = array<i32>} : memref<4x24x512xf32, #tpu.memory_space<vmem>>, vector<1x1x16xf32>,
      %get3A_2647 = vector.shape_cast %get3A_2646 : vector<1x1x16xf32> to vector<16xf32>
      %eq3A_2648 = arith.constant 12 : i32
      %eq3A_2649 = vector.broadcast %eq3A_2648 : i32 to vector<16xi32>
      %eq3A_2650 = arith.cmpi eq, %iota3A, %eq3A_2649 : vector<16xi32>
      %slice3A_2651 = vector.extract_strided_slice %get3A_2647 {offsets = [0], sizes = [1], strides = [1]} : vector<16xf32> to vector<1xf32>
      %broadcast_in_dim3A_2652 = vector.shape_cast %slice3A_2651 : vector<1xf32> to vector<1xf32>
      %broadcast_in_dim3A_2653 = vector.broadcast %broadcast_in_dim3A_2652 : vector<1xf32> to vector<16xf32>
      %select_n3A_2654 = arith.select %eq3A_2650, %broadcast_in_dim3A_2653, %select_n3A_2640 : vector<16xi1>, vector<16xf32>
      %get3A_2655 = arith.constant 2 : i32
      %get3A_2656 = arith.constant 13 : i32
      %get3A_2657 = arith.index_cast %get3A_2655 : i32 to index
      %get3A_2658 = arith.index_cast %get3A_2656 : i32 to index
      %get3A_2659 = arith.constant 0 : index
      %get3A_2660 = tpu.vector_load %arg12[%get3A_2657, %get3A_2658, %get3A_2659] {strides = array<i32>} : memref<4x24x512xf32, #tpu.memory_space<vmem>>, vector<1x1x16xf32>,
      %get3A_2661 = vector.shape_cast %get3A_2660 : vector<1x1x16xf32> to vector<16xf32>
      %eq3A_2662 = arith.constant 13 : i32
      %eq3A_2663 = vector.broadcast %eq3A_2662 : i32 to vector<16xi32>
      %eq3A_2664 = arith.cmpi eq, %iota3A, %eq3A_2663 : vector<16xi32>
      %slice3A_2665 = vector.extract_strided_slice %get3A_2661 {offsets = [0], sizes = [1], strides = [1]} : vector<16xf32> to vector<1xf32>
      %broadcast_in_dim3A_2666 = vector.shape_cast %slice3A_2665 : vector<1xf32> to vector<1xf32>
      %broadcast_in_dim3A_2667 = vector.broadcast %broadcast_in_dim3A_2666 : vector<1xf32> to vector<16xf32>
      %select_n3A_2668 = arith.select %eq3A_2664, %broadcast_in_dim3A_2667, %select_n3A_2654 : vector<16xi1>, vector<16xf32>
      %mul3A_2669 = arith.constant 4 : i32
      %mul3A_2670 = arith.muli %scan3A_1355, %mul3A_2669 : i32
      %add3A_2671 = arith.constant 2 : i32
      %add3A_2672 = arith.addi %mul3A_2670, %add3A_2671 : i32
      %mul3A_2673 = arith.constant 40 : i32
      %mul3A_2674 = arith.muli %add3A_2672, %mul3A_2673 : i32
      %ne3A_2675 = arith.constant 0.000000e+00 : f32
      %ne3A_2676 = vector.broadcast %ne3A_2675 : f32 to vector<16xf32>
      %ne3A_2677 = arith.cmpf one, %select_n3A_2472, %ne3A_2676 : vector<16xf32>
      %select_n3A_2678 = arith.select %ne3A_2677, %broadcast_in_dim3A_1239, %broadcast_in_dim3A_3 : vector<16xi1>, vector<16xf32>
      %swap3A_2679 = arith.index_cast %mul3A_2674 : i32 to index
      %swap3A_2680 = tpu.vector_load %arg13[%swap3A_2679] {strides = array<i32>} : memref<2568xf32, #tpu.memory_space<vmem>>, vector<16xf32>,
      %swap3A_2681 = vector.shape_cast %swap3A_2680 : vector<16xf32> to vector<16xf32>
      %swap3A_2682 = vector.shape_cast %select_n3A_2678 : vector<16xf32> to vector<16xf32>
      tpu.vector_store %arg13[%swap3A_2679], %swap3A_2682 {strides = array<i32>} : memref<2568xf32, #tpu.memory_space<vmem>>, vector<16xf32>,
      %ne3A_2683 = arith.constant 0.000000e+00 : f32
      %ne3A_2684 = vector.broadcast %ne3A_2683 : f32 to vector<16xf32>
      %ne3A_2685 = arith.cmpf one, %select_n3A_2668, %ne3A_2684 : vector<16xf32>
      %select_n3A_2686 = arith.select %ne3A_2685, %broadcast_in_dim3A_1239, %broadcast_in_dim3A_3 : vector<16xi1>, vector<16xf32>
      %add3A_2687 = arith.constant 16 : i32
      %add3A_2688 = arith.addi %mul3A_2674, %add3A_2687 : i32
      %swap3A_2689 = arith.index_cast %add3A_2688 : i32 to index
      %swap3A_2690 = tpu.vector_load %arg13[%swap3A_2689] {strides = array<i32>} : memref<2568xf32, #tpu.memory_space<vmem>>, vector<16xf32>,
      %swap3A_2691 = vector.shape_cast %swap3A_2690 : vector<16xf32> to vector<16xf32>
      %swap3A_2692 = vector.shape_cast %select_n3A_2686 : vector<16xf32> to vector<16xf32>
      tpu.vector_store %arg13[%swap3A_2689], %swap3A_2692 {strides = array<i32>} : memref<2568xf32, #tpu.memory_space<vmem>>, vector<16xf32>,
      %add3A_2693 = arith.constant 32 : i32
      %add3A_2694 = arith.addi %mul3A_2674, %add3A_2693 : i32
      %swap3A_2695 = arith.index_cast %add3A_2694 : i32 to index
      %swap3A_2696 = tpu.vector_load %arg13[%swap3A_2695] {strides = array<i32>} : memref<2568xf32, #tpu.memory_space<vmem>>, vector<16xf32>,
      %swap3A_2697 = vector.shape_cast %swap3A_2696 : vector<16xf32> to vector<16xf32>
      %swap3A_2698 = vector.shape_cast %broadcast_in_dim3A_3 : vector<16xf32> to vector<16xf32>
      tpu.vector_store %arg13[%swap3A_2695], %swap3A_2698 {strides = array<i32>} : memref<2568xf32, #tpu.memory_space<vmem>>, vector<16xf32>,
      %mul3A_2699 = arith.constant 4 : i32
      %mul3A_2700 = arith.muli %scan3A_1355, %mul3A_2699 : i32
      %add3A_2701 = arith.addi %mul3A_2, %mul3A_2700 : i32
      %add3A_2702 = arith.constant 2 : i32
      %add3A_2703 = arith.addi %add3A_2701, %add3A_2702 : i32
      %mul3A_2704 = arith.constant 40 : i32
      %mul3A_2705 = arith.muli %add3A_2703, %mul3A_2704 : i32
      %dma_start3A_2706 = arith.constant 32 : i32
      %dma_start3A_2707 = arith.constant 0 : i32
      %dma_start3A_2708 = tpu.memref_slice %arg11[%dma_start3A_2706, %dma_start3A_2707] : memref<64x512xf32, #tpu.memory_space<vmem>> -> memref<16x512xf32, #tpu.memory_space<vmem>>
      %dma_start3A_2709 = arith.constant 0 : i32
      %dma_start3A_2710 = tpu.memref_slice %arg8[%mul3A_2705, %dma_start3A_2709] : memref<81920x512xf32, #tpu.memory_space<hbm>> -> memref<16x512xf32, #tpu.memory_space<hbm>>
      %dma_start3A_2711 = arith.constant 0 : i32
      %dma_start3A_2712 = tpu.memref_slice %arg8[%mul3A_2705, %dma_start3A_2711] : memref<81920x512xf32, #tpu.memory_space<hbm>> -> memref<16x512xf32, #tpu.memory_space<hbm>>
      %dma_start3A_2713 = arith.constant 32 : i32
      %dma_start3A_2714 = arith.constant 0 : i32
      %dma_start3A_2715 = tpu.memref_slice %arg11[%dma_start3A_2713, %dma_start3A_2714] : memref<64x512xf32, #tpu.memory_space<vmem>> -> memref<16x512xf32, #tpu.memory_space<vmem>>
      tpu.enqueue_dma source(%dma_start3A_2715 : memref<16x512xf32, #tpu.memory_space<vmem>>) target(%dma_start3A_2712 : memref<16x512xf32, #tpu.memory_space<hbm>>) target_semaphore(%arg18 : memref<!tpu.dma_semaphore, #tpu.memory_space<semaphore_mem>>)
      %mul3A_2716 = arith.constant 40 : i32
      %mul3A_2717 = arith.muli %add3A_2703, %mul3A_2716 : i32
      %add3A_2718 = arith.constant 16 : i32
      %add3A_2719 = arith.addi %mul3A_2717, %add3A_2718 : i32
      %dma_start3A_2720 = arith.constant 2 : i32
      %dma_start3A_2721 = arith.constant 0 : i32
      %dma_start3A_2722 = arith.constant 0 : i32
      %dma_start3A_2723 = tpu.memref_slice %arg12[%dma_start3A_2720, %dma_start3A_2721, %dma_start3A_2722] : memref<4x24x512xf32, #tpu.memory_space<vmem>> -> memref<1x24x512xf32, #tpu.memory_space<vmem>>
      %dma_start3A_2724 = tpu.memref_squeeze %dma_start3A_2723 : memref<1x24x512xf32, #tpu.memory_space<vmem>> -> memref<24x512xf32, #tpu.memory_space<vmem>>
      %dma_start3A_2725 = arith.constant 0 : i32
      %dma_start3A_2726 = tpu.memref_slice %arg8[%add3A_2719, %dma_start3A_2725] : memref<81920x512xf32, #tpu.memory_space<hbm>> -> memref<24x512xf32, #tpu.memory_space<hbm>>
      %dma_start3A_2727 = arith.constant 0 : i32
      %dma_start3A_2728 = tpu.memref_slice %arg8[%add3A_2719, %dma_start3A_2727] : memref<81920x512xf32, #tpu.memory_space<hbm>> -> memref<24x512xf32, #tpu.memory_space<hbm>>
      %dma_start3A_2729 = arith.constant 0 : i32
      %dma_start3A_2730 = arith.constant 0 : i32
      %dma_start3A_2731 = tpu.memref_slice %arg12[%dma_start3A_2720, %dma_start3A_2729, %dma_start3A_2730] : memref<4x24x512xf32, #tpu.memory_space<vmem>> -> memref<1x24x512xf32, #tpu.memory_space<vmem>>
      %dma_start3A_2732 = tpu.memref_squeeze %dma_start3A_2731 : memref<1x24x512xf32, #tpu.memory_space<vmem>> -> memref<24x512xf32, #tpu.memory_space<vmem>>
      tpu.enqueue_dma source(%dma_start3A_2732 : memref<24x512xf32, #tpu.memory_space<vmem>>) target(%dma_start3A_2728 : memref<24x512xf32, #tpu.memory_space<hbm>>) target_semaphore(%arg18 : memref<!tpu.dma_semaphore, #tpu.memory_space<semaphore_mem>>)
      %get3A_2733 = arith.constant 48 : i32
      %get3A_2734 = arith.index_cast %get3A_2733 : i32 to index
      %get3A_2735 = arith.constant 0 : index
      %get3A_2736 = tpu.vector_load %arg11[%get3A_2734, %get3A_2735] {strides = array<i32>} : memref<64x512xf32, #tpu.memory_space<vmem>>, vector<1x16xf32>,
      %get3A_2737 = vector.shape_cast %get3A_2736 : vector<1x16xf32> to vector<16xf32>
      %eq3A_2738 = arith.constant 0 : i32
      %eq3A_2739 = vector.broadcast %eq3A_2738 : i32 to vector<16xi32>
      %eq3A_2740 = arith.cmpi eq, %iota3A, %eq3A_2739 : vector<16xi32>
      %slice3A_2741 = vector.extract_strided_slice %get3A_2737 {offsets = [0], sizes = [1], strides = [1]} : vector<16xf32> to vector<1xf32>
      %broadcast_in_dim3A_2742 = vector.shape_cast %slice3A_2741 : vector<1xf32> to vector<1xf32>
      %broadcast_in_dim3A_2743 = vector.broadcast %broadcast_in_dim3A_2742 : vector<1xf32> to vector<16xf32>
      %select_n3A_2744 = arith.select %eq3A_2740, %broadcast_in_dim3A_2743, %broadcast_in_dim3A_3 : vector<16xi1>, vector<16xf32>
      %get3A_2745 = arith.constant 49 : i32
      %get3A_2746 = arith.index_cast %get3A_2745 : i32 to index
      %get3A_2747 = arith.constant 0 : index
      %get3A_2748 = tpu.vector_load %arg11[%get3A_2746, %get3A_2747] {strides = array<i32>} : memref<64x512xf32, #tpu.memory_space<vmem>>, vector<1x16xf32>,
      %get3A_2749 = vector.shape_cast %get3A_2748 : vector<1x16xf32> to vector<16xf32>
      %eq3A_2750 = arith.constant 1 : i32
      %eq3A_2751 = vector.broadcast %eq3A_2750 : i32 to vector<16xi32>
      %eq3A_2752 = arith.cmpi eq, %iota3A, %eq3A_2751 : vector<16xi32>
      %slice3A_2753 = vector.extract_strided_slice %get3A_2749 {offsets = [0], sizes = [1], strides = [1]} : vector<16xf32> to vector<1xf32>
      %broadcast_in_dim3A_2754 = vector.shape_cast %slice3A_2753 : vector<1xf32> to vector<1xf32>
      %broadcast_in_dim3A_2755 = vector.broadcast %broadcast_in_dim3A_2754 : vector<1xf32> to vector<16xf32>
      %select_n3A_2756 = arith.select %eq3A_2752, %broadcast_in_dim3A_2755, %select_n3A_2744 : vector<16xi1>, vector<16xf32>
      %get3A_2757 = arith.constant 50 : i32
      %get3A_2758 = arith.index_cast %get3A_2757 : i32 to index
      %get3A_2759 = arith.constant 0 : index
      %get3A_2760 = tpu.vector_load %arg11[%get3A_2758, %get3A_2759] {strides = array<i32>} : memref<64x512xf32, #tpu.memory_space<vmem>>, vector<1x16xf32>,
      %get3A_2761 = vector.shape_cast %get3A_2760 : vector<1x16xf32> to vector<16xf32>
      %eq3A_2762 = arith.constant 2 : i32
      %eq3A_2763 = vector.broadcast %eq3A_2762 : i32 to vector<16xi32>
      %eq3A_2764 = arith.cmpi eq, %iota3A, %eq3A_2763 : vector<16xi32>
      %slice3A_2765 = vector.extract_strided_slice %get3A_2761 {offsets = [0], sizes = [1], strides = [1]} : vector<16xf32> to vector<1xf32>
      %broadcast_in_dim3A_2766 = vector.shape_cast %slice3A_2765 : vector<1xf32> to vector<1xf32>
      %broadcast_in_dim3A_2767 = vector.broadcast %broadcast_in_dim3A_2766 : vector<1xf32> to vector<16xf32>
      %select_n3A_2768 = arith.select %eq3A_2764, %broadcast_in_dim3A_2767, %select_n3A_2756 : vector<16xi1>, vector<16xf32>
      %get3A_2769 = arith.constant 51 : i32
      %get3A_2770 = arith.index_cast %get3A_2769 : i32 to index
      %get3A_2771 = arith.constant 0 : index
      %get3A_2772 = tpu.vector_load %arg11[%get3A_2770, %get3A_2771] {strides = array<i32>} : memref<64x512xf32, #tpu.memory_space<vmem>>, vector<1x16xf32>,
      %get3A_2773 = vector.shape_cast %get3A_2772 : vector<1x16xf32> to vector<16xf32>
      %eq3A_2774 = arith.constant 3 : i32
      %eq3A_2775 = vector.broadcast %eq3A_2774 : i32 to vector<16xi32>
      %eq3A_2776 = arith.cmpi eq, %iota3A, %eq3A_2775 : vector<16xi32>
      %slice3A_2777 = vector.extract_strided_slice %get3A_2773 {offsets = [0], sizes = [1], strides = [1]} : vector<16xf32> to vector<1xf32>
      %broadcast_in_dim3A_2778 = vector.shape_cast %slice3A_2777 : vector<1xf32> to vector<1xf32>
      %broadcast_in_dim3A_2779 = vector.broadcast %broadcast_in_dim3A_2778 : vector<1xf32> to vector<16xf32>
      %select_n3A_2780 = arith.select %eq3A_2776, %broadcast_in_dim3A_2779, %select_n3A_2768 : vector<16xi1>, vector<16xf32>
      %get3A_2781 = arith.constant 52 : i32
      %get3A_2782 = arith.index_cast %get3A_2781 : i32 to index
      %get3A_2783 = arith.constant 0 : index
      %get3A_2784 = tpu.vector_load %arg11[%get3A_2782, %get3A_2783] {strides = array<i32>} : memref<64x512xf32, #tpu.memory_space<vmem>>, vector<1x16xf32>,
      %get3A_2785 = vector.shape_cast %get3A_2784 : vector<1x16xf32> to vector<16xf32>
      %eq3A_2786 = arith.constant 4 : i32
      %eq3A_2787 = vector.broadcast %eq3A_2786 : i32 to vector<16xi32>
      %eq3A_2788 = arith.cmpi eq, %iota3A, %eq3A_2787 : vector<16xi32>
      %slice3A_2789 = vector.extract_strided_slice %get3A_2785 {offsets = [0], sizes = [1], strides = [1]} : vector<16xf32> to vector<1xf32>
      %broadcast_in_dim3A_2790 = vector.shape_cast %slice3A_2789 : vector<1xf32> to vector<1xf32>
      %broadcast_in_dim3A_2791 = vector.broadcast %broadcast_in_dim3A_2790 : vector<1xf32> to vector<16xf32>
      %select_n3A_2792 = arith.select %eq3A_2788, %broadcast_in_dim3A_2791, %select_n3A_2780 : vector<16xi1>, vector<16xf32>
      %get3A_2793 = arith.constant 53 : i32
      %get3A_2794 = arith.index_cast %get3A_2793 : i32 to index
      %get3A_2795 = arith.constant 0 : index
      %get3A_2796 = tpu.vector_load %arg11[%get3A_2794, %get3A_2795] {strides = array<i32>} : memref<64x512xf32, #tpu.memory_space<vmem>>, vector<1x16xf32>,
      %get3A_2797 = vector.shape_cast %get3A_2796 : vector<1x16xf32> to vector<16xf32>
      %eq3A_2798 = arith.constant 5 : i32
      %eq3A_2799 = vector.broadcast %eq3A_2798 : i32 to vector<16xi32>
      %eq3A_2800 = arith.cmpi eq, %iota3A, %eq3A_2799 : vector<16xi32>
      %slice3A_2801 = vector.extract_strided_slice %get3A_2797 {offsets = [0], sizes = [1], strides = [1]} : vector<16xf32> to vector<1xf32>
      %broadcast_in_dim3A_2802 = vector.shape_cast %slice3A_2801 : vector<1xf32> to vector<1xf32>
      %broadcast_in_dim3A_2803 = vector.broadcast %broadcast_in_dim3A_2802 : vector<1xf32> to vector<16xf32>
      %select_n3A_2804 = arith.select %eq3A_2800, %broadcast_in_dim3A_2803, %select_n3A_2792 : vector<16xi1>, vector<16xf32>
      %get3A_2805 = arith.constant 54 : i32
      %get3A_2806 = arith.index_cast %get3A_2805 : i32 to index
      %get3A_2807 = arith.constant 0 : index
      %get3A_2808 = tpu.vector_load %arg11[%get3A_2806, %get3A_2807] {strides = array<i32>} : memref<64x512xf32, #tpu.memory_space<vmem>>, vector<1x16xf32>,
      %get3A_2809 = vector.shape_cast %get3A_2808 : vector<1x16xf32> to vector<16xf32>
      %eq3A_2810 = arith.constant 6 : i32
      %eq3A_2811 = vector.broadcast %eq3A_2810 : i32 to vector<16xi32>
      %eq3A_2812 = arith.cmpi eq, %iota3A, %eq3A_2811 : vector<16xi32>
      %slice3A_2813 = vector.extract_strided_slice %get3A_2809 {offsets = [0], sizes = [1], strides = [1]} : vector<16xf32> to vector<1xf32>
      %broadcast_in_dim3A_2814 = vector.shape_cast %slice3A_2813 : vector<1xf32> to vector<1xf32>
      %broadcast_in_dim3A_2815 = vector.broadcast %broadcast_in_dim3A_2814 : vector<1xf32> to vector<16xf32>
      %select_n3A_2816 = arith.select %eq3A_2812, %broadcast_in_dim3A_2815, %select_n3A_2804 : vector<16xi1>, vector<16xf32>
      %get3A_2817 = arith.constant 55 : i32
      %get3A_2818 = arith.index_cast %get3A_2817 : i32 to index
      %get3A_2819 = arith.constant 0 : index
      %get3A_2820 = tpu.vector_load %arg11[%get3A_2818, %get3A_2819] {strides = array<i32>} : memref<64x512xf32, #tpu.memory_space<vmem>>, vector<1x16xf32>,
      %get3A_2821 = vector.shape_cast %get3A_2820 : vector<1x16xf32> to vector<16xf32>
      %eq3A_2822 = arith.constant 7 : i32
      %eq3A_2823 = vector.broadcast %eq3A_2822 : i32 to vector<16xi32>
      %eq3A_2824 = arith.cmpi eq, %iota3A, %eq3A_2823 : vector<16xi32>
      %slice3A_2825 = vector.extract_strided_slice %get3A_2821 {offsets = [0], sizes = [1], strides = [1]} : vector<16xf32> to vector<1xf32>
      %broadcast_in_dim3A_2826 = vector.shape_cast %slice3A_2825 : vector<1xf32> to vector<1xf32>
      %broadcast_in_dim3A_2827 = vector.broadcast %broadcast_in_dim3A_2826 : vector<1xf32> to vector<16xf32>
      %select_n3A_2828 = arith.select %eq3A_2824, %broadcast_in_dim3A_2827, %select_n3A_2816 : vector<16xi1>, vector<16xf32>
      %get3A_2829 = arith.constant 56 : i32
      %get3A_2830 = arith.index_cast %get3A_2829 : i32 to index
      %get3A_2831 = arith.constant 0 : index
      %get3A_2832 = tpu.vector_load %arg11[%get3A_2830, %get3A_2831] {strides = array<i32>} : memref<64x512xf32, #tpu.memory_space<vmem>>, vector<1x16xf32>,
      %get3A_2833 = vector.shape_cast %get3A_2832 : vector<1x16xf32> to vector<16xf32>
      %eq3A_2834 = arith.constant 8 : i32
      %eq3A_2835 = vector.broadcast %eq3A_2834 : i32 to vector<16xi32>
      %eq3A_2836 = arith.cmpi eq, %iota3A, %eq3A_2835 : vector<16xi32>
      %slice3A_2837 = vector.extract_strided_slice %get3A_2833 {offsets = [0], sizes = [1], strides = [1]} : vector<16xf32> to vector<1xf32>
      %broadcast_in_dim3A_2838 = vector.shape_cast %slice3A_2837 : vector<1xf32> to vector<1xf32>
      %broadcast_in_dim3A_2839 = vector.broadcast %broadcast_in_dim3A_2838 : vector<1xf32> to vector<16xf32>
      %select_n3A_2840 = arith.select %eq3A_2836, %broadcast_in_dim3A_2839, %select_n3A_2828 : vector<16xi1>, vector<16xf32>
      %get3A_2841 = arith.constant 57 : i32
      %get3A_2842 = arith.index_cast %get3A_2841 : i32 to index
      %get3A_2843 = arith.constant 0 : index
      %get3A_2844 = tpu.vector_load %arg11[%get3A_2842, %get3A_2843] {strides = array<i32>} : memref<64x512xf32, #tpu.memory_space<vmem>>, vector<1x16xf32>,
      %get3A_2845 = vector.shape_cast %get3A_2844 : vector<1x16xf32> to vector<16xf32>
      %eq3A_2846 = arith.constant 9 : i32
      %eq3A_2847 = vector.broadcast %eq3A_2846 : i32 to vector<16xi32>
      %eq3A_2848 = arith.cmpi eq, %iota3A, %eq3A_2847 : vector<16xi32>
      %slice3A_2849 = vector.extract_strided_slice %get3A_2845 {offsets = [0], sizes = [1], strides = [1]} : vector<16xf32> to vector<1xf32>
      %broadcast_in_dim3A_2850 = vector.shape_cast %slice3A_2849 : vector<1xf32> to vector<1xf32>
      %broadcast_in_dim3A_2851 = vector.broadcast %broadcast_in_dim3A_2850 : vector<1xf32> to vector<16xf32>
      %select_n3A_2852 = arith.select %eq3A_2848, %broadcast_in_dim3A_2851, %select_n3A_2840 : vector<16xi1>, vector<16xf32>
      %get3A_2853 = arith.constant 58 : i32
      %get3A_2854 = arith.index_cast %get3A_2853 : i32 to index
      %get3A_2855 = arith.constant 0 : index
      %get3A_2856 = tpu.vector_load %arg11[%get3A_2854, %get3A_2855] {strides = array<i32>} : memref<64x512xf32, #tpu.memory_space<vmem>>, vector<1x16xf32>,
      %get3A_2857 = vector.shape_cast %get3A_2856 : vector<1x16xf32> to vector<16xf32>
      %eq3A_2858 = arith.constant 10 : i32
      %eq3A_2859 = vector.broadcast %eq3A_2858 : i32 to vector<16xi32>
      %eq3A_2860 = arith.cmpi eq, %iota3A, %eq3A_2859 : vector<16xi32>
      %slice3A_2861 = vector.extract_strided_slice %get3A_2857 {offsets = [0], sizes = [1], strides = [1]} : vector<16xf32> to vector<1xf32>
      %broadcast_in_dim3A_2862 = vector.shape_cast %slice3A_2861 : vector<1xf32> to vector<1xf32>
      %broadcast_in_dim3A_2863 = vector.broadcast %broadcast_in_dim3A_2862 : vector<1xf32> to vector<16xf32>
      %select_n3A_2864 = arith.select %eq3A_2860, %broadcast_in_dim3A_2863, %select_n3A_2852 : vector<16xi1>, vector<16xf32>
      %get3A_2865 = arith.constant 59 : i32
      %get3A_2866 = arith.index_cast %get3A_2865 : i32 to index
      %get3A_2867 = arith.constant 0 : index
      %get3A_2868 = tpu.vector_load %arg11[%get3A_2866, %get3A_2867] {strides = array<i32>} : memref<64x512xf32, #tpu.memory_space<vmem>>, vector<1x16xf32>,
      %get3A_2869 = vector.shape_cast %get3A_2868 : vector<1x16xf32> to vector<16xf32>
      %eq3A_2870 = arith.constant 11 : i32
      %eq3A_2871 = vector.broadcast %eq3A_2870 : i32 to vector<16xi32>
      %eq3A_2872 = arith.cmpi eq, %iota3A, %eq3A_2871 : vector<16xi32>
      %slice3A_2873 = vector.extract_strided_slice %get3A_2869 {offsets = [0], sizes = [1], strides = [1]} : vector<16xf32> to vector<1xf32>
      %broadcast_in_dim3A_2874 = vector.shape_cast %slice3A_2873 : vector<1xf32> to vector<1xf32>
      %broadcast_in_dim3A_2875 = vector.broadcast %broadcast_in_dim3A_2874 : vector<1xf32> to vector<16xf32>
      %select_n3A_2876 = arith.select %eq3A_2872, %broadcast_in_dim3A_2875, %select_n3A_2864 : vector<16xi1>, vector<16xf32>
      %get3A_2877 = arith.constant 60 : i32
      %get3A_2878 = arith.index_cast %get3A_2877 : i32 to index
      %get3A_2879 = arith.constant 0 : index
      %get3A_2880 = tpu.vector_load %arg11[%get3A_2878, %get3A_2879] {strides = array<i32>} : memref<64x512xf32, #tpu.memory_space<vmem>>, vector<1x16xf32>,
      %get3A_2881 = vector.shape_cast %get3A_2880 : vector<1x16xf32> to vector<16xf32>
      %eq3A_2882 = arith.constant 12 : i32
      %eq3A_2883 = vector.broadcast %eq3A_2882 : i32 to vector<16xi32>
      %eq3A_2884 = arith.cmpi eq, %iota3A, %eq3A_2883 : vector<16xi32>
      %slice3A_2885 = vector.extract_strided_slice %get3A_2881 {offsets = [0], sizes = [1], strides = [1]} : vector<16xf32> to vector<1xf32>
      %broadcast_in_dim3A_2886 = vector.shape_cast %slice3A_2885 : vector<1xf32> to vector<1xf32>
      %broadcast_in_dim3A_2887 = vector.broadcast %broadcast_in_dim3A_2886 : vector<1xf32> to vector<16xf32>
      %select_n3A_2888 = arith.select %eq3A_2884, %broadcast_in_dim3A_2887, %select_n3A_2876 : vector<16xi1>, vector<16xf32>
      %get3A_2889 = arith.constant 61 : i32
      %get3A_2890 = arith.index_cast %get3A_2889 : i32 to index
      %get3A_2891 = arith.constant 0 : index
      %get3A_2892 = tpu.vector_load %arg11[%get3A_2890, %get3A_2891] {strides = array<i32>} : memref<64x512xf32, #tpu.memory_space<vmem>>, vector<1x16xf32>,
      %get3A_2893 = vector.shape_cast %get3A_2892 : vector<1x16xf32> to vector<16xf32>
      %eq3A_2894 = arith.constant 13 : i32
      %eq3A_2895 = vector.broadcast %eq3A_2894 : i32 to vector<16xi32>
      %eq3A_2896 = arith.cmpi eq, %iota3A, %eq3A_2895 : vector<16xi32>
      %slice3A_2897 = vector.extract_strided_slice %get3A_2893 {offsets = [0], sizes = [1], strides = [1]} : vector<16xf32> to vector<1xf32>
      %broadcast_in_dim3A_2898 = vector.shape_cast %slice3A_2897 : vector<1xf32> to vector<1xf32>
      %broadcast_in_dim3A_2899 = vector.broadcast %broadcast_in_dim3A_2898 : vector<1xf32> to vector<16xf32>
      %select_n3A_2900 = arith.select %eq3A_2896, %broadcast_in_dim3A_2899, %select_n3A_2888 : vector<16xi1>, vector<16xf32>
      %get3A_2901 = arith.constant 62 : i32
      %get3A_2902 = arith.index_cast %get3A_2901 : i32 to index
      %get3A_2903 = arith.constant 0 : index
      %get3A_2904 = tpu.vector_load %arg11[%get3A_2902, %get3A_2903] {strides = array<i32>} : memref<64x512xf32, #tpu.memory_space<vmem>>, vector<1x16xf32>,
      %get3A_2905 = vector.shape_cast %get3A_2904 : vector<1x16xf32> to vector<16xf32>
      %eq3A_2906 = arith.constant 14 : i32
      %eq3A_2907 = vector.broadcast %eq3A_2906 : i32 to vector<16xi32>
      %eq3A_2908 = arith.cmpi eq, %iota3A, %eq3A_2907 : vector<16xi32>
      %slice3A_2909 = vector.extract_strided_slice %get3A_2905 {offsets = [0], sizes = [1], strides = [1]} : vector<16xf32> to vector<1xf32>
      %broadcast_in_dim3A_2910 = vector.shape_cast %slice3A_2909 : vector<1xf32> to vector<1xf32>
      %broadcast_in_dim3A_2911 = vector.broadcast %broadcast_in_dim3A_2910 : vector<1xf32> to vector<16xf32>
      %select_n3A_2912 = arith.select %eq3A_2908, %broadcast_in_dim3A_2911, %select_n3A_2900 : vector<16xi1>, vector<16xf32>
      %get3A_2913 = arith.constant 63 : i32
      %get3A_2914 = arith.index_cast %get3A_2913 : i32 to index
      %get3A_2915 = arith.constant 0 : index
      %get3A_2916 = tpu.vector_load %arg11[%get3A_2914, %get3A_2915] {strides = array<i32>} : memref<64x512xf32, #tpu.memory_space<vmem>>, vector<1x16xf32>,
      %get3A_2917 = vector.shape_cast %get3A_2916 : vector<1x16xf32> to vector<16xf32>
      %eq3A_2918 = arith.constant 15 : i32
      %eq3A_2919 = vector.broadcast %eq3A_2918 : i32 to vector<16xi32>
      %eq3A_2920 = arith.cmpi eq, %iota3A, %eq3A_2919 : vector<16xi32>
      %slice3A_2921 = vector.extract_strided_slice %get3A_2917 {offsets = [0], sizes = [1], strides = [1]} : vector<16xf32> to vector<1xf32>
      %broadcast_in_dim3A_2922 = vector.shape_cast %slice3A_2921 : vector<1xf32> to vector<1xf32>
      %broadcast_in_dim3A_2923 = vector.broadcast %broadcast_in_dim3A_2922 : vector<1xf32> to vector<16xf32>
      %select_n3A_2924 = arith.select %eq3A_2920, %broadcast_in_dim3A_2923, %select_n3A_2912 : vector<16xi1>, vector<16xf32>
      %get3A_2925 = arith.constant 3 : i32
      %get3A_2926 = arith.constant 0 : i32
      %get3A_2927 = arith.index_cast %get3A_2925 : i32 to index
      %get3A_2928 = arith.index_cast %get3A_2926 : i32 to index
      %get3A_2929 = arith.constant 0 : index
      %get3A_2930 = tpu.vector_load %arg12[%get3A_2927, %get3A_2928, %get3A_2929] {strides = array<i32>} : memref<4x24x512xf32, #tpu.memory_space<vmem>>, vector<1x1x16xf32>,
      %get3A_2931 = vector.shape_cast %get3A_2930 : vector<1x1x16xf32> to vector<16xf32>
      %eq3A_2932 = arith.constant 0 : i32
      %eq3A_2933 = vector.broadcast %eq3A_2932 : i32 to vector<16xi32>
      %eq3A_2934 = arith.cmpi eq, %iota3A, %eq3A_2933 : vector<16xi32>
      %slice3A_2935 = vector.extract_strided_slice %get3A_2931 {offsets = [0], sizes = [1], strides = [1]} : vector<16xf32> to vector<1xf32>
      %broadcast_in_dim3A_2936 = vector.shape_cast %slice3A_2935 : vector<1xf32> to vector<1xf32>
      %broadcast_in_dim3A_2937 = vector.broadcast %broadcast_in_dim3A_2936 : vector<1xf32> to vector<16xf32>
      %select_n3A_2938 = arith.select %eq3A_2934, %broadcast_in_dim3A_2937, %broadcast_in_dim3A_3 : vector<16xi1>, vector<16xf32>
      %get3A_2939 = arith.constant 3 : i32
      %get3A_2940 = arith.constant 1 : i32
      %get3A_2941 = arith.index_cast %get3A_2939 : i32 to index
      %get3A_2942 = arith.index_cast %get3A_2940 : i32 to index
      %get3A_2943 = arith.constant 0 : index
      %get3A_2944 = tpu.vector_load %arg12[%get3A_2941, %get3A_2942, %get3A_2943] {strides = array<i32>} : memref<4x24x512xf32, #tpu.memory_space<vmem>>, vector<1x1x16xf32>,
      %get3A_2945 = vector.shape_cast %get3A_2944 : vector<1x1x16xf32> to vector<16xf32>
      %eq3A_2946 = arith.constant 1 : i32
      %eq3A_2947 = vector.broadcast %eq3A_2946 : i32 to vector<16xi32>
      %eq3A_2948 = arith.cmpi eq, %iota3A, %eq3A_2947 : vector<16xi32>
      %slice3A_2949 = vector.extract_strided_slice %get3A_2945 {offsets = [0], sizes = [1], strides = [1]} : vector<16xf32> to vector<1xf32>
      %broadcast_in_dim3A_2950 = vector.shape_cast %slice3A_2949 : vector<1xf32> to vector<1xf32>
      %broadcast_in_dim3A_2951 = vector.broadcast %broadcast_in_dim3A_2950 : vector<1xf32> to vector<16xf32>
      %select_n3A_2952 = arith.select %eq3A_2948, %broadcast_in_dim3A_2951, %select_n3A_2938 : vector<16xi1>, vector<16xf32>
      %get3A_2953 = arith.constant 3 : i32
      %get3A_2954 = arith.constant 2 : i32
      %get3A_2955 = arith.index_cast %get3A_2953 : i32 to index
      %get3A_2956 = arith.index_cast %get3A_2954 : i32 to index
      %get3A_2957 = arith.constant 0 : index
      %get3A_2958 = tpu.vector_load %arg12[%get3A_2955, %get3A_2956, %get3A_2957] {strides = array<i32>} : memref<4x24x512xf32, #tpu.memory_space<vmem>>, vector<1x1x16xf32>,
      %get3A_2959 = vector.shape_cast %get3A_2958 : vector<1x1x16xf32> to vector<16xf32>
      %eq3A_2960 = arith.constant 2 : i32
      %eq3A_2961 = vector.broadcast %eq3A_2960 : i32 to vector<16xi32>
      %eq3A_2962 = arith.cmpi eq, %iota3A, %eq3A_2961 : vector<16xi32>
      %slice3A_2963 = vector.extract_strided_slice %get3A_2959 {offsets = [0], sizes = [1], strides = [1]} : vector<16xf32> to vector<1xf32>
      %broadcast_in_dim3A_2964 = vector.shape_cast %slice3A_2963 : vector<1xf32> to vector<1xf32>
      %broadcast_in_dim3A_2965 = vector.broadcast %broadcast_in_dim3A_2964 : vector<1xf32> to vector<16xf32>
      %select_n3A_2966 = arith.select %eq3A_2962, %broadcast_in_dim3A_2965, %select_n3A_2952 : vector<16xi1>, vector<16xf32>
      %get3A_2967 = arith.constant 3 : i32
      %get3A_2968 = arith.constant 3 : i32
      %get3A_2969 = arith.index_cast %get3A_2967 : i32 to index
      %get3A_2970 = arith.index_cast %get3A_2968 : i32 to index
      %get3A_2971 = arith.constant 0 : index
      %get3A_2972 = tpu.vector_load %arg12[%get3A_2969, %get3A_2970, %get3A_2971] {strides = array<i32>} : memref<4x24x512xf32, #tpu.memory_space<vmem>>, vector<1x1x16xf32>,
      %get3A_2973 = vector.shape_cast %get3A_2972 : vector<1x1x16xf32> to vector<16xf32>
      %eq3A_2974 = arith.constant 3 : i32
      %eq3A_2975 = vector.broadcast %eq3A_2974 : i32 to vector<16xi32>
      %eq3A_2976 = arith.cmpi eq, %iota3A, %eq3A_2975 : vector<16xi32>
      %slice3A_2977 = vector.extract_strided_slice %get3A_2973 {offsets = [0], sizes = [1], strides = [1]} : vector<16xf32> to vector<1xf32>
      %broadcast_in_dim3A_2978 = vector.shape_cast %slice3A_2977 : vector<1xf32> to vector<1xf32>
      %broadcast_in_dim3A_2979 = vector.broadcast %broadcast_in_dim3A_2978 : vector<1xf32> to vector<16xf32>
      %select_n3A_2980 = arith.select %eq3A_2976, %broadcast_in_dim3A_2979, %select_n3A_2966 : vector<16xi1>, vector<16xf32>
      %get3A_2981 = arith.constant 3 : i32
      %get3A_2982 = arith.constant 4 : i32
      %get3A_2983 = arith.index_cast %get3A_2981 : i32 to index
      %get3A_2984 = arith.index_cast %get3A_2982 : i32 to index
      %get3A_2985 = arith.constant 0 : index
      %get3A_2986 = tpu.vector_load %arg12[%get3A_2983, %get3A_2984, %get3A_2985] {strides = array<i32>} : memref<4x24x512xf32, #tpu.memory_space<vmem>>, vector<1x1x16xf32>,
      %get3A_2987 = vector.shape_cast %get3A_2986 : vector<1x1x16xf32> to vector<16xf32>
      %eq3A_2988 = arith.constant 4 : i32
      %eq3A_2989 = vector.broadcast %eq3A_2988 : i32 to vector<16xi32>
      %eq3A_2990 = arith.cmpi eq, %iota3A, %eq3A_2989 : vector<16xi32>
      %slice3A_2991 = vector.extract_strided_slice %get3A_2987 {offsets = [0], sizes = [1], strides = [1]} : vector<16xf32> to vector<1xf32>
      %broadcast_in_dim3A_2992 = vector.shape_cast %slice3A_2991 : vector<1xf32> to vector<1xf32>
      %broadcast_in_dim3A_2993 = vector.broadcast %broadcast_in_dim3A_2992 : vector<1xf32> to vector<16xf32>
      %select_n3A_2994 = arith.select %eq3A_2990, %broadcast_in_dim3A_2993, %select_n3A_2980 : vector<16xi1>, vector<16xf32>
      %get3A_2995 = arith.constant 3 : i32
      %get3A_2996 = arith.constant 5 : i32
      %get3A_2997 = arith.index_cast %get3A_2995 : i32 to index
      %get3A_2998 = arith.index_cast %get3A_2996 : i32 to index
      %get3A_2999 = arith.constant 0 : index
      %get3A_3000 = tpu.vector_load %arg12[%get3A_2997, %get3A_2998, %get3A_2999] {strides = array<i32>} : memref<4x24x512xf32, #tpu.memory_space<vmem>>, vector<1x1x16xf32>,
      %get3A_3001 = vector.shape_cast %get3A_3000 : vector<1x1x16xf32> to vector<16xf32>
      %eq3A_3002 = arith.constant 5 : i32
      %eq3A_3003 = vector.broadcast %eq3A_3002 : i32 to vector<16xi32>
      %eq3A_3004 = arith.cmpi eq, %iota3A, %eq3A_3003 : vector<16xi32>
      %slice3A_3005 = vector.extract_strided_slice %get3A_3001 {offsets = [0], sizes = [1], strides = [1]} : vector<16xf32> to vector<1xf32>
      %broadcast_in_dim3A_3006 = vector.shape_cast %slice3A_3005 : vector<1xf32> to vector<1xf32>
      %broadcast_in_dim3A_3007 = vector.broadcast %broadcast_in_dim3A_3006 : vector<1xf32> to vector<16xf32>
      %select_n3A_3008 = arith.select %eq3A_3004, %broadcast_in_dim3A_3007, %select_n3A_2994 : vector<16xi1>, vector<16xf32>
      %get3A_3009 = arith.constant 3 : i32
      %get3A_3010 = arith.constant 6 : i32
      %get3A_3011 = arith.index_cast %get3A_3009 : i32 to index
      %get3A_3012 = arith.index_cast %get3A_3010 : i32 to index
      %get3A_3013 = arith.constant 0 : index
      %get3A_3014 = tpu.vector_load %arg12[%get3A_3011, %get3A_3012, %get3A_3013] {strides = array<i32>} : memref<4x24x512xf32, #tpu.memory_space<vmem>>, vector<1x1x16xf32>,
      %get3A_3015 = vector.shape_cast %get3A_3014 : vector<1x1x16xf32> to vector<16xf32>
      %eq3A_3016 = arith.constant 6 : i32
      %eq3A_3017 = vector.broadcast %eq3A_3016 : i32 to vector<16xi32>
      %eq3A_3018 = arith.cmpi eq, %iota3A, %eq3A_3017 : vector<16xi32>
      %slice3A_3019 = vector.extract_strided_slice %get3A_3015 {offsets = [0], sizes = [1], strides = [1]} : vector<16xf32> to vector<1xf32>
      %broadcast_in_dim3A_3020 = vector.shape_cast %slice3A_3019 : vector<1xf32> to vector<1xf32>
      %broadcast_in_dim3A_3021 = vector.broadcast %broadcast_in_dim3A_3020 : vector<1xf32> to vector<16xf32>
      %select_n3A_3022 = arith.select %eq3A_3018, %broadcast_in_dim3A_3021, %select_n3A_3008 : vector<16xi1>, vector<16xf32>
      %get3A_3023 = arith.constant 3 : i32
      %get3A_3024 = arith.constant 7 : i32
      %get3A_3025 = arith.index_cast %get3A_3023 : i32 to index
      %get3A_3026 = arith.index_cast %get3A_3024 : i32 to index
      %get3A_3027 = arith.constant 0 : index
      %get3A_3028 = tpu.vector_load %arg12[%get3A_3025, %get3A_3026, %get3A_3027] {strides = array<i32>} : memref<4x24x512xf32, #tpu.memory_space<vmem>>, vector<1x1x16xf32>,
      %get3A_3029 = vector.shape_cast %get3A_3028 : vector<1x1x16xf32> to vector<16xf32>
      %eq3A_3030 = arith.constant 7 : i32
      %eq3A_3031 = vector.broadcast %eq3A_3030 : i32 to vector<16xi32>
      %eq3A_3032 = arith.cmpi eq, %iota3A, %eq3A_3031 : vector<16xi32>
      %slice3A_3033 = vector.extract_strided_slice %get3A_3029 {offsets = [0], sizes = [1], strides = [1]} : vector<16xf32> to vector<1xf32>
      %broadcast_in_dim3A_3034 = vector.shape_cast %slice3A_3033 : vector<1xf32> to vector<1xf32>
      %broadcast_in_dim3A_3035 = vector.broadcast %broadcast_in_dim3A_3034 : vector<1xf32> to vector<16xf32>
      %select_n3A_3036 = arith.select %eq3A_3032, %broadcast_in_dim3A_3035, %select_n3A_3022 : vector<16xi1>, vector<16xf32>
      %get3A_3037 = arith.constant 3 : i32
      %get3A_3038 = arith.constant 8 : i32
      %get3A_3039 = arith.index_cast %get3A_3037 : i32 to index
      %get3A_3040 = arith.index_cast %get3A_3038 : i32 to index
      %get3A_3041 = arith.constant 0 : index
      %get3A_3042 = tpu.vector_load %arg12[%get3A_3039, %get3A_3040, %get3A_3041] {strides = array<i32>} : memref<4x24x512xf32, #tpu.memory_space<vmem>>, vector<1x1x16xf32>,
      %get3A_3043 = vector.shape_cast %get3A_3042 : vector<1x1x16xf32> to vector<16xf32>
      %eq3A_3044 = arith.constant 8 : i32
      %eq3A_3045 = vector.broadcast %eq3A_3044 : i32 to vector<16xi32>
      %eq3A_3046 = arith.cmpi eq, %iota3A, %eq3A_3045 : vector<16xi32>
      %slice3A_3047 = vector.extract_strided_slice %get3A_3043 {offsets = [0], sizes = [1], strides = [1]} : vector<16xf32> to vector<1xf32>
      %broadcast_in_dim3A_3048 = vector.shape_cast %slice3A_3047 : vector<1xf32> to vector<1xf32>
      %broadcast_in_dim3A_3049 = vector.broadcast %broadcast_in_dim3A_3048 : vector<1xf32> to vector<16xf32>
      %select_n3A_3050 = arith.select %eq3A_3046, %broadcast_in_dim3A_3049, %select_n3A_3036 : vector<16xi1>, vector<16xf32>
      %get3A_3051 = arith.constant 3 : i32
      %get3A_3052 = arith.constant 9 : i32
      %get3A_3053 = arith.index_cast %get3A_3051 : i32 to index
      %get3A_3054 = arith.index_cast %get3A_3052 : i32 to index
      %get3A_3055 = arith.constant 0 : index
      %get3A_3056 = tpu.vector_load %arg12[%get3A_3053, %get3A_3054, %get3A_3055] {strides = array<i32>} : memref<4x24x512xf32, #tpu.memory_space<vmem>>, vector<1x1x16xf32>,
      %get3A_3057 = vector.shape_cast %get3A_3056 : vector<1x1x16xf32> to vector<16xf32>
      %eq3A_3058 = arith.constant 9 : i32
      %eq3A_3059 = vector.broadcast %eq3A_3058 : i32 to vector<16xi32>
      %eq3A_3060 = arith.cmpi eq, %iota3A, %eq3A_3059 : vector<16xi32>
      %slice3A_3061 = vector.extract_strided_slice %get3A_3057 {offsets = [0], sizes = [1], strides = [1]} : vector<16xf32> to vector<1xf32>
      %broadcast_in_dim3A_3062 = vector.shape_cast %slice3A_3061 : vector<1xf32> to vector<1xf32>
      %broadcast_in_dim3A_3063 = vector.broadcast %broadcast_in_dim3A_3062 : vector<1xf32> to vector<16xf32>
      %select_n3A_3064 = arith.select %eq3A_3060, %broadcast_in_dim3A_3063, %select_n3A_3050 : vector<16xi1>, vector<16xf32>
      %get3A_3065 = arith.constant 3 : i32
      %get3A_3066 = arith.constant 10 : i32
      %get3A_3067 = arith.index_cast %get3A_3065 : i32 to index
      %get3A_3068 = arith.index_cast %get3A_3066 : i32 to index
      %get3A_3069 = arith.constant 0 : index
      %get3A_3070 = tpu.vector_load %arg12[%get3A_3067, %get3A_3068, %get3A_3069] {strides = array<i32>} : memref<4x24x512xf32, #tpu.memory_space<vmem>>, vector<1x1x16xf32>,
      %get3A_3071 = vector.shape_cast %get3A_3070 : vector<1x1x16xf32> to vector<16xf32>
      %eq3A_3072 = arith.constant 10 : i32
      %eq3A_3073 = vector.broadcast %eq3A_3072 : i32 to vector<16xi32>
      %eq3A_3074 = arith.cmpi eq, %iota3A, %eq3A_3073 : vector<16xi32>
      %slice3A_3075 = vector.extract_strided_slice %get3A_3071 {offsets = [0], sizes = [1], strides = [1]} : vector<16xf32> to vector<1xf32>
      %broadcast_in_dim3A_3076 = vector.shape_cast %slice3A_3075 : vector<1xf32> to vector<1xf32>
      %broadcast_in_dim3A_3077 = vector.broadcast %broadcast_in_dim3A_3076 : vector<1xf32> to vector<16xf32>
      %select_n3A_3078 = arith.select %eq3A_3074, %broadcast_in_dim3A_3077, %select_n3A_3064 : vector<16xi1>, vector<16xf32>
      %get3A_3079 = arith.constant 3 : i32
      %get3A_3080 = arith.constant 11 : i32
      %get3A_3081 = arith.index_cast %get3A_3079 : i32 to index
      %get3A_3082 = arith.index_cast %get3A_3080 : i32 to index
      %get3A_3083 = arith.constant 0 : index
      %get3A_3084 = tpu.vector_load %arg12[%get3A_3081, %get3A_3082, %get3A_3083] {strides = array<i32>} : memref<4x24x512xf32, #tpu.memory_space<vmem>>, vector<1x1x16xf32>,
      %get3A_3085 = vector.shape_cast %get3A_3084 : vector<1x1x16xf32> to vector<16xf32>
      %eq3A_3086 = arith.constant 11 : i32
      %eq3A_3087 = vector.broadcast %eq3A_3086 : i32 to vector<16xi32>
      %eq3A_3088 = arith.cmpi eq, %iota3A, %eq3A_3087 : vector<16xi32>
      %slice3A_3089 = vector.extract_strided_slice %get3A_3085 {offsets = [0], sizes = [1], strides = [1]} : vector<16xf32> to vector<1xf32>
      %broadcast_in_dim3A_3090 = vector.shape_cast %slice3A_3089 : vector<1xf32> to vector<1xf32>
      %broadcast_in_dim3A_3091 = vector.broadcast %broadcast_in_dim3A_3090 : vector<1xf32> to vector<16xf32>
      %select_n3A_3092 = arith.select %eq3A_3088, %broadcast_in_dim3A_3091, %select_n3A_3078 : vector<16xi1>, vector<16xf32>
      %get3A_3093 = arith.constant 3 : i32
      %get3A_3094 = arith.constant 12 : i32
      %get3A_3095 = arith.index_cast %get3A_3093 : i32 to index
      %get3A_3096 = arith.index_cast %get3A_3094 : i32 to index
      %get3A_3097 = arith.constant 0 : index
      %get3A_3098 = tpu.vector_load %arg12[%get3A_3095, %get3A_3096, %get3A_3097] {strides = array<i32>} : memref<4x24x512xf32, #tpu.memory_space<vmem>>, vector<1x1x16xf32>,
      %get3A_3099 = vector.shape_cast %get3A_3098 : vector<1x1x16xf32> to vector<16xf32>
      %eq3A_3100 = arith.constant 12 : i32
      %eq3A_3101 = vector.broadcast %eq3A_3100 : i32 to vector<16xi32>
      %eq3A_3102 = arith.cmpi eq, %iota3A, %eq3A_3101 : vector<16xi32>
      %slice3A_3103 = vector.extract_strided_slice %get3A_3099 {offsets = [0], sizes = [1], strides = [1]} : vector<16xf32> to vector<1xf32>
      %broadcast_in_dim3A_3104 = vector.shape_cast %slice3A_3103 : vector<1xf32> to vector<1xf32>
      %broadcast_in_dim3A_3105 = vector.broadcast %broadcast_in_dim3A_3104 : vector<1xf32> to vector<16xf32>
      %select_n3A_3106 = arith.select %eq3A_3102, %broadcast_in_dim3A_3105, %select_n3A_3092 : vector<16xi1>, vector<16xf32>
      %get3A_3107 = arith.constant 3 : i32
      %get3A_3108 = arith.constant 13 : i32
      %get3A_3109 = arith.index_cast %get3A_3107 : i32 to index
      %get3A_3110 = arith.index_cast %get3A_3108 : i32 to index
      %get3A_3111 = arith.constant 0 : index
      %get3A_3112 = tpu.vector_load %arg12[%get3A_3109, %get3A_3110, %get3A_3111] {strides = array<i32>} : memref<4x24x512xf32, #tpu.memory_space<vmem>>, vector<1x1x16xf32>,
      %get3A_3113 = vector.shape_cast %get3A_3112 : vector<1x1x16xf32> to vector<16xf32>
      %eq3A_3114 = arith.constant 13 : i32
      %eq3A_3115 = vector.broadcast %eq3A_3114 : i32 to vector<16xi32>
      %eq3A_3116 = arith.cmpi eq, %iota3A, %eq3A_3115 : vector<16xi32>
      %slice3A_3117 = vector.extract_strided_slice %get3A_3113 {offsets = [0], sizes = [1], strides = [1]} : vector<16xf32> to vector<1xf32>
      %broadcast_in_dim3A_3118 = vector.shape_cast %slice3A_3117 : vector<1xf32> to vector<1xf32>
      %broadcast_in_dim3A_3119 = vector.broadcast %broadcast_in_dim3A_3118 : vector<1xf32> to vector<16xf32>
      %select_n3A_3120 = arith.select %eq3A_3116, %broadcast_in_dim3A_3119, %select_n3A_3106 : vector<16xi1>, vector<16xf32>
      %mul3A_3121 = arith.constant 4 : i32
      %mul3A_3122 = arith.muli %scan3A_1355, %mul3A_3121 : i32
      %add3A_3123 = arith.constant 3 : i32
      %add3A_3124 = arith.addi %mul3A_3122, %add3A_3123 : i32
      %mul3A_3125 = arith.constant 40 : i32
      %mul3A_3126 = arith.muli %add3A_3124, %mul3A_3125 : i32
      %ne3A_3127 = arith.constant 0.000000e+00 : f32
      %ne3A_3128 = vector.broadcast %ne3A_3127 : f32 to vector<16xf32>
      %ne3A_3129 = arith.cmpf one, %select_n3A_2924, %ne3A_3128 : vector<16xf32>
      %select_n3A_3130 = arith.select %ne3A_3129, %broadcast_in_dim3A_1239, %broadcast_in_dim3A_3 : vector<16xi1>, vector<16xf32>
      %swap3A_3131 = arith.index_cast %mul3A_3126 : i32 to index
      %swap3A_3132 = tpu.vector_load %arg13[%swap3A_3131] {strides = array<i32>} : memref<2568xf32, #tpu.memory_space<vmem>>, vector<16xf32>,
      %swap3A_3133 = vector.shape_cast %swap3A_3132 : vector<16xf32> to vector<16xf32>
      %swap3A_3134 = vector.shape_cast %select_n3A_3130 : vector<16xf32> to vector<16xf32>
      tpu.vector_store %arg13[%swap3A_3131], %swap3A_3134 {strides = array<i32>} : memref<2568xf32, #tpu.memory_space<vmem>>, vector<16xf32>,
      %ne3A_3135 = arith.constant 0.000000e+00 : f32
      %ne3A_3136 = vector.broadcast %ne3A_3135 : f32 to vector<16xf32>
      %ne3A_3137 = arith.cmpf one, %select_n3A_3120, %ne3A_3136 : vector<16xf32>
      %select_n3A_3138 = arith.select %ne3A_3137, %broadcast_in_dim3A_1239, %broadcast_in_dim3A_3 : vector<16xi1>, vector<16xf32>
      %add3A_3139 = arith.constant 16 : i32
      %add3A_3140 = arith.addi %mul3A_3126, %add3A_3139 : i32
      %swap3A_3141 = arith.index_cast %add3A_3140 : i32 to index
      %swap3A_3142 = tpu.vector_load %arg13[%swap3A_3141] {strides = array<i32>} : memref<2568xf32, #tpu.memory_space<vmem>>, vector<16xf32>,
      %swap3A_3143 = vector.shape_cast %swap3A_3142 : vector<16xf32> to vector<16xf32>
      %swap3A_3144 = vector.shape_cast %select_n3A_3138 : vector<16xf32> to vector<16xf32>
      tpu.vector_store %arg13[%swap3A_3141], %swap3A_3144 {strides = array<i32>} : memref<2568xf32, #tpu.memory_space<vmem>>, vector<16xf32>,
      %add3A_3145 = arith.constant 32 : i32
      %add3A_3146 = arith.addi %mul3A_3126, %add3A_3145 : i32
      %swap3A_3147 = arith.index_cast %add3A_3146 : i32 to index
      %swap3A_3148 = tpu.vector_load %arg13[%swap3A_3147] {strides = array<i32>} : memref<2568xf32, #tpu.memory_space<vmem>>, vector<16xf32>,
      %swap3A_3149 = vector.shape_cast %swap3A_3148 : vector<16xf32> to vector<16xf32>
      %swap3A_3150 = vector.shape_cast %broadcast_in_dim3A_3 : vector<16xf32> to vector<16xf32>
      tpu.vector_store %arg13[%swap3A_3147], %swap3A_3150 {strides = array<i32>} : memref<2568xf32, #tpu.memory_space<vmem>>, vector<16xf32>,
      %mul3A_3151 = arith.constant 4 : i32
      %mul3A_3152 = arith.muli %scan3A_1355, %mul3A_3151 : i32
      %add3A_3153 = arith.addi %mul3A_2, %mul3A_3152 : i32
      %add3A_3154 = arith.constant 3 : i32
      %add3A_3155 = arith.addi %add3A_3153, %add3A_3154 : i32
      %mul3A_3156 = arith.constant 40 : i32
      %mul3A_3157 = arith.muli %add3A_3155, %mul3A_3156 : i32
      %dma_start3A_3158 = arith.constant 48 : i32
      %dma_start3A_3159 = arith.constant 0 : i32
      %dma_start3A_3160 = tpu.memref_slice %arg11[%dma_start3A_3158, %dma_start3A_3159] : memref<64x512xf32, #tpu.memory_space<vmem>> -> memref<16x512xf32, #tpu.memory_space<vmem>>
      %dma_start3A_3161 = arith.constant 0 : i32
      %dma_start3A_3162 = tpu.memref_slice %arg8[%mul3A_3157, %dma_start3A_3161] : memref<81920x512xf32, #tpu.memory_space<hbm>> -> memref<16x512xf32, #tpu.memory_space<hbm>>
      %dma_start3A_3163 = arith.constant 0 : i32
      %dma_start3A_3164 = tpu.memref_slice %arg8[%mul3A_3157, %dma_start3A_3163] : memref<81920x512xf32, #tpu.memory_space<hbm>> -> memref<16x512xf32, #tpu.memory_space<hbm>>
      %dma_start3A_3165 = arith.constant 48 : i32
      %dma_start3A_3166 = arith.constant 0 : i32
      %dma_start3A_3167 = tpu.memref_slice %arg11[%dma_start3A_3165, %dma_start3A_3166] : memref<64x512xf32, #tpu.memory_space<vmem>> -> memref<16x512xf32, #tpu.memory_space<vmem>>
      tpu.enqueue_dma source(%dma_start3A_3167 : memref<16x512xf32, #tpu.memory_space<vmem>>) target(%dma_start3A_3164 : memref<16x512xf32, #tpu.memory_space<hbm>>) target_semaphore(%arg18 : memref<!tpu.dma_semaphore, #tpu.memory_space<semaphore_mem>>)
      %mul3A_3168 = arith.constant 40 : i32
      %mul3A_3169 = arith.muli %add3A_3155, %mul3A_3168 : i32
      %add3A_3170 = arith.constant 16 : i32
      %add3A_3171 = arith.addi %mul3A_3169, %add3A_3170 : i32
      %dma_start3A_3172 = arith.constant 3 : i32
      %dma_start3A_3173 = arith.constant 0 : i32
      %dma_start3A_3174 = arith.constant 0 : i32
      %dma_start3A_3175 = tpu.memref_slice %arg12[%dma_start3A_3172, %dma_start3A_3173, %dma_start3A_3174] : memref<4x24x512xf32, #tpu.memory_space<vmem>> -> memref<1x24x512xf32, #tpu.memory_space<vmem>>
      %dma_start3A_3176 = tpu.memref_squeeze %dma_start3A_3175 : memref<1x24x512xf32, #tpu.memory_space<vmem>> -> memref<24x512xf32, #tpu.memory_space<vmem>>
      %dma_start3A_3177 = arith.constant 0 : i32
      %dma_start3A_3178 = tpu.memref_slice %arg8[%add3A_3171, %dma_start3A_3177] : memref<81920x512xf32, #tpu.memory_space<hbm>> -> memref<24x512xf32, #tpu.memory_space<hbm>>
      %dma_start3A_3179 = arith.constant 0 : i32
      %dma_start3A_3180 = tpu.memref_slice %arg8[%add3A_3171, %dma_start3A_3179] : memref<81920x512xf32, #tpu.memory_space<hbm>> -> memref<24x512xf32, #tpu.memory_space<hbm>>
      %dma_start3A_3181 = arith.constant 0 : i32
      %dma_start3A_3182 = arith.constant 0 : i32
      %dma_start3A_3183 = tpu.memref_slice %arg12[%dma_start3A_3172, %dma_start3A_3181, %dma_start3A_3182] : memref<4x24x512xf32, #tpu.memory_space<vmem>> -> memref<1x24x512xf32, #tpu.memory_space<vmem>>
      %dma_start3A_3184 = tpu.memref_squeeze %dma_start3A_3183 : memref<1x24x512xf32, #tpu.memory_space<vmem>> -> memref<24x512xf32, #tpu.memory_space<vmem>>
      tpu.enqueue_dma source(%dma_start3A_3184 : memref<24x512xf32, #tpu.memory_space<vmem>>) target(%dma_start3A_3180 : memref<24x512xf32, #tpu.memory_space<hbm>>) target_semaphore(%arg18 : memref<!tpu.dma_semaphore, #tpu.memory_space<semaphore_mem>>)
    }
    %scan3A_1244 = arith.constant 16 : i32
    %dma_wait3A_1245 = arith.constant 0 : i32
    %dma_wait3A_1246 = arith.constant 0 : i32
    %dma_wait3A_1247 = tpu.memref_slice %arg11[%dma_wait3A_1245, %dma_wait3A_1246] : memref<64x512xf32, #tpu.memory_space<vmem>> -> memref<16x512xf32, #tpu.memory_space<vmem>>
    %dma_wait3A_1248 = arith.constant 0 : i32
    %dma_wait3A_1249 = arith.constant 0 : i32
    %dma_wait3A_1250 = tpu.memref_slice %arg8[%dma_wait3A_1248, %dma_wait3A_1249] : memref<81920x512xf32, #tpu.memory_space<hbm>> -> memref<16x512xf32, #tpu.memory_space<hbm>>
    %dma_wait3A_1251 = arith.constant 0 : i32
    %dma_wait3A_1252 = arith.constant 0 : i32
    %dma_wait3A_1253 = tpu.memref_slice %arg8[%dma_wait3A_1251, %dma_wait3A_1252] : memref<81920x512xf32, #tpu.memory_space<hbm>> -> memref<16x512xf32, #tpu.memory_space<hbm>>
    %dma_wait3A_1254 = arith.constant 0 : i32
    %dma_wait3A_1255 = arith.constant 0 : i32
    %dma_wait3A_1256 = tpu.memref_slice %arg11[%dma_wait3A_1254, %dma_wait3A_1255] : memref<64x512xf32, #tpu.memory_space<vmem>> -> memref<16x512xf32, #tpu.memory_space<vmem>>
    tpu.wait_dma2 semaphore(%arg18 : memref<!tpu.dma_semaphore, #tpu.memory_space<semaphore_mem>>) src(%dma_wait3A_1256 : memref<16x512xf32, #tpu.memory_space<vmem>>) dst(%dma_wait3A_1253 : memref<16x512xf32, #tpu.memory_space<hbm>>)
    %dma_wait3A_1257 = arith.constant 0 : i32
    %dma_wait3A_1258 = arith.constant 0 : i32
    %dma_wait3A_1259 = arith.constant 0 : i32
    %dma_wait3A_1260 = tpu.memref_slice %arg12[%dma_wait3A_1257, %dma_wait3A_1258, %dma_wait3A_1259] : memref<4x24x512xf32, #tpu.memory_space<vmem>> -> memref<1x24x512xf32, #tpu.memory_space<vmem>>
    %dma_wait3A_1261 = tpu.memref_squeeze %dma_wait3A_1260 : memref<1x24x512xf32, #tpu.memory_space<vmem>> -> memref<24x512xf32, #tpu.memory_space<vmem>>
    %dma_wait3A_1262 = arith.constant 0 : i32
    %dma_wait3A_1263 = arith.constant 0 : i32
    %dma_wait3A_1264 = tpu.memref_slice %arg8[%dma_wait3A_1262, %dma_wait3A_1263] : memref<81920x512xf32, #tpu.memory_space<hbm>> -> memref<24x512xf32, #tpu.memory_space<hbm>>
    %dma_wait3A_1265 = arith.constant 0 : i32
    %dma_wait3A_1266 = arith.constant 0 : i32
    %dma_wait3A_1267 = tpu.memref_slice %arg8[%dma_wait3A_1265, %dma_wait3A_1266] : memref<81920x512xf32, #tpu.memory_space<hbm>> -> memref<24x512xf32, #tpu.memory_space<hbm>>
    %dma_wait3A_1268 = arith.constant 0 : i32
    %dma_wait3A_1269 = arith.constant 0 : i32
    %dma_wait3A_1270 = tpu.memref_slice %arg12[%dma_wait3A_1257, %dma_wait3A_1268, %dma_wait3A_1269] : memref<4x24x512xf32, #tpu.memory_space<vmem>> -> memref<1x24x512xf32, #tpu.memory_space<vmem>>
    %dma_wait3A_1271 = tpu.memref_squeeze %dma_wait3A_1270 : memref<1x24x512xf32, #tpu.memory_space<vmem>> -> memref<24x512xf32, #tpu.memory_space<vmem>>
    tpu.wait_dma2 semaphore(%arg18 : memref<!tpu.dma_semaphore, #tpu.memory_space<semaphore_mem>>) src(%dma_wait3A_1271 : memref<24x512xf32, #tpu.memory_space<vmem>>) dst(%dma_wait3A_1267 : memref<24x512xf32, #tpu.memory_space<hbm>>)
    %dma_wait3A_1272 = arith.constant 0 : i32
    %dma_wait3A_1273 = arith.constant 0 : i32
    %dma_wait3A_1274 = tpu.memref_slice %arg11[%dma_wait3A_1272, %dma_wait3A_1273] : memref<64x512xf32, #tpu.memory_space<vmem>> -> memref<16x512xf32, #tpu.memory_space<vmem>>
    %dma_wait3A_1275 = arith.constant 0 : i32
    %dma_wait3A_1276 = arith.constant 0 : i32
    %dma_wait3A_1277 = tpu.memref_slice %arg8[%dma_wait3A_1275, %dma_wait3A_1276] : memref<81920x512xf32, #tpu.memory_space<hbm>> -> memref<16x512xf32, #tpu.memory_space<hbm>>
    %dma_wait3A_1278 = arith.constant 0 : i32
    %dma_wait3A_1279 = arith.constant 0 : i32
    %dma_wait3A_1280 = tpu.memref_slice %arg8[%dma_wait3A_1278, %dma_wait3A_1279] : memref<81920x512xf32, #tpu.memory_space<hbm>> -> memref<16x512xf32, #tpu.memory_space<hbm>>
    %dma_wait3A_1281 = arith.constant 0 : i32
    %dma_wait3A_1282 = arith.constant 0 : i32
    %dma_wait3A_1283 = tpu.memref_slice %arg11[%dma_wait3A_1281, %dma_wait3A_1282] : memref<64x512xf32, #tpu.memory_space<vmem>> -> memref<16x512xf32, #tpu.memory_space<vmem>>
    tpu.wait_dma2 semaphore(%arg18 : memref<!tpu.dma_semaphore, #tpu.memory_space<semaphore_mem>>) src(%dma_wait3A_1283 : memref<16x512xf32, #tpu.memory_space<vmem>>) dst(%dma_wait3A_1280 : memref<16x512xf32, #tpu.memory_space<hbm>>)
    %dma_wait3A_1284 = arith.constant 1 : i32
    %dma_wait3A_1285 = arith.constant 0 : i32
    %dma_wait3A_1286 = arith.constant 0 : i32
    %dma_wait3A_1287 = tpu.memref_slice %arg12[%dma_wait3A_1284, %dma_wait3A_1285, %dma_wait3A_1286] : memref<4x24x512xf32, #tpu.memory_space<vmem>> -> memref<1x24x512xf32, #tpu.memory_space<vmem>>
    %dma_wait3A_1288 = tpu.memref_squeeze %dma_wait3A_1287 : memref<1x24x512xf32, #tpu.memory_space<vmem>> -> memref<24x512xf32, #tpu.memory_space<vmem>>
    %dma_wait3A_1289 = arith.constant 0 : i32
    %dma_wait3A_1290 = arith.constant 0 : i32
    %dma_wait3A_1291 = tpu.memref_slice %arg8[%dma_wait3A_1289, %dma_wait3A_1290] : memref<81920x512xf32, #tpu.memory_space<hbm>> -> memref<24x512xf32, #tpu.memory_space<hbm>>
    %dma_wait3A_1292 = arith.constant 0 : i32
    %dma_wait3A_1293 = arith.constant 0 : i32
    %dma_wait3A_1294 = tpu.memref_slice %arg8[%dma_wait3A_1292, %dma_wait3A_1293] : memref<81920x512xf32, #tpu.memory_space<hbm>> -> memref<24x512xf32, #tpu.memory_space<hbm>>
    %dma_wait3A_1295 = arith.constant 0 : i32
    %dma_wait3A_1296 = arith.constant 0 : i32
    %dma_wait3A_1297 = tpu.memref_slice %arg12[%dma_wait3A_1284, %dma_wait3A_1295, %dma_wait3A_1296] : memref<4x24x512xf32, #tpu.memory_space<vmem>> -> memref<1x24x512xf32, #tpu.memory_space<vmem>>
    %dma_wait3A_1298 = tpu.memref_squeeze %dma_wait3A_1297 : memref<1x24x512xf32, #tpu.memory_space<vmem>> -> memref<24x512xf32, #tpu.memory_space<vmem>>
    tpu.wait_dma2 semaphore(%arg18 : memref<!tpu.dma_semaphore, #tpu.memory_space<semaphore_mem>>) src(%dma_wait3A_1298 : memref<24x512xf32, #tpu.memory_space<vmem>>) dst(%dma_wait3A_1294 : memref<24x512xf32, #tpu.memory_space<hbm>>)
    %dma_wait3A_1299 = arith.constant 0 : i32
    %dma_wait3A_1300 = arith.constant 0 : i32
    %dma_wait3A_1301 = tpu.memref_slice %arg11[%dma_wait3A_1299, %dma_wait3A_1300] : memref<64x512xf32, #tpu.memory_space<vmem>> -> memref<16x512xf32, #tpu.memory_space<vmem>>
    %dma_wait3A_1302 = arith.constant 0 : i32
    %dma_wait3A_1303 = arith.constant 0 : i32
    %dma_wait3A_1304 = tpu.memref_slice %arg8[%dma_wait3A_1302, %dma_wait3A_1303] : memref<81920x512xf32, #tpu.memory_space<hbm>> -> memref<16x512xf32, #tpu.memory_space<hbm>>
    %dma_wait3A_1305 = arith.constant 0 : i32
    %dma_wait3A_1306 = arith.constant 0 : i32
    %dma_wait3A_1307 = tpu.memref_slice %arg8[%dma_wait3A_1305, %dma_wait3A_1306] : memref<81920x512xf32, #tpu.memory_space<hbm>> -> memref<16x512xf32, #tpu.memory_space<hbm>>
    %dma_wait3A_1308 = arith.constant 0 : i32
    %dma_wait3A_1309 = arith.constant 0 : i32
    %dma_wait3A_1310 = tpu.memref_slice %arg11[%dma_wait3A_1308, %dma_wait3A_1309] : memref<64x512xf32, #tpu.memory_space<vmem>> -> memref<16x512xf32, #tpu.memory_space<vmem>>
    tpu.wait_dma2 semaphore(%arg18 : memref<!tpu.dma_semaphore, #tpu.memory_space<semaphore_mem>>) src(%dma_wait3A_1310 : memref<16x512xf32, #tpu.memory_space<vmem>>) dst(%dma_wait3A_1307 : memref<16x512xf32, #tpu.memory_space<hbm>>)
    %dma_wait3A_1311 = arith.constant 2 : i32
    %dma_wait3A_1312 = arith.constant 0 : i32
    %dma_wait3A_1313 = arith.constant 0 : i32
    %dma_wait3A_1314 = tpu.memref_slice %arg12[%dma_wait3A_1311, %dma_wait3A_1312, %dma_wait3A_1313] : memref<4x24x512xf32, #tpu.memory_space<vmem>> -> memref<1x24x512xf32, #tpu.memory_space<vmem>>
    %dma_wait3A_1315 = tpu.memref_squeeze %dma_wait3A_1314 : memref<1x24x512xf32, #tpu.memory_space<vmem>> -> memref<24x512xf32, #tpu.memory_space<vmem>>
    %dma_wait3A_1316 = arith.constant 0 : i32
    %dma_wait3A_1317 = arith.constant 0 : i32
    %dma_wait3A_1318 = tpu.memref_slice %arg8[%dma_wait3A_1316, %dma_wait3A_1317] : memref<81920x512xf32, #tpu.memory_space<hbm>> -> memref<24x512xf32, #tpu.memory_space<hbm>>
    %dma_wait3A_1319 = arith.constant 0 : i32
    %dma_wait3A_1320 = arith.constant 0 : i32
    %dma_wait3A_1321 = tpu.memref_slice %arg8[%dma_wait3A_1319, %dma_wait3A_1320] : memref<81920x512xf32, #tpu.memory_space<hbm>> -> memref<24x512xf32, #tpu.memory_space<hbm>>
    %dma_wait3A_1322 = arith.constant 0 : i32
    %dma_wait3A_1323 = arith.constant 0 : i32
    %dma_wait3A_1324 = tpu.memref_slice %arg12[%dma_wait3A_1311, %dma_wait3A_1322, %dma_wait3A_1323] : memref<4x24x512xf32, #tpu.memory_space<vmem>> -> memref<1x24x512xf32, #tpu.memory_space<vmem>>
    %dma_wait3A_1325 = tpu.memref_squeeze %dma_wait3A_1324 : memref<1x24x512xf32, #tpu.memory_space<vmem>> -> memref<24x512xf32, #tpu.memory_space<vmem>>
    tpu.wait_dma2 semaphore(%arg18 : memref<!tpu.dma_semaphore, #tpu.memory_space<semaphore_mem>>) src(%dma_wait3A_1325 : memref<24x512xf32, #tpu.memory_space<vmem>>) dst(%dma_wait3A_1321 : memref<24x512xf32, #tpu.memory_space<hbm>>)
    %dma_wait3A_1326 = arith.constant 0 : i32
    %dma_wait3A_1327 = arith.constant 0 : i32
    %dma_wait3A_1328 = tpu.memref_slice %arg11[%dma_wait3A_1326, %dma_wait3A_1327] : memref<64x512xf32, #tpu.memory_space<vmem>> -> memref<16x512xf32, #tpu.memory_space<vmem>>
    %dma_wait3A_1329 = arith.constant 0 : i32
    %dma_wait3A_1330 = arith.constant 0 : i32
    %dma_wait3A_1331 = tpu.memref_slice %arg8[%dma_wait3A_1329, %dma_wait3A_1330] : memref<81920x512xf32, #tpu.memory_space<hbm>> -> memref<16x512xf32, #tpu.memory_space<hbm>>
    %dma_wait3A_1332 = arith.constant 0 : i32
    %dma_wait3A_1333 = arith.constant 0 : i32
    %dma_wait3A_1334 = tpu.memref_slice %arg8[%dma_wait3A_1332, %dma_wait3A_1333] : memref<81920x512xf32, #tpu.memory_space<hbm>> -> memref<16x512xf32, #tpu.memory_space<hbm>>
    %dma_wait3A_1335 = arith.constant 0 : i32
    %dma_wait3A_1336 = arith.constant 0 : i32
    %dma_wait3A_1337 = tpu.memref_slice %arg11[%dma_wait3A_1335, %dma_wait3A_1336] : memref<64x512xf32, #tpu.memory_space<vmem>> -> memref<16x512xf32, #tpu.memory_space<vmem>>
    tpu.wait_dma2 semaphore(%arg18 : memref<!tpu.dma_semaphore, #tpu.memory_space<semaphore_mem>>) src(%dma_wait3A_1337 : memref<16x512xf32, #tpu.memory_space<vmem>>) dst(%dma_wait3A_1334 : memref<16x512xf32, #tpu.memory_space<hbm>>)
    %dma_wait3A_1338 = arith.constant 3 : i32
    %dma_wait3A_1339 = arith.constant 0 : i32
    %dma_wait3A_1340 = arith.constant 0 : i32
    %dma_wait3A_1341 = tpu.memref_slice %arg12[%dma_wait3A_1338, %dma_wait3A_1339, %dma_wait3A_1340] : memref<4x24x512xf32, #tpu.memory_space<vmem>> -> memref<1x24x512xf32, #tpu.memory_space<vmem>>
    %dma_wait3A_1342 = tpu.memref_squeeze %dma_wait3A_1341 : memref<1x24x512xf32, #tpu.memory_space<vmem>> -> memref<24x512xf32, #tpu.memory_space<vmem>>
    %dma_wait3A_1343 = arith.constant 0 : i32
    %dma_wait3A_1344 = arith.constant 0 : i32
    %dma_wait3A_1345 = tpu.memref_slice %arg8[%dma_wait3A_1343, %dma_wait3A_1344] : memref<81920x512xf32, #tpu.memory_space<hbm>> -> memref<24x512xf32, #tpu.memory_space<hbm>>
    %dma_wait3A_1346 = arith.constant 0 : i32
    %dma_wait3A_1347 = arith.constant 0 : i32
    %dma_wait3A_1348 = tpu.memref_slice %arg8[%dma_wait3A_1346, %dma_wait3A_1347] : memref<81920x512xf32, #tpu.memory_space<hbm>> -> memref<24x512xf32, #tpu.memory_space<hbm>>
    %dma_wait3A_1349 = arith.constant 0 : i32
    %dma_wait3A_1350 = arith.constant 0 : i32
    %dma_wait3A_1351 = tpu.memref_slice %arg12[%dma_wait3A_1338, %dma_wait3A_1349, %dma_wait3A_1350] : memref<4x24x512xf32, #tpu.memory_space<vmem>> -> memref<1x24x512xf32, #tpu.memory_space<vmem>>
    %dma_wait3A_1352 = tpu.memref_squeeze %dma_wait3A_1351 : memref<1x24x512xf32, #tpu.memory_space<vmem>> -> memref<24x512xf32, #tpu.memory_space<vmem>>
    tpu.wait_dma2 semaphore(%arg18 : memref<!tpu.dma_semaphore, #tpu.memory_space<semaphore_mem>>) src(%dma_wait3A_1352 : memref<24x512xf32, #tpu.memory_space<vmem>>) dst(%dma_wait3A_1348 : memref<24x512xf32, #tpu.memory_space<hbm>>)
    %mul3A_1353 = arith.constant 40 : i32
    %mul3A_1354 = arith.muli %mul3A_2, %mul3A_1353 : i32
    "tpu.region"() ({
      %run_scoped3A = tpu.sem_alloc : memref<!tpu.dma_semaphore, #tpu.memory_space<semaphore_mem>>
      %dma_start3A_1355 = arith.constant 0 : i32
      %dma_start3A_1356 = tpu.memref_slice %arg13[%dma_start3A_1355] : memref<2568xf32, #tpu.memory_space<vmem>> -> memref<2560xf32, #tpu.memory_space<vmem>>
      %dma_start3A_1357 = tpu.memref_slice %arg9[%mul3A_1354] : memref<81920xf32, #tpu.memory_space<hbm>> -> memref<2560xf32, #tpu.memory_space<hbm>>
      %dma_start3A_1358 = tpu.memref_slice %arg9[%mul3A_1354] : memref<81920xf32, #tpu.memory_space<hbm>> -> memref<2560xf32, #tpu.memory_space<hbm>>
      %dma_start3A_1359 = arith.constant 0 : i32
      %dma_start3A_1360 = tpu.memref_slice %arg13[%dma_start3A_1359] : memref<2568xf32, #tpu.memory_space<vmem>> -> memref<2560xf32, #tpu.memory_space<vmem>>
      tpu.enqueue_dma source(%dma_start3A_1360 : memref<2560xf32, #tpu.memory_space<vmem>>) target(%dma_start3A_1358 : memref<2560xf32, #tpu.memory_space<hbm>>) target_semaphore(%run_scoped3A : memref<!tpu.dma_semaphore, #tpu.memory_space<semaphore_mem>>)
      %dma_wait3A_1361 = arith.constant 0 : i32
      %dma_wait3A_1362 = tpu.memref_slice %arg13[%dma_wait3A_1361] : memref<2568xf32, #tpu.memory_space<vmem>> -> memref<2560xf32, #tpu.memory_space<vmem>>
      %dma_wait3A_1363 = tpu.memref_slice %arg9[%mul3A_1354] : memref<81920xf32, #tpu.memory_space<hbm>> -> memref<2560xf32, #tpu.memory_space<hbm>>
      %dma_wait3A_1364 = tpu.memref_slice %arg9[%mul3A_1354] : memref<81920xf32, #tpu.memory_space<hbm>> -> memref<2560xf32, #tpu.memory_space<hbm>>
      %dma_wait3A_1365 = arith.constant 0 : i32
      %dma_wait3A_1366 = tpu.memref_slice %arg13[%dma_wait3A_1365] : memref<2568xf32, #tpu.memory_space<vmem>> -> memref<2560xf32, #tpu.memory_space<vmem>>
      tpu.wait_dma2 semaphore(%run_scoped3A : memref<!tpu.dma_semaphore, #tpu.memory_space<semaphore_mem>>) src(%dma_wait3A_1366 : memref<2560xf32, #tpu.memory_space<vmem>>) dst(%dma_wait3A_1364 : memref<2560xf32, #tpu.memory_space<hbm>>)
      tpu.yield
    }) : () -> ()
    return
  }
}

</mosaic_0001>

<sc_bundles>
// kernel: kernel.3.cloned.1.call-start
scs
__scs_entry_jumppad:
0x0: {  	(pc) =	sbr.rel $0x88, $3  }
0x1: {  	(tag) =	ssettag $0x0;
	lr =	simm.s32 $0x1  }
0x2: {  	[smem:$0x3F9C] =	sst lr;
	_ =	strace $0xD0000000  }
0x3: {  	_ = 	snop  }
0x4: {  	_ = 	snop  }
0x5: {  	_ = 	snop  }
0x6: {  	_ = 	snop  }
0x7: {  	_ = 	snop  }
__scs_overlays_trampoline_lowered:
0x8: {  	[smem:$0x3FAB] =	sst s0  }
0x9: {  	[smem:$0x3FAC] =	sst s1  }
0xa: {  	[smem:$0x3FAD] =	sst s2  }
0xb: {  	[smem:$0x3FAE] =	sst s3  }
0xc: {  	[smem:$0x3FAF] =	sst s4  }
0xd: {  	[smem:$0x3FB0] =	sst s5  }
0xe: {  	[smem:$0x3FB1] =	sst s6  }
0xf: {  	[smem:$0x3FB2] =	sst s7  }
0x10: {  	[smem:$0x3FB3] =	sst s8  }
0x11: {  	[smem:$0x3FB4] =	sst s9;
	s0 =	simm.s32 @!p0 $0x0  }
0x12: {  	s1 =	sld [smem:$0x3F9A];
	s0 =	simm.s32 @p0 $0x1  }
0x13: {  	[smem:$0x3FB5] =	sst s0;
	s0 =	simm.s32 @!p1 $0x0  }
0x14: {  	s2 =	sld [smem:$0x3F99];
	s0 =	simm.s32 @p1 $0x1  }
0x15: {  	[smem:$0x3FB6] =	sst s0;
	s0 =	simm.s32 @!p2 $0x0  }
0x16: {  	s3 =	sld [smem:$0x3FDB];
	s0 =	simm.s32 @p2 $0x1  }
0x17: {  	s4 =	simm.s32 $0x1BF5;
	[smem:$0x3FB8] =	sst s0  }
0x18: {  	s0 =	sld [smem:$0x3F9B];
	_ =	swait.ge [sflag:s4], $0x0  }
0x19: {  	s7 =	sld [smem:$0x3F9C]  }
0x1a: {  	s8 =	sadd.s32 $0xFFFFE003, lr  }
0x1b: {  	s9 =	sadd.s32 $0xFFFFFEF7, lr;
	s5 =	simm.s32 $0xFFFFFFFF;
	p2 =	slt.u32 s8, $0xFFFFF086  }
0x1c: {  	p1 =	slt.u32 s9, $0xF7A;
	s5 =	simm.s32 @!p2 $0x0  }
0x1d: {  	s5 =	simm.s32 @p1 $0x1;
	p0 =	seq.s32 s7, s2  }
0x1e: {  	s7 =	smul.u32 @!p0 $0xF7A, s2;
	p2 =	seq.s32 @!p0 s5, $0x0  }
0x1f: {  	s9 =	smul.u32 $0xF7A, s1;
	s8 =	simm.s32 @!p0 $0x1BF5;
	p2 =	por !p2, p0  }
0x20: {  	[sflag:s8] =	ssyncset.s32 @!p0 $0xFFFFF086;
	s6 =	sadd.s32 @!p0 s3, s7;
	s7 =	simm.s32 @!p0 $0x108  }
0x21: {  	s3 =	sadd.s32 s3, s9;
	s6 =	sadd.s32 @!p0 $0x88, s6;
	s7 =	simm.s32 @p2 $0x1082  }
0x22: {  	[simem:s7], [sflag:s8] =	dma.local @!p0 [hbm:s6], $0xF7A  }
0x23: {  	s9 =	sor.u32 $0xD0000000, s2;
	s6 =	simm.s32 $0x108;
	_ =	swait.ge @!p0 [sflag:s8], $0x0  }
0x24: {  	s3 =	sadd.s32 $0x88, s3;
	s6 =	simm.s32 @!p1 $0x1082;
	[sflag:s4] =	ssyncset.s32 $0xFFFFF086  }
0x25: {  	[simem:s6], [sflag:s4] =	dma.local [hbm:s3], $0xF7A  }
0x26: {  	[smem:$0x3F9C] =	sst s1;
	(tag) =	ssettag s2;
	_ =	strace s9  }
0x27: {  	s1 =	sld [smem:$0x3FAC]  }
0x28: {  	s2 =	sld [smem:$0x3FAD]  }
0x29: {  	s4 =	sld [smem:$0x3FAF]  }
0x2a: {  	p0 =	seq.s32 s5, $0x0;
	s5 =	sld [smem:$0x3FB0]  }
0x2b: {  	s6 =	sld [smem:$0x3FB1]  }
0x2c: {  	s7 =	sld [smem:$0x3FB2]  }
0x2d: {  	s3 =	simm.s32 $0x108;
	s8 =	sld [smem:$0x3FB3]  }
0x2e: {  	s3 =	simm.s32 @!p0 $0x1082;
	s9 =	sld [smem:$0x3FB4]  }
0x2f: {  	lr =	sadd.s32 s0, s3;
	s0 =	sld [smem:$0x3FAB]  }
0x30: {  	s3 =	sld [smem:$0x3FAE]  }
0x31: {  	[smem:$0x3FB7] =	sst s10  }
0x32: {  	s10 =	sld [smem:$0x3FB5];
	_ =	sdelay $0x3  }
0x33: {  	p0 =	seq.s32 s10, $0x1;
	s10 =	sld [smem:$0x3FB7];
	_ =	sdelay $0x3  }
0x34: {  	[smem:$0x3FB7] =	sst s10  }
0x35: {  	s10 =	sld [smem:$0x3FB6];
	_ =	sdelay $0x3  }
0x36: {  	p1 =	seq.s32 s10, $0x1;
	s10 =	sld [smem:$0x3FB7];
	_ =	sdelay $0x3  }
0x37: {  	[smem:$0x3FB7] =	sst s10  }
0x38: {  	s10 =	sld [smem:$0x3FB8]  }
0x39: {  	_ = 	snop;
	(pc) =	sbr.ind lr, $3  }
0x3a: {  	_ = 	snop  }
0x3b: {  	_ = 	snop  }
0x3c: {  	p2 =	seq.s32 s10, $0x1;
	s10 =	sld [smem:$0x3FB7]  }
0x3d: {  	_ =	shalt  }
0x3e: {  	_ =	shalt  }
0x3f: {  	_ =	shalt  }
0x40: {  	_ =	shalt  }
0x41: {  	_ =	shalt  }
0x42: {  	_ =	shalt  }
0x43: {  	_ =	shalt  }
0x44: {  	_ =	shalt  }
0x45: {  	_ =	shalt  }
0x46: {  	_ =	shalt  }
0x47: {  	_ =	shalt  }
0x48: {  	_ =	shalt  }
0x49: {  	_ =	shalt  }
0x4a: {  	_ =	shalt  }
0x4b: {  	_ =	shalt  }
0x4c: {  	_ =	shalt  }
0x4d: {  	_ =	shalt  }
0x4e: {  	_ =	shalt  }
0x4f: {  	_ =	shalt  }
0x50: {  	_ =	shalt  }
0x51: {  	_ =	shalt  }
0x52: {  	_ =	shalt  }
0x53: {  	_ =	shalt  }
0x54: {  	_ =	shalt  }
0x55: {  	_ =	shalt  }
0x56: {  	_ =	shalt  }
0x57: {  	_ =	shalt  }
0x58: {  	_ =	shalt  }
0x59: {  	_ =	shalt  }
0x5a: {  	_ =	shalt  }
0x5b: {  	_ =	shalt  }
0x5c: {  	_ =	shalt  }
0x5d: {  	_ =	shalt  }
0x5e: {  	_ =	shalt  }
0x5f: {  	_ =	shalt  }
0x60: {  	_ =	shalt  }
0x61: {  	_ =	shalt  }
0x62: {  	_ =	shalt  }
0x63: {  	_ =	shalt  }
0x64: {  	_ =	shalt  }
0x65: {  	_ =	shalt  }
0x66: {  	_ =	shalt  }
0x67: {  	_ =	shalt  }
0x68: {  	_ =	shalt  }
0x69: {  	_ =	shalt  }
0x6a: {  	_ =	shalt  }
0x6b: {  	_ =	shalt  }
0x6c: {  	_ =	shalt  }
0x6d: {  	_ =	shalt  }
0x6e: {  	_ =	shalt  }
0x6f: {  	_ =	shalt  }
0x70: {  	_ =	shalt  }
0x71: {  	_ =	shalt  }
0x72: {  	_ =	shalt  }
0x73: {  	_ =	shalt  }
0x74: {  	_ =	shalt  }
0x75: {  	_ =	shalt  }
0x76: {  	_ =	shalt  }
0x77: {  	_ =	shalt  }
0x78: {  	_ =	shalt  }
0x79: {  	_ =	shalt  }
0x7a: {  	_ =	shalt  }
0x7b: {  	_ =	shalt  }
0x7c: {  	_ =	shalt  }
0x7d: {  	_ =	shalt  }
0x7e: {  	_ =	shalt  }
0x7f: {  	_ =	shalt  }
0x80: {  	_ =	shalt  }
0x81: {  	_ =	shalt  }
0x82: {  	_ =	shalt  }
0x83: {  	_ =	shalt  }
0x84: {  	_ =	shalt  }
0x85: {  	_ =	shalt  }
0x86: {  	_ =	shalt  }
0x87: {  	_ =	shalt  }
.Lfunc_end0:
.L_simem_size_0:
called_computation_lowered:
.L_overlay_start_0:
0x88: {  	s2 =	sld [smem:$0x3FD9]  }
0x89: {  	s3 =	sld [smem:$0x3FFE];
	_ =	sdelay $0x1  }
0x8a: {  	s1 =	srdreg.scid  }
0x8b: {  	s0 =	sand.u32 $0x1, s1  }
0x8c: {  	s14 =	sshll.u32 s0, $0xA;
	s2 =	sadd.s32 s3, s2  }
0x8d: {  	s2 =	sadd.s32 s2, s14  }
0x8e: {  	[smem:$0x3FC3] =	sst s2  }
0x8f: {  	_ = 	snop  }
0x90: {  	s2 =	sld [smem:$0x3FD0];
	_ =	sdelay $0x1  }
0x91: {  	s15 =	sld [smem:$0x3FC9]  }
0x92: {  	s5 =	simm.s32 $0xA;
	s6 =	simm.s32 $0x10;
	s4 =	sld [smem:$0x3FC8]  }
0x93: {  	[smem:s6], [sflag:s5] =	dma.local [hbm:s2], $0x1  }
0x94: {  	_ =	swait.eq [sflag:s5], $0x1  }
0x95: {  	[sflag:s5] =	ssyncset.done $0x0  }
0x96: {  	s16 =	sld [smem:$0x10];
	[sflag:s5] =	ssyncadd.s32 $0xFFFFFFFF  }
0x97: {  	s17 =	sld [smem:$0x11];
	(tm) =	ssettm $0x1  }
0x98: {  	s18 =	sld [smem:$0x3FFB];
	_ =	sdelay $0x3  }
0x99: {  	_ =	strace s18  }
0x9a: {  	s6 =	sld [smem:$0x3FFC];
	_ =	sdelay $0x3  }
0x9b: {  	_ =	strace s6  }
0x9c: {  	s6 =	sld [smem:$0x3FFD];
	_ =	sdelay $0x3  }
0x9d: {  	_ =	strace s6  }
0x9e: {  	_ =	strace $0x8FFFFFFF  }
0x9f: {  	s19 =	sld [smem:$0x3FDB];
	_ =	sdelay $0x1  }
0xa0: {  	s7 =	simm.s32 $_scs_section_size  }
0xa1: {  	s8 =	simm.s32 $_size__tile_overlayer_lowered;
	s9 =	simm.s32 $_tile_overlayer_lowered  }
0xa2: {  	s22 =	simm.s32 $0x1BFF;
	s21 =	sshll.u32 s9, $0x1;
	s6 =	sadd.s32 s7, s19  }
0xa3: {  	s10 =	simm.s32 $0x0;
	s20 =	sshll.u32 s8, $0x1;
	s8 =	sadd.s32 s21, s6  }
0xa4: {  	[timem:s10], [sflag:s22] =	dma.local [hbm:s8], s20  }
0xa5: {  	_ =	swait.ge [sflag:s22], s20  }
0xa6: {  	s7 =	ssub.s32 $0x0, s20;
	[sflag:s22] =	ssyncset.done $0x0  }
0xa7: {  	[sflag:s22] =	ssyncadd.s32 s7;
	_ =	sdelay $0x1  }
0xa8: {  	s23 =	simm.s32 $0x1B8B  }
0xa9: {  	_ =	swait.ge [sflag:s23], $0x1  }
0xaa: {  	[sflag:s23] =	ssyncset.done $0x0  }
0xab: {  	s25 =	simm.s32 $0x1B8E;
	s24 =	sld [smem:$0x3FFE];
	[sflag:s23] =	ssyncadd.s32 $0xFFFFFFFF  }
0xac: {  	s26 =	simm.s32 $execute0_lowered;
	[smem:$0x3FD2] =	sst s25  }
0xad: {  	s8 =	sshll.u32 s26, $0x1;
	_ =	strace $0x80000046;
	[dreg:$0x1] =	wrdreg $0xFFFFFFFF  }
0xae: {  	s28 =	simm.s32 $_size_execute0_lowered;
	s6 =	sadd.s32 s6, s8;
	[dreg:$0x0] =	wrdreg $0x0  }
0xaf: {  	s8 =	sshll.u32 s28, $0x1;
	[dreg:$0x2] =	wrdreg s6  }
0xb0: {  	[dreg:$0x3] =	wrdreg s8  }
0xb1: {  	[dreg:$0x4] =	wrdreg $0xC0  }
0xb2: {  	_ =	task [dreg:s10], $0x5FFFF  }
0xb3: {  	[dreg:$0x1] =	wrdreg $0xFFFFFFFF  }
0xb4: {  	[dreg:$0x0] =	wrdreg $0x60  }
0xb5: {  	[dreg:$0x2] =	wrdreg s15  }
0xb6: {  	[dreg:$0x3] =	wrdreg s4  }
0xb7: {  	[dreg:$0x4] =	wrdreg s24  }
0xb8: {  	[dreg:$0x5] =	wrdreg s16  }
0xb9: {  	[dreg:$0x6] =	wrdreg s17  }
0xba: {  	[dreg:$0x7] =	wrdreg $0x9  }
0xbb: {  	_ =	task.clear_ibuf [dreg:s10], $0x8FFFF;
	_ =	strace $0x90000046  }
0xbc: {  	s29 =	simm.s32 $0x9;
	_ =	strace $0x80000048  }
0xbd: {  	_ =	swait.ge [sflag:s29], $0x1  }
0xbe: {  	[sflag:s29] =	ssyncadd.s32 $0xFFFFFFFF  }
0xbf: {  	_ =	strace $0x90000048  }
0xc0: {  	_ =	sfence  }
0xc1: {  	s30 =	sld [smem:$0x0];
	_ =	sdelay $0x2  }
0xc2: {  	s31 =	sshll.u32 s1, $0xD;
	s1 =	sshrl.u32 s1, $0x2  }
0xc3: {  	s3 =	sand.u32 $0x4000, s31;
	s1 =	sadd.s32 s1, s30  }
0xc4: {  	s0 =	sor.u32 s3, s0;
	s1 =	sshll.u32 s1, $0x11  }
0xc5: {  	s0 =	sor.u32 s1, s0  }
0xc6: {  	s0 =	sadd.s32 $0x8F2B, s0  }
0xc7: {  	[sflag:s0] =	ssyncadd.remote.s32 $0x1  }
0xc8: {  	_ =	sfence.sel $0xFFFF  }
0xc9: {  	[dreg:$0x0] =	wrdreg $0xFFFFFFFF;
	(pc) =	sbr.abs _section_cstart, $3  }
0xca: {  	[dreg:$0x1] =	wrdreg $0xFFFFFFFF  }
0xcb: {  	_ =	task.clear_ibuf [dreg:s10], $0x2FFFF;
	_ =	strace $0x9FFFFFFF  }
0xcc: {  	(tm) =	ssettm $0x7FFFFFFF  }
0xcd: {  	_ =	shalt  }
tec
execute0_lowered:
.L_overlay_start_1:
0x0: {  	(tag) =	ssettag $0x1  }
0x1: {  	s1 =	rddreg [dreg:$0x0]  }
0x2: {  	s2 =	rddreg [dreg:$0x1]  }
0x3: {  	s4 =	rddreg [dreg:$0x2]  }
0x4: {  	s7 =	rddreg [dreg:$0x3]  }
0x5: {  	s0 =	rddreg [dreg:$0x4]  }
0x6: {  	s5 =	srdreg.scid;
	s20 =	stileid.u32  }
0x7: {  	s3 =	simm.s32 $0x0;
	s29 =	simm.s32 $0x4000;
	s30 =	simm.s32 $0x6000  }
0x8: {  	s31 =	simm.s32 $0x7000;
	s28 =	simm.s32 $0xE000;
	s13 =	smul.u32 $0x3, s20  }
0x9: {  	s8 =	sand.u32 $0x1, s5;
	s24 =	sshll.u32 s20, $0x1;
	s16 =	smul.u32 $0x600, s20  }
0xa: {  	[smem:$0x7FF] =	sst s3;
	s25 =	sadd.s32 $0x1800, s4;
	s26 =	smul.u32 $0x280000, s20  }
0xb: {  	s10 =	sor.u32 s8, s24;
	_ =	strace $0x80000047;
	s14 =	smul.u32 $0x30, s8  }
0xc: {  	[dreg:$0x12] =	wrdreg s25;
	s9 =	ssub.s32 $0x2, s8;
	s21 =	smul.u32 $0x140000, s8  }
0xd: {  	vm4 =	vmmov $0x7;
	v6 =	vimm.s32 $0x0;
	s8 =	smul.u32 $0x28000, s8;
	s5 =	sshll.u32 s10, $0x7;
	s6 =	sshll.u32 s10, $0x8  }
0xe: {  	v6 =	vsel vm4, $0xFFFFFFFF, v6;
	s15 =	sshrl.u32 s9, $0x1;
	s18 =	sadd.s32 s2, s16;
	s19 =	sshrl.u32 s16, $0x2  }
0xf: {  	vm12 =	vmmov $0xfff;
	[tilespmem:$0x1FF20] =	vst v6;
	v6 =	vimm.s32 $0x0;
	s11 =	sadd.s32 s5, s4;
	s12 =	sadd.s32 s6, s4;
	s5 =	sadd.s32 $0x3C00, s4  }
0x10: {  	v6 =	vsel vm12, $0xFFFFFFFF, v6;
	s6 =	sadd.s32 $0x3E00, s4;
	s4 =	ssub.s32 s9, s15;
	[dreg:$0x13] =	wrdreg s18  }
0x11: {  	vm9 =	vmmov $0x1ff;
	[dreg:$0x14] =	wrdreg s19;
	s9 =	sadd.s32 $0x100, s1;
	s17 =	sadd.s32 s13, s14;
	[tilespmem:$0x1FF30] =	vst v6;
	v6 =	vimm.s32 $0x0  }
0x12: {  	s18 =	sadd.s32 $0x1, s13;
	s15 =	sadd.s32 s21, s26;
	s13 =	sadd.s32 $0x2, s13;
	v6 =	vsel vm9, $0xFFFFFFFF, v6  }
0x13: {  	vm15 =	vmmov $0x7fff;
	s17 =	smul.u32 $0x600, s17;
	s19 =	sadd.s32 s14, s18;
	s22 =	sshll.u32 s18, $0x9;
	[tilespmem:$0x1FF40] =	vst v6;
	v6 =	vimm.s32 $0x0  }
0x14: {  	s24 =	sor.u32 $0x11000, s15;
	s21 =	sor.u32 $0xC000, s15;
	s14 =	sadd.s32 s14, s13;
	v6 =	vsel vm15, $0xFFFFFFFF, v6  }
0x15: {  	vm6 =	vmmov $0x3f;
	s13 =	sshll.u32 s13, $0x9;
	s23 =	smul.u32 $0x600, s19;
	s25 =	sadd.s32 s2, s22;
	[tilespmem:$0x1FF50] =	vst v6;
	v6 =	vimm.s32 $0x0  }
0x16: {  	s26 =	sshrl.u32 s24, $0x3;
	s16 =	sshrl.u32 s22, $0x2;
	[dreg:$0x16] =	wrdreg s25;
	v6 =	vsel vm6, $0xFFFFFFFF, v6  }
0x17: {  	vm3 =	vmmov $0x3;
	s2 =	sadd.s32 s2, s13;
	s22 =	smul.u32 $0x600, s14;
	[dreg:$0x17] =	wrdreg s16;
	[tilespmem:$0x1FF60] =	vst v6;
	v6 =	vimm.s32 $0x0  }
0x18: {  	s24 =	sor.u32 $0x7000, s15;
	s13 =	sshrl.u32 s13, $0x2;
	[dreg:$0x19] =	wrdreg s2;
	v6 =	vsel vm3, $0xFFFFFFFF, v6  }
0x19: {  	vm1 =	vmmov $0xf;
	s17 =	sadd.s32 s6, s17;
	s19 =	sadd.s32 s26, s7;
	[dreg:$0x1a] =	wrdreg s13;
	[tilespmem:$0x1FF70] =	vst v6;
	v6 =	vimm.s32 $0x0  }
0x1a: {  	s16 =	sshrl.u32 s21, $0x3;
	s25 =	smul.u32 $0x50000, s20;
	[dreg:$0x15] =	wrdreg s17;
	v6 =	vsel vm1, $0xFFFFFFFF, v6  }
0x1b: {  	vm13 =	vmmov $0x1fff;
	s26 =	sshrl.u32 s24, $0x3;
	s20 =	simm.s32 $0x2800;
	[dreg:$0x6] =	wrdreg s19;
	[tilespmem:$0x1FF80] =	vst v6;
	v6 =	vimm.s32 $0x0  }
0x1c: {  	s21 =	simm.s32 $0x3000;
	s24 =	simm.s32 $0x5000;
	[dreg:$0xb] =	wrdreg s20;
	v6 =	vsel vm13, $0xFFFFFFFF, v6  }
0x1d: {  	vm10 =	vmmov $0x3ff;
	s18 =	sadd.s32 s6, s23;
	s23 =	sadd.s32 s16, s7;
	[dreg:$0xc] =	wrdreg s21;
	[tilespmem:$0x1FF90] =	vst v6;
	v6 =	vimm.s32 $0x0  }
0x1e: {  	s2 =	sadd.s32 s6, s22;
	s14 =	sadd.s32 s26, s7;
	[dreg:$0xf] =	wrdreg s24;
	v6 =	vsel vm10, $0xFFFFFFFF, v6  }
0x1f: {  	vm7 =	vmmov $0x7f;
	s17 =	sadd.s32 $0x800, s11;
	s16 =	smul.u32 $0x140, s10;
	[dreg:$0x18] =	wrdreg s18;
	[tilespmem:$0x1FFA0] =	vst v6;
	v6 =	vimm.s32 $0x0  }
0x20: {  	s19 =	simm.s32 $0x800;
	s20 =	smax.u32 s4, $0x1;
	[dreg:$0x7] =	wrdreg s23;
	v6 =	vsel vm7, $0xFFFFFFFF, v6  }
0x21: {  	vm4 =	vmmov $0xff;
	s22 =	simm.s32 $0x3800;
	s24 =	simm.s32 $0x1800;
	[dreg:$0x1b] =	wrdreg s2;
	[tilespmem:$0x1FFB0] =	vst v6;
	v6 =	vimm.s32 $0x0  }
0x22: {  	s26 =	simm.s32 $0x6800;
	s21 =	simm.s32 $0xB000;
	[dreg:$0x8] =	wrdreg s14;
	v6 =	vsel vm4, $0xFFFFFFFF, v6  }
0x23: {  	vm8 =	vmmov $0x7ff;
	s4 =	simm.s32 $0x11000;
	s7 =	sadd.s32 s25, s7;
	[dreg:$0xa] =	wrdreg s19;
	[tilespmem:$0x1FFC0] =	vst v6;
	v6 =	vimm.s32 $0x0  }
0x24: {  	s18 =	sadd.s32 $0x1C00, s12;
	[dreg:$0xd] =	wrdreg s22;
	s23 =	simm.s32 $0x4800;
	v6 =	vsel vm8, $0xFFFFFFFF, v6  }
0x25: {  	v0 =	vlaneseq.u32;
	vm5 =	vmmov $0x1f;
	s22 =	simm.s32 $0x3;
	s25 =	simm.s32 $0x5800;
	[dreg:$0x11] =	wrdreg s26;
	[tilespmem:$0x1FFD0] =	vst v6;
	v6 =	vimm.s32 $0x0  }
0x26: {  	vm0 =	vmmov $0xffff;
	v3 =	vimm.f32 $0.0e+00;
	s26 =	simm.s32 $0x2000;
	s2 =	simm.s32 $0x8000;
	s15 =	sadd.s32 s8, s7;
	v6 =	vsel vm5, $0xFFFFFFFF, v6  }
0x27: {  	v5 =	vimm.s32 $0x0;
	vm11 =	vmmov $0x3fff;
	s19 =	sadd.s32 s0, s16;
	[dreg:$0xe] =	wrdreg s23;
	s23 =	simm.s32 $0x1000;
	[tilespmem:$0x1FFE0] =	vst v6;
	v6 =	vimm.s32 $0x0  }
0x28: {  	vm2 =	vmmov $0x1;
	v2 =	vshrl.u32 v0, $0x3;
	[dreg:$0x10] =	wrdreg s25;
	s25 =	simm.s32 $0x1;
	s0 =	simm.s32 $0x7800;
	v6 =	vsel vm11, $0xFFFFFFFF, v6  }
0x29: {  	v1 =	vand.u32 $0x7, v0;
	v4 =	vor.u32 $0x8, v0;
	v2 =	vmul.u32 $0x8, v2;
	s7 =	simm.s32 $0x2;
	s8 =	simm.s32 $0x0;
	[dreg:$0x9] =	wrdreg s15;
	[tilespmem:$0x1FFF0] =	vst v6  }
.LBB2_1:
0x2a: {  	s10 =	rddreg [dreg:$0x12];
	s11 =	simm.s32 $0x15680  }
0x2b: {  	[tilespmem:s11], [sflag:$0x3] =	stream.linear.gather [hbm4b:s10+s3], $0x1800, $0x38;
	[tilespmem:$0x16E80] =	vst v63  }
0x2c: {  	_ =	swait.ge [sflag:s22], $0x1800  }
0x2d: {  	[sflag:s22] =	ssyncset.done $0x0  }
0x2e: {  	s13 =	rddreg [dreg:$0x13];
	[sflag:s22] =	ssyncadd.s32 $0xFFFFE800  }
0x2f: {  	[tilespmem:s3], [sflag:$0x3] =	stream.linear.gather [hbm4b:s13+s3], $0x1000, $0x38;
	[tilespmem:$0x16E80] =	vst v63  }
0x30: {  	_ =	swait.ge [sflag:s22], $0x1000  }
0x31: {  	[sflag:s22] =	ssyncset.done $0x0  }
0x32: {  	s14 =	rddreg [dreg:$0x14];
	[sflag:s22] =	ssyncadd.s32 $0xFFFFF000  }
0x33: {  	v6 =	vld.msk [tilespmem:s14+$0x15680], $0xff;
	_ =	sdelay $0x4  }
0x34: {  	v7 =	vshll.u32 v6, $0x2  }
0x35: {  	v6 =	vand.u32 $0x7, v6;
	v7 =	vand.u32 $0xFFFFFFE0, v7  }
0x36: {  	v6 =	vor.u32 v6, v7  }
0x37: {  	v6 =	vperm.xlane v6, v1;
	_ =	sdelay $0x1  }
0x38: {  	v6 =	vadd.s32 v2, v6;
	_ =	sdelay $0x4  }
0x39: {  	[tilespmem:s23], [sflag:$0x1] =	stream.indirect_vreg.gather [hbm4b:s1+s3], $0x80, v6, vm0, $0xb8;
	[tilespmem:$0x16E80] =	vst v63  }
0x3a: {  	_ = 	snop  }
0x3b: {  	[tilespmem:s24], [sflag:$0x1] =	stream.indirect_vreg.gather [hbm4b:s9+s3], $0x80, v6, vm0, $0xb8;
	[tilespmem:$0x16E80] =	vst v63  }
0x3c: {  	_ =	swait.ge [sflag:s25], $0x1000  }
0x3d: {  	[sflag:s25] =	ssyncset.done $0x0  }
0x3e: {  	[sflag:s25] =	ssyncadd.s32 $0xFFFFF000  }
0x3f: {  	[tilespmem:$0x1300] =	vst v3  }
0x40: {  	[tilespmem:$0x1310] =	vst v3  }
0x41: {  	[tilespmem:$0x1320] =	vst v3  }
0x42: {  	[tilespmem:$0x1330] =	vst v3  }
0x43: {  	[tilespmem:$0x1340] =	vst v3  }
0x44: {  	[tilespmem:$0x1350] =	vst v3  }
0x45: {  	[tilespmem:$0x1360] =	vst v3  }
0x46: {  	[tilespmem:$0x1370] =	vst v3  }
0x47: {  	[tilespmem:$0x1700] =	vst v3  }
0x48: {  	[tilespmem:$0x1710] =	vst v3  }
0x49: {  	[tilespmem:$0x1720] =	vst v3  }
0x4a: {  	[tilespmem:$0x1730] =	vst v3  }
0x4b: {  	[tilespmem:$0x1740] =	vst v3  }
0x4c: {  	[tilespmem:$0x1750] =	vst v3  }
0x4d: {  	[tilespmem:$0x1760] =	vst v3  }
0x4e: {  	[tilespmem:$0x1770] =	vst v3  }
0x4f: {  	[tilespmem:$0x1B00] =	vst v3  }
0x50: {  	[tilespmem:$0x1B10] =	vst v3  }
0x51: {  	[tilespmem:$0x1B20] =	vst v3  }
0x52: {  	[tilespmem:$0x1B30] =	vst v3  }
0x53: {  	[tilespmem:$0x1B40] =	vst v3  }
0x54: {  	[tilespmem:$0x1B50] =	vst v3  }
0x55: {  	[tilespmem:$0x1B60] =	vst v3  }
0x56: {  	[tilespmem:$0x1B70] =	vst v3  }
0x57: {  	[tilespmem:$0x1F00] =	vst v3  }
0x58: {  	[tilespmem:$0x1F10] =	vst v3  }
0x59: {  	[tilespmem:$0x1F20] =	vst v3  }
0x5a: {  	[tilespmem:$0x1F30] =	vst v3  }
0x5b: {  	[tilespmem:$0x1F40] =	vst v3  }
0x5c: {  	[tilespmem:$0x1F50] =	vst v3  }
0x5d: {  	[tilespmem:$0x1F60] =	vst v3  }
0x5e: {  	[tilespmem:$0x1F70] =	vst v3  }
0x5f: {  	[tilespmem:$0x1380] =	vst v3  }
0x60: {  	[tilespmem:$0x1390] =	vst v3  }
0x61: {  	[tilespmem:$0x13A0] =	vst v3  }
0x62: {  	[tilespmem:$0x13B0] =	vst v3  }
0x63: {  	[tilespmem:$0x13C0] =	vst v3  }
0x64: {  	[tilespmem:$0x13D0] =	vst v3  }
0x65: {  	[tilespmem:$0x13E0] =	vst v3  }
0x66: {  	[tilespmem:$0x13F0] =	vst v3  }
0x67: {  	[tilespmem:$0x1780] =	vst v3  }
0x68: {  	[tilespmem:$0x1790] =	vst v3  }
0x69: {  	[tilespmem:$0x17A0] =	vst v3  }
0x6a: {  	[tilespmem:$0x17B0] =	vst v3  }
0x6b: {  	[tilespmem:$0x17C0] =	vst v3  }
0x6c: {  	[tilespmem:$0x17D0] =	vst v3  }
0x6d: {  	[tilespmem:$0x17E0] =	vst v3  }
0x6e: {  	[tilespmem:$0x17F0] =	vst v3  }
0x6f: {  	[tilespmem:$0x1B80] =	vst v3  }
0x70: {  	[tilespmem:$0x1B90] =	vst v3  }
0x71: {  	[tilespmem:$0x1BA0] =	vst v3  }
0x72: {  	[tilespmem:$0x1BB0] =	vst v3  }
0x73: {  	[tilespmem:$0x1BC0] =	vst v3  }
0x74: {  	[tilespmem:$0x1BD0] =	vst v3  }
0x75: {  	[tilespmem:$0x1BE0] =	vst v3  }
0x76: {  	[tilespmem:$0x1BF0] =	vst v3  }
0x77: {  	[tilespmem:$0x1F80] =	vst v3  }
0x78: {  	[tilespmem:$0x1F90] =	vst v3  }
0x79: {  	[tilespmem:$0x1FA0] =	vst v3  }
0x7a: {  	[tilespmem:$0x1FB0] =	vst v3  }
0x7b: {  	[tilespmem:$0x1FC0] =	vst v3  }
0x7c: {  	[tilespmem:$0x1FD0] =	vst v3  }
0x7d: {  	[tilespmem:$0x1FE0] =	vst v3  }
0x7e: {  	[tilespmem:$0x1FF0] =	vst v3  }
0x7f: {  	[tilespmem:s26], [sflag:$0x3] =	stream.linear.gather [hbm4b:s5+s3], $0x1000, $0x38;
	[tilespmem:$0x16E80] =	vst v63  }
0x80: {  	_ =	swait.ge [sflag:s22], $0x1000  }
0x81: {  	[sflag:s22] =	ssyncset.done $0x0  }
0x82: {  	s15 =	rddreg [dreg:$0x15];
	[sflag:s22] =	ssyncadd.s32 $0xFFFFF000  }
0x83: {  	[hbm4b:s15+s3] =	stream.linear.scatter [tilespmem:s3], [sflag:$0x3], $0x3000, $0x38;
	[tilespmem:$0x16E80] =	vst v63  }
0x84: {  	_ =	swait.ge [sflag:s22], $0x3000  }
0x85: {  	[sflag:s22] =	ssyncset.done $0x0  }
0x86: {  	s16 =	rddreg [dreg:$0x16];
	[sflag:s22] =	ssyncadd.s32 $0xFFFFD000  }
0x87: {  	[tilespmem:s3], [sflag:$0x3] =	stream.linear.gather [hbm4b:s16+s3], $0x1000, $0x38;
	[tilespmem:$0x16E80] =	vst v63  }
0x88: {  	_ =	swait.ge [sflag:s22], $0x1000  }
0x89: {  	[sflag:s22] =	ssyncset.done $0x0  }
0x8a: {  	s11 =	rddreg [dreg:$0x17];
	[sflag:s22] =	ssyncadd.s32 $0xFFFFF000  }
0x8b: {  	v6 =	vld.msk [tilespmem:s11+$0x15680], $0xff;
	_ =	sdelay $0x4  }
0x8c: {  	v7 =	vshll.u32 v6, $0x2  }
0x8d: {  	v6 =	vand.u32 $0x7, v6;
	v7 =	vand.u32 $0xFFFFFFE0, v7  }
0x8e: {  	v6 =	vor.u32 v6, v7  }
0x8f: {  	v6 =	vperm.xlane v6, v1;
	_ =	sdelay $0x1  }
0x90: {  	v6 =	vadd.s32 v2, v6;
	_ =	sdelay $0x4  }
0x91: {  	[tilespmem:s23], [sflag:$0x1] =	stream.indirect_vreg.gather [hbm4b:s1+s3], $0x80, v6, vm0, $0xb8;
	[tilespmem:$0x16E80] =	vst v63  }
0x92: {  	_ = 	snop  }
0x93: {  	[tilespmem:s24], [sflag:$0x1] =	stream.indirect_vreg.gather [hbm4b:s9+s3], $0x80, v6, vm0, $0xb8;
	[tilespmem:$0x16E80] =	vst v63  }
0x94: {  	_ =	swait.ge [sflag:s25], $0x1000  }
0x95: {  	[sflag:s25] =	ssyncset.done $0x0  }
0x96: {  	[sflag:s25] =	ssyncadd.s32 $0xFFFFF000  }
0x97: {  	[tilespmem:$0x1300] =	vst v3  }
0x98: {  	[tilespmem:$0x1310] =	vst v3  }
0x99: {  	[tilespmem:$0x1320] =	vst v3  }
0x9a: {  	[tilespmem:$0x1330] =	vst v3  }
0x9b: {  	[tilespmem:$0x1340] =	vst v3  }
0x9c: {  	[tilespmem:$0x1350] =	vst v3  }
0x9d: {  	[tilespmem:$0x1360] =	vst v3  }
0x9e: {  	[tilespmem:$0x1370] =	vst v3  }
0x9f: {  	[tilespmem:$0x1700] =	vst v3  }
0xa0: {  	[tilespmem:$0x1710] =	vst v3  }
0xa1: {  	[tilespmem:$0x1720] =	vst v3  }
0xa2: {  	[tilespmem:$0x1730] =	vst v3  }
0xa3: {  	[tilespmem:$0x1740] =	vst v3  }
0xa4: {  	[tilespmem:$0x1750] =	vst v3  }
0xa5: {  	[tilespmem:$0x1760] =	vst v3  }
0xa6: {  	[tilespmem:$0x1770] =	vst v3  }
0xa7: {  	[tilespmem:$0x1B00] =	vst v3  }
0xa8: {  	[tilespmem:$0x1B10] =	vst v3  }
0xa9: {  	[tilespmem:$0x1B20] =	vst v3  }
0xaa: {  	[tilespmem:$0x1B30] =	vst v3  }
0xab: {  	[tilespmem:$0x1B40] =	vst v3  }
0xac: {  	[tilespmem:$0x1B50] =	vst v3  }
0xad: {  	[tilespmem:$0x1B60] =	vst v3  }
0xae: {  	[tilespmem:$0x1B70] =	vst v3  }
0xaf: {  	[tilespmem:$0x1F00] =	vst v3  }
0xb0: {  	[tilespmem:$0x1F10] =	vst v3  }
0xb1: {  	[tilespmem:$0x1F20] =	vst v3  }
0xb2: {  	[tilespmem:$0x1F30] =	vst v3  }
0xb3: {  	[tilespmem:$0x1F40] =	vst v3  }
0xb4: {  	[tilespmem:$0x1F50] =	vst v3  }
0xb5: {  	[tilespmem:$0x1F60] =	vst v3  }
0xb6: {  	[tilespmem:$0x1F70] =	vst v3  }
0xb7: {  	[tilespmem:$0x1380] =	vst v3  }
0xb8: {  	[tilespmem:$0x1390] =	vst v3  }
0xb9: {  	[tilespmem:$0x13A0] =	vst v3  }
0xba: {  	[tilespmem:$0x13B0] =	vst v3  }
0xbb: {  	[tilespmem:$0x13C0] =	vst v3  }
0xbc: {  	[tilespmem:$0x13D0] =	vst v3  }
0xbd: {  	[tilespmem:$0x13E0] =	vst v3  }
0xbe: {  	[tilespmem:$0x13F0] =	vst v3  }
0xbf: {  	[tilespmem:$0x1780] =	vst v3  }
0xc0: {  	[tilespmem:$0x1790] =	vst v3  }
0xc1: {  	[tilespmem:$0x17A0] =	vst v3  }
0xc2: {  	[tilespmem:$0x17B0] =	vst v3  }
0xc3: {  	[tilespmem:$0x17C0] =	vst v3  }
0xc4: {  	[tilespmem:$0x17D0] =	vst v3  }
0xc5: {  	[tilespmem:$0x17E0] =	vst v3  }
0xc6: {  	[tilespmem:$0x17F0] =	vst v3  }
0xc7: {  	[tilespmem:$0x1B80] =	vst v3  }
0xc8: {  	[tilespmem:$0x1B90] =	vst v3  }
0xc9: {  	[tilespmem:$0x1BA0] =	vst v3  }
0xca: {  	[tilespmem:$0x1BB0] =	vst v3  }
0xcb: {  	[tilespmem:$0x1BC0] =	vst v3  }
0xcc: {  	[tilespmem:$0x1BD0] =	vst v3  }
0xcd: {  	[tilespmem:$0x1BE0] =	vst v3  }
0xce: {  	[tilespmem:$0x1BF0] =	vst v3  }
0xcf: {  	[tilespmem:$0x1F80] =	vst v3  }
0xd0: {  	[tilespmem:$0x1F90] =	vst v3  }
0xd1: {  	[tilespmem:$0x1FA0] =	vst v3  }
0xd2: {  	[tilespmem:$0x1FB0] =	vst v3  }
0xd3: {  	[tilespmem:$0x1FC0] =	vst v3  }
0xd4: {  	[tilespmem:$0x1FD0] =	vst v3  }
0xd5: {  	[tilespmem:$0x1FE0] =	vst v3  }
0xd6: {  	[tilespmem:$0x1FF0] =	vst v3  }
0xd7: {  	[tilespmem:s26], [sflag:$0x3] =	stream.linear.gather [hbm4b:s5+s3], $0x1000, $0x38;
	[tilespmem:$0x16E80] =	vst v63  }
0xd8: {  	_ =	swait.ge [sflag:s22], $0x1000  }
0xd9: {  	[sflag:s22] =	ssyncset.done $0x0  }
0xda: {  	s12 =	rddreg [dreg:$0x18];
	[sflag:s22] =	ssyncadd.s32 $0xFFFFF000  }
0xdb: {  	[hbm4b:s12+s3] =	stream.linear.scatter [tilespmem:s3], [sflag:$0x3], $0x3000, $0x38;
	[tilespmem:$0x16E80] =	vst v63  }
0xdc: {  	_ =	swait.ge [sflag:s22], $0x3000  }
0xdd: {  	[sflag:s22] =	ssyncset.done $0x0  }
0xde: {  	s13 =	rddreg [dreg:$0x19];
	[sflag:s22] =	ssyncadd.s32 $0xFFFFD000  }
0xdf: {  	[tilespmem:s3], [sflag:$0x3] =	stream.linear.gather [hbm4b:s13+s3], $0x1000, $0x38;
	[tilespmem:$0x16E80] =	vst v63  }
0xe0: {  	_ =	swait.ge [sflag:s22], $0x1000  }
0xe1: {  	[sflag:s22] =	ssyncset.done $0x0  }
0xe2: {  	s14 =	rddreg [dreg:$0x1a];
	[sflag:s22] =	ssyncadd.s32 $0xFFFFF000  }
0xe3: {  	v6 =	vld.msk [tilespmem:s14+$0x15680], $0xff;
	_ =	sdelay $0x4  }
0xe4: {  	v7 =	vshll.u32 v6, $0x2  }
0xe5: {  	v6 =	vand.u32 $0x7, v6;
	v7 =	vand.u32 $0xFFFFFFE0, v7  }
0xe6: {  	v6 =	vor.u32 v6, v7  }
0xe7: {  	v6 =	vperm.xlane v6, v1;
	_ =	sdelay $0x1  }
0xe8: {  	v6 =	vadd.s32 v2, v6;
	_ =	sdelay $0x4  }
0xe9: {  	[tilespmem:s23], [sflag:$0x1] =	stream.indirect_vreg.gather [hbm4b:s1+s3], $0x80, v6, vm0, $0xb8;
	[tilespmem:$0x16E80] =	vst v63  }
0xea: {  	_ = 	snop  }
0xeb: {  	[tilespmem:s24], [sflag:$0x1] =	stream.indirect_vreg.gather [hbm4b:s9+s3], $0x80, v6, vm0, $0xb8;
	[tilespmem:$0x16E80] =	vst v63  }
0xec: {  	_ =	swait.ge [sflag:s25], $0x1000  }
0xed: {  	[sflag:s25] =	ssyncset.done $0x0  }
0xee: {  	[sflag:s25] =	ssyncadd.s32 $0xFFFFF000  }
0xef: {  	[tilespmem:$0x1300] =	vst v3  }
0xf0: {  	[tilespmem:$0x1310] =	vst v3  }
0xf1: {  	[tilespmem:$0x1320] =	vst v3  }
0xf2: {  	[tilespmem:$0x1330] =	vst v3  }
0xf3: {  	[tilespmem:$0x1340] =	vst v3  }
0xf4: {  	[tilespmem:$0x1350] =	vst v3  }
0xf5: {  	[tilespmem:$0x1360] =	vst v3  }
0xf6: {  	[tilespmem:$0x1370] =	vst v3  }
0xf7: {  	[tilespmem:$0x1700] =	vst v3  }
0xf8: {  	[tilespmem:$0x1710] =	vst v3  }
0xf9: {  	[tilespmem:$0x1720] =	vst v3  }
0xfa: {  	[tilespmem:$0x1730] =	vst v3  }
0xfb: {  	[tilespmem:$0x1740] =	vst v3  }
0xfc: {  	[tilespmem:$0x1750] =	vst v3  }
0xfd: {  	[tilespmem:$0x1760] =	vst v3  }
0xfe: {  	[tilespmem:$0x1770] =	vst v3  }
0xff: {  	[tilespmem:$0x1B00] =	vst v3  }
0x100: {  	[tilespmem:$0x1B10] =	vst v3  }
0x101: {  	[tilespmem:$0x1B20] =	vst v3  }
0x102: {  	[tilespmem:$0x1B30] =	vst v3  }
0x103: {  	[tilespmem:$0x1B40] =	vst v3  }
0x104: {  	[tilespmem:$0x1B50] =	vst v3  }
0x105: {  	[tilespmem:$0x1B60] =	vst v3  }
0x106: {  	[tilespmem:$0x1B70] =	vst v3  }
0x107: {  	[tilespmem:$0x1F00] =	vst v3  }
0x108: {  	[tilespmem:$0x1F10] =	vst v3  }
0x109: {  	[tilespmem:$0x1F20] =	vst v3  }
0x10a: {  	[tilespmem:$0x1F30] =	vst v3  }
0x10b: {  	[tilespmem:$0x1F40] =	vst v3  }
0x10c: {  	[tilespmem:$0x1F50] =	vst v3  }
0x10d: {  	[tilespmem:$0x1F60] =	vst v3  }
0x10e: {  	[tilespmem:$0x1F70] =	vst v3  }
0x10f: {  	[tilespmem:$0x1380] =	vst v3  }
0x110: {  	[tilespmem:$0x1390] =	vst v3  }
0x111: {  	[tilespmem:$0x13A0] =	vst v3  }
0x112: {  	[tilespmem:$0x13B0] =	vst v3  }
0x113: {  	[tilespmem:$0x13C0] =	vst v3  }
0x114: {  	[tilespmem:$0x13D0] =	vst v3  }
0x115: {  	[tilespmem:$0x13E0] =	vst v3  }
0x116: {  	[tilespmem:$0x13F0] =	vst v3  }
0x117: {  	[tilespmem:$0x1780] =	vst v3  }
0x118: {  	[tilespmem:$0x1790] =	vst v3  }
0x119: {  	[tilespmem:$0x17A0] =	vst v3  }
0x11a: {  	[tilespmem:$0x17B0] =	vst v3  }
0x11b: {  	[tilespmem:$0x17C0] =	vst v3  }
0x11c: {  	[tilespmem:$0x17D0] =	vst v3  }
0x11d: {  	[tilespmem:$0x17E0] =	vst v3  }
0x11e: {  	[tilespmem:$0x17F0] =	vst v3  }
0x11f: {  	[tilespmem:$0x1B80] =	vst v3  }
0x120: {  	[tilespmem:$0x1B90] =	vst v3  }
0x121: {  	[tilespmem:$0x1BA0] =	vst v3  }
0x122: {  	[tilespmem:$0x1BB0] =	vst v3  }
0x123: {  	[tilespmem:$0x1BC0] =	vst v3  }
0x124: {  	[tilespmem:$0x1BD0] =	vst v3  }
0x125: {  	[tilespmem:$0x1BE0] =	vst v3  }
0x126: {  	[tilespmem:$0x1BF0] =	vst v3  }
0x127: {  	[tilespmem:$0x1F80] =	vst v3  }
0x128: {  	[tilespmem:$0x1F90] =	vst v3  }
0x129: {  	[tilespmem:$0x1FA0] =	vst v3  }
0x12a: {  	[tilespmem:$0x1FB0] =	vst v3  }
0x12b: {  	[tilespmem:$0x1FC0] =	vst v3  }
0x12c: {  	[tilespmem:$0x1FD0] =	vst v3  }
0x12d: {  	[tilespmem:$0x1FE0] =	vst v3  }
0x12e: {  	[tilespmem:$0x1FF0] =	vst v3  }
0x12f: {  	[tilespmem:s26], [sflag:$0x3] =	stream.linear.gather [hbm4b:s5+s3], $0x1000, $0x38;
	[tilespmem:$0x16E80] =	vst v63  }
0x130: {  	_ =	swait.ge [sflag:s22], $0x1000  }
0x131: {  	[sflag:s22] =	ssyncset.done $0x0  }
0x132: {  	s15 =	rddreg [dreg:$0x1b];
	[sflag:s22] =	ssyncadd.s32 $0xFFFFF000  }
0x133: {  	[hbm4b:s15+s3] =	stream.linear.scatter [tilespmem:s3], [sflag:$0x3], $0x3000, $0x38;
	[tilespmem:$0x16E80] =	vst v63  }
0x134: {  	_ =	swait.ge [sflag:s22], $0x3000  }
0x135: {  	[sflag:s22] =	ssyncset.done $0x0  }
0x136: {  	[sflag:s22] =	ssyncadd.s32 $0xFFFFD000  }
0x137: {  	s16 =	simm.s32 $0x14A80;
	[bflag:$0x0] =	sbarrier.arrive $0xFFFF  }
0x138: {  	[tilespmem:s16], [sflag:$0x3] =	stream.linear.gather [hbm4b:s17+s3], $0x400, $0x38;
	[tilespmem:$0x16E80] =	vst v63  }
0x139: {  	_ =	swait.ge [sflag:s22], $0x400  }
0x13a: {  	[sflag:s22] =	ssyncset.done $0x0  }
0x13b: {  	s10 =	simm.s32 $0x14E80;
	[sflag:s22] =	ssyncadd.s32 $0xFFFFFC00  }
0x13c: {  	[tilespmem:s10], [sflag:$0x3] =	stream.linear.gather [hbm4b:s18+s3], $0x800, $0x38;
	[tilespmem:$0x16E80] =	vst v63  }
0x13d: {  	_ =	swait.ge [sflag:s22], $0x800  }
0x13e: {  	s11 =	simm.s32 $0x14050;
	[sflag:s22] =	ssyncset.done $0x0  }
0x13f: {  	s12 =	simm.s32 $0x14AA0;
	s13 =	simm.s32 $0x0;
	[sflag:s22] =	ssyncadd.s32 $0xFFFFF800  }
.LBB2_2:
0x140: {  	p0 =	seq.s32 s13, $0x0  }
0x141: {  	s14 =	simm.s32 @!p0 $0x2  }
0x142: {  	_ =	swait.ge @!p0 [sflag:s14], $0x2000  }
0x143: {  	[sflag:s14] =	ssyncset.done @!p0 $0x0  }
0x144: {  	[sflag:s14] =	ssyncadd.s32 @!p0 $0xFFFFE000  }
0x145: {  	_ =	swait.ge @!p0 [sflag:s14], $0x3000  }
0x146: {  	[sflag:s14] =	ssyncset.done @!p0 $0x0  }
0x147: {  	[sflag:s14] =	ssyncadd.s32 @!p0 $0xFFFFD000  }
0x148: {  	_ =	swait.ge @!p0 [sflag:s14], $0x2000  }
0x149: {  	[sflag:s14] =	ssyncset.done @!p0 $0x0  }
0x14a: {  	[sflag:s14] =	ssyncadd.s32 @!p0 $0xFFFFE000  }
0x14b: {  	_ =	swait.ge @!p0 [sflag:s14], $0x3000  }
0x14c: {  	[sflag:s14] =	ssyncset.done @!p0 $0x0  }
0x14d: {  	[sflag:s14] =	ssyncadd.s32 @!p0 $0xFFFFD000  }
0x14e: {  	_ =	swait.ge @!p0 [sflag:s14], $0x2000  }
0x14f: {  	[sflag:s14] =	ssyncset.done @!p0 $0x0  }
0x150: {  	[sflag:s14] =	ssyncadd.s32 @!p0 $0xFFFFE000  }
0x151: {  	_ =	swait.ge @!p0 [sflag:s14], $0x3000  }
0x152: {  	[sflag:s14] =	ssyncset.done @!p0 $0x0  }
0x153: {  	[sflag:s14] =	ssyncadd.s32 @!p0 $0xFFFFD000  }
0x154: {  	_ =	swait.ge @!p0 [sflag:s14], $0x2000  }
0x155: {  	[sflag:s14] =	ssyncset.done @!p0 $0x0  }
0x156: {  	[sflag:s14] =	ssyncadd.s32 @!p0 $0xFFFFE000  }
0x157: {  	_ =	swait.ge @!p0 [sflag:s14], $0x3000  }
0x158: {  	[sflag:s14] =	ssyncset.done @!p0 $0x0  }
0x159: {  	[sflag:s14] =	ssyncadd.s32 @!p0 $0xFFFFD000  }
0x15a: {  	v6 =	vld [tilespmem:s12+$0xFFFFFFE0];
	_ =	sdelay $0x4  }
0x15b: {  	v7 =	vshll.u32 v6, $0x2  }
0x15c: {  	v6 =	vand.u32 $0x7, v6;
	v7 =	vand.u32 $0xFFFFFFE0, v7  }
0x15d: {  	v6 =	vor.u32 v6, v7  }
0x15e: {  	v7 =	vperm.xlane v6, v1;
	_ =	sdelay $0x1  }
0x15f: {  	v7 =	vadd.s32 v2, v7;
	_ =	sdelay $0x1  }
0x160: {  	v6 =	vperm.xlane v6, v4;
	_ =	sdelay $0x1  }
0x161: {  	v6 =	vadd.s32 v2, v6  }
0x162: {  	[tilespmem:s3], [sflag:$0x1] =	stream.indirect_vreg.gather [hbm4b:s1+s3], $0x80, v7, vm0, $0xb8;
	[tilespmem:$0x16E80] =	vst v63  }
0x163: {  	s15 =	rddreg [dreg:$0xa]  }
0x164: {  	[tilespmem:s15], [sflag:$0x1] =	stream.indirect_vreg.gather [hbm4b:s9+s3], $0x80, v7, vm0, $0xb8;
	[tilespmem:$0x16E80] =	vst v63  }
0x165: {  	_ = 	snop  }
0x166: {  	[tilespmem:s23], [sflag:$0x1] =	stream.indirect_vreg.gather [hbm4b:s1+s3], $0x80, v6, vm0, $0xb8;
	[tilespmem:$0x16E80] =	vst v63  }
0x167: {  	_ = 	snop  }
0x168: {  	[tilespmem:s24], [sflag:$0x1] =	stream.indirect_vreg.gather [hbm4b:s9+s3], $0x80, v6, vm0, $0xb8;
	[tilespmem:$0x16E80] =	vst v63  }
0x169: {  	v6 =	vld [tilespmem:s12+$0xFFFFFFF0];
	_ =	sdelay $0x4  }
0x16a: {  	v7 =	vshll.u32 v6, $0x2  }
0x16b: {  	v6 =	vand.u32 $0x7, v6;
	v7 =	vand.u32 $0xFFFFFFE0, v7  }
0x16c: {  	v6 =	vor.u32 v6, v7  }
0x16d: {  	v7 =	vperm.xlane v6, v1;
	_ =	sdelay $0x1  }
0x16e: {  	v7 =	vadd.s32 v2, v7;
	_ =	sdelay $0x1  }
0x16f: {  	v6 =	vperm.xlane v6, v4;
	_ =	sdelay $0x1  }
0x170: {  	v6 =	vadd.s32 v2, v6  }
0x171: {  	[tilespmem:s26], [sflag:$0x1] =	stream.indirect_vreg.gather [hbm4b:s1+s3], $0x80, v7, vm0, $0xb8;
	[tilespmem:$0x16E80] =	vst v63  }
0x172: {  	s16 =	rddreg [dreg:$0xb]  }
0x173: {  	[tilespmem:s16], [sflag:$0x1] =	stream.indirect_vreg.gather [hbm4b:s9+s3], $0x80, v7, vm0, $0xb8;
	[tilespmem:$0x16E80] =	vst v63  }
0x174: {  	s15 =	rddreg [dreg:$0xc]  }
0x175: {  	[tilespmem:s15], [sflag:$0x1] =	stream.indirect_vreg.gather [hbm4b:s1+s3], $0x80, v6, vm0, $0xb8;
	[tilespmem:$0x16E80] =	vst v63  }
0x176: {  	s16 =	rddreg [dreg:$0xd]  }
0x177: {  	[tilespmem:s16], [sflag:$0x1] =	stream.indirect_vreg.gather [hbm4b:s9+s3], $0x80, v6, vm0, $0xb8;
	[tilespmem:$0x16E80] =	vst v63  }
0x178: {  	v6 =	vld [tilespmem:s12+$0x0];
	_ =	sdelay $0x4  }
0x179: {  	v7 =	vshll.u32 v6, $0x2  }
0x17a: {  	v6 =	vand.u32 $0x7, v6;
	v7 =	vand.u32 $0xFFFFFFE0, v7  }
0x17b: {  	v6 =	vor.u32 v6, v7  }
0x17c: {  	v7 =	vperm.xlane v6, v1;
	_ =	sdelay $0x1  }
0x17d: {  	v7 =	vadd.s32 v2, v7;
	_ =	sdelay $0x1  }
0x17e: {  	v6 =	vperm.xlane v6, v4;
	_ =	sdelay $0x1  }
0x17f: {  	v6 =	vadd.s32 v2, v6  }
0x180: {  	[tilespmem:s29], [sflag:$0x1] =	stream.indirect_vreg.gather [hbm4b:s1+s3], $0x80, v7, vm0, $0xb8;
	[tilespmem:$0x16E80] =	vst v63  }
0x181: {  	s16 =	rddreg [dreg:$0xe]  }
0x182: {  	[tilespmem:s16], [sflag:$0x1] =	stream.indirect_vreg.gather [hbm4b:s9+s3], $0x80, v7, vm0, $0xb8;
	[tilespmem:$0x16E80] =	vst v63  }
0x183: {  	s15 =	rddreg [dreg:$0xf]  }
0x184: {  	[tilespmem:s15], [sflag:$0x1] =	stream.indirect_vreg.gather [hbm4b:s1+s3], $0x80, v6, vm0, $0xb8;
	[tilespmem:$0x16E80] =	vst v63  }
0x185: {  	s16 =	rddreg [dreg:$0x10]  }
0x186: {  	[tilespmem:s16], [sflag:$0x1] =	stream.indirect_vreg.gather [hbm4b:s9+s3], $0x80, v6, vm0, $0xb8;
	[tilespmem:$0x16E80] =	vst v63  }
0x187: {  	v6 =	vld [tilespmem:s12+$0x10];
	_ =	sdelay $0x4  }
0x188: {  	v7 =	vshll.u32 v6, $0x2  }
0x189: {  	v6 =	vand.u32 $0x7, v6;
	v7 =	vand.u32 $0xFFFFFFE0, v7  }
0x18a: {  	v6 =	vor.u32 v6, v7  }
0x18b: {  	v7 =	vperm.xlane v6, v1;
	_ =	sdelay $0x1  }
0x18c: {  	v7 =	vadd.s32 v2, v7;
	_ =	sdelay $0x1  }
0x18d: {  	v6 =	vperm.xlane v6, v4;
	_ =	sdelay $0x1  }
0x18e: {  	v6 =	vadd.s32 v2, v6  }
0x18f: {  	[tilespmem:s30], [sflag:$0x1] =	stream.indirect_vreg.gather [hbm4b:s1+s3], $0x80, v7, vm0, $0xb8;
	[tilespmem:$0x16E80] =	vst v63  }
0x190: {  	s16 =	rddreg [dreg:$0x11]  }
0x191: {  	[tilespmem:s16], [sflag:$0x1] =	stream.indirect_vreg.gather [hbm4b:s9+s3], $0x80, v7, vm0, $0xb8;
	[tilespmem:$0x16E80] =	vst v63  }
0x192: {  	_ = 	snop  }
0x193: {  	[tilespmem:s31], [sflag:$0x1] =	stream.indirect_vreg.gather [hbm4b:s1+s3], $0x80, v6, vm0, $0xb8;
	[tilespmem:$0x16E80] =	vst v63  }
0x194: {  	_ = 	snop  }
0x195: {  	[tilespmem:s0], [sflag:$0x1] =	stream.indirect_vreg.gather [hbm4b:s9+s3], $0x80, v6, vm0, $0xb8;
	[tilespmem:$0x16E80] =	vst v63  }
0x196: {  	v6 =	vld.msk [tilespmem:s10+$0x0], $0xf;
	_ =	sdelay $0x4  }
0x197: {  	v6 =	vmul.u32 $0x3000, v6;
	_ =	sdelay $0x1  }
0x198: {  	v6 =	vperm.xlane v6, v0;
	_ =	sdelay $0x5  }
0x199: {  	[tilespmem:s2], [sflag:$0x1] =	stream.indirect_vreg.gather [hbm4b:s6+s3], $0x3000, v6, vm1, $0x38;
	[tilespmem:$0x16E80] =	vst v63  }
0x19a: {  	_ =	swait.ge [sflag:s25], $0x8000  }
0x19b: {  	[sflag:s25] =	ssyncset.done $0x0  }
0x19c: {  	[sflag:s25] =	ssyncadd.s32 $0xFFFF8000  }
0x19d: {  	_ =	swait.ge [sflag:s25], $0xC000  }
0x19e: {  	[sflag:s25] =	ssyncset.done $0x0  }
0x19f: {  	v21 =	vld [tilespmem:$0x1FF20];
	[sflag:s25] =	ssyncadd.s32 $0xFFFF4000  }
0x1a0: {  	v6 =	vld [tilespmem:$0x0]  }
0x1a1: {  	v7 =	vld [tilespmem:$0x80]  }
0x1a2: {  	v8 =	vld [tilespmem:$0x100]  }
0x1a3: {  	v9 =	vld [tilespmem:$0x180]  }
0x1a4: {  	v10 =	vld [tilespmem:$0x200]  }
0x1a5: {  	v11 =	vld [tilespmem:$0x280]  }
0x1a6: {  	v12 =	vld [tilespmem:$0x300]  }
0x1a7: {  	v13 =	vld [tilespmem:$0x380]  }
0x1a8: {  	v14 =	vld [tilespmem:$0x1000]  }
0x1a9: {  	v15 =	vld [tilespmem:$0x1080]  }
0x1aa: {  	v16 =	vld [tilespmem:$0x1100]  }
0x1ab: {  	v17 =	vld [tilespmem:$0x1180]  }
0x1ac: {  	v18 =	vld [tilespmem:$0x1200]  }
0x1ad: {  	v19 =	vld [tilespmem:$0x1280]  }
0x1ae: {  	v63 =	vld [tilespmem:$0x8000]  }
0x1af: {  	v23 =	vld [tilespmem:$0x8100]  }
0x1b0: {  	v24 =	vld [tilespmem:$0x8180];
	v6 =	vperm.xlane v6, v5  }
0x1b1: {  	v26 =	vld [tilespmem:$0x8200];
	v7 =	vperm.xlane v7, v5;
	v8 =	vperm.xlane v8, v5  }
0x1b2: {  	v27 =	vld [tilespmem:$0x8280];
	v62 =	vperm.xlane v10, v5;
	v22 =	vperm.xlane v12, v5  }
0x1b3: {  	v29 =	vld [tilespmem:$0x8300];
	v25 =	vperm.xlane v14, v5;
	v10 =	vperm.xlane v63, v5  }
0x1b4: {  	vm14 =	vcmask $0x2738;
	v31 =	vld [tilespmem:$0x8380];
	v30 =	vperm.xlane v23, v5;
	v16 =	vperm.xlane v16, v5  }
0x1b5: {  	v33 =	vld [tilespmem:$0x9000];
	v32 =	vperm.xlane v24, v5;
	v6 =	vsel vm2, v6, v7;
	v7 =	vperm.xlane v9, v5  }
0x1b6: {  	v35 =	vld [tilespmem:$0x9080];
	v17 =	vperm.xlane v17, v5;
	v6 =	vsel vm3, v6, v8;
	vm3 =	vnez.u8 v21  }
0x1b7: {  	v34 =	vperm.xlane v26, v5;
	v21 =	vld [tilespmem:$0x8080];
	v6 =	vsel vm3, v6, v7;
	v7 =	vperm.xlane v11, v5  }
0x1b8: {  	v36 =	vperm.xlane v27, v5;
	v38 =	vperm.xlane v29, v5;
	v6 =	vsel vm1, v6, v62  }
0x1b9: {  	v37 =	vld [tilespmem:$0x9100];
	v40 =	vperm.xlane v18, v5;
	v6 =	vsel vm5, v6, v7;
	v7 =	vperm.xlane v13, v5  }
0x1ba: {  	v41 =	vperm.xlane v31, v5;
	v43 =	vperm.xlane v19, v5;
	v6 =	vsel vm6, v6, v22  }
0x1bb: {  	v44 =	vperm.xlane v33, v5;
	v6 =	vsel vm7, v6, v7;
	v7 =	vperm.xlane v15, v5  }
0x1bc: {  	v20 =	vld [tilespmem:$0x1300];
	v46 =	vperm.xlane v35, v5;
	v28 =	vperm.xlane v21, v5;
	v6 =	vsel vm4, v6, v25  }
0x1bd: {  	v39 =	vld [tilespmem:$0x9180];
	vm6 =	vcmask $0x338;
	v6 =	vsel vm9, v6, v7;
	v7 =	vnsel vm2, $0x0, v10  }
0x1be: {  	v47 =	vperm.xlane v37, v5;
	vm7 =	vcmask $0x738;
	v7 =	vsel vm6, v7, v28  }
0x1bf: {  	v42 =	vld [tilespmem:$0x9200];
	v6 =	vsel vm10, v6, v16;
	vm10 =	vcmask $0xB38;
	v7 =	vsel vm7, v7, v30  }
0x1c0: {  	v61 =	vld [tilespmem:$0x1380];
	v6 =	vsel vm8, v6, v17;
	vm8 =	vcmask $0xF38;
	v7 =	vsel vm10, v7, v32  }
0x1c1: {  	v45 =	vld [tilespmem:$0x9280];
	v48 =	vperm.xlane v20, v5;
	vm9 =	vcmask $0x1338;
	v7 =	vsel vm8, v7, v34  }
0x1c2: {  	v49 =	vperm.xlane v39, v5;
	v7 =	vsel vm9, v7, v36;
	vm9 =	vcmask $0x1738  }
0x1c3: {  	v6 =	vsel vm12, v6, v40;
	vm12 =	vcmask $0x1B38;
	v7 =	vsel vm9, v7, v38  }
0x1c4: {  	v50 =	vperm.xlane v42, v5;
	vm9 =	vcmask $0x1F38;
	v7 =	vsel vm12, v7, v41  }
0x1c5: {  	v6 =	vsel vm13, v6, v43;
	vm13 =	vcmask $0x2338;
	v7 =	vsel vm9, v7, v44  }
0x1c6: {  	v51 =	vperm.xlane v45, v5;
	v9 =	vperm.xlane v61, v5;
	v7 =	vsel vm13, v7, v46  }
0x1c7: {  	v6 =	vsel vm11, v6, v48;
	vm9 =	vcmask $0x2B38;
	v7 =	vsel vm14, v7, v47  }
0x1c8: {  	v6 =	vsel vm15, v6, v9;
	vm15 =	vcmask $0x2F38;
	v7 =	vsel vm9, v7, v49  }
0x1c9: {  	v33 =	vld [tilespmem:$0x1FFE0];
	vm9 =	vcmask $0x3338;
	v7 =	vsel vm15, v7, v50  }
0x1ca: {  	v35 =	vld [tilespmem:$0x1FF60];
	vm3 =	vlt.f32 v6, $0.0e+00;
	vm4 =	vgt.f32 v6, $0.0e+00;
	v7 =	vsel vm9, v7, v51  }
0x1cb: {  	v25 =	vld [tilespmem:$0x1FF70];
	vm3 =	vmor vm4, vm3;
	vm4 =	vlt.f32 v7, $0.0e+00;
	vm5 =	vgt.f32 v7, $0.0e+00  }
0x1cc: {  	[tilespmem:s11+$0xFFFFFFD0] =	vst v3;
	v28 =	vld [tilespmem:$0x1FF20];
	v6 =	vsel vm3, $0x3F800000, v3;
	vm3 =	vmor vm5, vm4  }
0x1cd: {  	s15 =	rddreg [dreg:$0x9];
	v30 =	vld [tilespmem:$0x1FF80];
	[tilespmem:s11+$0xFFFFFFB0] =	vst v6;
	v6 =	vsel vm3, $0x3F800000, v3  }
0x1ce: {  	s14 =	sadd.s32 s13, s15;
	v40 =	vld [tilespmem:$0x1FFC0];
	[tilespmem:s11+$0xFFFFFFC0] =	vst v6  }
0x1cf: {  	v43 =	vld [tilespmem:$0x1FF40];
	[hbm4b:s14+s3] =	stream.linear.scatter [tilespmem:s3], [sflag:$0x2], $0x2000, $0x38  }
0x1d0: {  	s16 =	sadd.s32 $0x400, s14;
	v38 =	vld [tilespmem:$0x1FFB0]  }
0x1d1: {  	v50 =	vld [tilespmem:$0x1FFA0];
	[hbm4b:s16+s3] =	stream.linear.scatter [tilespmem:s2], [sflag:$0x2], $0x3000, $0x38  }
0x1d2: {  	v6 =	vld [tilespmem:$0x2000]  }
0x1d3: {  	v7 =	vld [tilespmem:$0x2080]  }
0x1d4: {  	v52 =	vld [tilespmem:$0x2100]  }
0x1d5: {  	v53 =	vld [tilespmem:$0x2180]  }
0x1d6: {  	v54 =	vld [tilespmem:$0x2200]  }
0x1d7: {  	v55 =	vld [tilespmem:$0x2280]  }
0x1d8: {  	v56 =	vld [tilespmem:$0x2300]  }
0x1d9: {  	v58 =	vld [tilespmem:$0x3000]  }
0x1da: {  	v60 =	vld [tilespmem:$0x3100]  }
0x1db: {  	v61 =	vld [tilespmem:$0x3180]  }
0x1dc: {  	v27 =	vld [tilespmem:$0xB000]  }
0x1dd: {  	v29 =	vld [tilespmem:$0xB080]  }
0x1de: {  	v32 =	vld [tilespmem:$0xB100]  }
0x1df: {  	v34 =	vld [tilespmem:$0xB180]  }
0x1e0: {  	v37 =	vld [tilespmem:$0xB200];
	v6 =	vperm.xlane v6, v5  }
0x1e1: {  	v39 =	vld [tilespmem:$0xB280];
	v7 =	vperm.xlane v7, v5;
	v8 =	vperm.xlane v52, v5  }
0x1e2: {  	v42 =	vld [tilespmem:$0xB300];
	v26 =	vperm.xlane v54, v5;
	v31 =	vperm.xlane v56, v5  }
0x1e3: {  	v62 =	vld [tilespmem:$0x3200];
	v36 =	vperm.xlane v58, v5;
	v10 =	vperm.xlane v27, v5  }
0x1e4: {  	vm1 =	vnez.u8 v25;
	v47 =	vld [tilespmem:$0xC000];
	v41 =	vperm.xlane v29, v5;
	v44 =	vperm.xlane v32, v5  }
0x1e5: {  	vm11 =	vmmov vm12;
	v57 =	vld [tilespmem:$0x2380];
	v16 =	vperm.xlane v60, v5;
	v46 =	vperm.xlane v34, v5  }
0x1e6: {  	vm9 =	vcmask $0x1338;
	v20 =	vld [tilespmem:$0x3300];
	v17 =	vperm.xlane v61, v5;
	v48 =	vperm.xlane v37, v5  }
0x1e7: {  	vm3 =	vnez.u8 v43;
	v59 =	vld [tilespmem:$0x3080];
	v51 =	vperm.xlane v39, v5;
	v54 =	vperm.xlane v42, v5  }
0x1e8: {  	v24 =	vld [tilespmem:$0x3380];
	v56 =	vperm.xlane v62, v5;
	v6 =	vsel vm2, v6, v7;
	v7 =	vperm.xlane v53, v5  }
0x1e9: {  	v45 =	vld [tilespmem:$0xB380];
	v60 =	vperm.xlane v47, v5;
	v6 =	vsel vm1, v6, v8;
	vm1 =	vnez.u8 v28  }
0x1ea: {  	v58 =	vld [tilespmem:$0xC200];
	v6 =	vsel vm1, v6, v7;
	v7 =	vperm.xlane v55, v5;
	vm1 =	vnez.u8 v30  }
0x1eb: {  	v63 =	vld [tilespmem:$0x3280];
	v18 =	vperm.xlane v20, v5;
	v6 =	vsel vm1, v6, v26;
	vm1 =	vnez.u8 v33  }
0x1ec: {  	v49 =	vld [tilespmem:$0xC080];
	v6 =	vsel vm1, v6, v7;
	v7 =	vperm.xlane v57, v5;
	vm1 =	vnez.u8 v35  }
0x1ed: {  	v9 =	vperm.xlane v24, v5;
	v6 =	vsel vm1, v6, v31;
	vm1 =	vnez.u8 v38  }
0x1ee: {  	v53 =	vld [tilespmem:$0x1FFD0];
	v6 =	vsel vm1, v6, v7;
	v7 =	vperm.xlane v59, v5;
	vm1 =	vnez.u8 v40  }
0x1ef: {  	v20 =	vperm.xlane v58, v5;
	v57 =	vperm.xlane v45, v5;
	v6 =	vsel vm1, v6, v36  }
0x1f0: {  	v62 =	vld [tilespmem:$0x1FF30];
	v59 =	vperm.xlane v63, v5;
	v6 =	vsel vm3, v6, v7;
	v7 =	vnsel vm2, $0x0, v10  }
0x1f1: {  	v52 =	vld [tilespmem:$0xC100];
	v63 =	vperm.xlane v49, v5;
	vm3 =	vnez.u8 v50;
	v7 =	vsel vm6, v7, v41  }
0x1f2: {  	vm1 =	vmmov vm6;
	v6 =	vsel vm3, v6, v16;
	v16 =	vld [tilespmem:$0x1FF90];
	v7 =	vsel vm7, v7, v44  }
0x1f3: {  	v21 =	vld [tilespmem:$0x1FFF0];
	vm6 =	vmmov vm7;
	vm3 =	vnez.u8 v53;
	v7 =	vsel vm10, v7, v46  }
0x1f4: {  	v55 =	vld [tilespmem:$0xC180];
	vm7 =	vmmov vm10;
	v6 =	vsel vm3, v6, v17;
	v7 =	vsel vm8, v7, v48  }
0x1f5: {  	v23 =	vld [tilespmem:$0x1FF50];
	vm3 =	vnez.u8 v62;
	vm10 =	vcmask $0x1738;
	v7 =	vsel vm9, v7, v51  }
0x1f6: {  	v61 =	vld [tilespmem:$0xC280];
	v17 =	vperm.xlane v52, v5;
	v6 =	vsel vm3, v6, v56;
	v7 =	vsel vm10, v7, v54  }
0x1f7: {  	vm3 =	vnez.u8 v16;
	v7 =	vsel vm12, v7, v57;
	vm12 =	vcmask $0x1F38  }
0x1f8: {  	v6 =	vsel vm3, v6, v59;
	vm3 =	vnez.u8 v21;
	v7 =	vsel vm12, v7, v60  }
0x1f9: {  	v19 =	vperm.xlane v55, v5;
	v6 =	vsel vm3, v6, v18;
	v7 =	vsel vm13, v7, v63  }
0x1fa: {  	vm3 =	vnez.u8 v23;
	vm13 =	vcmask $0x2B38;
	v7 =	vsel vm14, v7, v17  }
0x1fb: {  	v22 =	vperm.xlane v61, v5;
	v6 =	vsel vm3, v6, v9;
	v7 =	vsel vm13, v7, v19  }
0x1fc: {  	v37 =	vld [tilespmem:$0x1FF70];
	vm14 =	vmmov vm15;
	v7 =	vsel vm15, v7, v20;
	vm15 =	vcmask $0x3338  }
0x1fd: {  	v42 =	vld [tilespmem:$0x1FF80];
	vm3 =	vlt.f32 v6, $0.0e+00;
	vm4 =	vgt.f32 v6, $0.0e+00;
	v7 =	vsel vm15, v7, v22  }
0x1fe: {  	v47 =	vld [tilespmem:$0x1FF60];
	vm3 =	vmor vm4, vm3;
	vm4 =	vlt.f32 v7, $0.0e+00;
	vm5 =	vgt.f32 v7, $0.0e+00  }
0x1ff: {  	[tilespmem:s11+$0xFFFFFFF8] =	vst v3;
	v45 =	vld [tilespmem:$0x1FFE0];
	v6 =	vsel vm3, $0x3F800000, v3;
	vm3 =	vmor vm5, vm4  }
0x200: {  	v40 =	vld [tilespmem:$0x1FF20];
	[tilespmem:s11+$0xFFFFFFD8] =	vst v6;
	v6 =	vsel vm3, $0x3F800000, v3  }
0x201: {  	s15 =	rddreg [dreg:$0x8];
	s16 =	sadd.s32 $0xA00, s14;
	v55 =	vld [tilespmem:$0x1FF40];
	[tilespmem:s11+$0xFFFFFFE8] =	vst v6  }
0x202: {  	v50 =	vld [tilespmem:$0x1FFB0];
	[hbm4b:s16+s3] =	stream.linear.scatter [tilespmem:s26], [sflag:$0x2], $0x2000, $0x38  }
0x203: {  	s15 =	sadd.s32 s13, s15;
	v52 =	vld [tilespmem:$0x1FFC0]  }
0x204: {  	v62 =	vld [tilespmem:$0x1FFA0];
	[hbm4b:s15+s3] =	stream.linear.scatter [tilespmem:s21], [sflag:$0x2], $0x3000, $0x38  }
0x205: {  	v6 =	vld [tilespmem:$0x4000]  }
0x206: {  	v7 =	vld [tilespmem:$0x4080]  }
0x207: {  	v24 =	vld [tilespmem:$0x4100]  }
0x208: {  	v25 =	vld [tilespmem:$0x4180]  }
0x209: {  	v26 =	vld [tilespmem:$0x4200]  }
0x20a: {  	v27 =	vld [tilespmem:$0x4280]  }
0x20b: {  	v28 =	vld [tilespmem:$0x4300]  }
0x20c: {  	v29 =	vld [tilespmem:$0x4380]  }
0x20d: {  	v30 =	vld [tilespmem:$0x5000]  }
0x20e: {  	v31 =	vld [tilespmem:$0x5080]  }
0x20f: {  	v32 =	vld [tilespmem:$0x5100]  }
0x210: {  	v39 =	vld [tilespmem:$0xE000]  }
0x211: {  	v41 =	vld [tilespmem:$0xE080]  }
0x212: {  	v44 =	vld [tilespmem:$0xE100]  }
0x213: {  	v46 =	vld [tilespmem:$0xE180];
	v6 =	vperm.xlane v6, v5  }
0x214: {  	v33 =	vld [tilespmem:$0x5180];
	v7 =	vperm.xlane v7, v5;
	v8 =	vperm.xlane v24, v5  }
0x215: {  	v49 =	vld [tilespmem:$0xE200];
	v38 =	vperm.xlane v26, v5;
	v43 =	vperm.xlane v28, v5  }
0x216: {  	v34 =	vld [tilespmem:$0x5200];
	v48 =	vperm.xlane v30, v5;
	v10 =	vperm.xlane v39, v5  }
0x217: {  	v51 =	vld [tilespmem:$0xE280];
	v53 =	vperm.xlane v41, v5;
	v56 =	vperm.xlane v44, v5  }
0x218: {  	vm3 =	vnez.u8 v37;
	v35 =	vld [tilespmem:$0x5280];
	v16 =	vperm.xlane v32, v5;
	v58 =	vperm.xlane v46, v5  }
0x219: {  	v54 =	vld [tilespmem:$0xE300];
	v17 =	vperm.xlane v33, v5;
	v6 =	vsel vm2, v6, v7;
	v7 =	vperm.xlane v25, v5  }
0x21a: {  	v36 =	vld [tilespmem:$0x5300];
	v60 =	vperm.xlane v49, v5;
	v6 =	vsel vm3, v6, v8;
	vm3 =	vnez.u8 v40  }
0x21b: {  	v57 =	vld [tilespmem:$0xE380];
	v6 =	vsel vm3, v6, v7;
	v7 =	vperm.xlane v27, v5;
	vm3 =	vnez.u8 v42  }
0x21c: {  	v9 =	vld [tilespmem:$0x5380];
	v63 =	vperm.xlane v51, v5;
	v6 =	vsel vm3, v6, v38;
	vm3 =	vnez.u8 v45  }
0x21d: {  	v61 =	vld [tilespmem:$0xF080];
	v6 =	vsel vm3, v6, v7;
	v7 =	vperm.xlane v29, v5;
	vm3 =	vnez.u8 v47  }
0x21e: {  	v21 =	vld [tilespmem:$0xF100];
	v23 =	vperm.xlane v54, v5;
	v6 =	vsel vm3, v6, v43;
	vm3 =	vnez.u8 v50  }
0x21f: {  	v24 =	vld [tilespmem:$0xF180];
	v6 =	vsel vm3, v6, v7;
	v7 =	vperm.xlane v31, v5;
	vm3 =	vnez.u8 v52  }
0x220: {  	v59 =	vld [tilespmem:$0xF000];
	v26 =	vperm.xlane v57, v5;
	v6 =	vsel vm3, v6, v48;
	vm3 =	vnez.u8 v55  }
0x221: {  	v22 =	vld [tilespmem:$0x1FFD0];
	v28 =	vperm.xlane v35, v5;
	v6 =	vsel vm3, v6, v7;
	v7 =	vnsel vm2, $0x0, v10  }
0x222: {  	v32 =	vperm.xlane v61, v5;
	v35 =	vperm.xlane v36, v5;
	v31 =	vld [tilespmem:$0x1FF30];
	v7 =	vsel vm1, v7, v53  }
0x223: {  	v33 =	vld [tilespmem:$0x1FF90];
	v9 =	vperm.xlane v9, v5;
	v25 =	vperm.xlane v34, v5;
	v7 =	vsel vm6, v7, v56  }
0x224: {  	v30 =	vld [tilespmem:$0xF280];
	v34 =	vperm.xlane v21, v5;
	v36 =	vperm.xlane v24, v5;
	v7 =	vsel vm7, v7, v58  }
0x225: {  	v27 =	vld [tilespmem:$0xF200];
	v29 =	vperm.xlane v59, v5;
	vm3 =	vnez.u8 v62;
	v7 =	vsel vm8, v7, v60  }
0x226: {  	v38 =	vld [tilespmem:$0x1FFF0];
	v6 =	vsel vm3, v6, v16;
	vm3 =	vnez.u8 v22;
	v7 =	vsel vm9, v7, v63  }
0x227: {  	v40 =	vld [tilespmem:$0x1FF50];
	v6 =	vsel vm3, v6, v17;
	vm3 =	vnez.u8 v31;
	v7 =	vsel vm10, v7, v23  }
0x228: {  	v6 =	vsel vm3, v6, v25;
	vm3 =	vnez.u8 v33;
	v7 =	vsel vm11, v7, v26  }
0x229: {  	v6 =	vsel vm3, v6, v28;
	vm3 =	vcmask $0x2338;
	v7 =	vsel vm12, v7, v29  }
0x22a: {  	v39 =	vperm.xlane v30, v5;
	v7 =	vsel vm3, v7, v32;
	vm3 =	vcmask $0x2738  }
0x22b: {  	v37 =	vperm.xlane v27, v5;
	v7 =	vsel vm3, v7, v34;
	vm3 =	vnez.u8 v38  }
0x22c: {  	v6 =	vsel vm3, v6, v35;
	v7 =	vsel vm13, v7, v36;
	vm3 =	vnez.u8 v40  }
0x22d: {  	v61 =	vld [tilespmem:$0x1FFE0];
	v6 =	vsel vm3, v6, v9;
	v7 =	vsel vm14, v7, v37  }
0x22e: {  	v53 =	vld [tilespmem:$0x1FF70];
	v7 =	vsel vm15, v7, v39;
	vm3 =	vlt.f32 v6, $0.0e+00;
	vm4 =	vgt.f32 v6, $0.0e+00  }
0x22f: {  	v56 =	vld [tilespmem:$0x1FF20];
	vm3 =	vmor vm4, vm3;
	vm4 =	vlt.f32 v7, $0.0e+00;
	vm5 =	vgt.f32 v7, $0.0e+00  }
0x230: {  	[tilespmem:s11+$0x20] =	vst v3;
	v58 =	vld [tilespmem:$0x1FF80];
	v6 =	vsel vm3, $0x3F800000, v3;
	vm3 =	vmor vm5, vm4  }
0x231: {  	v31 =	vld [tilespmem:$0x1FF40];
	[tilespmem:s11+$0x0] =	vst v6;
	v6 =	vsel vm3, $0x3F800000, v3  }
0x232: {  	s16 =	sadd.s32 $0x1400, s14;
	s15 =	rddreg [dreg:$0x7];
	v63 =	vld [tilespmem:$0x1FF60];
	[tilespmem:s11+$0x10] =	vst v6  }
0x233: {  	v28 =	vld [tilespmem:$0x1FFC0];
	[hbm4b:s16+s3] =	stream.linear.scatter [tilespmem:s29], [sflag:$0x2], $0x2000, $0x38  }
0x234: {  	s15 =	sadd.s32 s13, s15;
	v26 =	vld [tilespmem:$0x1FFB0]  }
0x235: {  	v38 =	vld [tilespmem:$0x1FFA0];
	[hbm4b:s15+s3] =	stream.linear.scatter [tilespmem:s28], [sflag:$0x2], $0x3000, $0x38  }
0x236: {  	v6 =	vld [tilespmem:$0x6000]  }
0x237: {  	v7 =	vld [tilespmem:$0x6080]  }
0x238: {  	v41 =	vld [tilespmem:$0x6100]  }
0x239: {  	v42 =	vld [tilespmem:$0x6180]  }
0x23a: {  	v43 =	vld [tilespmem:$0x6200]  }
0x23b: {  	v44 =	vld [tilespmem:$0x6280]  }
0x23c: {  	v45 =	vld [tilespmem:$0x6300]  }
0x23d: {  	v46 =	vld [tilespmem:$0x6380]  }
0x23e: {  	v47 =	vld [tilespmem:$0x7000]  }
0x23f: {  	v48 =	vld [tilespmem:$0x7080]  }
0x240: {  	v49 =	vld [tilespmem:$0x7100]  }
0x241: {  	v55 =	vld [tilespmem:$0x11000]  }
0x242: {  	v57 =	vld [tilespmem:$0x11080]  }
0x243: {  	v60 =	vld [tilespmem:$0x11100]  }
0x244: {  	v62 =	vld [tilespmem:$0x11180];
	v6 =	vperm.xlane v6, v5  }
0x245: {  	v50 =	vld [tilespmem:$0x7180];
	v7 =	vperm.xlane v7, v5;
	v8 =	vperm.xlane v41, v5  }
0x246: {  	v25 =	vld [tilespmem:$0x11200];
	v54 =	vperm.xlane v43, v5;
	v59 =	vperm.xlane v45, v5  }
0x247: {  	v51 =	vld [tilespmem:$0x7200];
	v24 =	vperm.xlane v47, v5;
	v10 =	vperm.xlane v55, v5  }
0x248: {  	v27 =	vld [tilespmem:$0x11280];
	v29 =	vperm.xlane v57, v5;
	v32 =	vperm.xlane v60, v5  }
0x249: {  	vm3 =	vnez.u8 v53;
	v52 =	vld [tilespmem:$0x7280];
	v16 =	vperm.xlane v49, v5;
	v34 =	vperm.xlane v62, v5  }
0x24a: {  	v33 =	vld [tilespmem:$0x11380];
	v17 =	vperm.xlane v50, v5;
	v6 =	vsel vm2, v6, v7;
	v7 =	vperm.xlane v42, v5  }
0x24b: {  	v20 =	vld [tilespmem:$0x7300];
	v36 =	vperm.xlane v25, v5;
	v6 =	vsel vm3, v6, v8;
	vm3 =	vnez.u8 v56  }
0x24c: {  	v9 =	vld [tilespmem:$0x7380];
	v6 =	vsel vm3, v6, v7;
	v7 =	vperm.xlane v44, v5;
	vm3 =	vnez.u8 v58  }
0x24d: {  	v40 =	vld [tilespmem:$0x12100];
	v39 =	vperm.xlane v27, v5;
	v6 =	vsel vm3, v6, v54;
	vm3 =	vnez.u8 v61  }
0x24e: {  	v30 =	vld [tilespmem:$0x11300];
	v6 =	vsel vm3, v6, v7;
	v7 =	vperm.xlane v46, v5;
	vm3 =	vnez.u8 v63  }
0x24f: {  	v37 =	vld [tilespmem:$0x12080];
	v45 =	vperm.xlane v33, v5;
	v6 =	vsel vm3, v6, v59;
	vm3 =	vnez.u8 v26  }
0x250: {  	v43 =	vld [tilespmem:$0x12180];
	v6 =	vsel vm3, v6, v7;
	v7 =	vperm.xlane v48, v5;
	vm3 =	vnez.u8 v28  }
0x251: {  	v35 =	vld [tilespmem:$0x12000];
	v47 =	vperm.xlane v52, v5;
	v6 =	vsel vm3, v6, v24;
	vm3 =	vnez.u8 v31  }
0x252: {  	v41 =	vld [tilespmem:$0x1FFD0];
	v53 =	vperm.xlane v40, v5;
	v6 =	vsel vm3, v6, v7;
	v7 =	vnsel vm2, $0x0, v10  }
0x253: {  	v50 =	vld [tilespmem:$0x1FF30];
	v9 =	vperm.xlane v9, v5;
	v42 =	vperm.xlane v30, v5;
	v7 =	vsel vm1, v7, v29  }
0x254: {  	v52 =	vld [tilespmem:$0x1FF90];
	v44 =	vperm.xlane v51, v5;
	v51 =	vperm.xlane v37, v5;
	v7 =	vsel vm6, v7, v32  }
0x255: {  	v49 =	vld [tilespmem:$0x12280];
	v54 =	vperm.xlane v20, v5;
	v11 =	vperm.xlane v43, v5;
	v7 =	vsel vm7, v7, v34  }
0x256: {  	v56 =	vld [tilespmem:$0x1FFF0];
	v48 =	vperm.xlane v35, v5;
	vm1 =	vnez.u8 v38;
	v7 =	vsel vm8, v7, v36  }
0x257: {  	v46 =	vld [tilespmem:$0x12200];
	v6 =	vsel vm1, v6, v16;
	vm1 =	vnez.u8 v41;
	v7 =	vsel vm9, v7, v39  }
0x258: {  	v58 =	vld [tilespmem:$0x1FF50];
	vm3 =	vnez.u8 v50;
	v6 =	vsel vm1, v6, v17;
	v7 =	vsel vm10, v7, v42  }
0x259: {  	vm1 =	vnez.u8 v52;
	v6 =	vsel vm3, v6, v44;
	v7 =	vsel vm11, v7, v45  }
0x25a: {  	v6 =	vsel vm1, v6, v47;
	vm1 =	vcmask $0x2338;
	v7 =	vsel vm12, v7, v48  }
0x25b: {  	v57 =	vperm.xlane v49, v5;
	v7 =	vsel vm1, v7, v51;
	vm1 =	vcmask $0x2738  }
0x25c: {  	v55 =	vperm.xlane v46, v5;
	v7 =	vsel vm1, v7, v53;
	vm1 =	vnez.u8 v56  }
0x25d: {  	vm3 =	vnez.u8 v58;
	v6 =	vsel vm1, v6, v54;
	v7 =	vsel vm13, v7, v11  }
0x25e: {  	v6 =	vsel vm3, v6, v9;
	v7 =	vsel vm14, v7, v55  }
0x25f: {  	v7 =	vsel vm15, v7, v57;
	vm3 =	vlt.f32 v6, $0.0e+00;
	vm4 =	vgt.f32 v6, $0.0e+00  }
0x260: {  	vm3 =	vmor vm4, vm3;
	vm4 =	vlt.f32 v7, $0.0e+00;
	vm5 =	vgt.f32 v7, $0.0e+00;
	v7 =	vld [tilespmem:$0x1FFE0];
	_ =	sdelay $0x4  }
0x261: {  	v6 =	vsel vm3, $0x3F800000, v3;
	vm3 =	vmor vm5, vm4;
	vm5 =	vnez.u8 v7;
	v7 =	vld [tilespmem:$0x1FFC0];
	_ =	sdelay $0x4  }
0x262: {  	vm4 =	vnez.u8 v7;
	v7 =	vld [tilespmem:$0x1FFF0];
	_ =	sdelay $0x4  }
0x263: {  	vm11 =	vnez.u8 v7;
	v7 =	vld [tilespmem:$0x1FFD0];
	_ =	sdelay $0x4  }
0x264: {  	vm8 =	vnez.u8 v7;
	v7 =	vld [tilespmem:$0x1FFB0];
	_ =	sdelay $0x4  }
0x265: {  	vm7 =	vnez.u8 v7;
	v7 =	vld [tilespmem:$0x1FFA0];
	_ =	sdelay $0x4  }
0x266: {  	vm10 =	vnez.u8 v7;
	v7 =	vld [tilespmem:$0x1FF90];
	_ =	sdelay $0x3  }
0x267: {  	v60 =	vld [tilespmem:$0x1FF60]  }
0x268: {  	vm13 =	vnez.u8 v7;
	v7 =	vld [tilespmem:$0x1FF80]  }
0x269: {  	v62 =	vld [tilespmem:$0x1FF40]  }
0x26a: {  	s16 =	rddreg [dreg:$0x6];
	v61 =	vld [tilespmem:$0x1FF50]  }
0x26b: {  	s16 =	sadd.s32 s13, s16;
	s13 =	sadd.s32 $0x2800, s13;
	v63 =	vld [tilespmem:$0x1FF30]  }
0x26c: {  	p0 =	sne.s32 s13, $0x28000;
	[tilespmem:s11+$0x48] =	vst v3;
	v59 =	vld [tilespmem:$0x1FF70]  }
.Ltmp0:
0x26d: {  	[tilespmem:s11+$0x28] =	vst v6;
	vm1 =	vnez.u8 v7;
	v7 =	vsel vm3, $0x3F800000, v3;
	(pc) =	sbr.rel @p0 .LBB2_2-.Ltmp0, $4  }
0x26e: {  	s14 =	sadd.s32 $0x1E00, s14;
	[tilespmem:s11+$0x38] =	vst v7  }
0x26f: {  	[hbm4b:s14+s3] =	stream.linear.scatter [tilespmem:s30], [sflag:$0x2], $0x2000, $0x38;
	[tilespmem:$0x16E80] =	vst v63  }
0x270: {  	s12 =	sadd.s32 $0x40, s12;
	s10 =	sadd.s32 $0x80, s10;
	vm6 =	vnez.u8 v60;
	vm9 =	vnez.u8 v62;
	s11 =	sadd.s32 $0xA0, s11  }
0x271: {  	vm12 =	vnez.u8 v63;
	vm15 =	vnez.u8 v61;
	vm3 =	vnez.u8 v59;
	[hbm4b:s16+s3] =	stream.linear.scatter [tilespmem:s4], [sflag:$0x2], $0x3000, $0x38;
	[tilespmem:$0x16E80] =	vst v63  }
0x272: {  	_ =	swait.ge [sflag:s7], $0x2000  }
0x273: {  	[sflag:s7] =	ssyncset.done $0x0  }
0x274: {  	[sflag:s7] =	ssyncadd.s32 $0xFFFFE000  }
0x275: {  	_ =	swait.ge [sflag:s7], $0x3000  }
0x276: {  	[sflag:s7] =	ssyncset.done $0x0  }
0x277: {  	[sflag:s7] =	ssyncadd.s32 $0xFFFFD000  }
0x278: {  	_ =	swait.ge [sflag:s7], $0x2000  }
0x279: {  	[sflag:s7] =	ssyncset.done $0x0  }
0x27a: {  	[sflag:s7] =	ssyncadd.s32 $0xFFFFE000  }
0x27b: {  	_ =	swait.ge [sflag:s7], $0x3000  }
0x27c: {  	[sflag:s7] =	ssyncset.done $0x0  }
0x27d: {  	[sflag:s7] =	ssyncadd.s32 $0xFFFFD000  }
0x27e: {  	_ =	swait.ge [sflag:s7], $0x2000  }
0x27f: {  	[sflag:s7] =	ssyncset.done $0x0  }
0x280: {  	[sflag:s7] =	ssyncadd.s32 $0xFFFFE000  }
0x281: {  	_ =	swait.ge [sflag:s7], $0x3000  }
0x282: {  	[sflag:s7] =	ssyncset.done $0x0  }
0x283: {  	[sflag:s7] =	ssyncadd.s32 $0xFFFFD000  }
0x284: {  	_ =	swait.ge [sflag:s7], $0x2000  }
0x285: {  	[sflag:s7] =	ssyncset.done $0x0  }
0x286: {  	[sflag:s7] =	ssyncadd.s32 $0xFFFFE000  }
0x287: {  	s8 =	sadd.s32 $0x1, s8;
	_ =	swait.ge [sflag:s7], $0x3000  }
0x288: {  	p0 =	sne.s32 s8, s20;
	[sflag:s7] =	ssyncset.done $0x0  }
.Ltmp1:
0x289: {  	s10 =	simm.s32 $0x14000;
	[sflag:s7] =	ssyncadd.s32 $0xFFFFD000;
	(pc) =	sbr.rel @p0 .LBB2_1-.Ltmp1, $4  }
0x28a: {  	[hbm4b:s19+s3] =	stream.linear.scatter [tilespmem:s10], [sflag:$0x3], $0xA00, $0x38;
	[tilespmem:$0x16E80] =	vst v63  }
0x28b: {  	_ =	swait.ge [sflag:s22], $0xA00  }
0x28c: {  	[sflag:s22] =	ssyncset.done $0x0  }
0x28d: {  	[sflag:s22] =	ssyncadd.s32 $0xFFFFF600  }
0x28e: {  	_ =	sfence.sel $0x180000  }
0x28f: {  	[bflag:$0x0] =	sbarrier.arrive $0xFFFF  }
0x290: {  	_ =	strace $0x90000047  }
0x291: {  	s0 =	stileid.u32;
	[bflag:$0x2] =	sbarrier.arrive $0xFFFF  }
0x292: {  	p0 =	sne.s32 s0, $0x0;
	s0 =	rddreg [dreg:$0x5]  }
0x293: {  	s0 =	sadd.s32 @!p0 $0x100000, s0  }
0x294: {  	[sflag:s0] =	ssyncadd.tile.s32 @!p0 $0x1;
	_ =	shalt  }
.Lfunc_end2:
_tile_overlayer_lowered:
.L_overlay_start_2:
0x295: {  	(tag) =	ssettag $0x2  }
0x296: {  	s0 =	rddreg [dreg:$0x0];
	s2 =	stileid.u32  }
0x297: {  	s1 =	rddreg [dreg:$0x1];
	p0 =	sne.s32 s2, $0x0  }
0x298: {  	s3 =	rddreg [dreg:$0x2];
	[bflag:$0x3] =	sbarrier.arrive $0xFFFF;
	s2 =	simm.s32 @!p0 $0x1C03  }
0x299: {  	[timem:s3], [sflag:s2] =	dma.local @!p0 [hbm:s0], s1  }
0x29a: {  	s0 =	simm.s32 @!p0 $0x3  }
0x29b: {  	_ =	swait.ge @!p0 [sflag:s0], s1  }
0x29c: {  	s1 =	ssub.s32 @!p0 $0x0, s1;
	[sflag:s0] =	ssyncset.done @!p0 $0x0  }
0x29d: {  	[sflag:s0] =	ssyncadd.s32 @!p0 s1  }
0x29e: {  	[bflag:$0x3] =	sbarrier.arrive $0xFFFF  }
0x29f: {  	_ =	shalt  }

</sc_bundles>
